<compile_context>
chip_gen: v7x
topology: tpu7x:2x2x1
jax: 0.10.2.dev20260603
libtpu: 0.0.44.dev20260713+nightly
codegen_flags: <defaults>
</compile_context>

<pallas_src>
import functools

import jax
import jax.numpy as jnp
from jax import lax
from jax.experimental import pallas as pl
from jax.experimental.pallas import tpu as pltpu
from jax.experimental.pallas import tpu_sc as plsc

N = 10000
D = 128
DH = 64
DOUT = 64
E = 320000

NC = 2
NS = 16
NW = NC * NS

NPAD = 10240
CK = 128
EPW = 10240
EPAD = EPW * NW
NCHUNK = EPW // CK
RPT = NPAD // NS
RB = 1024
NBUF = 2
NHALF = 2
HC = NCHUNK // NHALF


def _mesh():
    return plsc.VectorSubcoreMesh(core_axis_name="c", subcore_axis_name="s")


@functools.cache
def _deg_kernel():
    @functools.partial(
        pl.kernel,
        out_type=jax.ShapeDtypeStruct((NC, NPAD), jnp.float32),
        mesh=_mesh(),
        scratch_types=[
            pltpu.VMEM_SHARED((NPAD,), jnp.float32),
            pltpu.VMEM((NCHUNK, CK), jnp.int32),
            pltpu.VMEM((CK,), jnp.float32),
            pltpu.VMEM((RPT,), jnp.float32),
        ],
    )
    def deg_k(cols3, out, dacc, colbuf, onesv, iov):
        c = lax.axis_index("c")
        s = lax.axis_index("s")
        wid = s * NC + c

        def fill16(i, _):
            onesv[pl.ds(i * 16, 16)] = jnp.ones((16,), jnp.float32)
            return 0

        lax.fori_loop(0, CK // 16, fill16, 0)

        def zfill(i, _):
            iov[pl.ds(i * 16, 16)] = jnp.zeros((16,), jnp.float32)
            return 0

        lax.fori_loop(0, RPT // 16, zfill, 0)
        pltpu.sync_copy(cols3.at[wid], colbuf)
        pltpu.sync_copy(iov, dacc.at[pl.ds(s * RPT, RPT)])
        plsc.subcore_barrier()

        def edge_step(j, _):
            pltpu.sync_copy(onesv, dacc.at[colbuf.at[j]], add=True)
            return 0

        lax.fori_loop(0, NCHUNK, edge_step, 0)
        plsc.subcore_barrier()

        pltpu.sync_copy(
            dacc.at[pl.ds(s * RPT, RPT)], out.at[c, pl.ds(s * RPT, RPT)]
        )

    return deg_k


@functools.cache
def _agg_kernel(nh):
    @functools.partial(
        pl.kernel,
        out_type=jax.ShapeDtypeStruct((NC, NPAD, D), jnp.float32),
        mesh=_mesh(),
        compiler_params=pltpu.CompilerParams(use_tc_tiling_on_sc=False),
        scratch_types=[
            pltpu.VMEM_SHARED((NPAD, DH), jnp.float32),
            pltpu.VMEM_SHARED((NPAD, DH), jnp.float32),
            pltpu.VMEM((HC, CK), jnp.int32),
            pltpu.VMEM((HC, CK), jnp.int32),
        ]
        + [pltpu.VMEM((CK, DH), jnp.float32) for _ in range(NBUF)]
        + [pltpu.SemaphoreType.DMA for _ in range(NBUF)],
    )
    def agg_k(zs, rows3, cols3, out, *refs):
        zsh, acc, rowbuf, colbuf = refs[:4]
        gbufs = refs[4 : 4 + NBUF]
        gsems = refs[4 + NBUF :]

        c = lax.axis_index("c")
        s = lax.axis_index("s")
        wid = s * NC + c
        base_r = s * RPT

        for h in range(nh):
            def init_step(i, _):
                sl = pl.ds(base_r + i * CK, CK)
                pltpu.sync_copy(zs.at[sl, pl.ds(h * DH, DH)], gbufs[0])
                pltpu.sync_copy(gbufs[0], zsh.at[sl])
                pltpu.sync_copy(gbufs[0], acc.at[sl])
                return 0

            lax.fori_loop(0, RPT // CK, init_step, 0)
            plsc.subcore_barrier()

            for eh in range(NHALF):
                pltpu.sync_copy(rows3.at[wid, pl.ds(eh * HC, HC)], rowbuf)
                pltpu.sync_copy(cols3.at[wid, pl.ds(eh * HC, HC)], colbuf)
                for b in range(NBUF):
                    pltpu.async_copy(zsh.at[rowbuf.at[b]], gbufs[b], gsems[b])

                def block_step(i, _):
                    for b in range(NBUF):
                        j = i * NBUF + b
                        pltpu.make_async_copy(
                            zsh.at[rowbuf.at[j]], gbufs[b], gsems[b]
                        ).wait()
                        pltpu.sync_copy(
                            gbufs[b], acc.at[colbuf.at[j]], add=True
                        )
                        jn = j + NBUF

                        @pl.when(jn < HC)
                        def _():
                            pltpu.async_copy(
                                zsh.at[rowbuf.at[jn]], gbufs[b], gsems[b]
                            )

                    return 0

                lax.fori_loop(0, HC // NBUF, block_step, 0)
            plsc.subcore_barrier()

            def out_step(i, _):
                sl = pl.ds(base_r + i * CK, CK)
                pltpu.sync_copy(acc.at[sl], gbufs[0])
                pltpu.sync_copy(gbufs[0], out.at[c, sl, pl.ds(h * DH, DH)])
                return 0

            lax.fori_loop(0, RPT // CK, out_step, 0)

    return agg_k


def _dinv_body(dg_ref, o_ref):
    o_ref[...] = lax.rsqrt(dg_ref[0] + dg_ref[1] + 1.0)


def _pre_body(x_ref, w_ref, dinv_ref, o_ref):
    o_ref[...] = jnp.dot(
        dinv_ref[...] * x_ref[...], w_ref[...],
        preferred_element_type=jnp.float32,
    )


def _mid_body(p_ref, z_ref, dinv_ref, b_ref, w_ref, o_ref):
    dv = dinv_ref[...]
    h = jnp.maximum(dv * (p_ref[0] + p_ref[1] - z_ref[...]) + b_ref[...], 0.0)
    o_ref[...] = jnp.dot(dv * h, w_ref[...], preferred_element_type=jnp.float32)


def _fin_body(p_ref, z_ref, dinv_ref, b_ref, o_ref):
    t = dinv_ref[...] * (p_ref[0] + p_ref[1] - z_ref[...]) + b_ref[...]
    valid = lax.broadcasted_iota(jnp.int32, t.shape, 1) < DOUT
    tm = jnp.where(valid, t, -jnp.inf)
    m = jnp.max(tm, axis=1, keepdims=True)
    e = jnp.where(valid, jnp.exp(t - m), 0.0)
    ls = t - m - jnp.log(jnp.sum(e, axis=1, keepdims=True))
    o_ref[...] = ls[:, :DOUT]


def _rb(width):
    return pl.BlockSpec((RB, width), lambda i: (i, 0))


def _cb(r, cdim):
    return pl.BlockSpec((r, cdim), lambda i: (0, 0))


def _pre(x_pad, W, dinv_col):
    return pl.pallas_call(
        _pre_body,
        grid=(NPAD // RB,),
        in_specs=[_rb(D), _cb(D, D), _rb(1)],
        out_specs=_rb(D),
        out_shape=jax.ShapeDtypeStruct((NPAD, D), jnp.float32),
    )(x_pad, W, dinv_col)


def _mid(p, zs_prev, dinv_col, b, W):
    return pl.pallas_call(
        _mid_body,
        grid=(NPAD // RB,),
        in_specs=[
            pl.BlockSpec((NC, RB, D), lambda i: (0, i, 0)),
            _rb(D), _rb(1), _cb(1, D), _cb(D, D),
        ],
        out_specs=_rb(D),
        out_shape=jax.ShapeDtypeStruct((NPAD, D), jnp.float32),
    )(p, zs_prev, dinv_col, b.reshape(1, D), W)


def _fin(p, zs_prev, dinv_col, b_pad):
    return pl.pallas_call(
        _fin_body,
        grid=(NPAD // RB,),
        in_specs=[
            pl.BlockSpec((NC, RB, D), lambda i: (0, i, 0)),
            _rb(D), _rb(1), _cb(1, D),
        ],
        out_specs=_rb(DOUT),
        out_shape=jax.ShapeDtypeStruct((NPAD, DOUT), jnp.float32),
    )(p, zs_prev, dinv_col, b_pad.reshape(1, D))


def _deg_sc(cols_p):
    return _deg_kernel()(cols_p)


def _agg_sc2(zs, rows_p, cols_p):
    return _agg_kernel(2)(zs, rows_p, cols_p)


def _agg_sc1(zs, rows_p, cols_p):
    return _agg_kernel(1)(zs, rows_p, cols_p)


def kernel(x, edge_index, W1, b1, W2, b2, W3, b3):
    pad_e = EPAD - E
    rows_p = jnp.concatenate(
        [edge_index[0], jnp.zeros((pad_e,), jnp.int32)]
    ).reshape(NW, NCHUNK, CK)
    cols_p = jnp.concatenate(
        [edge_index[1], jnp.full((pad_e,), N, jnp.int32)]
    ).reshape(NW, NCHUNK, CK)
    x_pad = jnp.pad(x, ((0, NPAD - N), (0, 0)))

    deg = _deg_sc(cols_p)
    dinv80 = pl.pallas_call(
        _dinv_body,
        out_shape=jax.ShapeDtypeStruct((NPAD // 128, 128), jnp.float32),
    )(deg.reshape(NC, NPAD // 128, 128))
    dinv_col = dinv80.reshape(NPAD, 1)

    zs1 = _pre(x_pad, W1, dinv_col)
    p1 = _agg_sc2(zs1, rows_p, cols_p)
    zs2 = _mid(p1, zs1, dinv_col, b1, W2)
    p2 = _agg_sc2(zs2, rows_p, cols_p)
    W3p = jnp.pad(W3, ((0, 0), (0, D - DOUT)))
    b3p = jnp.pad(b3, ((0, D - DOUT),))
    zs3 = _mid(p2, zs2, dinv_col, b2, W3p)
    p3 = _agg_sc1(zs3, rows_p, cols_p)
    logits = _fin(p3, zs3, dinv_col, b3p)
    return logits[:N]

# --- scband reference (transcript-rebuilt; emitter-appended) ---
"""Pipeline reference for scband-gnnmodel-76570676953359 (READ-ONLY COPY).

The authoritative reference and input builder live on the scoring server;
editing this copy changes nothing except your own understanding.
"""

import jax, jax.numpy as jnp
import numpy as np

N = 10000
E = 320000
D_IN = 128
D_HID = 128
D_OUT = 64


def setup_inputs(seed: int = 0) -> dict:
    key = jax.random.key(seed)
    ks = jax.random.split(key, 8)
    x = jax.random.normal(ks[0], (N, D_IN), dtype=jnp.float32)
    edge_index = jax.random.randint(ks[1], (2, E), 0, N, dtype=jnp.int32)
    W1 = jax.random.normal(ks[2], (D_IN, D_HID), dtype=jnp.float32) * (1.0 / np.sqrt(D_IN))
    b1 = jnp.zeros((D_HID,), dtype=jnp.float32)
    W2 = jax.random.normal(ks[3], (D_HID, D_HID), dtype=jnp.float32) * (1.0 / np.sqrt(D_HID))
    b2 = jnp.zeros((D_HID,), dtype=jnp.float32)
    W3 = jax.random.normal(ks[4], (D_HID, D_OUT), dtype=jnp.float32) * (1.0 / np.sqrt(D_HID))
    b3 = jnp.zeros((D_OUT,), dtype=jnp.float32)
    return {"x": x, "edge_index": edge_index, "W1": W1, "b1": b1, "W2": W2, "b2": b2, "W3": W3, "b3": b3}


def _gcn_norm(edge_index, n):
    # PyG GCNConv default: add self-loops, symmetric normalization D^-1/2 A_hat D^-1/2
    row = edge_index[0]
    col = edge_index[1]
    loop = jnp.arange(n, dtype=edge_index.dtype)
    row = jnp.concatenate([row, loop])
    col = jnp.concatenate([col, loop])
    deg = jax.ops.segment_sum(jnp.ones(row.shape[0], dtype=jnp.float32), col, num_segments=n)
    deg_inv_sqrt = jnp.where(deg > 0, 1.0 / jnp.sqrt(deg), 0.0)
    norm = deg_inv_sqrt[row] * deg_inv_sqrt[col]
    return row, col, norm


def reference(x, edge_index, W1, b1, W2, b2, W3, b3):
    n = x.shape[0]
    row, col, norm = _gcn_norm(edge_index, n)

    def conv(h, W, b):
        h = h @ W
        msg = jnp.take(h, row, axis=0) * norm[:, None]
        out = jax.ops.segment_sum(msg, col, num_segments=n)
        return out + b

    h = jax.nn.relu(conv(x, W1, b1))
    # dropout is identity in eval mode
    h = jax.nn.relu(conv(h, W2, b2))
    h = conv(h, W3, b3)
    return jax.nn.log_softmax(h, axis=1)

if __name__ == "__main__":
    import jax
    _d = setup_inputs()
    print(jax.jit(kernel)(*tuple(_d.values())))

</pallas_src>

<mosaic_0001>
#map = affine_map<(d0, d1) -> (0, 0)>
#map1 = affine_map<(d0, d1) -> (0, 0, 0)>
module attributes {stable_mosaic.version = 14 : i64} {
  func.func @agg_k(%arg0: i32, %arg1: i32, %arg2: memref<10240x128xf32, #tpu.memory_space<hbm>>, %arg3: memref<32x80x128xi32, #tpu.memory_space<hbm>>, %arg4: memref<32x80x128xi32, #tpu.memory_space<hbm>>, %arg5: memref<2x10240x128xf32, #tpu.memory_space<hbm>>, %arg6: memref<10240x64xf32, #tpu.memory_space<vmem_shared>>, %arg7: memref<10240x64xf32, #tpu.memory_space<vmem_shared>>, %arg8: memref<40x128xi32, #tpu.memory_space<vmem>>, %arg9: memref<40x128xi32, #tpu.memory_space<vmem>>, %arg10: memref<128x64xf32, #tpu.memory_space<vmem>>, %arg11: memref<128x64xf32, #tpu.memory_space<vmem>>, %arg12: memref<!tpu.dma_semaphore, #tpu.memory_space<semaphore_mem>>, %arg13: memref<!tpu.dma_semaphore, #tpu.memory_space<semaphore_mem>>) attributes {dimension_semantics = [#tpu.dimension_semantics<core_parallel>, #tpu.dimension_semantics<subcore_parallel>], iteration_bounds = array<i64: 2, 16>, scalar_prefetch = 0 : i64, scratch_operands = 8 : i64, tpu.core_type = #tpu.core_type<sc_vector_subcore>, window_params = [{transform_indices = #map}, {transform_indices = #map1}, {transform_indices = #map1}, {transform_indices = #map1}]} {
    %mul3A = arith.constant 2 : i32
    %mul3A_0 = arith.muli %arg1, %mul3A : i32
    %add3A = arith.addi %mul3A_0, %arg0 : i32
    %mul3A_1 = arith.constant 640 : i32
    %mul3A_2 = arith.muli %arg1, %mul3A_1 : i32
    %scan3A = arith.constant 0 : i32
    %scan3A_3 = arith.constant 0 : i32
    %scan3A_4 = arith.constant 5 : i32
    %scan3A_5 = arith.addi %scan3A_3, %scan3A_4 : i32
    %scan3A_6 = arith.constant 1 : i32
    %scan3A_7 = scf.for %scan3A_116 = %scan3A_3 to %scan3A_5 step %scan3A_6 iter_args(%scan3A_117 = %scan3A) -> (i32)  : i32 {
      %mul3A_118 = arith.constant 128 : i32
      %mul3A_119 = arith.muli %scan3A_116, %mul3A_118 : i32
      %add3A_120 = arith.addi %mul3A_2, %mul3A_119 : i32
      "tpu.region"() ({
        %run_scoped3A = tpu.sem_alloc : memref<!tpu.dma_semaphore, #tpu.memory_space<semaphore_mem>>
        %dma_start3A_122 = arith.constant 0 : i32
        %dma_start3A_123 = tpu.memref_slice %arg2[%add3A_120, %dma_start3A_122] : memref<10240x128xf32, #tpu.memory_space<hbm>> -> memref<128x64xf32, #tpu.memory_space<hbm>>
        %dma_start3A_124 = arith.constant 0 : i32
        %dma_start3A_125 = tpu.memref_slice %arg2[%add3A_120, %dma_start3A_124] : memref<10240x128xf32, #tpu.memory_space<hbm>> -> memref<128x64xf32, #tpu.memory_space<hbm>>
        tpu.enqueue_dma source(%dma_start3A_125 : memref<128x64xf32, #tpu.memory_space<hbm>>) target(%arg10 : memref<128x64xf32, #tpu.memory_space<vmem>>) target_semaphore(%run_scoped3A : memref<!tpu.dma_semaphore, #tpu.memory_space<semaphore_mem>>)
        %dma_wait3A = arith.constant 0 : i32
        %dma_wait3A_126 = tpu.memref_slice %arg2[%add3A_120, %dma_wait3A] : memref<10240x128xf32, #tpu.memory_space<hbm>> -> memref<128x64xf32, #tpu.memory_space<hbm>>
        %dma_wait3A_127 = arith.constant 0 : i32
        %dma_wait3A_128 = tpu.memref_slice %arg2[%add3A_120, %dma_wait3A_127] : memref<10240x128xf32, #tpu.memory_space<hbm>> -> memref<128x64xf32, #tpu.memory_space<hbm>>
        tpu.wait_dma2 semaphore(%run_scoped3A : memref<!tpu.dma_semaphore, #tpu.memory_space<semaphore_mem>>) src(%dma_wait3A_128 : memref<128x64xf32, #tpu.memory_space<hbm>>) dst(%arg10 : memref<128x64xf32, #tpu.memory_space<vmem>>)
        tpu.yield
      }) : () -> ()
      "tpu.region"() ({
        %run_scoped3A = tpu.sem_alloc : memref<!tpu.dma_semaphore, #tpu.memory_space<semaphore_mem>>
        %dma_start3A_122 = arith.constant 0 : i32
        %dma_start3A_123 = tpu.memref_slice %arg6[%add3A_120, %dma_start3A_122] : memref<10240x64xf32, #tpu.memory_space<vmem_shared>> -> memref<128x64xf32, #tpu.memory_space<vmem_shared>>
        %dma_start3A_124 = arith.constant 0 : i32
        %dma_start3A_125 = tpu.memref_slice %arg6[%add3A_120, %dma_start3A_124] : memref<10240x64xf32, #tpu.memory_space<vmem_shared>> -> memref<128x64xf32, #tpu.memory_space<vmem_shared>>
        tpu.enqueue_dma source(%arg10 : memref<128x64xf32, #tpu.memory_space<vmem>>) target(%dma_start3A_125 : memref<128x64xf32, #tpu.memory_space<vmem_shared>>) target_semaphore(%run_scoped3A : memref<!tpu.dma_semaphore, #tpu.memory_space<semaphore_mem>>)
        %dma_wait3A = arith.constant 0 : i32
        %dma_wait3A_126 = tpu.memref_slice %arg6[%add3A_120, %dma_wait3A] : memref<10240x64xf32, #tpu.memory_space<vmem_shared>> -> memref<128x64xf32, #tpu.memory_space<vmem_shared>>
        %dma_wait3A_127 = arith.constant 0 : i32
        %dma_wait3A_128 = tpu.memref_slice %arg6[%add3A_120, %dma_wait3A_127] : memref<10240x64xf32, #tpu.memory_space<vmem_shared>> -> memref<128x64xf32, #tpu.memory_space<vmem_shared>>
        tpu.wait_dma2 semaphore(%run_scoped3A : memref<!tpu.dma_semaphore, #tpu.memory_space<semaphore_mem>>) src(%arg10 : memref<128x64xf32, #tpu.memory_space<vmem>>) dst(%dma_wait3A_128 : memref<128x64xf32, #tpu.memory_space<vmem_shared>>)
        tpu.yield
      }) : () -> ()
      "tpu.region"() ({
        %run_scoped3A = tpu.sem_alloc : memref<!tpu.dma_semaphore, #tpu.memory_space<semaphore_mem>>
        %dma_start3A_122 = arith.constant 0 : i32
        %dma_start3A_123 = tpu.memref_slice %arg7[%add3A_120, %dma_start3A_122] : memref<10240x64xf32, #tpu.memory_space<vmem_shared>> -> memref<128x64xf32, #tpu.memory_space<vmem_shared>>
        %dma_start3A_124 = arith.constant 0 : i32
        %dma_start3A_125 = tpu.memref_slice %arg7[%add3A_120, %dma_start3A_124] : memref<10240x64xf32, #tpu.memory_space<vmem_shared>> -> memref<128x64xf32, #tpu.memory_space<vmem_shared>>
        tpu.enqueue_dma source(%arg10 : memref<128x64xf32, #tpu.memory_space<vmem>>) target(%dma_start3A_125 : memref<128x64xf32, #tpu.memory_space<vmem_shared>>) target_semaphore(%run_scoped3A : memref<!tpu.dma_semaphore, #tpu.memory_space<semaphore_mem>>)
        %dma_wait3A = arith.constant 0 : i32
        %dma_wait3A_126 = tpu.memref_slice %arg7[%add3A_120, %dma_wait3A] : memref<10240x64xf32, #tpu.memory_space<vmem_shared>> -> memref<128x64xf32, #tpu.memory_space<vmem_shared>>
        %dma_wait3A_127 = arith.constant 0 : i32
        %dma_wait3A_128 = tpu.memref_slice %arg7[%add3A_120, %dma_wait3A_127] : memref<10240x64xf32, #tpu.memory_space<vmem_shared>> -> memref<128x64xf32, #tpu.memory_space<vmem_shared>>
        tpu.wait_dma2 semaphore(%run_scoped3A : memref<!tpu.dma_semaphore, #tpu.memory_space<semaphore_mem>>) src(%arg10 : memref<128x64xf32, #tpu.memory_space<vmem>>) dst(%dma_wait3A_128 : memref<128x64xf32, #tpu.memory_space<vmem_shared>>)
        tpu.yield
      }) : () -> ()
      %scan3A_121 = arith.constant 0 : i32
      scf.yield %scan3A_121 : i32
    }
    %scan3A_8 = arith.constant 5 : i32
    %barrier3A = arith.constant 0 : index
    tpu.barrier barrier_id(%barrier3A)
    "tpu.region"() ({
      %run_scoped3A = tpu.sem_alloc : memref<!tpu.dma_semaphore, #tpu.memory_space<semaphore_mem>>
      %dma_start3A_116 = arith.constant 0 : i32
      %dma_start3A_117 = arith.constant 0 : i32
      %dma_start3A_118 = tpu.memref_slice %arg3[%add3A, %dma_start3A_116, %dma_start3A_117] : memref<32x80x128xi32, #tpu.memory_space<hbm>> -> memref<1x40x128xi32, #tpu.memory_space<hbm>>
      %dma_start3A_119 = tpu.memref_squeeze %dma_start3A_118 : memref<1x40x128xi32, #tpu.memory_space<hbm>> -> memref<40x128xi32, #tpu.memory_space<hbm>>
      %dma_start3A_120 = arith.constant 0 : i32
      %dma_start3A_121 = arith.constant 0 : i32
      %dma_start3A_122 = tpu.memref_slice %arg3[%add3A, %dma_start3A_120, %dma_start3A_121] : memref<32x80x128xi32, #tpu.memory_space<hbm>> -> memref<1x40x128xi32, #tpu.memory_space<hbm>>
      %dma_start3A_123 = tpu.memref_squeeze %dma_start3A_122 : memref<1x40x128xi32, #tpu.memory_space<hbm>> -> memref<40x128xi32, #tpu.memory_space<hbm>>
      tpu.enqueue_dma source(%dma_start3A_123 : memref<40x128xi32, #tpu.memory_space<hbm>>) target(%arg8 : memref<40x128xi32, #tpu.memory_space<vmem>>) target_semaphore(%run_scoped3A : memref<!tpu.dma_semaphore, #tpu.memory_space<semaphore_mem>>)
      %dma_wait3A = arith.constant 0 : i32
      %dma_wait3A_124 = arith.constant 0 : i32
      %dma_wait3A_125 = tpu.memref_slice %arg3[%add3A, %dma_wait3A, %dma_wait3A_124] : memref<32x80x128xi32, #tpu.memory_space<hbm>> -> memref<1x40x128xi32, #tpu.memory_space<hbm>>
      %dma_wait3A_126 = tpu.memref_squeeze %dma_wait3A_125 : memref<1x40x128xi32, #tpu.memory_space<hbm>> -> memref<40x128xi32, #tpu.memory_space<hbm>>
      %dma_wait3A_127 = arith.constant 0 : i32
      %dma_wait3A_128 = arith.constant 0 : i32
      %dma_wait3A_129 = tpu.memref_slice %arg3[%add3A, %dma_wait3A_127, %dma_wait3A_128] : memref<32x80x128xi32, #tpu.memory_space<hbm>> -> memref<1x40x128xi32, #tpu.memory_space<hbm>>
      %dma_wait3A_130 = tpu.memref_squeeze %dma_wait3A_129 : memref<1x40x128xi32, #tpu.memory_space<hbm>> -> memref<40x128xi32, #tpu.memory_space<hbm>>
      tpu.wait_dma2 semaphore(%run_scoped3A : memref<!tpu.dma_semaphore, #tpu.memory_space<semaphore_mem>>) src(%dma_wait3A_130 : memref<40x128xi32, #tpu.memory_space<hbm>>) dst(%arg8 : memref<40x128xi32, #tpu.memory_space<vmem>>)
      tpu.yield
    }) : () -> ()
    "tpu.region"() ({
      %run_scoped3A = tpu.sem_alloc : memref<!tpu.dma_semaphore, #tpu.memory_space<semaphore_mem>>
      %dma_start3A_116 = arith.constant 0 : i32
      %dma_start3A_117 = arith.constant 0 : i32
      %dma_start3A_118 = tpu.memref_slice %arg4[%add3A, %dma_start3A_116, %dma_start3A_117] : memref<32x80x128xi32, #tpu.memory_space<hbm>> -> memref<1x40x128xi32, #tpu.memory_space<hbm>>
      %dma_start3A_119 = tpu.memref_squeeze %dma_start3A_118 : memref<1x40x128xi32, #tpu.memory_space<hbm>> -> memref<40x128xi32, #tpu.memory_space<hbm>>
      %dma_start3A_120 = arith.constant 0 : i32
      %dma_start3A_121 = arith.constant 0 : i32
      %dma_start3A_122 = tpu.memref_slice %arg4[%add3A, %dma_start3A_120, %dma_start3A_121] : memref<32x80x128xi32, #tpu.memory_space<hbm>> -> memref<1x40x128xi32, #tpu.memory_space<hbm>>
      %dma_start3A_123 = tpu.memref_squeeze %dma_start3A_122 : memref<1x40x128xi32, #tpu.memory_space<hbm>> -> memref<40x128xi32, #tpu.memory_space<hbm>>
      tpu.enqueue_dma source(%dma_start3A_123 : memref<40x128xi32, #tpu.memory_space<hbm>>) target(%arg9 : memref<40x128xi32, #tpu.memory_space<vmem>>) target_semaphore(%run_scoped3A : memref<!tpu.dma_semaphore, #tpu.memory_space<semaphore_mem>>)
      %dma_wait3A = arith.constant 0 : i32
      %dma_wait3A_124 = arith.constant 0 : i32
      %dma_wait3A_125 = tpu.memref_slice %arg4[%add3A, %dma_wait3A, %dma_wait3A_124] : memref<32x80x128xi32, #tpu.memory_space<hbm>> -> memref<1x40x128xi32, #tpu.memory_space<hbm>>
      %dma_wait3A_126 = tpu.memref_squeeze %dma_wait3A_125 : memref<1x40x128xi32, #tpu.memory_space<hbm>> -> memref<40x128xi32, #tpu.memory_space<hbm>>
      %dma_wait3A_127 = arith.constant 0 : i32
      %dma_wait3A_128 = arith.constant 0 : i32
      %dma_wait3A_129 = tpu.memref_slice %arg4[%add3A, %dma_wait3A_127, %dma_wait3A_128] : memref<32x80x128xi32, #tpu.memory_space<hbm>> -> memref<1x40x128xi32, #tpu.memory_space<hbm>>
      %dma_wait3A_130 = tpu.memref_squeeze %dma_wait3A_129 : memref<1x40x128xi32, #tpu.memory_space<hbm>> -> memref<40x128xi32, #tpu.memory_space<hbm>>
      tpu.wait_dma2 semaphore(%run_scoped3A : memref<!tpu.dma_semaphore, #tpu.memory_space<semaphore_mem>>) src(%dma_wait3A_130 : memref<40x128xi32, #tpu.memory_space<hbm>>) dst(%arg9 : memref<40x128xi32, #tpu.memory_space<vmem>>)
      tpu.yield
    }) : () -> ()
    %dma_start3A = arith.constant 0 : i32
    %dma_start3A_9 = arith.constant 0 : i32
    %dma_start3A_10 = tpu.memref_slice %arg8[%dma_start3A, %dma_start3A_9] : memref<40x128xi32, #tpu.memory_space<vmem>> -> memref<1x128xi32, #tpu.memory_space<vmem>>
    %dma_start3A_11 = tpu.memref_squeeze %dma_start3A_10 : memref<1x128xi32, #tpu.memory_space<vmem>> -> memref<128xi32, #tpu.memory_space<vmem>>
    %dma_start3A_12 = arith.constant 0 : i32
    %dma_start3A_13 = arith.constant 0 : i32
    %dma_start3A_14 = tpu.memref_slice %arg6[%dma_start3A_12, %dma_start3A_13] : memref<10240x64xf32, #tpu.memory_space<vmem_shared>> -> memref<10240x64xf32, #tpu.memory_space<vmem_shared>>
    tpu.enqueue_indirect_dma source(%dma_start3A_14 : memref<10240x64xf32, #tpu.memory_space<vmem_shared>>) target(%arg10 : memref<128x64xf32, #tpu.memory_space<vmem>>) offsets(%dma_start3A_11 : memref<128xi32, #tpu.memory_space<vmem>>) semaphore(%arg12 : memref<!tpu.dma_semaphore, #tpu.memory_space<semaphore_mem>>)
    %dma_start3A_15 = arith.constant 1 : i32
    %dma_start3A_16 = arith.constant 0 : i32
    %dma_start3A_17 = tpu.memref_slice %arg8[%dma_start3A_15, %dma_start3A_16] : memref<40x128xi32, #tpu.memory_space<vmem>> -> memref<1x128xi32, #tpu.memory_space<vmem>>
    %dma_start3A_18 = tpu.memref_squeeze %dma_start3A_17 : memref<1x128xi32, #tpu.memory_space<vmem>> -> memref<128xi32, #tpu.memory_space<vmem>>
    %dma_start3A_19 = arith.constant 0 : i32
    %dma_start3A_20 = arith.constant 0 : i32
    %dma_start3A_21 = tpu.memref_slice %arg6[%dma_start3A_19, %dma_start3A_20] : memref<10240x64xf32, #tpu.memory_space<vmem_shared>> -> memref<10240x64xf32, #tpu.memory_space<vmem_shared>>
    tpu.enqueue_indirect_dma source(%dma_start3A_21 : memref<10240x64xf32, #tpu.memory_space<vmem_shared>>) target(%arg11 : memref<128x64xf32, #tpu.memory_space<vmem>>) offsets(%dma_start3A_18 : memref<128xi32, #tpu.memory_space<vmem>>) semaphore(%arg13 : memref<!tpu.dma_semaphore, #tpu.memory_space<semaphore_mem>>)
    %scan3A_22 = arith.constant 0 : i32
    %scan3A_23 = arith.constant 0 : i32
    %scan3A_24 = arith.constant 20 : i32
    %scan3A_25 = arith.addi %scan3A_23, %scan3A_24 : i32
    %scan3A_26 = arith.constant 1 : i32
    %scan3A_27 = scf.for %scan3A_116 = %scan3A_23 to %scan3A_25 step %scan3A_26 iter_args(%scan3A_117 = %scan3A_22) -> (i32)  : i32 {
      %mul3A_118 = arith.constant 2 : i32
      %mul3A_119 = arith.muli %scan3A_116, %mul3A_118 : i32
      %add3A_120 = arith.constant 0 : i32
      %add3A_121 = arith.addi %mul3A_119, %add3A_120 : i32
      %dma_wait3A = arith.constant 0 : i32
      %dma_wait3A_122 = tpu.memref_slice %arg8[%add3A_121, %dma_wait3A] : memref<40x128xi32, #tpu.memory_space<vmem>> -> memref<1x128xi32, #tpu.memory_space<vmem>>
      %dma_wait3A_123 = tpu.memref_squeeze %dma_wait3A_122 : memref<1x128xi32, #tpu.memory_space<vmem>> -> memref<128xi32, #tpu.memory_space<vmem>>
      %dma_wait3A_124 = arith.constant 0 : i32
      %dma_wait3A_125 = arith.constant 0 : i32
      %dma_wait3A_126 = tpu.memref_slice %arg6[%dma_wait3A_124, %dma_wait3A_125] : memref<10240x64xf32, #tpu.memory_space<vmem_shared>> -> memref<10240x64xf32, #tpu.memory_space<vmem_shared>>
      tpu.wait_indirect_dma semaphore(%arg12 : memref<!tpu.dma_semaphore, #tpu.memory_space<semaphore_mem>>) src(%dma_wait3A_126 : memref<10240x64xf32, #tpu.memory_space<vmem_shared>>) dst(%arg10 : memref<128x64xf32, #tpu.memory_space<vmem>>)
      "tpu.region"() ({
        %run_scoped3A = tpu.sem_alloc : memref<!tpu.dma_semaphore, #tpu.memory_space<semaphore_mem>>
        %dma_start3A_149 = arith.constant 0 : i32
        %dma_start3A_150 = tpu.memref_slice %arg9[%add3A_121, %dma_start3A_149] : memref<40x128xi32, #tpu.memory_space<vmem>> -> memref<1x128xi32, #tpu.memory_space<vmem>>
        %dma_start3A_151 = tpu.memref_squeeze %dma_start3A_150 : memref<1x128xi32, #tpu.memory_space<vmem>> -> memref<128xi32, #tpu.memory_space<vmem>>
        %dma_start3A_152 = arith.constant 0 : i32
        %dma_start3A_153 = arith.constant 0 : i32
        %dma_start3A_154 = tpu.memref_slice %arg7[%dma_start3A_152, %dma_start3A_153] : memref<10240x64xf32, #tpu.memory_space<vmem_shared>> -> memref<10240x64xf32, #tpu.memory_space<vmem_shared>>
        tpu.enqueue_indirect_dma source(%arg10 : memref<128x64xf32, #tpu.memory_space<vmem>>) target(%dma_start3A_154 : memref<10240x64xf32, #tpu.memory_space<vmem_shared>>) offsets(%dma_start3A_151 : memref<128xi32, #tpu.memory_space<vmem>>) semaphore(%run_scoped3A : memref<!tpu.dma_semaphore, #tpu.memory_space<semaphore_mem>>) {add = true}
        %dma_wait3A_155 = arith.constant 0 : i32
        %dma_wait3A_156 = tpu.memref_slice %arg9[%add3A_121, %dma_wait3A_155] : memref<40x128xi32, #tpu.memory_space<vmem>> -> memref<1x128xi32, #tpu.memory_space<vmem>>
        %dma_wait3A_157 = tpu.memref_squeeze %dma_wait3A_156 : memref<1x128xi32, #tpu.memory_space<vmem>> -> memref<128xi32, #tpu.memory_space<vmem>>
        %dma_wait3A_158 = arith.constant 0 : i32
        %dma_wait3A_159 = arith.constant 0 : i32
        %dma_wait3A_160 = tpu.memref_slice %arg7[%dma_wait3A_158, %dma_wait3A_159] : memref<10240x64xf32, #tpu.memory_space<vmem_shared>> -> memref<10240x64xf32, #tpu.memory_space<vmem_shared>>
        tpu.wait_indirect_dma semaphore(%run_scoped3A : memref<!tpu.dma_semaphore, #tpu.memory_space<semaphore_mem>>) src(%arg10 : memref<128x64xf32, #tpu.memory_space<vmem>>) dst(%dma_wait3A_160 : memref<10240x64xf32, #tpu.memory_space<vmem_shared>>)
        tpu.yield
      }) : () -> ()
      %add3A_127 = arith.constant 2 : i32
      %add3A_128 = arith.addi %add3A_121, %add3A_127 : i32
      %lt3A = arith.constant 40 : i32
      %lt3A_129 = arith.cmpi slt, %add3A_128, %lt3A : i32
      %convert_element_type3A = arith.extui %lt3A_129 : i1 to i32
      %cond3A = arith.constant 0 : i32
      %cond3A_130 = arith.cmpi ne, %convert_element_type3A, %cond3A : i32
      scf.if %cond3A_130 {
        %dma_start3A_149 = arith.constant 0 : i32
        %dma_start3A_150 = tpu.memref_slice %arg8[%add3A_128, %dma_start3A_149] : memref<40x128xi32, #tpu.memory_space<vmem>> -> memref<1x128xi32, #tpu.memory_space<vmem>>
        %dma_start3A_151 = tpu.memref_squeeze %dma_start3A_150 : memref<1x128xi32, #tpu.memory_space<vmem>> -> memref<128xi32, #tpu.memory_space<vmem>>
        %dma_start3A_152 = arith.constant 0 : i32
        %dma_start3A_153 = arith.constant 0 : i32
        %dma_start3A_154 = tpu.memref_slice %arg6[%dma_start3A_152, %dma_start3A_153] : memref<10240x64xf32, #tpu.memory_space<vmem_shared>> -> memref<10240x64xf32, #tpu.memory_space<vmem_shared>>
        tpu.enqueue_indirect_dma source(%dma_start3A_154 : memref<10240x64xf32, #tpu.memory_space<vmem_shared>>) target(%arg10 : memref<128x64xf32, #tpu.memory_space<vmem>>) offsets(%dma_start3A_151 : memref<128xi32, #tpu.memory_space<vmem>>) semaphore(%arg12 : memref<!tpu.dma_semaphore, #tpu.memory_space<semaphore_mem>>)
      } else {
      }
      %mul3A_131 = arith.constant 2 : i32
      %mul3A_132 = arith.muli %scan3A_116, %mul3A_131 : i32
      %add3A_133 = arith.constant 1 : i32
      %add3A_134 = arith.addi %mul3A_132, %add3A_133 : i32
      %dma_wait3A_135 = arith.constant 0 : i32
      %dma_wait3A_136 = tpu.memref_slice %arg8[%add3A_134, %dma_wait3A_135] : memref<40x128xi32, #tpu.memory_space<vmem>> -> memref<1x128xi32, #tpu.memory_space<vmem>>
      %dma_wait3A_137 = tpu.memref_squeeze %dma_wait3A_136 : memref<1x128xi32, #tpu.memory_space<vmem>> -> memref<128xi32, #tpu.memory_space<vmem>>
      %dma_wait3A_138 = arith.constant 0 : i32
      %dma_wait3A_139 = arith.constant 0 : i32
      %dma_wait3A_140 = tpu.memref_slice %arg6[%dma_wait3A_138, %dma_wait3A_139] : memref<10240x64xf32, #tpu.memory_space<vmem_shared>> -> memref<10240x64xf32, #tpu.memory_space<vmem_shared>>
      tpu.wait_indirect_dma semaphore(%arg13 : memref<!tpu.dma_semaphore, #tpu.memory_space<semaphore_mem>>) src(%dma_wait3A_140 : memref<10240x64xf32, #tpu.memory_space<vmem_shared>>) dst(%arg11 : memref<128x64xf32, #tpu.memory_space<vmem>>)
      "tpu.region"() ({
        %run_scoped3A = tpu.sem_alloc : memref<!tpu.dma_semaphore, #tpu.memory_space<semaphore_mem>>
        %dma_start3A_149 = arith.constant 0 : i32
        %dma_start3A_150 = tpu.memref_slice %arg9[%add3A_134, %dma_start3A_149] : memref<40x128xi32, #tpu.memory_space<vmem>> -> memref<1x128xi32, #tpu.memory_space<vmem>>
        %dma_start3A_151 = tpu.memref_squeeze %dma_start3A_150 : memref<1x128xi32, #tpu.memory_space<vmem>> -> memref<128xi32, #tpu.memory_space<vmem>>
        %dma_start3A_152 = arith.constant 0 : i32
        %dma_start3A_153 = arith.constant 0 : i32
        %dma_start3A_154 = tpu.memref_slice %arg7[%dma_start3A_152, %dma_start3A_153] : memref<10240x64xf32, #tpu.memory_space<vmem_shared>> -> memref<10240x64xf32, #tpu.memory_space<vmem_shared>>
        tpu.enqueue_indirect_dma source(%arg11 : memref<128x64xf32, #tpu.memory_space<vmem>>) target(%dma_start3A_154 : memref<10240x64xf32, #tpu.memory_space<vmem_shared>>) offsets(%dma_start3A_151 : memref<128xi32, #tpu.memory_space<vmem>>) semaphore(%run_scoped3A : memref<!tpu.dma_semaphore, #tpu.memory_space<semaphore_mem>>) {add = true}
        %dma_wait3A_155 = arith.constant 0 : i32
        %dma_wait3A_156 = tpu.memref_slice %arg9[%add3A_134, %dma_wait3A_155] : memref<40x128xi32, #tpu.memory_space<vmem>> -> memref<1x128xi32, #tpu.memory_space<vmem>>
        %dma_wait3A_157 = tpu.memref_squeeze %dma_wait3A_156 : memref<1x128xi32, #tpu.memory_space<vmem>> -> memref<128xi32, #tpu.memory_space<vmem>>
        %dma_wait3A_158 = arith.constant 0 : i32
        %dma_wait3A_159 = arith.constant 0 : i32
        %dma_wait3A_160 = tpu.memref_slice %arg7[%dma_wait3A_158, %dma_wait3A_159] : memref<10240x64xf32, #tpu.memory_space<vmem_shared>> -> memref<10240x64xf32, #tpu.memory_space<vmem_shared>>
        tpu.wait_indirect_dma semaphore(%run_scoped3A : memref<!tpu.dma_semaphore, #tpu.memory_space<semaphore_mem>>) src(%arg11 : memref<128x64xf32, #tpu.memory_space<vmem>>) dst(%dma_wait3A_160 : memref<10240x64xf32, #tpu.memory_space<vmem_shared>>)
        tpu.yield
      }) : () -> ()
      %add3A_141 = arith.constant 2 : i32
      %add3A_142 = arith.addi %add3A_134, %add3A_141 : i32
      %lt3A_143 = arith.constant 40 : i32
      %lt3A_144 = arith.cmpi slt, %add3A_142, %lt3A_143 : i32
      %convert_element_type3A_145 = arith.extui %lt3A_144 : i1 to i32
      %cond3A_146 = arith.constant 0 : i32
      %cond3A_147 = arith.cmpi ne, %convert_element_type3A_145, %cond3A_146 : i32
      scf.if %cond3A_147 {
        %dma_start3A_149 = arith.constant 0 : i32
        %dma_start3A_150 = tpu.memref_slice %arg8[%add3A_142, %dma_start3A_149] : memref<40x128xi32, #tpu.memory_space<vmem>> -> memref<1x128xi32, #tpu.memory_space<vmem>>
        %dma_start3A_151 = tpu.memref_squeeze %dma_start3A_150 : memref<1x128xi32, #tpu.memory_space<vmem>> -> memref<128xi32, #tpu.memory_space<vmem>>
        %dma_start3A_152 = arith.constant 0 : i32
        %dma_start3A_153 = arith.constant 0 : i32
        %dma_start3A_154 = tpu.memref_slice %arg6[%dma_start3A_152, %dma_start3A_153] : memref<10240x64xf32, #tpu.memory_space<vmem_shared>> -> memref<10240x64xf32, #tpu.memory_space<vmem_shared>>
        tpu.enqueue_indirect_dma source(%dma_start3A_154 : memref<10240x64xf32, #tpu.memory_space<vmem_shared>>) target(%arg11 : memref<128x64xf32, #tpu.memory_space<vmem>>) offsets(%dma_start3A_151 : memref<128xi32, #tpu.memory_space<vmem>>) semaphore(%arg13 : memref<!tpu.dma_semaphore, #tpu.memory_space<semaphore_mem>>)
      } else {
      }
      %scan3A_148 = arith.constant 0 : i32
      scf.yield %scan3A_148 : i32
    }
    %scan3A_28 = arith.constant 20 : i32
    "tpu.region"() ({
      %run_scoped3A = tpu.sem_alloc : memref<!tpu.dma_semaphore, #tpu.memory_space<semaphore_mem>>
      %dma_start3A_116 = arith.constant 40 : i32
      %dma_start3A_117 = arith.constant 0 : i32
      %dma_start3A_118 = tpu.memref_slice %arg3[%add3A, %dma_start3A_116, %dma_start3A_117] : memref<32x80x128xi32, #tpu.memory_space<hbm>> -> memref<1x40x128xi32, #tpu.memory_space<hbm>>
      %dma_start3A_119 = tpu.memref_squeeze %dma_start3A_118 : memref<1x40x128xi32, #tpu.memory_space<hbm>> -> memref<40x128xi32, #tpu.memory_space<hbm>>
      %dma_start3A_120 = arith.constant 40 : i32
      %dma_start3A_121 = arith.constant 0 : i32
      %dma_start3A_122 = tpu.memref_slice %arg3[%add3A, %dma_start3A_120, %dma_start3A_121] : memref<32x80x128xi32, #tpu.memory_space<hbm>> -> memref<1x40x128xi32, #tpu.memory_space<hbm>>
      %dma_start3A_123 = tpu.memref_squeeze %dma_start3A_122 : memref<1x40x128xi32, #tpu.memory_space<hbm>> -> memref<40x128xi32, #tpu.memory_space<hbm>>
      tpu.enqueue_dma source(%dma_start3A_123 : memref<40x128xi32, #tpu.memory_space<hbm>>) target(%arg8 : memref<40x128xi32, #tpu.memory_space<vmem>>) target_semaphore(%run_scoped3A : memref<!tpu.dma_semaphore, #tpu.memory_space<semaphore_mem>>)
      %dma_wait3A = arith.constant 40 : i32
      %dma_wait3A_124 = arith.constant 0 : i32
      %dma_wait3A_125 = tpu.memref_slice %arg3[%add3A, %dma_wait3A, %dma_wait3A_124] : memref<32x80x128xi32, #tpu.memory_space<hbm>> -> memref<1x40x128xi32, #tpu.memory_space<hbm>>
      %dma_wait3A_126 = tpu.memref_squeeze %dma_wait3A_125 : memref<1x40x128xi32, #tpu.memory_space<hbm>> -> memref<40x128xi32, #tpu.memory_space<hbm>>
      %dma_wait3A_127 = arith.constant 40 : i32
      %dma_wait3A_128 = arith.constant 0 : i32
      %dma_wait3A_129 = tpu.memref_slice %arg3[%add3A, %dma_wait3A_127, %dma_wait3A_128] : memref<32x80x128xi32, #tpu.memory_space<hbm>> -> memref<1x40x128xi32, #tpu.memory_space<hbm>>
      %dma_wait3A_130 = tpu.memref_squeeze %dma_wait3A_129 : memref<1x40x128xi32, #tpu.memory_space<hbm>> -> memref<40x128xi32, #tpu.memory_space<hbm>>
      tpu.wait_dma2 semaphore(%run_scoped3A : memref<!tpu.dma_semaphore, #tpu.memory_space<semaphore_mem>>) src(%dma_wait3A_130 : memref<40x128xi32, #tpu.memory_space<hbm>>) dst(%arg8 : memref<40x128xi32, #tpu.memory_space<vmem>>)
      tpu.yield
    }) : () -> ()
    "tpu.region"() ({
      %run_scoped3A = tpu.sem_alloc : memref<!tpu.dma_semaphore, #tpu.memory_space<semaphore_mem>>
      %dma_start3A_116 = arith.constant 40 : i32
      %dma_start3A_117 = arith.constant 0 : i32
      %dma_start3A_118 = tpu.memref_slice %arg4[%add3A, %dma_start3A_116, %dma_start3A_117] : memref<32x80x128xi32, #tpu.memory_space<hbm>> -> memref<1x40x128xi32, #tpu.memory_space<hbm>>
      %dma_start3A_119 = tpu.memref_squeeze %dma_start3A_118 : memref<1x40x128xi32, #tpu.memory_space<hbm>> -> memref<40x128xi32, #tpu.memory_space<hbm>>
      %dma_start3A_120 = arith.constant 40 : i32
      %dma_start3A_121 = arith.constant 0 : i32
      %dma_start3A_122 = tpu.memref_slice %arg4[%add3A, %dma_start3A_120, %dma_start3A_121] : memref<32x80x128xi32, #tpu.memory_space<hbm>> -> memref<1x40x128xi32, #tpu.memory_space<hbm>>
      %dma_start3A_123 = tpu.memref_squeeze %dma_start3A_122 : memref<1x40x128xi32, #tpu.memory_space<hbm>> -> memref<40x128xi32, #tpu.memory_space<hbm>>
      tpu.enqueue_dma source(%dma_start3A_123 : memref<40x128xi32, #tpu.memory_space<hbm>>) target(%arg9 : memref<40x128xi32, #tpu.memory_space<vmem>>) target_semaphore(%run_scoped3A : memref<!tpu.dma_semaphore, #tpu.memory_space<semaphore_mem>>)
      %dma_wait3A = arith.constant 40 : i32
      %dma_wait3A_124 = arith.constant 0 : i32
      %dma_wait3A_125 = tpu.memref_slice %arg4[%add3A, %dma_wait3A, %dma_wait3A_124] : memref<32x80x128xi32, #tpu.memory_space<hbm>> -> memref<1x40x128xi32, #tpu.memory_space<hbm>>
      %dma_wait3A_126 = tpu.memref_squeeze %dma_wait3A_125 : memref<1x40x128xi32, #tpu.memory_space<hbm>> -> memref<40x128xi32, #tpu.memory_space<hbm>>
      %dma_wait3A_127 = arith.constant 40 : i32
      %dma_wait3A_128 = arith.constant 0 : i32
      %dma_wait3A_129 = tpu.memref_slice %arg4[%add3A, %dma_wait3A_127, %dma_wait3A_128] : memref<32x80x128xi32, #tpu.memory_space<hbm>> -> memref<1x40x128xi32, #tpu.memory_space<hbm>>
      %dma_wait3A_130 = tpu.memref_squeeze %dma_wait3A_129 : memref<1x40x128xi32, #tpu.memory_space<hbm>> -> memref<40x128xi32, #tpu.memory_space<hbm>>
      tpu.wait_dma2 semaphore(%run_scoped3A : memref<!tpu.dma_semaphore, #tpu.memory_space<semaphore_mem>>) src(%dma_wait3A_130 : memref<40x128xi32, #tpu.memory_space<hbm>>) dst(%arg9 : memref<40x128xi32, #tpu.memory_space<vmem>>)
      tpu.yield
    }) : () -> ()
    %dma_start3A_29 = arith.constant 0 : i32
    %dma_start3A_30 = arith.constant 0 : i32
    %dma_start3A_31 = tpu.memref_slice %arg8[%dma_start3A_29, %dma_start3A_30] : memref<40x128xi32, #tpu.memory_space<vmem>> -> memref<1x128xi32, #tpu.memory_space<vmem>>
    %dma_start3A_32 = tpu.memref_squeeze %dma_start3A_31 : memref<1x128xi32, #tpu.memory_space<vmem>> -> memref<128xi32, #tpu.memory_space<vmem>>
    %dma_start3A_33 = arith.constant 0 : i32
    %dma_start3A_34 = arith.constant 0 : i32
    %dma_start3A_35 = tpu.memref_slice %arg6[%dma_start3A_33, %dma_start3A_34] : memref<10240x64xf32, #tpu.memory_space<vmem_shared>> -> memref<10240x64xf32, #tpu.memory_space<vmem_shared>>
    tpu.enqueue_indirect_dma source(%dma_start3A_35 : memref<10240x64xf32, #tpu.memory_space<vmem_shared>>) target(%arg10 : memref<128x64xf32, #tpu.memory_space<vmem>>) offsets(%dma_start3A_32 : memref<128xi32, #tpu.memory_space<vmem>>) semaphore(%arg12 : memref<!tpu.dma_semaphore, #tpu.memory_space<semaphore_mem>>)
    %dma_start3A_36 = arith.constant 1 : i32
    %dma_start3A_37 = arith.constant 0 : i32
    %dma_start3A_38 = tpu.memref_slice %arg8[%dma_start3A_36, %dma_start3A_37] : memref<40x128xi32, #tpu.memory_space<vmem>> -> memref<1x128xi32, #tpu.memory_space<vmem>>
    %dma_start3A_39 = tpu.memref_squeeze %dma_start3A_38 : memref<1x128xi32, #tpu.memory_space<vmem>> -> memref<128xi32, #tpu.memory_space<vmem>>
    %dma_start3A_40 = arith.constant 0 : i32
    %dma_start3A_41 = arith.constant 0 : i32
    %dma_start3A_42 = tpu.memref_slice %arg6[%dma_start3A_40, %dma_start3A_41] : memref<10240x64xf32, #tpu.memory_space<vmem_shared>> -> memref<10240x64xf32, #tpu.memory_space<vmem_shared>>
    tpu.enqueue_indirect_dma source(%dma_start3A_42 : memref<10240x64xf32, #tpu.memory_space<vmem_shared>>) target(%arg11 : memref<128x64xf32, #tpu.memory_space<vmem>>) offsets(%dma_start3A_39 : memref<128xi32, #tpu.memory_space<vmem>>) semaphore(%arg13 : memref<!tpu.dma_semaphore, #tpu.memory_space<semaphore_mem>>)
    %scan3A_43 = arith.constant 0 : i32
    %scan3A_44 = arith.constant 0 : i32
    %scan3A_45 = arith.constant 20 : i32
    %scan3A_46 = arith.addi %scan3A_44, %scan3A_45 : i32
    %scan3A_47 = arith.constant 1 : i32
    %scan3A_48 = scf.for %scan3A_116 = %scan3A_44 to %scan3A_46 step %scan3A_47 iter_args(%scan3A_117 = %scan3A_43) -> (i32)  : i32 {
      %mul3A_118 = arith.constant 2 : i32
      %mul3A_119 = arith.muli %scan3A_116, %mul3A_118 : i32
      %add3A_120 = arith.constant 0 : i32
      %add3A_121 = arith.addi %mul3A_119, %add3A_120 : i32
      %dma_wait3A = arith.constant 0 : i32
      %dma_wait3A_122 = tpu.memref_slice %arg8[%add3A_121, %dma_wait3A] : memref<40x128xi32, #tpu.memory_space<vmem>> -> memref<1x128xi32, #tpu.memory_space<vmem>>
      %dma_wait3A_123 = tpu.memref_squeeze %dma_wait3A_122 : memref<1x128xi32, #tpu.memory_space<vmem>> -> memref<128xi32, #tpu.memory_space<vmem>>
      %dma_wait3A_124 = arith.constant 0 : i32
      %dma_wait3A_125 = arith.constant 0 : i32
      %dma_wait3A_126 = tpu.memref_slice %arg6[%dma_wait3A_124, %dma_wait3A_125] : memref<10240x64xf32, #tpu.memory_space<vmem_shared>> -> memref<10240x64xf32, #tpu.memory_space<vmem_shared>>
      tpu.wait_indirect_dma semaphore(%arg12 : memref<!tpu.dma_semaphore, #tpu.memory_space<semaphore_mem>>) src(%dma_wait3A_126 : memref<10240x64xf32, #tpu.memory_space<vmem_shared>>) dst(%arg10 : memref<128x64xf32, #tpu.memory_space<vmem>>)
      "tpu.region"() ({
        %run_scoped3A = tpu.sem_alloc : memref<!tpu.dma_semaphore, #tpu.memory_space<semaphore_mem>>
        %dma_start3A_149 = arith.constant 0 : i32
        %dma_start3A_150 = tpu.memref_slice %arg9[%add3A_121, %dma_start3A_149] : memref<40x128xi32, #tpu.memory_space<vmem>> -> memref<1x128xi32, #tpu.memory_space<vmem>>
        %dma_start3A_151 = tpu.memref_squeeze %dma_start3A_150 : memref<1x128xi32, #tpu.memory_space<vmem>> -> memref<128xi32, #tpu.memory_space<vmem>>
        %dma_start3A_152 = arith.constant 0 : i32
        %dma_start3A_153 = arith.constant 0 : i32
        %dma_start3A_154 = tpu.memref_slice %arg7[%dma_start3A_152, %dma_start3A_153] : memref<10240x64xf32, #tpu.memory_space<vmem_shared>> -> memref<10240x64xf32, #tpu.memory_space<vmem_shared>>
        tpu.enqueue_indirect_dma source(%arg10 : memref<128x64xf32, #tpu.memory_space<vmem>>) target(%dma_start3A_154 : memref<10240x64xf32, #tpu.memory_space<vmem_shared>>) offsets(%dma_start3A_151 : memref<128xi32, #tpu.memory_space<vmem>>) semaphore(%run_scoped3A : memref<!tpu.dma_semaphore, #tpu.memory_space<semaphore_mem>>) {add = true}
        %dma_wait3A_155 = arith.constant 0 : i32
        %dma_wait3A_156 = tpu.memref_slice %arg9[%add3A_121, %dma_wait3A_155] : memref<40x128xi32, #tpu.memory_space<vmem>> -> memref<1x128xi32, #tpu.memory_space<vmem>>
        %dma_wait3A_157 = tpu.memref_squeeze %dma_wait3A_156 : memref<1x128xi32, #tpu.memory_space<vmem>> -> memref<128xi32, #tpu.memory_space<vmem>>
        %dma_wait3A_158 = arith.constant 0 : i32
        %dma_wait3A_159 = arith.constant 0 : i32
        %dma_wait3A_160 = tpu.memref_slice %arg7[%dma_wait3A_158, %dma_wait3A_159] : memref<10240x64xf32, #tpu.memory_space<vmem_shared>> -> memref<10240x64xf32, #tpu.memory_space<vmem_shared>>
        tpu.wait_indirect_dma semaphore(%run_scoped3A : memref<!tpu.dma_semaphore, #tpu.memory_space<semaphore_mem>>) src(%arg10 : memref<128x64xf32, #tpu.memory_space<vmem>>) dst(%dma_wait3A_160 : memref<10240x64xf32, #tpu.memory_space<vmem_shared>>)
        tpu.yield
      }) : () -> ()
      %add3A_127 = arith.constant 2 : i32
      %add3A_128 = arith.addi %add3A_121, %add3A_127 : i32
      %lt3A = arith.constant 40 : i32
      %lt3A_129 = arith.cmpi slt, %add3A_128, %lt3A : i32
      %convert_element_type3A = arith.extui %lt3A_129 : i1 to i32
      %cond3A = arith.constant 0 : i32
      %cond3A_130 = arith.cmpi ne, %convert_element_type3A, %cond3A : i32
      scf.if %cond3A_130 {
        %dma_start3A_149 = arith.constant 0 : i32
        %dma_start3A_150 = tpu.memref_slice %arg8[%add3A_128, %dma_start3A_149] : memref<40x128xi32, #tpu.memory_space<vmem>> -> memref<1x128xi32, #tpu.memory_space<vmem>>
        %dma_start3A_151 = tpu.memref_squeeze %dma_start3A_150 : memref<1x128xi32, #tpu.memory_space<vmem>> -> memref<128xi32, #tpu.memory_space<vmem>>
        %dma_start3A_152 = arith.constant 0 : i32
        %dma_start3A_153 = arith.constant 0 : i32
        %dma_start3A_154 = tpu.memref_slice %arg6[%dma_start3A_152, %dma_start3A_153] : memref<10240x64xf32, #tpu.memory_space<vmem_shared>> -> memref<10240x64xf32, #tpu.memory_space<vmem_shared>>
        tpu.enqueue_indirect_dma source(%dma_start3A_154 : memref<10240x64xf32, #tpu.memory_space<vmem_shared>>) target(%arg10 : memref<128x64xf32, #tpu.memory_space<vmem>>) offsets(%dma_start3A_151 : memref<128xi32, #tpu.memory_space<vmem>>) semaphore(%arg12 : memref<!tpu.dma_semaphore, #tpu.memory_space<semaphore_mem>>)
      } else {
      }
      %mul3A_131 = arith.constant 2 : i32
      %mul3A_132 = arith.muli %scan3A_116, %mul3A_131 : i32
      %add3A_133 = arith.constant 1 : i32
      %add3A_134 = arith.addi %mul3A_132, %add3A_133 : i32
      %dma_wait3A_135 = arith.constant 0 : i32
      %dma_wait3A_136 = tpu.memref_slice %arg8[%add3A_134, %dma_wait3A_135] : memref<40x128xi32, #tpu.memory_space<vmem>> -> memref<1x128xi32, #tpu.memory_space<vmem>>
      %dma_wait3A_137 = tpu.memref_squeeze %dma_wait3A_136 : memref<1x128xi32, #tpu.memory_space<vmem>> -> memref<128xi32, #tpu.memory_space<vmem>>
      %dma_wait3A_138 = arith.constant 0 : i32
      %dma_wait3A_139 = arith.constant 0 : i32
      %dma_wait3A_140 = tpu.memref_slice %arg6[%dma_wait3A_138, %dma_wait3A_139] : memref<10240x64xf32, #tpu.memory_space<vmem_shared>> -> memref<10240x64xf32, #tpu.memory_space<vmem_shared>>
      tpu.wait_indirect_dma semaphore(%arg13 : memref<!tpu.dma_semaphore, #tpu.memory_space<semaphore_mem>>) src(%dma_wait3A_140 : memref<10240x64xf32, #tpu.memory_space<vmem_shared>>) dst(%arg11 : memref<128x64xf32, #tpu.memory_space<vmem>>)
      "tpu.region"() ({
        %run_scoped3A = tpu.sem_alloc : memref<!tpu.dma_semaphore, #tpu.memory_space<semaphore_mem>>
        %dma_start3A_149 = arith.constant 0 : i32
        %dma_start3A_150 = tpu.memref_slice %arg9[%add3A_134, %dma_start3A_149] : memref<40x128xi32, #tpu.memory_space<vmem>> -> memref<1x128xi32, #tpu.memory_space<vmem>>
        %dma_start3A_151 = tpu.memref_squeeze %dma_start3A_150 : memref<1x128xi32, #tpu.memory_space<vmem>> -> memref<128xi32, #tpu.memory_space<vmem>>
        %dma_start3A_152 = arith.constant 0 : i32
        %dma_start3A_153 = arith.constant 0 : i32
        %dma_start3A_154 = tpu.memref_slice %arg7[%dma_start3A_152, %dma_start3A_153] : memref<10240x64xf32, #tpu.memory_space<vmem_shared>> -> memref<10240x64xf32, #tpu.memory_space<vmem_shared>>
        tpu.enqueue_indirect_dma source(%arg11 : memref<128x64xf32, #tpu.memory_space<vmem>>) target(%dma_start3A_154 : memref<10240x64xf32, #tpu.memory_space<vmem_shared>>) offsets(%dma_start3A_151 : memref<128xi32, #tpu.memory_space<vmem>>) semaphore(%run_scoped3A : memref<!tpu.dma_semaphore, #tpu.memory_space<semaphore_mem>>) {add = true}
        %dma_wait3A_155 = arith.constant 0 : i32
        %dma_wait3A_156 = tpu.memref_slice %arg9[%add3A_134, %dma_wait3A_155] : memref<40x128xi32, #tpu.memory_space<vmem>> -> memref<1x128xi32, #tpu.memory_space<vmem>>
        %dma_wait3A_157 = tpu.memref_squeeze %dma_wait3A_156 : memref<1x128xi32, #tpu.memory_space<vmem>> -> memref<128xi32, #tpu.memory_space<vmem>>
        %dma_wait3A_158 = arith.constant 0 : i32
        %dma_wait3A_159 = arith.constant 0 : i32
        %dma_wait3A_160 = tpu.memref_slice %arg7[%dma_wait3A_158, %dma_wait3A_159] : memref<10240x64xf32, #tpu.memory_space<vmem_shared>> -> memref<10240x64xf32, #tpu.memory_space<vmem_shared>>
        tpu.wait_indirect_dma semaphore(%run_scoped3A : memref<!tpu.dma_semaphore, #tpu.memory_space<semaphore_mem>>) src(%arg11 : memref<128x64xf32, #tpu.memory_space<vmem>>) dst(%dma_wait3A_160 : memref<10240x64xf32, #tpu.memory_space<vmem_shared>>)
        tpu.yield
      }) : () -> ()
      %add3A_141 = arith.constant 2 : i32
      %add3A_142 = arith.addi %add3A_134, %add3A_141 : i32
      %lt3A_143 = arith.constant 40 : i32
      %lt3A_144 = arith.cmpi slt, %add3A_142, %lt3A_143 : i32
      %convert_element_type3A_145 = arith.extui %lt3A_144 : i1 to i32
      %cond3A_146 = arith.constant 0 : i32
      %cond3A_147 = arith.cmpi ne, %convert_element_type3A_145, %cond3A_146 : i32
      scf.if %cond3A_147 {
        %dma_start3A_149 = arith.constant 0 : i32
        %dma_start3A_150 = tpu.memref_slice %arg8[%add3A_142, %dma_start3A_149] : memref<40x128xi32, #tpu.memory_space<vmem>> -> memref<1x128xi32, #tpu.memory_space<vmem>>
        %dma_start3A_151 = tpu.memref_squeeze %dma_start3A_150 : memref<1x128xi32, #tpu.memory_space<vmem>> -> memref<128xi32, #tpu.memory_space<vmem>>
        %dma_start3A_152 = arith.constant 0 : i32
        %dma_start3A_153 = arith.constant 0 : i32
        %dma_start3A_154 = tpu.memref_slice %arg6[%dma_start3A_152, %dma_start3A_153] : memref<10240x64xf32, #tpu.memory_space<vmem_shared>> -> memref<10240x64xf32, #tpu.memory_space<vmem_shared>>
        tpu.enqueue_indirect_dma source(%dma_start3A_154 : memref<10240x64xf32, #tpu.memory_space<vmem_shared>>) target(%arg11 : memref<128x64xf32, #tpu.memory_space<vmem>>) offsets(%dma_start3A_151 : memref<128xi32, #tpu.memory_space<vmem>>) semaphore(%arg13 : memref<!tpu.dma_semaphore, #tpu.memory_space<semaphore_mem>>)
      } else {
      }
      %scan3A_148 = arith.constant 0 : i32
      scf.yield %scan3A_148 : i32
    }
    %scan3A_49 = arith.constant 20 : i32
    %barrier3A_50 = arith.constant 0 : index
    tpu.barrier barrier_id(%barrier3A_50)
    %scan3A_51 = arith.constant 0 : i32
    %scan3A_52 = arith.constant 0 : i32
    %scan3A_53 = arith.constant 5 : i32
    %scan3A_54 = arith.addi %scan3A_52, %scan3A_53 : i32
    %scan3A_55 = arith.constant 1 : i32
    %scan3A_56 = scf.for %scan3A_116 = %scan3A_52 to %scan3A_54 step %scan3A_55 iter_args(%scan3A_117 = %scan3A_51) -> (i32)  : i32 {
      %mul3A_118 = arith.constant 128 : i32
      %mul3A_119 = arith.muli %scan3A_116, %mul3A_118 : i32
      %add3A_120 = arith.addi %mul3A_2, %mul3A_119 : i32
      "tpu.region"() ({
        %run_scoped3A = tpu.sem_alloc : memref<!tpu.dma_semaphore, #tpu.memory_space<semaphore_mem>>
        %dma_start3A_122 = arith.constant 0 : i32
        %dma_start3A_123 = tpu.memref_slice %arg7[%add3A_120, %dma_start3A_122] : memref<10240x64xf32, #tpu.memory_space<vmem_shared>> -> memref<128x64xf32, #tpu.memory_space<vmem_shared>>
        %dma_start3A_124 = arith.constant 0 : i32
        %dma_start3A_125 = tpu.memref_slice %arg7[%add3A_120, %dma_start3A_124] : memref<10240x64xf32, #tpu.memory_space<vmem_shared>> -> memref<128x64xf32, #tpu.memory_space<vmem_shared>>
        tpu.enqueue_dma source(%dma_start3A_125 : memref<128x64xf32, #tpu.memory_space<vmem_shared>>) target(%arg10 : memref<128x64xf32, #tpu.memory_space<vmem>>) target_semaphore(%run_scoped3A : memref<!tpu.dma_semaphore, #tpu.memory_space<semaphore_mem>>)
        %dma_wait3A = arith.constant 0 : i32
        %dma_wait3A_126 = tpu.memref_slice %arg7[%add3A_120, %dma_wait3A] : memref<10240x64xf32, #tpu.memory_space<vmem_shared>> -> memref<128x64xf32, #tpu.memory_space<vmem_shared>>
        %dma_wait3A_127 = arith.constant 0 : i32
        %dma_wait3A_128 = tpu.memref_slice %arg7[%add3A_120, %dma_wait3A_127] : memref<10240x64xf32, #tpu.memory_space<vmem_shared>> -> memref<128x64xf32, #tpu.memory_space<vmem_shared>>
        tpu.wait_dma2 semaphore(%run_scoped3A : memref<!tpu.dma_semaphore, #tpu.memory_space<semaphore_mem>>) src(%dma_wait3A_128 : memref<128x64xf32, #tpu.memory_space<vmem_shared>>) dst(%arg10 : memref<128x64xf32, #tpu.memory_space<vmem>>)
        tpu.yield
      }) : () -> ()
      "tpu.region"() ({
        %run_scoped3A = tpu.sem_alloc : memref<!tpu.dma_semaphore, #tpu.memory_space<semaphore_mem>>
        %dma_start3A_122 = arith.constant 0 : i32
        %dma_start3A_123 = tpu.memref_slice %arg5[%arg0, %add3A_120, %dma_start3A_122] : memref<2x10240x128xf32, #tpu.memory_space<hbm>> -> memref<1x128x64xf32, #tpu.memory_space<hbm>>
        %dma_start3A_124 = tpu.memref_squeeze %dma_start3A_123 : memref<1x128x64xf32, #tpu.memory_space<hbm>> -> memref<128x64xf32, #tpu.memory_space<hbm>>
        %dma_start3A_125 = arith.constant 0 : i32
        %dma_start3A_126 = tpu.memref_slice %arg5[%arg0, %add3A_120, %dma_start3A_125] : memref<2x10240x128xf32, #tpu.memory_space<hbm>> -> memref<1x128x64xf32, #tpu.memory_space<hbm>>
        %dma_start3A_127 = tpu.memref_squeeze %dma_start3A_126 : memref<1x128x64xf32, #tpu.memory_space<hbm>> -> memref<128x64xf32, #tpu.memory_space<hbm>>
        tpu.enqueue_dma source(%arg10 : memref<128x64xf32, #tpu.memory_space<vmem>>) target(%dma_start3A_127 : memref<128x64xf32, #tpu.memory_space<hbm>>) target_semaphore(%run_scoped3A : memref<!tpu.dma_semaphore, #tpu.memory_space<semaphore_mem>>)
        %dma_wait3A = arith.constant 0 : i32
        %dma_wait3A_128 = tpu.memref_slice %arg5[%arg0, %add3A_120, %dma_wait3A] : memref<2x10240x128xf32, #tpu.memory_space<hbm>> -> memref<1x128x64xf32, #tpu.memory_space<hbm>>
        %dma_wait3A_129 = tpu.memref_squeeze %dma_wait3A_128 : memref<1x128x64xf32, #tpu.memory_space<hbm>> -> memref<128x64xf32, #tpu.memory_space<hbm>>
        %dma_wait3A_130 = arith.constant 0 : i32
        %dma_wait3A_131 = tpu.memref_slice %arg5[%arg0, %add3A_120, %dma_wait3A_130] : memref<2x10240x128xf32, #tpu.memory_space<hbm>> -> memref<1x128x64xf32, #tpu.memory_space<hbm>>
        %dma_wait3A_132 = tpu.memref_squeeze %dma_wait3A_131 : memref<1x128x64xf32, #tpu.memory_space<hbm>> -> memref<128x64xf32, #tpu.memory_space<hbm>>
        tpu.wait_dma2 semaphore(%run_scoped3A : memref<!tpu.dma_semaphore, #tpu.memory_space<semaphore_mem>>) src(%arg10 : memref<128x64xf32, #tpu.memory_space<vmem>>) dst(%dma_wait3A_132 : memref<128x64xf32, #tpu.memory_space<hbm>>)
        tpu.yield
      }) : () -> ()
      %scan3A_121 = arith.constant 0 : i32
      scf.yield %scan3A_121 : i32
    }
    %scan3A_57 = arith.constant 5 : i32
    %scan3A_58 = arith.constant 0 : i32
    %scan3A_59 = arith.constant 0 : i32
    %scan3A_60 = arith.constant 5 : i32
    %scan3A_61 = arith.addi %scan3A_59, %scan3A_60 : i32
    %scan3A_62 = arith.constant 1 : i32
    %scan3A_63 = scf.for %scan3A_116 = %scan3A_59 to %scan3A_61 step %scan3A_62 iter_args(%scan3A_117 = %scan3A_58) -> (i32)  : i32 {
      %mul3A_118 = arith.constant 128 : i32
      %mul3A_119 = arith.muli %scan3A_116, %mul3A_118 : i32
      %add3A_120 = arith.addi %mul3A_2, %mul3A_119 : i32
      "tpu.region"() ({
        %run_scoped3A = tpu.sem_alloc : memref<!tpu.dma_semaphore, #tpu.memory_space<semaphore_mem>>
        %dma_start3A_122 = arith.constant 64 : i32
        %dma_start3A_123 = tpu.memref_slice %arg2[%add3A_120, %dma_start3A_122] : memref<10240x128xf32, #tpu.memory_space<hbm>> -> memref<128x64xf32, #tpu.memory_space<hbm>>
        %dma_start3A_124 = arith.constant 64 : i32
        %dma_start3A_125 = tpu.memref_slice %arg2[%add3A_120, %dma_start3A_124] : memref<10240x128xf32, #tpu.memory_space<hbm>> -> memref<128x64xf32, #tpu.memory_space<hbm>>
        tpu.enqueue_dma source(%dma_start3A_125 : memref<128x64xf32, #tpu.memory_space<hbm>>) target(%arg10 : memref<128x64xf32, #tpu.memory_space<vmem>>) target_semaphore(%run_scoped3A : memref<!tpu.dma_semaphore, #tpu.memory_space<semaphore_mem>>)
        %dma_wait3A = arith.constant 64 : i32
        %dma_wait3A_126 = tpu.memref_slice %arg2[%add3A_120, %dma_wait3A] : memref<10240x128xf32, #tpu.memory_space<hbm>> -> memref<128x64xf32, #tpu.memory_space<hbm>>
        %dma_wait3A_127 = arith.constant 64 : i32
        %dma_wait3A_128 = tpu.memref_slice %arg2[%add3A_120, %dma_wait3A_127] : memref<10240x128xf32, #tpu.memory_space<hbm>> -> memref<128x64xf32, #tpu.memory_space<hbm>>
        tpu.wait_dma2 semaphore(%run_scoped3A : memref<!tpu.dma_semaphore, #tpu.memory_space<semaphore_mem>>) src(%dma_wait3A_128 : memref<128x64xf32, #tpu.memory_space<hbm>>) dst(%arg10 : memref<128x64xf32, #tpu.memory_space<vmem>>)
        tpu.yield
      }) : () -> ()
      "tpu.region"() ({
        %run_scoped3A = tpu.sem_alloc : memref<!tpu.dma_semaphore, #tpu.memory_space<semaphore_mem>>
        %dma_start3A_122 = arith.constant 0 : i32
        %dma_start3A_123 = tpu.memref_slice %arg6[%add3A_120, %dma_start3A_122] : memref<10240x64xf32, #tpu.memory_space<vmem_shared>> -> memref<128x64xf32, #tpu.memory_space<vmem_shared>>
        %dma_start3A_124 = arith.constant 0 : i32
        %dma_start3A_125 = tpu.memref_slice %arg6[%add3A_120, %dma_start3A_124] : memref<10240x64xf32, #tpu.memory_space<vmem_shared>> -> memref<128x64xf32, #tpu.memory_space<vmem_shared>>
        tpu.enqueue_dma source(%arg10 : memref<128x64xf32, #tpu.memory_space<vmem>>) target(%dma_start3A_125 : memref<128x64xf32, #tpu.memory_space<vmem_shared>>) target_semaphore(%run_scoped3A : memref<!tpu.dma_semaphore, #tpu.memory_space<semaphore_mem>>)
        %dma_wait3A = arith.constant 0 : i32
        %dma_wait3A_126 = tpu.memref_slice %arg6[%add3A_120, %dma_wait3A] : memref<10240x64xf32, #tpu.memory_space<vmem_shared>> -> memref<128x64xf32, #tpu.memory_space<vmem_shared>>
        %dma_wait3A_127 = arith.constant 0 : i32
        %dma_wait3A_128 = tpu.memref_slice %arg6[%add3A_120, %dma_wait3A_127] : memref<10240x64xf32, #tpu.memory_space<vmem_shared>> -> memref<128x64xf32, #tpu.memory_space<vmem_shared>>
        tpu.wait_dma2 semaphore(%run_scoped3A : memref<!tpu.dma_semaphore, #tpu.memory_space<semaphore_mem>>) src(%arg10 : memref<128x64xf32, #tpu.memory_space<vmem>>) dst(%dma_wait3A_128 : memref<128x64xf32, #tpu.memory_space<vmem_shared>>)
        tpu.yield
      }) : () -> ()
      "tpu.region"() ({
        %run_scoped3A = tpu.sem_alloc : memref<!tpu.dma_semaphore, #tpu.memory_space<semaphore_mem>>
        %dma_start3A_122 = arith.constant 0 : i32
        %dma_start3A_123 = tpu.memref_slice %arg7[%add3A_120, %dma_start3A_122] : memref<10240x64xf32, #tpu.memory_space<vmem_shared>> -> memref<128x64xf32, #tpu.memory_space<vmem_shared>>
        %dma_start3A_124 = arith.constant 0 : i32
        %dma_start3A_125 = tpu.memref_slice %arg7[%add3A_120, %dma_start3A_124] : memref<10240x64xf32, #tpu.memory_space<vmem_shared>> -> memref<128x64xf32, #tpu.memory_space<vmem_shared>>
        tpu.enqueue_dma source(%arg10 : memref<128x64xf32, #tpu.memory_space<vmem>>) target(%dma_start3A_125 : memref<128x64xf32, #tpu.memory_space<vmem_shared>>) target_semaphore(%run_scoped3A : memref<!tpu.dma_semaphore, #tpu.memory_space<semaphore_mem>>)
        %dma_wait3A = arith.constant 0 : i32
        %dma_wait3A_126 = tpu.memref_slice %arg7[%add3A_120, %dma_wait3A] : memref<10240x64xf32, #tpu.memory_space<vmem_shared>> -> memref<128x64xf32, #tpu.memory_space<vmem_shared>>
        %dma_wait3A_127 = arith.constant 0 : i32
        %dma_wait3A_128 = tpu.memref_slice %arg7[%add3A_120, %dma_wait3A_127] : memref<10240x64xf32, #tpu.memory_space<vmem_shared>> -> memref<128x64xf32, #tpu.memory_space<vmem_shared>>
        tpu.wait_dma2 semaphore(%run_scoped3A : memref<!tpu.dma_semaphore, #tpu.memory_space<semaphore_mem>>) src(%arg10 : memref<128x64xf32, #tpu.memory_space<vmem>>) dst(%dma_wait3A_128 : memref<128x64xf32, #tpu.memory_space<vmem_shared>>)
        tpu.yield
      }) : () -> ()
      %scan3A_121 = arith.constant 0 : i32
      scf.yield %scan3A_121 : i32
    }
    %scan3A_64 = arith.constant 5 : i32
    %barrier3A_65 = arith.constant 0 : index
    tpu.barrier barrier_id(%barrier3A_65)
    "tpu.region"() ({
      %run_scoped3A = tpu.sem_alloc : memref<!tpu.dma_semaphore, #tpu.memory_space<semaphore_mem>>
      %dma_start3A_116 = arith.constant 0 : i32
      %dma_start3A_117 = arith.constant 0 : i32
      %dma_start3A_118 = tpu.memref_slice %arg3[%add3A, %dma_start3A_116, %dma_start3A_117] : memref<32x80x128xi32, #tpu.memory_space<hbm>> -> memref<1x40x128xi32, #tpu.memory_space<hbm>>
      %dma_start3A_119 = tpu.memref_squeeze %dma_start3A_118 : memref<1x40x128xi32, #tpu.memory_space<hbm>> -> memref<40x128xi32, #tpu.memory_space<hbm>>
      %dma_start3A_120 = arith.constant 0 : i32
      %dma_start3A_121 = arith.constant 0 : i32
      %dma_start3A_122 = tpu.memref_slice %arg3[%add3A, %dma_start3A_120, %dma_start3A_121] : memref<32x80x128xi32, #tpu.memory_space<hbm>> -> memref<1x40x128xi32, #tpu.memory_space<hbm>>
      %dma_start3A_123 = tpu.memref_squeeze %dma_start3A_122 : memref<1x40x128xi32, #tpu.memory_space<hbm>> -> memref<40x128xi32, #tpu.memory_space<hbm>>
      tpu.enqueue_dma source(%dma_start3A_123 : memref<40x128xi32, #tpu.memory_space<hbm>>) target(%arg8 : memref<40x128xi32, #tpu.memory_space<vmem>>) target_semaphore(%run_scoped3A : memref<!tpu.dma_semaphore, #tpu.memory_space<semaphore_mem>>)
      %dma_wait3A = arith.constant 0 : i32
      %dma_wait3A_124 = arith.constant 0 : i32
      %dma_wait3A_125 = tpu.memref_slice %arg3[%add3A, %dma_wait3A, %dma_wait3A_124] : memref<32x80x128xi32, #tpu.memory_space<hbm>> -> memref<1x40x128xi32, #tpu.memory_space<hbm>>
      %dma_wait3A_126 = tpu.memref_squeeze %dma_wait3A_125 : memref<1x40x128xi32, #tpu.memory_space<hbm>> -> memref<40x128xi32, #tpu.memory_space<hbm>>
      %dma_wait3A_127 = arith.constant 0 : i32
      %dma_wait3A_128 = arith.constant 0 : i32
      %dma_wait3A_129 = tpu.memref_slice %arg3[%add3A, %dma_wait3A_127, %dma_wait3A_128] : memref<32x80x128xi32, #tpu.memory_space<hbm>> -> memref<1x40x128xi32, #tpu.memory_space<hbm>>
      %dma_wait3A_130 = tpu.memref_squeeze %dma_wait3A_129 : memref<1x40x128xi32, #tpu.memory_space<hbm>> -> memref<40x128xi32, #tpu.memory_space<hbm>>
      tpu.wait_dma2 semaphore(%run_scoped3A : memref<!tpu.dma_semaphore, #tpu.memory_space<semaphore_mem>>) src(%dma_wait3A_130 : memref<40x128xi32, #tpu.memory_space<hbm>>) dst(%arg8 : memref<40x128xi32, #tpu.memory_space<vmem>>)
      tpu.yield
    }) : () -> ()
    "tpu.region"() ({
      %run_scoped3A = tpu.sem_alloc : memref<!tpu.dma_semaphore, #tpu.memory_space<semaphore_mem>>
      %dma_start3A_116 = arith.constant 0 : i32
      %dma_start3A_117 = arith.constant 0 : i32
      %dma_start3A_118 = tpu.memref_slice %arg4[%add3A, %dma_start3A_116, %dma_start3A_117] : memref<32x80x128xi32, #tpu.memory_space<hbm>> -> memref<1x40x128xi32, #tpu.memory_space<hbm>>
      %dma_start3A_119 = tpu.memref_squeeze %dma_start3A_118 : memref<1x40x128xi32, #tpu.memory_space<hbm>> -> memref<40x128xi32, #tpu.memory_space<hbm>>
      %dma_start3A_120 = arith.constant 0 : i32
      %dma_start3A_121 = arith.constant 0 : i32
      %dma_start3A_122 = tpu.memref_slice %arg4[%add3A, %dma_start3A_120, %dma_start3A_121] : memref<32x80x128xi32, #tpu.memory_space<hbm>> -> memref<1x40x128xi32, #tpu.memory_space<hbm>>
      %dma_start3A_123 = tpu.memref_squeeze %dma_start3A_122 : memref<1x40x128xi32, #tpu.memory_space<hbm>> -> memref<40x128xi32, #tpu.memory_space<hbm>>
      tpu.enqueue_dma source(%dma_start3A_123 : memref<40x128xi32, #tpu.memory_space<hbm>>) target(%arg9 : memref<40x128xi32, #tpu.memory_space<vmem>>) target_semaphore(%run_scoped3A : memref<!tpu.dma_semaphore, #tpu.memory_space<semaphore_mem>>)
      %dma_wait3A = arith.constant 0 : i32
      %dma_wait3A_124 = arith.constant 0 : i32
      %dma_wait3A_125 = tpu.memref_slice %arg4[%add3A, %dma_wait3A, %dma_wait3A_124] : memref<32x80x128xi32, #tpu.memory_space<hbm>> -> memref<1x40x128xi32, #tpu.memory_space<hbm>>
      %dma_wait3A_126 = tpu.memref_squeeze %dma_wait3A_125 : memref<1x40x128xi32, #tpu.memory_space<hbm>> -> memref<40x128xi32, #tpu.memory_space<hbm>>
      %dma_wait3A_127 = arith.constant 0 : i32
      %dma_wait3A_128 = arith.constant 0 : i32
      %dma_wait3A_129 = tpu.memref_slice %arg4[%add3A, %dma_wait3A_127, %dma_wait3A_128] : memref<32x80x128xi32, #tpu.memory_space<hbm>> -> memref<1x40x128xi32, #tpu.memory_space<hbm>>
      %dma_wait3A_130 = tpu.memref_squeeze %dma_wait3A_129 : memref<1x40x128xi32, #tpu.memory_space<hbm>> -> memref<40x128xi32, #tpu.memory_space<hbm>>
      tpu.wait_dma2 semaphore(%run_scoped3A : memref<!tpu.dma_semaphore, #tpu.memory_space<semaphore_mem>>) src(%dma_wait3A_130 : memref<40x128xi32, #tpu.memory_space<hbm>>) dst(%arg9 : memref<40x128xi32, #tpu.memory_space<vmem>>)
      tpu.yield
    }) : () -> ()
    %dma_start3A_66 = arith.constant 0 : i32
    %dma_start3A_67 = arith.constant 0 : i32
    %dma_start3A_68 = tpu.memref_slice %arg8[%dma_start3A_66, %dma_start3A_67] : memref<40x128xi32, #tpu.memory_space<vmem>> -> memref<1x128xi32, #tpu.memory_space<vmem>>
    %dma_start3A_69 = tpu.memref_squeeze %dma_start3A_68 : memref<1x128xi32, #tpu.memory_space<vmem>> -> memref<128xi32, #tpu.memory_space<vmem>>
    %dma_start3A_70 = arith.constant 0 : i32
    %dma_start3A_71 = arith.constant 0 : i32
    %dma_start3A_72 = tpu.memref_slice %arg6[%dma_start3A_70, %dma_start3A_71] : memref<10240x64xf32, #tpu.memory_space<vmem_shared>> -> memref<10240x64xf32, #tpu.memory_space<vmem_shared>>
    tpu.enqueue_indirect_dma source(%dma_start3A_72 : memref<10240x64xf32, #tpu.memory_space<vmem_shared>>) target(%arg10 : memref<128x64xf32, #tpu.memory_space<vmem>>) offsets(%dma_start3A_69 : memref<128xi32, #tpu.memory_space<vmem>>) semaphore(%arg12 : memref<!tpu.dma_semaphore, #tpu.memory_space<semaphore_mem>>)
    %dma_start3A_73 = arith.constant 1 : i32
    %dma_start3A_74 = arith.constant 0 : i32
    %dma_start3A_75 = tpu.memref_slice %arg8[%dma_start3A_73, %dma_start3A_74] : memref<40x128xi32, #tpu.memory_space<vmem>> -> memref<1x128xi32, #tpu.memory_space<vmem>>
    %dma_start3A_76 = tpu.memref_squeeze %dma_start3A_75 : memref<1x128xi32, #tpu.memory_space<vmem>> -> memref<128xi32, #tpu.memory_space<vmem>>
    %dma_start3A_77 = arith.constant 0 : i32
    %dma_start3A_78 = arith.constant 0 : i32
    %dma_start3A_79 = tpu.memref_slice %arg6[%dma_start3A_77, %dma_start3A_78] : memref<10240x64xf32, #tpu.memory_space<vmem_shared>> -> memref<10240x64xf32, #tpu.memory_space<vmem_shared>>
    tpu.enqueue_indirect_dma source(%dma_start3A_79 : memref<10240x64xf32, #tpu.memory_space<vmem_shared>>) target(%arg11 : memref<128x64xf32, #tpu.memory_space<vmem>>) offsets(%dma_start3A_76 : memref<128xi32, #tpu.memory_space<vmem>>) semaphore(%arg13 : memref<!tpu.dma_semaphore, #tpu.memory_space<semaphore_mem>>)
    %scan3A_80 = arith.constant 0 : i32
    %scan3A_81 = arith.constant 0 : i32
    %scan3A_82 = arith.constant 20 : i32
    %scan3A_83 = arith.addi %scan3A_81, %scan3A_82 : i32
    %scan3A_84 = arith.constant 1 : i32
    %scan3A_85 = scf.for %scan3A_116 = %scan3A_81 to %scan3A_83 step %scan3A_84 iter_args(%scan3A_117 = %scan3A_80) -> (i32)  : i32 {
      %mul3A_118 = arith.constant 2 : i32
      %mul3A_119 = arith.muli %scan3A_116, %mul3A_118 : i32
      %add3A_120 = arith.constant 0 : i32
      %add3A_121 = arith.addi %mul3A_119, %add3A_120 : i32
      %dma_wait3A = arith.constant 0 : i32
      %dma_wait3A_122 = tpu.memref_slice %arg8[%add3A_121, %dma_wait3A] : memref<40x128xi32, #tpu.memory_space<vmem>> -> memref<1x128xi32, #tpu.memory_space<vmem>>
      %dma_wait3A_123 = tpu.memref_squeeze %dma_wait3A_122 : memref<1x128xi32, #tpu.memory_space<vmem>> -> memref<128xi32, #tpu.memory_space<vmem>>
      %dma_wait3A_124 = arith.constant 0 : i32
      %dma_wait3A_125 = arith.constant 0 : i32
      %dma_wait3A_126 = tpu.memref_slice %arg6[%dma_wait3A_124, %dma_wait3A_125] : memref<10240x64xf32, #tpu.memory_space<vmem_shared>> -> memref<10240x64xf32, #tpu.memory_space<vmem_shared>>
      tpu.wait_indirect_dma semaphore(%arg12 : memref<!tpu.dma_semaphore, #tpu.memory_space<semaphore_mem>>) src(%dma_wait3A_126 : memref<10240x64xf32, #tpu.memory_space<vmem_shared>>) dst(%arg10 : memref<128x64xf32, #tpu.memory_space<vmem>>)
      "tpu.region"() ({
        %run_scoped3A = tpu.sem_alloc : memref<!tpu.dma_semaphore, #tpu.memory_space<semaphore_mem>>
        %dma_start3A_149 = arith.constant 0 : i32
        %dma_start3A_150 = tpu.memref_slice %arg9[%add3A_121, %dma_start3A_149] : memref<40x128xi32, #tpu.memory_space<vmem>> -> memref<1x128xi32, #tpu.memory_space<vmem>>
        %dma_start3A_151 = tpu.memref_squeeze %dma_start3A_150 : memref<1x128xi32, #tpu.memory_space<vmem>> -> memref<128xi32, #tpu.memory_space<vmem>>
        %dma_start3A_152 = arith.constant 0 : i32
        %dma_start3A_153 = arith.constant 0 : i32
        %dma_start3A_154 = tpu.memref_slice %arg7[%dma_start3A_152, %dma_start3A_153] : memref<10240x64xf32, #tpu.memory_space<vmem_shared>> -> memref<10240x64xf32, #tpu.memory_space<vmem_shared>>
        tpu.enqueue_indirect_dma source(%arg10 : memref<128x64xf32, #tpu.memory_space<vmem>>) target(%dma_start3A_154 : memref<10240x64xf32, #tpu.memory_space<vmem_shared>>) offsets(%dma_start3A_151 : memref<128xi32, #tpu.memory_space<vmem>>) semaphore(%run_scoped3A : memref<!tpu.dma_semaphore, #tpu.memory_space<semaphore_mem>>) {add = true}
        %dma_wait3A_155 = arith.constant 0 : i32
        %dma_wait3A_156 = tpu.memref_slice %arg9[%add3A_121, %dma_wait3A_155] : memref<40x128xi32, #tpu.memory_space<vmem>> -> memref<1x128xi32, #tpu.memory_space<vmem>>
        %dma_wait3A_157 = tpu.memref_squeeze %dma_wait3A_156 : memref<1x128xi32, #tpu.memory_space<vmem>> -> memref<128xi32, #tpu.memory_space<vmem>>
        %dma_wait3A_158 = arith.constant 0 : i32
        %dma_wait3A_159 = arith.constant 0 : i32
        %dma_wait3A_160 = tpu.memref_slice %arg7[%dma_wait3A_158, %dma_wait3A_159] : memref<10240x64xf32, #tpu.memory_space<vmem_shared>> -> memref<10240x64xf32, #tpu.memory_space<vmem_shared>>
        tpu.wait_indirect_dma semaphore(%run_scoped3A : memref<!tpu.dma_semaphore, #tpu.memory_space<semaphore_mem>>) src(%arg10 : memref<128x64xf32, #tpu.memory_space<vmem>>) dst(%dma_wait3A_160 : memref<10240x64xf32, #tpu.memory_space<vmem_shared>>)
        tpu.yield
      }) : () -> ()
      %add3A_127 = arith.constant 2 : i32
      %add3A_128 = arith.addi %add3A_121, %add3A_127 : i32
      %lt3A = arith.constant 40 : i32
      %lt3A_129 = arith.cmpi slt, %add3A_128, %lt3A : i32
      %convert_element_type3A = arith.extui %lt3A_129 : i1 to i32
      %cond3A = arith.constant 0 : i32
      %cond3A_130 = arith.cmpi ne, %convert_element_type3A, %cond3A : i32
      scf.if %cond3A_130 {
        %dma_start3A_149 = arith.constant 0 : i32
        %dma_start3A_150 = tpu.memref_slice %arg8[%add3A_128, %dma_start3A_149] : memref<40x128xi32, #tpu.memory_space<vmem>> -> memref<1x128xi32, #tpu.memory_space<vmem>>
        %dma_start3A_151 = tpu.memref_squeeze %dma_start3A_150 : memref<1x128xi32, #tpu.memory_space<vmem>> -> memref<128xi32, #tpu.memory_space<vmem>>
        %dma_start3A_152 = arith.constant 0 : i32
        %dma_start3A_153 = arith.constant 0 : i32
        %dma_start3A_154 = tpu.memref_slice %arg6[%dma_start3A_152, %dma_start3A_153] : memref<10240x64xf32, #tpu.memory_space<vmem_shared>> -> memref<10240x64xf32, #tpu.memory_space<vmem_shared>>
        tpu.enqueue_indirect_dma source(%dma_start3A_154 : memref<10240x64xf32, #tpu.memory_space<vmem_shared>>) target(%arg10 : memref<128x64xf32, #tpu.memory_space<vmem>>) offsets(%dma_start3A_151 : memref<128xi32, #tpu.memory_space<vmem>>) semaphore(%arg12 : memref<!tpu.dma_semaphore, #tpu.memory_space<semaphore_mem>>)
      } else {
      }
      %mul3A_131 = arith.constant 2 : i32
      %mul3A_132 = arith.muli %scan3A_116, %mul3A_131 : i32
      %add3A_133 = arith.constant 1 : i32
      %add3A_134 = arith.addi %mul3A_132, %add3A_133 : i32
      %dma_wait3A_135 = arith.constant 0 : i32
      %dma_wait3A_136 = tpu.memref_slice %arg8[%add3A_134, %dma_wait3A_135] : memref<40x128xi32, #tpu.memory_space<vmem>> -> memref<1x128xi32, #tpu.memory_space<vmem>>
      %dma_wait3A_137 = tpu.memref_squeeze %dma_wait3A_136 : memref<1x128xi32, #tpu.memory_space<vmem>> -> memref<128xi32, #tpu.memory_space<vmem>>
      %dma_wait3A_138 = arith.constant 0 : i32
      %dma_wait3A_139 = arith.constant 0 : i32
      %dma_wait3A_140 = tpu.memref_slice %arg6[%dma_wait3A_138, %dma_wait3A_139] : memref<10240x64xf32, #tpu.memory_space<vmem_shared>> -> memref<10240x64xf32, #tpu.memory_space<vmem_shared>>
      tpu.wait_indirect_dma semaphore(%arg13 : memref<!tpu.dma_semaphore, #tpu.memory_space<semaphore_mem>>) src(%dma_wait3A_140 : memref<10240x64xf32, #tpu.memory_space<vmem_shared>>) dst(%arg11 : memref<128x64xf32, #tpu.memory_space<vmem>>)
      "tpu.region"() ({
        %run_scoped3A = tpu.sem_alloc : memref<!tpu.dma_semaphore, #tpu.memory_space<semaphore_mem>>
        %dma_start3A_149 = arith.constant 0 : i32
        %dma_start3A_150 = tpu.memref_slice %arg9[%add3A_134, %dma_start3A_149] : memref<40x128xi32, #tpu.memory_space<vmem>> -> memref<1x128xi32, #tpu.memory_space<vmem>>
        %dma_start3A_151 = tpu.memref_squeeze %dma_start3A_150 : memref<1x128xi32, #tpu.memory_space<vmem>> -> memref<128xi32, #tpu.memory_space<vmem>>
        %dma_start3A_152 = arith.constant 0 : i32
        %dma_start3A_153 = arith.constant 0 : i32
        %dma_start3A_154 = tpu.memref_slice %arg7[%dma_start3A_152, %dma_start3A_153] : memref<10240x64xf32, #tpu.memory_space<vmem_shared>> -> memref<10240x64xf32, #tpu.memory_space<vmem_shared>>
        tpu.enqueue_indirect_dma source(%arg11 : memref<128x64xf32, #tpu.memory_space<vmem>>) target(%dma_start3A_154 : memref<10240x64xf32, #tpu.memory_space<vmem_shared>>) offsets(%dma_start3A_151 : memref<128xi32, #tpu.memory_space<vmem>>) semaphore(%run_scoped3A : memref<!tpu.dma_semaphore, #tpu.memory_space<semaphore_mem>>) {add = true}
        %dma_wait3A_155 = arith.constant 0 : i32
        %dma_wait3A_156 = tpu.memref_slice %arg9[%add3A_134, %dma_wait3A_155] : memref<40x128xi32, #tpu.memory_space<vmem>> -> memref<1x128xi32, #tpu.memory_space<vmem>>
        %dma_wait3A_157 = tpu.memref_squeeze %dma_wait3A_156 : memref<1x128xi32, #tpu.memory_space<vmem>> -> memref<128xi32, #tpu.memory_space<vmem>>
        %dma_wait3A_158 = arith.constant 0 : i32
        %dma_wait3A_159 = arith.constant 0 : i32
        %dma_wait3A_160 = tpu.memref_slice %arg7[%dma_wait3A_158, %dma_wait3A_159] : memref<10240x64xf32, #tpu.memory_space<vmem_shared>> -> memref<10240x64xf32, #tpu.memory_space<vmem_shared>>
        tpu.wait_indirect_dma semaphore(%run_scoped3A : memref<!tpu.dma_semaphore, #tpu.memory_space<semaphore_mem>>) src(%arg11 : memref<128x64xf32, #tpu.memory_space<vmem>>) dst(%dma_wait3A_160 : memref<10240x64xf32, #tpu.memory_space<vmem_shared>>)
        tpu.yield
      }) : () -> ()
      %add3A_141 = arith.constant 2 : i32
      %add3A_142 = arith.addi %add3A_134, %add3A_141 : i32
      %lt3A_143 = arith.constant 40 : i32
      %lt3A_144 = arith.cmpi slt, %add3A_142, %lt3A_143 : i32
      %convert_element_type3A_145 = arith.extui %lt3A_144 : i1 to i32
      %cond3A_146 = arith.constant 0 : i32
      %cond3A_147 = arith.cmpi ne, %convert_element_type3A_145, %cond3A_146 : i32
      scf.if %cond3A_147 {
        %dma_start3A_149 = arith.constant 0 : i32
        %dma_start3A_150 = tpu.memref_slice %arg8[%add3A_142, %dma_start3A_149] : memref<40x128xi32, #tpu.memory_space<vmem>> -> memref<1x128xi32, #tpu.memory_space<vmem>>
        %dma_start3A_151 = tpu.memref_squeeze %dma_start3A_150 : memref<1x128xi32, #tpu.memory_space<vmem>> -> memref<128xi32, #tpu.memory_space<vmem>>
        %dma_start3A_152 = arith.constant 0 : i32
        %dma_start3A_153 = arith.constant 0 : i32
        %dma_start3A_154 = tpu.memref_slice %arg6[%dma_start3A_152, %dma_start3A_153] : memref<10240x64xf32, #tpu.memory_space<vmem_shared>> -> memref<10240x64xf32, #tpu.memory_space<vmem_shared>>
        tpu.enqueue_indirect_dma source(%dma_start3A_154 : memref<10240x64xf32, #tpu.memory_space<vmem_shared>>) target(%arg11 : memref<128x64xf32, #tpu.memory_space<vmem>>) offsets(%dma_start3A_151 : memref<128xi32, #tpu.memory_space<vmem>>) semaphore(%arg13 : memref<!tpu.dma_semaphore, #tpu.memory_space<semaphore_mem>>)
      } else {
      }
      %scan3A_148 = arith.constant 0 : i32
      scf.yield %scan3A_148 : i32
    }
    %scan3A_86 = arith.constant 20 : i32
    "tpu.region"() ({
      %run_scoped3A = tpu.sem_alloc : memref<!tpu.dma_semaphore, #tpu.memory_space<semaphore_mem>>
      %dma_start3A_116 = arith.constant 40 : i32
      %dma_start3A_117 = arith.constant 0 : i32
      %dma_start3A_118 = tpu.memref_slice %arg3[%add3A, %dma_start3A_116, %dma_start3A_117] : memref<32x80x128xi32, #tpu.memory_space<hbm>> -> memref<1x40x128xi32, #tpu.memory_space<hbm>>
      %dma_start3A_119 = tpu.memref_squeeze %dma_start3A_118 : memref<1x40x128xi32, #tpu.memory_space<hbm>> -> memref<40x128xi32, #tpu.memory_space<hbm>>
      %dma_start3A_120 = arith.constant 40 : i32
      %dma_start3A_121 = arith.constant 0 : i32
      %dma_start3A_122 = tpu.memref_slice %arg3[%add3A, %dma_start3A_120, %dma_start3A_121] : memref<32x80x128xi32, #tpu.memory_space<hbm>> -> memref<1x40x128xi32, #tpu.memory_space<hbm>>
      %dma_start3A_123 = tpu.memref_squeeze %dma_start3A_122 : memref<1x40x128xi32, #tpu.memory_space<hbm>> -> memref<40x128xi32, #tpu.memory_space<hbm>>
      tpu.enqueue_dma source(%dma_start3A_123 : memref<40x128xi32, #tpu.memory_space<hbm>>) target(%arg8 : memref<40x128xi32, #tpu.memory_space<vmem>>) target_semaphore(%run_scoped3A : memref<!tpu.dma_semaphore, #tpu.memory_space<semaphore_mem>>)
      %dma_wait3A = arith.constant 40 : i32
      %dma_wait3A_124 = arith.constant 0 : i32
      %dma_wait3A_125 = tpu.memref_slice %arg3[%add3A, %dma_wait3A, %dma_wait3A_124] : memref<32x80x128xi32, #tpu.memory_space<hbm>> -> memref<1x40x128xi32, #tpu.memory_space<hbm>>
      %dma_wait3A_126 = tpu.memref_squeeze %dma_wait3A_125 : memref<1x40x128xi32, #tpu.memory_space<hbm>> -> memref<40x128xi32, #tpu.memory_space<hbm>>
      %dma_wait3A_127 = arith.constant 40 : i32
      %dma_wait3A_128 = arith.constant 0 : i32
      %dma_wait3A_129 = tpu.memref_slice %arg3[%add3A, %dma_wait3A_127, %dma_wait3A_128] : memref<32x80x128xi32, #tpu.memory_space<hbm>> -> memref<1x40x128xi32, #tpu.memory_space<hbm>>
      %dma_wait3A_130 = tpu.memref_squeeze %dma_wait3A_129 : memref<1x40x128xi32, #tpu.memory_space<hbm>> -> memref<40x128xi32, #tpu.memory_space<hbm>>
      tpu.wait_dma2 semaphore(%run_scoped3A : memref<!tpu.dma_semaphore, #tpu.memory_space<semaphore_mem>>) src(%dma_wait3A_130 : memref<40x128xi32, #tpu.memory_space<hbm>>) dst(%arg8 : memref<40x128xi32, #tpu.memory_space<vmem>>)
      tpu.yield
    }) : () -> ()
    "tpu.region"() ({
      %run_scoped3A = tpu.sem_alloc : memref<!tpu.dma_semaphore, #tpu.memory_space<semaphore_mem>>
      %dma_start3A_116 = arith.constant 40 : i32
      %dma_start3A_117 = arith.constant 0 : i32
      %dma_start3A_118 = tpu.memref_slice %arg4[%add3A, %dma_start3A_116, %dma_start3A_117] : memref<32x80x128xi32, #tpu.memory_space<hbm>> -> memref<1x40x128xi32, #tpu.memory_space<hbm>>
      %dma_start3A_119 = tpu.memref_squeeze %dma_start3A_118 : memref<1x40x128xi32, #tpu.memory_space<hbm>> -> memref<40x128xi32, #tpu.memory_space<hbm>>
      %dma_start3A_120 = arith.constant 40 : i32
      %dma_start3A_121 = arith.constant 0 : i32
      %dma_start3A_122 = tpu.memref_slice %arg4[%add3A, %dma_start3A_120, %dma_start3A_121] : memref<32x80x128xi32, #tpu.memory_space<hbm>> -> memref<1x40x128xi32, #tpu.memory_space<hbm>>
      %dma_start3A_123 = tpu.memref_squeeze %dma_start3A_122 : memref<1x40x128xi32, #tpu.memory_space<hbm>> -> memref<40x128xi32, #tpu.memory_space<hbm>>
      tpu.enqueue_dma source(%dma_start3A_123 : memref<40x128xi32, #tpu.memory_space<hbm>>) target(%arg9 : memref<40x128xi32, #tpu.memory_space<vmem>>) target_semaphore(%run_scoped3A : memref<!tpu.dma_semaphore, #tpu.memory_space<semaphore_mem>>)
      %dma_wait3A = arith.constant 40 : i32
      %dma_wait3A_124 = arith.constant 0 : i32
      %dma_wait3A_125 = tpu.memref_slice %arg4[%add3A, %dma_wait3A, %dma_wait3A_124] : memref<32x80x128xi32, #tpu.memory_space<hbm>> -> memref<1x40x128xi32, #tpu.memory_space<hbm>>
      %dma_wait3A_126 = tpu.memref_squeeze %dma_wait3A_125 : memref<1x40x128xi32, #tpu.memory_space<hbm>> -> memref<40x128xi32, #tpu.memory_space<hbm>>
      %dma_wait3A_127 = arith.constant 40 : i32
      %dma_wait3A_128 = arith.constant 0 : i32
      %dma_wait3A_129 = tpu.memref_slice %arg4[%add3A, %dma_wait3A_127, %dma_wait3A_128] : memref<32x80x128xi32, #tpu.memory_space<hbm>> -> memref<1x40x128xi32, #tpu.memory_space<hbm>>
      %dma_wait3A_130 = tpu.memref_squeeze %dma_wait3A_129 : memref<1x40x128xi32, #tpu.memory_space<hbm>> -> memref<40x128xi32, #tpu.memory_space<hbm>>
      tpu.wait_dma2 semaphore(%run_scoped3A : memref<!tpu.dma_semaphore, #tpu.memory_space<semaphore_mem>>) src(%dma_wait3A_130 : memref<40x128xi32, #tpu.memory_space<hbm>>) dst(%arg9 : memref<40x128xi32, #tpu.memory_space<vmem>>)
      tpu.yield
    }) : () -> ()
    %dma_start3A_87 = arith.constant 0 : i32
    %dma_start3A_88 = arith.constant 0 : i32
    %dma_start3A_89 = tpu.memref_slice %arg8[%dma_start3A_87, %dma_start3A_88] : memref<40x128xi32, #tpu.memory_space<vmem>> -> memref<1x128xi32, #tpu.memory_space<vmem>>
    %dma_start3A_90 = tpu.memref_squeeze %dma_start3A_89 : memref<1x128xi32, #tpu.memory_space<vmem>> -> memref<128xi32, #tpu.memory_space<vmem>>
    %dma_start3A_91 = arith.constant 0 : i32
    %dma_start3A_92 = arith.constant 0 : i32
    %dma_start3A_93 = tpu.memref_slice %arg6[%dma_start3A_91, %dma_start3A_92] : memref<10240x64xf32, #tpu.memory_space<vmem_shared>> -> memref<10240x64xf32, #tpu.memory_space<vmem_shared>>
    tpu.enqueue_indirect_dma source(%dma_start3A_93 : memref<10240x64xf32, #tpu.memory_space<vmem_shared>>) target(%arg10 : memref<128x64xf32, #tpu.memory_space<vmem>>) offsets(%dma_start3A_90 : memref<128xi32, #tpu.memory_space<vmem>>) semaphore(%arg12 : memref<!tpu.dma_semaphore, #tpu.memory_space<semaphore_mem>>)
    %dma_start3A_94 = arith.constant 1 : i32
    %dma_start3A_95 = arith.constant 0 : i32
    %dma_start3A_96 = tpu.memref_slice %arg8[%dma_start3A_94, %dma_start3A_95] : memref<40x128xi32, #tpu.memory_space<vmem>> -> memref<1x128xi32, #tpu.memory_space<vmem>>
    %dma_start3A_97 = tpu.memref_squeeze %dma_start3A_96 : memref<1x128xi32, #tpu.memory_space<vmem>> -> memref<128xi32, #tpu.memory_space<vmem>>
    %dma_start3A_98 = arith.constant 0 : i32
    %dma_start3A_99 = arith.constant 0 : i32
    %dma_start3A_100 = tpu.memref_slice %arg6[%dma_start3A_98, %dma_start3A_99] : memref<10240x64xf32, #tpu.memory_space<vmem_shared>> -> memref<10240x64xf32, #tpu.memory_space<vmem_shared>>
    tpu.enqueue_indirect_dma source(%dma_start3A_100 : memref<10240x64xf32, #tpu.memory_space<vmem_shared>>) target(%arg11 : memref<128x64xf32, #tpu.memory_space<vmem>>) offsets(%dma_start3A_97 : memref<128xi32, #tpu.memory_space<vmem>>) semaphore(%arg13 : memref<!tpu.dma_semaphore, #tpu.memory_space<semaphore_mem>>)
    %scan3A_101 = arith.constant 0 : i32
    %scan3A_102 = arith.constant 0 : i32
    %scan3A_103 = arith.constant 20 : i32
    %scan3A_104 = arith.addi %scan3A_102, %scan3A_103 : i32
    %scan3A_105 = arith.constant 1 : i32
    %scan3A_106 = scf.for %scan3A_116 = %scan3A_102 to %scan3A_104 step %scan3A_105 iter_args(%scan3A_117 = %scan3A_101) -> (i32)  : i32 {
      %mul3A_118 = arith.constant 2 : i32
      %mul3A_119 = arith.muli %scan3A_116, %mul3A_118 : i32
      %add3A_120 = arith.constant 0 : i32
      %add3A_121 = arith.addi %mul3A_119, %add3A_120 : i32
      %dma_wait3A = arith.constant 0 : i32
      %dma_wait3A_122 = tpu.memref_slice %arg8[%add3A_121, %dma_wait3A] : memref<40x128xi32, #tpu.memory_space<vmem>> -> memref<1x128xi32, #tpu.memory_space<vmem>>
      %dma_wait3A_123 = tpu.memref_squeeze %dma_wait3A_122 : memref<1x128xi32, #tpu.memory_space<vmem>> -> memref<128xi32, #tpu.memory_space<vmem>>
      %dma_wait3A_124 = arith.constant 0 : i32
      %dma_wait3A_125 = arith.constant 0 : i32
      %dma_wait3A_126 = tpu.memref_slice %arg6[%dma_wait3A_124, %dma_wait3A_125] : memref<10240x64xf32, #tpu.memory_space<vmem_shared>> -> memref<10240x64xf32, #tpu.memory_space<vmem_shared>>
      tpu.wait_indirect_dma semaphore(%arg12 : memref<!tpu.dma_semaphore, #tpu.memory_space<semaphore_mem>>) src(%dma_wait3A_126 : memref<10240x64xf32, #tpu.memory_space<vmem_shared>>) dst(%arg10 : memref<128x64xf32, #tpu.memory_space<vmem>>)
      "tpu.region"() ({
        %run_scoped3A = tpu.sem_alloc : memref<!tpu.dma_semaphore, #tpu.memory_space<semaphore_mem>>
        %dma_start3A_149 = arith.constant 0 : i32
        %dma_start3A_150 = tpu.memref_slice %arg9[%add3A_121, %dma_start3A_149] : memref<40x128xi32, #tpu.memory_space<vmem>> -> memref<1x128xi32, #tpu.memory_space<vmem>>
        %dma_start3A_151 = tpu.memref_squeeze %dma_start3A_150 : memref<1x128xi32, #tpu.memory_space<vmem>> -> memref<128xi32, #tpu.memory_space<vmem>>
        %dma_start3A_152 = arith.constant 0 : i32
        %dma_start3A_153 = arith.constant 0 : i32
        %dma_start3A_154 = tpu.memref_slice %arg7[%dma_start3A_152, %dma_start3A_153] : memref<10240x64xf32, #tpu.memory_space<vmem_shared>> -> memref<10240x64xf32, #tpu.memory_space<vmem_shared>>
        tpu.enqueue_indirect_dma source(%arg10 : memref<128x64xf32, #tpu.memory_space<vmem>>) target(%dma_start3A_154 : memref<10240x64xf32, #tpu.memory_space<vmem_shared>>) offsets(%dma_start3A_151 : memref<128xi32, #tpu.memory_space<vmem>>) semaphore(%run_scoped3A : memref<!tpu.dma_semaphore, #tpu.memory_space<semaphore_mem>>) {add = true}
        %dma_wait3A_155 = arith.constant 0 : i32
        %dma_wait3A_156 = tpu.memref_slice %arg9[%add3A_121, %dma_wait3A_155] : memref<40x128xi32, #tpu.memory_space<vmem>> -> memref<1x128xi32, #tpu.memory_space<vmem>>
        %dma_wait3A_157 = tpu.memref_squeeze %dma_wait3A_156 : memref<1x128xi32, #tpu.memory_space<vmem>> -> memref<128xi32, #tpu.memory_space<vmem>>
        %dma_wait3A_158 = arith.constant 0 : i32
        %dma_wait3A_159 = arith.constant 0 : i32
        %dma_wait3A_160 = tpu.memref_slice %arg7[%dma_wait3A_158, %dma_wait3A_159] : memref<10240x64xf32, #tpu.memory_space<vmem_shared>> -> memref<10240x64xf32, #tpu.memory_space<vmem_shared>>
        tpu.wait_indirect_dma semaphore(%run_scoped3A : memref<!tpu.dma_semaphore, #tpu.memory_space<semaphore_mem>>) src(%arg10 : memref<128x64xf32, #tpu.memory_space<vmem>>) dst(%dma_wait3A_160 : memref<10240x64xf32, #tpu.memory_space<vmem_shared>>)
        tpu.yield
      }) : () -> ()
      %add3A_127 = arith.constant 2 : i32
      %add3A_128 = arith.addi %add3A_121, %add3A_127 : i32
      %lt3A = arith.constant 40 : i32
      %lt3A_129 = arith.cmpi slt, %add3A_128, %lt3A : i32
      %convert_element_type3A = arith.extui %lt3A_129 : i1 to i32
      %cond3A = arith.constant 0 : i32
      %cond3A_130 = arith.cmpi ne, %convert_element_type3A, %cond3A : i32
      scf.if %cond3A_130 {
        %dma_start3A_149 = arith.constant 0 : i32
        %dma_start3A_150 = tpu.memref_slice %arg8[%add3A_128, %dma_start3A_149] : memref<40x128xi32, #tpu.memory_space<vmem>> -> memref<1x128xi32, #tpu.memory_space<vmem>>
        %dma_start3A_151 = tpu.memref_squeeze %dma_start3A_150 : memref<1x128xi32, #tpu.memory_space<vmem>> -> memref<128xi32, #tpu.memory_space<vmem>>
        %dma_start3A_152 = arith.constant 0 : i32
        %dma_start3A_153 = arith.constant 0 : i32
        %dma_start3A_154 = tpu.memref_slice %arg6[%dma_start3A_152, %dma_start3A_153] : memref<10240x64xf32, #tpu.memory_space<vmem_shared>> -> memref<10240x64xf32, #tpu.memory_space<vmem_shared>>
        tpu.enqueue_indirect_dma source(%dma_start3A_154 : memref<10240x64xf32, #tpu.memory_space<vmem_shared>>) target(%arg10 : memref<128x64xf32, #tpu.memory_space<vmem>>) offsets(%dma_start3A_151 : memref<128xi32, #tpu.memory_space<vmem>>) semaphore(%arg12 : memref<!tpu.dma_semaphore, #tpu.memory_space<semaphore_mem>>)
      } else {
      }
      %mul3A_131 = arith.constant 2 : i32
      %mul3A_132 = arith.muli %scan3A_116, %mul3A_131 : i32
      %add3A_133 = arith.constant 1 : i32
      %add3A_134 = arith.addi %mul3A_132, %add3A_133 : i32
      %dma_wait3A_135 = arith.constant 0 : i32
      %dma_wait3A_136 = tpu.memref_slice %arg8[%add3A_134, %dma_wait3A_135] : memref<40x128xi32, #tpu.memory_space<vmem>> -> memref<1x128xi32, #tpu.memory_space<vmem>>
      %dma_wait3A_137 = tpu.memref_squeeze %dma_wait3A_136 : memref<1x128xi32, #tpu.memory_space<vmem>> -> memref<128xi32, #tpu.memory_space<vmem>>
      %dma_wait3A_138 = arith.constant 0 : i32
      %dma_wait3A_139 = arith.constant 0 : i32
      %dma_wait3A_140 = tpu.memref_slice %arg6[%dma_wait3A_138, %dma_wait3A_139] : memref<10240x64xf32, #tpu.memory_space<vmem_shared>> -> memref<10240x64xf32, #tpu.memory_space<vmem_shared>>
      tpu.wait_indirect_dma semaphore(%arg13 : memref<!tpu.dma_semaphore, #tpu.memory_space<semaphore_mem>>) src(%dma_wait3A_140 : memref<10240x64xf32, #tpu.memory_space<vmem_shared>>) dst(%arg11 : memref<128x64xf32, #tpu.memory_space<vmem>>)
      "tpu.region"() ({
        %run_scoped3A = tpu.sem_alloc : memref<!tpu.dma_semaphore, #tpu.memory_space<semaphore_mem>>
        %dma_start3A_149 = arith.constant 0 : i32
        %dma_start3A_150 = tpu.memref_slice %arg9[%add3A_134, %dma_start3A_149] : memref<40x128xi32, #tpu.memory_space<vmem>> -> memref<1x128xi32, #tpu.memory_space<vmem>>
        %dma_start3A_151 = tpu.memref_squeeze %dma_start3A_150 : memref<1x128xi32, #tpu.memory_space<vmem>> -> memref<128xi32, #tpu.memory_space<vmem>>
        %dma_start3A_152 = arith.constant 0 : i32
        %dma_start3A_153 = arith.constant 0 : i32
        %dma_start3A_154 = tpu.memref_slice %arg7[%dma_start3A_152, %dma_start3A_153] : memref<10240x64xf32, #tpu.memory_space<vmem_shared>> -> memref<10240x64xf32, #tpu.memory_space<vmem_shared>>
        tpu.enqueue_indirect_dma source(%arg11 : memref<128x64xf32, #tpu.memory_space<vmem>>) target(%dma_start3A_154 : memref<10240x64xf32, #tpu.memory_space<vmem_shared>>) offsets(%dma_start3A_151 : memref<128xi32, #tpu.memory_space<vmem>>) semaphore(%run_scoped3A : memref<!tpu.dma_semaphore, #tpu.memory_space<semaphore_mem>>) {add = true}
        %dma_wait3A_155 = arith.constant 0 : i32
        %dma_wait3A_156 = tpu.memref_slice %arg9[%add3A_134, %dma_wait3A_155] : memref<40x128xi32, #tpu.memory_space<vmem>> -> memref<1x128xi32, #tpu.memory_space<vmem>>
        %dma_wait3A_157 = tpu.memref_squeeze %dma_wait3A_156 : memref<1x128xi32, #tpu.memory_space<vmem>> -> memref<128xi32, #tpu.memory_space<vmem>>
        %dma_wait3A_158 = arith.constant 0 : i32
        %dma_wait3A_159 = arith.constant 0 : i32
        %dma_wait3A_160 = tpu.memref_slice %arg7[%dma_wait3A_158, %dma_wait3A_159] : memref<10240x64xf32, #tpu.memory_space<vmem_shared>> -> memref<10240x64xf32, #tpu.memory_space<vmem_shared>>
        tpu.wait_indirect_dma semaphore(%run_scoped3A : memref<!tpu.dma_semaphore, #tpu.memory_space<semaphore_mem>>) src(%arg11 : memref<128x64xf32, #tpu.memory_space<vmem>>) dst(%dma_wait3A_160 : memref<10240x64xf32, #tpu.memory_space<vmem_shared>>)
        tpu.yield
      }) : () -> ()
      %add3A_141 = arith.constant 2 : i32
      %add3A_142 = arith.addi %add3A_134, %add3A_141 : i32
      %lt3A_143 = arith.constant 40 : i32
      %lt3A_144 = arith.cmpi slt, %add3A_142, %lt3A_143 : i32
      %convert_element_type3A_145 = arith.extui %lt3A_144 : i1 to i32
      %cond3A_146 = arith.constant 0 : i32
      %cond3A_147 = arith.cmpi ne, %convert_element_type3A_145, %cond3A_146 : i32
      scf.if %cond3A_147 {
        %dma_start3A_149 = arith.constant 0 : i32
        %dma_start3A_150 = tpu.memref_slice %arg8[%add3A_142, %dma_start3A_149] : memref<40x128xi32, #tpu.memory_space<vmem>> -> memref<1x128xi32, #tpu.memory_space<vmem>>
        %dma_start3A_151 = tpu.memref_squeeze %dma_start3A_150 : memref<1x128xi32, #tpu.memory_space<vmem>> -> memref<128xi32, #tpu.memory_space<vmem>>
        %dma_start3A_152 = arith.constant 0 : i32
        %dma_start3A_153 = arith.constant 0 : i32
        %dma_start3A_154 = tpu.memref_slice %arg6[%dma_start3A_152, %dma_start3A_153] : memref<10240x64xf32, #tpu.memory_space<vmem_shared>> -> memref<10240x64xf32, #tpu.memory_space<vmem_shared>>
        tpu.enqueue_indirect_dma source(%dma_start3A_154 : memref<10240x64xf32, #tpu.memory_space<vmem_shared>>) target(%arg11 : memref<128x64xf32, #tpu.memory_space<vmem>>) offsets(%dma_start3A_151 : memref<128xi32, #tpu.memory_space<vmem>>) semaphore(%arg13 : memref<!tpu.dma_semaphore, #tpu.memory_space<semaphore_mem>>)
      } else {
      }
      %scan3A_148 = arith.constant 0 : i32
      scf.yield %scan3A_148 : i32
    }
    %scan3A_107 = arith.constant 20 : i32
    %barrier3A_108 = arith.constant 0 : index
    tpu.barrier barrier_id(%barrier3A_108)
    %scan3A_109 = arith.constant 0 : i32
    %scan3A_110 = arith.constant 0 : i32
    %scan3A_111 = arith.constant 5 : i32
    %scan3A_112 = arith.addi %scan3A_110, %scan3A_111 : i32
    %scan3A_113 = arith.constant 1 : i32
    %scan3A_114 = scf.for %scan3A_116 = %scan3A_110 to %scan3A_112 step %scan3A_113 iter_args(%scan3A_117 = %scan3A_109) -> (i32)  : i32 {
      %mul3A_118 = arith.constant 128 : i32
      %mul3A_119 = arith.muli %scan3A_116, %mul3A_118 : i32
      %add3A_120 = arith.addi %mul3A_2, %mul3A_119 : i32
      "tpu.region"() ({
        %run_scoped3A = tpu.sem_alloc : memref<!tpu.dma_semaphore, #tpu.memory_space<semaphore_mem>>
        %dma_start3A_122 = arith.constant 0 : i32
        %dma_start3A_123 = tpu.memref_slice %arg7[%add3A_120, %dma_start3A_122] : memref<10240x64xf32, #tpu.memory_space<vmem_shared>> -> memref<128x64xf32, #tpu.memory_space<vmem_shared>>
        %dma_start3A_124 = arith.constant 0 : i32
        %dma_start3A_125 = tpu.memref_slice %arg7[%add3A_120, %dma_start3A_124] : memref<10240x64xf32, #tpu.memory_space<vmem_shared>> -> memref<128x64xf32, #tpu.memory_space<vmem_shared>>
        tpu.enqueue_dma source(%dma_start3A_125 : memref<128x64xf32, #tpu.memory_space<vmem_shared>>) target(%arg10 : memref<128x64xf32, #tpu.memory_space<vmem>>) target_semaphore(%run_scoped3A : memref<!tpu.dma_semaphore, #tpu.memory_space<semaphore_mem>>)
        %dma_wait3A = arith.constant 0 : i32
        %dma_wait3A_126 = tpu.memref_slice %arg7[%add3A_120, %dma_wait3A] : memref<10240x64xf32, #tpu.memory_space<vmem_shared>> -> memref<128x64xf32, #tpu.memory_space<vmem_shared>>
        %dma_wait3A_127 = arith.constant 0 : i32
        %dma_wait3A_128 = tpu.memref_slice %arg7[%add3A_120, %dma_wait3A_127] : memref<10240x64xf32, #tpu.memory_space<vmem_shared>> -> memref<128x64xf32, #tpu.memory_space<vmem_shared>>
        tpu.wait_dma2 semaphore(%run_scoped3A : memref<!tpu.dma_semaphore, #tpu.memory_space<semaphore_mem>>) src(%dma_wait3A_128 : memref<128x64xf32, #tpu.memory_space<vmem_shared>>) dst(%arg10 : memref<128x64xf32, #tpu.memory_space<vmem>>)
        tpu.yield
      }) : () -> ()
      "tpu.region"() ({
        %run_scoped3A = tpu.sem_alloc : memref<!tpu.dma_semaphore, #tpu.memory_space<semaphore_mem>>
        %dma_start3A_122 = arith.constant 64 : i32
        %dma_start3A_123 = tpu.memref_slice %arg5[%arg0, %add3A_120, %dma_start3A_122] : memref<2x10240x128xf32, #tpu.memory_space<hbm>> -> memref<1x128x64xf32, #tpu.memory_space<hbm>>
        %dma_start3A_124 = tpu.memref_squeeze %dma_start3A_123 : memref<1x128x64xf32, #tpu.memory_space<hbm>> -> memref<128x64xf32, #tpu.memory_space<hbm>>
        %dma_start3A_125 = arith.constant 64 : i32
        %dma_start3A_126 = tpu.memref_slice %arg5[%arg0, %add3A_120, %dma_start3A_125] : memref<2x10240x128xf32, #tpu.memory_space<hbm>> -> memref<1x128x64xf32, #tpu.memory_space<hbm>>
        %dma_start3A_127 = tpu.memref_squeeze %dma_start3A_126 : memref<1x128x64xf32, #tpu.memory_space<hbm>> -> memref<128x64xf32, #tpu.memory_space<hbm>>
        tpu.enqueue_dma source(%arg10 : memref<128x64xf32, #tpu.memory_space<vmem>>) target(%dma_start3A_127 : memref<128x64xf32, #tpu.memory_space<hbm>>) target_semaphore(%run_scoped3A : memref<!tpu.dma_semaphore, #tpu.memory_space<semaphore_mem>>)
        %dma_wait3A = arith.constant 64 : i32
        %dma_wait3A_128 = tpu.memref_slice %arg5[%arg0, %add3A_120, %dma_wait3A] : memref<2x10240x128xf32, #tpu.memory_space<hbm>> -> memref<1x128x64xf32, #tpu.memory_space<hbm>>
        %dma_wait3A_129 = tpu.memref_squeeze %dma_wait3A_128 : memref<1x128x64xf32, #tpu.memory_space<hbm>> -> memref<128x64xf32, #tpu.memory_space<hbm>>
        %dma_wait3A_130 = arith.constant 64 : i32
        %dma_wait3A_131 = tpu.memref_slice %arg5[%arg0, %add3A_120, %dma_wait3A_130] : memref<2x10240x128xf32, #tpu.memory_space<hbm>> -> memref<1x128x64xf32, #tpu.memory_space<hbm>>
        %dma_wait3A_132 = tpu.memref_squeeze %dma_wait3A_131 : memref<1x128x64xf32, #tpu.memory_space<hbm>> -> memref<128x64xf32, #tpu.memory_space<hbm>>
        tpu.wait_dma2 semaphore(%run_scoped3A : memref<!tpu.dma_semaphore, #tpu.memory_space<semaphore_mem>>) src(%arg10 : memref<128x64xf32, #tpu.memory_space<vmem>>) dst(%dma_wait3A_132 : memref<128x64xf32, #tpu.memory_space<hbm>>)
        tpu.yield
      }) : () -> ()
      %scan3A_121 = arith.constant 0 : i32
      scf.yield %scan3A_121 : i32
    }
    %scan3A_115 = arith.constant 5 : i32
    return
  }
}

#map = affine_map<(d0, d1) -> (0, 0, 0)>
#map1 = affine_map<(d0, d1) -> (0, 0)>
module attributes {stable_mosaic.version = 14 : i64} {
  func.func @deg_k(%arg0: i32, %arg1: i32, %arg2: memref<32x80x128xi32, #tpu.memory_space<hbm>>, %arg3: memref<2x10240xf32, #tpu.memory_space<hbm>>, %arg4: memref<10240xf32, #tpu.memory_space<vmem_shared>>, %arg5: memref<80x128xi32, #tpu.memory_space<vmem>>, %arg6: memref<128xf32, #tpu.memory_space<vmem>>, %arg7: memref<640xf32, #tpu.memory_space<vmem>>) attributes {dimension_semantics = [#tpu.dimension_semantics<core_parallel>, #tpu.dimension_semantics<subcore_parallel>], iteration_bounds = array<i64: 2, 16>, scalar_prefetch = 0 : i64, scratch_operands = 4 : i64, tpu.core_type = #tpu.core_type<sc_vector_subcore>, window_params = [{transform_indices = #map}, {transform_indices = #map1}]} {
    %mul3A = arith.constant 2 : i32
    %mul3A_0 = arith.muli %arg1, %mul3A : i32
    %add3A = arith.addi %mul3A_0, %arg0 : i32
    %scan3A = arith.constant 0 : i32
    %scan3A_1 = arith.constant 0 : i32
    %scan3A_2 = arith.constant 8 : i32
    %scan3A_3 = arith.addi %scan3A_1, %scan3A_2 : i32
    %scan3A_4 = arith.constant 1 : i32
    %scan3A_5 = scf.for %scan3A_28 = %scan3A_1 to %scan3A_3 step %scan3A_4 iter_args(%scan3A_29 = %scan3A) -> (i32)  : i32 {
      %broadcast_in_dim3A = arith.constant 1.000000e+00 : f32
      %broadcast_in_dim3A_30 = vector.broadcast %broadcast_in_dim3A : f32 to vector<16xf32>
      %mul3A_31 = arith.constant 16 : i32
      %mul3A_32 = arith.muli %scan3A_28, %mul3A_31 : i32
      %swap3A = arith.index_cast %mul3A_32 : i32 to index
      %swap3A_33 = tpu.vector_load %arg6[%swap3A] {strides = array<i32>} : memref<128xf32, #tpu.memory_space<vmem>>, vector<16xf32>,
      %swap3A_34 = vector.shape_cast %swap3A_33 : vector<16xf32> to vector<16xf32>
      %swap3A_35 = vector.shape_cast %broadcast_in_dim3A_30 : vector<16xf32> to vector<16xf32>
      tpu.vector_store %arg6[%swap3A], %swap3A_35 {strides = array<i32>} : memref<128xf32, #tpu.memory_space<vmem>>, vector<16xf32>,
      %scan3A_36 = arith.constant 0 : i32
      scf.yield %scan3A_36 : i32
    }
    %scan3A_6 = arith.constant 8 : i32
    %scan3A_7 = arith.constant 0 : i32
    %scan3A_8 = arith.constant 0 : i32
    %scan3A_9 = arith.constant 40 : i32
    %scan3A_10 = arith.addi %scan3A_8, %scan3A_9 : i32
    %scan3A_11 = arith.constant 1 : i32
    %scan3A_12 = scf.for %scan3A_28 = %scan3A_8 to %scan3A_10 step %scan3A_11 iter_args(%scan3A_29 = %scan3A_7) -> (i32)  : i32 {
      %broadcast_in_dim3A = arith.constant 0.000000e+00 : f32
      %broadcast_in_dim3A_30 = vector.broadcast %broadcast_in_dim3A : f32 to vector<16xf32>
      %mul3A_31 = arith.constant 16 : i32
      %mul3A_32 = arith.muli %scan3A_28, %mul3A_31 : i32
      %swap3A = arith.index_cast %mul3A_32 : i32 to index
      %swap3A_33 = tpu.vector_load %arg7[%swap3A] {strides = array<i32>} : memref<640xf32, #tpu.memory_space<vmem>>, vector<16xf32>,
      %swap3A_34 = vector.shape_cast %swap3A_33 : vector<16xf32> to vector<16xf32>
      %swap3A_35 = vector.shape_cast %broadcast_in_dim3A_30 : vector<16xf32> to vector<16xf32>
      tpu.vector_store %arg7[%swap3A], %swap3A_35 {strides = array<i32>} : memref<640xf32, #tpu.memory_space<vmem>>, vector<16xf32>,
      %scan3A_36 = arith.constant 0 : i32
      scf.yield %scan3A_36 : i32
    }
    %scan3A_13 = arith.constant 40 : i32
    "tpu.region"() ({
      %run_scoped3A = tpu.sem_alloc : memref<!tpu.dma_semaphore, #tpu.memory_space<semaphore_mem>>
      %dma_start3A = arith.constant 0 : i32
      %dma_start3A_28 = arith.constant 0 : i32
      %dma_start3A_29 = tpu.memref_slice %arg2[%add3A, %dma_start3A, %dma_start3A_28] : memref<32x80x128xi32, #tpu.memory_space<hbm>> -> memref<1x80x128xi32, #tpu.memory_space<hbm>>
      %dma_start3A_30 = tpu.memref_squeeze %dma_start3A_29 : memref<1x80x128xi32, #tpu.memory_space<hbm>> -> memref<80x128xi32, #tpu.memory_space<hbm>>
      %dma_start3A_31 = arith.constant 0 : i32
      %dma_start3A_32 = arith.constant 0 : i32
      %dma_start3A_33 = tpu.memref_slice %arg2[%add3A, %dma_start3A_31, %dma_start3A_32] : memref<32x80x128xi32, #tpu.memory_space<hbm>> -> memref<1x80x128xi32, #tpu.memory_space<hbm>>
      %dma_start3A_34 = tpu.memref_squeeze %dma_start3A_33 : memref<1x80x128xi32, #tpu.memory_space<hbm>> -> memref<80x128xi32, #tpu.memory_space<hbm>>
      tpu.enqueue_dma source(%dma_start3A_34 : memref<80x128xi32, #tpu.memory_space<hbm>>) target(%arg5 : memref<80x128xi32, #tpu.memory_space<vmem>>) target_semaphore(%run_scoped3A : memref<!tpu.dma_semaphore, #tpu.memory_space<semaphore_mem>>)
      %dma_wait3A = arith.constant 0 : i32
      %dma_wait3A_35 = arith.constant 0 : i32
      %dma_wait3A_36 = tpu.memref_slice %arg2[%add3A, %dma_wait3A, %dma_wait3A_35] : memref<32x80x128xi32, #tpu.memory_space<hbm>> -> memref<1x80x128xi32, #tpu.memory_space<hbm>>
      %dma_wait3A_37 = tpu.memref_squeeze %dma_wait3A_36 : memref<1x80x128xi32, #tpu.memory_space<hbm>> -> memref<80x128xi32, #tpu.memory_space<hbm>>
      %dma_wait3A_38 = arith.constant 0 : i32
      %dma_wait3A_39 = arith.constant 0 : i32
      %dma_wait3A_40 = tpu.memref_slice %arg2[%add3A, %dma_wait3A_38, %dma_wait3A_39] : memref<32x80x128xi32, #tpu.memory_space<hbm>> -> memref<1x80x128xi32, #tpu.memory_space<hbm>>
      %dma_wait3A_41 = tpu.memref_squeeze %dma_wait3A_40 : memref<1x80x128xi32, #tpu.memory_space<hbm>> -> memref<80x128xi32, #tpu.memory_space<hbm>>
      tpu.wait_dma2 semaphore(%run_scoped3A : memref<!tpu.dma_semaphore, #tpu.memory_space<semaphore_mem>>) src(%dma_wait3A_41 : memref<80x128xi32, #tpu.memory_space<hbm>>) dst(%arg5 : memref<80x128xi32, #tpu.memory_space<vmem>>)
      tpu.yield
    }) : () -> ()
    %mul3A_14 = arith.constant 640 : i32
    %mul3A_15 = arith.muli %arg1, %mul3A_14 : i32
    "tpu.region"() ({
      %run_scoped3A = tpu.sem_alloc : memref<!tpu.dma_semaphore, #tpu.memory_space<semaphore_mem>>
      %dma_start3A = tpu.memref_slice %arg4[%mul3A_15] : memref<10240xf32, #tpu.memory_space<vmem_shared>> -> memref<640xf32, #tpu.memory_space<vmem_shared>>
      %dma_start3A_28 = tpu.memref_slice %arg4[%mul3A_15] : memref<10240xf32, #tpu.memory_space<vmem_shared>> -> memref<640xf32, #tpu.memory_space<vmem_shared>>
      tpu.enqueue_dma source(%arg7 : memref<640xf32, #tpu.memory_space<vmem>>) target(%dma_start3A_28 : memref<640xf32, #tpu.memory_space<vmem_shared>>) target_semaphore(%run_scoped3A : memref<!tpu.dma_semaphore, #tpu.memory_space<semaphore_mem>>)
      %dma_wait3A = tpu.memref_slice %arg4[%mul3A_15] : memref<10240xf32, #tpu.memory_space<vmem_shared>> -> memref<640xf32, #tpu.memory_space<vmem_shared>>
      %dma_wait3A_29 = tpu.memref_slice %arg4[%mul3A_15] : memref<10240xf32, #tpu.memory_space<vmem_shared>> -> memref<640xf32, #tpu.memory_space<vmem_shared>>
      tpu.wait_dma2 semaphore(%run_scoped3A : memref<!tpu.dma_semaphore, #tpu.memory_space<semaphore_mem>>) src(%arg7 : memref<640xf32, #tpu.memory_space<vmem>>) dst(%dma_wait3A_29 : memref<640xf32, #tpu.memory_space<vmem_shared>>)
      tpu.yield
    }) : () -> ()
    %barrier3A = arith.constant 0 : index
    tpu.barrier barrier_id(%barrier3A)
    %scan3A_16 = arith.constant 0 : i32
    %scan3A_17 = arith.constant 0 : i32
    %scan3A_18 = arith.constant 80 : i32
    %scan3A_19 = arith.addi %scan3A_17, %scan3A_18 : i32
    %scan3A_20 = arith.constant 1 : i32
    %scan3A_21 = scf.for %scan3A_28 = %scan3A_17 to %scan3A_19 step %scan3A_20 iter_args(%scan3A_29 = %scan3A_16) -> (i32)  : i32 {
      "tpu.region"() ({
        %run_scoped3A = tpu.sem_alloc : memref<!tpu.dma_semaphore, #tpu.memory_space<semaphore_mem>>
        %dma_start3A = arith.constant 0 : i32
        %dma_start3A_31 = tpu.memref_slice %arg5[%scan3A_28, %dma_start3A] : memref<80x128xi32, #tpu.memory_space<vmem>> -> memref<1x128xi32, #tpu.memory_space<vmem>>
        %dma_start3A_32 = tpu.memref_squeeze %dma_start3A_31 : memref<1x128xi32, #tpu.memory_space<vmem>> -> memref<128xi32, #tpu.memory_space<vmem>>
        %dma_start3A_33 = arith.constant 0 : i32
        %dma_start3A_34 = tpu.memref_slice %arg4[%dma_start3A_33] : memref<10240xf32, #tpu.memory_space<vmem_shared>> -> memref<10240xf32, #tpu.memory_space<vmem_shared>>
        tpu.enqueue_indirect_dma source(%arg6 : memref<128xf32, #tpu.memory_space<vmem>>) target(%dma_start3A_34 : memref<10240xf32, #tpu.memory_space<vmem_shared>>) offsets(%dma_start3A_32 : memref<128xi32, #tpu.memory_space<vmem>>) semaphore(%run_scoped3A : memref<!tpu.dma_semaphore, #tpu.memory_space<semaphore_mem>>) {add = true}
        %dma_wait3A = arith.constant 0 : i32
        %dma_wait3A_35 = tpu.memref_slice %arg5[%scan3A_28, %dma_wait3A] : memref<80x128xi32, #tpu.memory_space<vmem>> -> memref<1x128xi32, #tpu.memory_space<vmem>>
        %dma_wait3A_36 = tpu.memref_squeeze %dma_wait3A_35 : memref<1x128xi32, #tpu.memory_space<vmem>> -> memref<128xi32, #tpu.memory_space<vmem>>
        %dma_wait3A_37 = arith.constant 0 : i32
        %dma_wait3A_38 = tpu.memref_slice %arg4[%dma_wait3A_37] : memref<10240xf32, #tpu.memory_space<vmem_shared>> -> memref<10240xf32, #tpu.memory_space<vmem_shared>>
        tpu.wait_indirect_dma semaphore(%run_scoped3A : memref<!tpu.dma_semaphore, #tpu.memory_space<semaphore_mem>>) src(%arg6 : memref<128xf32, #tpu.memory_space<vmem>>) dst(%dma_wait3A_38 : memref<10240xf32, #tpu.memory_space<vmem_shared>>)
        tpu.yield
      }) : () -> ()
      %scan3A_30 = arith.constant 0 : i32
      scf.yield %scan3A_30 : i32
    }
    %scan3A_22 = arith.constant 80 : i32
    %barrier3A_23 = arith.constant 0 : index
    tpu.barrier barrier_id(%barrier3A_23)
    %mul3A_24 = arith.constant 640 : i32
    %mul3A_25 = arith.muli %arg1, %mul3A_24 : i32
    %mul3A_26 = arith.constant 640 : i32
    %mul3A_27 = arith.muli %arg1, %mul3A_26 : i32
    "tpu.region"() ({
      %run_scoped3A = tpu.sem_alloc : memref<!tpu.dma_semaphore, #tpu.memory_space<semaphore_mem>>
      %dma_start3A = tpu.memref_slice %arg3[%arg0, %mul3A_27] : memref<2x10240xf32, #tpu.memory_space<hbm>> -> memref<1x640xf32, #tpu.memory_space<hbm>>
      %dma_start3A_28 = tpu.memref_squeeze %dma_start3A : memref<1x640xf32, #tpu.memory_space<hbm>> -> memref<640xf32, #tpu.memory_space<hbm>>
      %dma_start3A_29 = tpu.memref_slice %arg4[%mul3A_25] : memref<10240xf32, #tpu.memory_space<vmem_shared>> -> memref<640xf32, #tpu.memory_space<vmem_shared>>
      tpu.enqueue_dma source(%dma_start3A_29 : memref<640xf32, #tpu.memory_space<vmem_shared>>) target(%dma_start3A_28 : memref<640xf32, #tpu.memory_space<hbm>>) target_semaphore(%run_scoped3A : memref<!tpu.dma_semaphore, #tpu.memory_space<semaphore_mem>>)
      %dma_wait3A = tpu.memref_slice %arg3[%arg0, %mul3A_27] : memref<2x10240xf32, #tpu.memory_space<hbm>> -> memref<1x640xf32, #tpu.memory_space<hbm>>
      %dma_wait3A_30 = tpu.memref_squeeze %dma_wait3A : memref<1x640xf32, #tpu.memory_space<hbm>> -> memref<640xf32, #tpu.memory_space<hbm>>
      %dma_wait3A_31 = tpu.memref_slice %arg4[%mul3A_25] : memref<10240xf32, #tpu.memory_space<vmem_shared>> -> memref<640xf32, #tpu.memory_space<vmem_shared>>
      tpu.wait_dma2 semaphore(%run_scoped3A : memref<!tpu.dma_semaphore, #tpu.memory_space<semaphore_mem>>) src(%dma_wait3A_31 : memref<640xf32, #tpu.memory_space<vmem_shared>>) dst(%dma_wait3A_30 : memref<640xf32, #tpu.memory_space<hbm>>)
      tpu.yield
    }) : () -> ()
    return
  }
}

#map = affine_map<(d0, d1) -> (0, 0)>
#map1 = affine_map<(d0, d1) -> (0, 0, 0)>
module attributes {stable_mosaic.version = 14 : i64} {
  func.func @agg_k(%arg0: i32, %arg1: i32, %arg2: memref<10240x128xf32, #tpu.memory_space<hbm>>, %arg3: memref<32x80x128xi32, #tpu.memory_space<hbm>>, %arg4: memref<32x80x128xi32, #tpu.memory_space<hbm>>, %arg5: memref<2x10240x128xf32, #tpu.memory_space<hbm>>, %arg6: memref<10240x64xf32, #tpu.memory_space<vmem_shared>>, %arg7: memref<10240x64xf32, #tpu.memory_space<vmem_shared>>, %arg8: memref<40x128xi32, #tpu.memory_space<vmem>>, %arg9: memref<40x128xi32, #tpu.memory_space<vmem>>, %arg10: memref<128x64xf32, #tpu.memory_space<vmem>>, %arg11: memref<128x64xf32, #tpu.memory_space<vmem>>, %arg12: memref<!tpu.dma_semaphore, #tpu.memory_space<semaphore_mem>>, %arg13: memref<!tpu.dma_semaphore, #tpu.memory_space<semaphore_mem>>) attributes {dimension_semantics = [#tpu.dimension_semantics<core_parallel>, #tpu.dimension_semantics<subcore_parallel>], iteration_bounds = array<i64: 2, 16>, scalar_prefetch = 0 : i64, scratch_operands = 8 : i64, tpu.core_type = #tpu.core_type<sc_vector_subcore>, window_params = [{transform_indices = #map}, {transform_indices = #map1}, {transform_indices = #map1}, {transform_indices = #map1}]} {
    %mul3A = arith.constant 2 : i32
    %mul3A_0 = arith.muli %arg1, %mul3A : i32
    %add3A = arith.addi %mul3A_0, %arg0 : i32
    %mul3A_1 = arith.constant 640 : i32
    %mul3A_2 = arith.muli %arg1, %mul3A_1 : i32
    %scan3A = arith.constant 0 : i32
    %scan3A_3 = arith.constant 0 : i32
    %scan3A_4 = arith.constant 5 : i32
    %scan3A_5 = arith.addi %scan3A_3, %scan3A_4 : i32
    %scan3A_6 = arith.constant 1 : i32
    %scan3A_7 = scf.for %scan3A_58 = %scan3A_3 to %scan3A_5 step %scan3A_6 iter_args(%scan3A_59 = %scan3A) -> (i32)  : i32 {
      %mul3A_60 = arith.constant 128 : i32
      %mul3A_61 = arith.muli %scan3A_58, %mul3A_60 : i32
      %add3A_62 = arith.addi %mul3A_2, %mul3A_61 : i32
      "tpu.region"() ({
        %run_scoped3A = tpu.sem_alloc : memref<!tpu.dma_semaphore, #tpu.memory_space<semaphore_mem>>
        %dma_start3A_64 = arith.constant 0 : i32
        %dma_start3A_65 = tpu.memref_slice %arg2[%add3A_62, %dma_start3A_64] : memref<10240x128xf32, #tpu.memory_space<hbm>> -> memref<128x64xf32, #tpu.memory_space<hbm>>
        %dma_start3A_66 = arith.constant 0 : i32
        %dma_start3A_67 = tpu.memref_slice %arg2[%add3A_62, %dma_start3A_66] : memref<10240x128xf32, #tpu.memory_space<hbm>> -> memref<128x64xf32, #tpu.memory_space<hbm>>
        tpu.enqueue_dma source(%dma_start3A_67 : memref<128x64xf32, #tpu.memory_space<hbm>>) target(%arg10 : memref<128x64xf32, #tpu.memory_space<vmem>>) target_semaphore(%run_scoped3A : memref<!tpu.dma_semaphore, #tpu.memory_space<semaphore_mem>>)
        %dma_wait3A = arith.constant 0 : i32
        %dma_wait3A_68 = tpu.memref_slice %arg2[%add3A_62, %dma_wait3A] : memref<10240x128xf32, #tpu.memory_space<hbm>> -> memref<128x64xf32, #tpu.memory_space<hbm>>
        %dma_wait3A_69 = arith.constant 0 : i32
        %dma_wait3A_70 = tpu.memref_slice %arg2[%add3A_62, %dma_wait3A_69] : memref<10240x128xf32, #tpu.memory_space<hbm>> -> memref<128x64xf32, #tpu.memory_space<hbm>>
        tpu.wait_dma2 semaphore(%run_scoped3A : memref<!tpu.dma_semaphore, #tpu.memory_space<semaphore_mem>>) src(%dma_wait3A_70 : memref<128x64xf32, #tpu.memory_space<hbm>>) dst(%arg10 : memref<128x64xf32, #tpu.memory_space<vmem>>)
        tpu.yield
      }) : () -> ()
      "tpu.region"() ({
        %run_scoped3A = tpu.sem_alloc : memref<!tpu.dma_semaphore, #tpu.memory_space<semaphore_mem>>
        %dma_start3A_64 = arith.constant 0 : i32
        %dma_start3A_65 = tpu.memref_slice %arg6[%add3A_62, %dma_start3A_64] : memref<10240x64xf32, #tpu.memory_space<vmem_shared>> -> memref<128x64xf32, #tpu.memory_space<vmem_shared>>
        %dma_start3A_66 = arith.constant 0 : i32
        %dma_start3A_67 = tpu.memref_slice %arg6[%add3A_62, %dma_start3A_66] : memref<10240x64xf32, #tpu.memory_space<vmem_shared>> -> memref<128x64xf32, #tpu.memory_space<vmem_shared>>
        tpu.enqueue_dma source(%arg10 : memref<128x64xf32, #tpu.memory_space<vmem>>) target(%dma_start3A_67 : memref<128x64xf32, #tpu.memory_space<vmem_shared>>) target_semaphore(%run_scoped3A : memref<!tpu.dma_semaphore, #tpu.memory_space<semaphore_mem>>)
        %dma_wait3A = arith.constant 0 : i32
        %dma_wait3A_68 = tpu.memref_slice %arg6[%add3A_62, %dma_wait3A] : memref<10240x64xf32, #tpu.memory_space<vmem_shared>> -> memref<128x64xf32, #tpu.memory_space<vmem_shared>>
        %dma_wait3A_69 = arith.constant 0 : i32
        %dma_wait3A_70 = tpu.memref_slice %arg6[%add3A_62, %dma_wait3A_69] : memref<10240x64xf32, #tpu.memory_space<vmem_shared>> -> memref<128x64xf32, #tpu.memory_space<vmem_shared>>
        tpu.wait_dma2 semaphore(%run_scoped3A : memref<!tpu.dma_semaphore, #tpu.memory_space<semaphore_mem>>) src(%arg10 : memref<128x64xf32, #tpu.memory_space<vmem>>) dst(%dma_wait3A_70 : memref<128x64xf32, #tpu.memory_space<vmem_shared>>)
        tpu.yield
      }) : () -> ()
      "tpu.region"() ({
        %run_scoped3A = tpu.sem_alloc : memref<!tpu.dma_semaphore, #tpu.memory_space<semaphore_mem>>
        %dma_start3A_64 = arith.constant 0 : i32
        %dma_start3A_65 = tpu.memref_slice %arg7[%add3A_62, %dma_start3A_64] : memref<10240x64xf32, #tpu.memory_space<vmem_shared>> -> memref<128x64xf32, #tpu.memory_space<vmem_shared>>
        %dma_start3A_66 = arith.constant 0 : i32
        %dma_start3A_67 = tpu.memref_slice %arg7[%add3A_62, %dma_start3A_66] : memref<10240x64xf32, #tpu.memory_space<vmem_shared>> -> memref<128x64xf32, #tpu.memory_space<vmem_shared>>
        tpu.enqueue_dma source(%arg10 : memref<128x64xf32, #tpu.memory_space<vmem>>) target(%dma_start3A_67 : memref<128x64xf32, #tpu.memory_space<vmem_shared>>) target_semaphore(%run_scoped3A : memref<!tpu.dma_semaphore, #tpu.memory_space<semaphore_mem>>)
        %dma_wait3A = arith.constant 0 : i32
        %dma_wait3A_68 = tpu.memref_slice %arg7[%add3A_62, %dma_wait3A] : memref<10240x64xf32, #tpu.memory_space<vmem_shared>> -> memref<128x64xf32, #tpu.memory_space<vmem_shared>>
        %dma_wait3A_69 = arith.constant 0 : i32
        %dma_wait3A_70 = tpu.memref_slice %arg7[%add3A_62, %dma_wait3A_69] : memref<10240x64xf32, #tpu.memory_space<vmem_shared>> -> memref<128x64xf32, #tpu.memory_space<vmem_shared>>
        tpu.wait_dma2 semaphore(%run_scoped3A : memref<!tpu.dma_semaphore, #tpu.memory_space<semaphore_mem>>) src(%arg10 : memref<128x64xf32, #tpu.memory_space<vmem>>) dst(%dma_wait3A_70 : memref<128x64xf32, #tpu.memory_space<vmem_shared>>)
        tpu.yield
      }) : () -> ()
      %scan3A_63 = arith.constant 0 : i32
      scf.yield %scan3A_63 : i32
    }
    %scan3A_8 = arith.constant 5 : i32
    %barrier3A = arith.constant 0 : index
    tpu.barrier barrier_id(%barrier3A)
    "tpu.region"() ({
      %run_scoped3A = tpu.sem_alloc : memref<!tpu.dma_semaphore, #tpu.memory_space<semaphore_mem>>
      %dma_start3A_58 = arith.constant 0 : i32
      %dma_start3A_59 = arith.constant 0 : i32
      %dma_start3A_60 = tpu.memref_slice %arg3[%add3A, %dma_start3A_58, %dma_start3A_59] : memref<32x80x128xi32, #tpu.memory_space<hbm>> -> memref<1x40x128xi32, #tpu.memory_space<hbm>>
      %dma_start3A_61 = tpu.memref_squeeze %dma_start3A_60 : memref<1x40x128xi32, #tpu.memory_space<hbm>> -> memref<40x128xi32, #tpu.memory_space<hbm>>
      %dma_start3A_62 = arith.constant 0 : i32
      %dma_start3A_63 = arith.constant 0 : i32
      %dma_start3A_64 = tpu.memref_slice %arg3[%add3A, %dma_start3A_62, %dma_start3A_63] : memref<32x80x128xi32, #tpu.memory_space<hbm>> -> memref<1x40x128xi32, #tpu.memory_space<hbm>>
      %dma_start3A_65 = tpu.memref_squeeze %dma_start3A_64 : memref<1x40x128xi32, #tpu.memory_space<hbm>> -> memref<40x128xi32, #tpu.memory_space<hbm>>
      tpu.enqueue_dma source(%dma_start3A_65 : memref<40x128xi32, #tpu.memory_space<hbm>>) target(%arg8 : memref<40x128xi32, #tpu.memory_space<vmem>>) target_semaphore(%run_scoped3A : memref<!tpu.dma_semaphore, #tpu.memory_space<semaphore_mem>>)
      %dma_wait3A = arith.constant 0 : i32
      %dma_wait3A_66 = arith.constant 0 : i32
      %dma_wait3A_67 = tpu.memref_slice %arg3[%add3A, %dma_wait3A, %dma_wait3A_66] : memref<32x80x128xi32, #tpu.memory_space<hbm>> -> memref<1x40x128xi32, #tpu.memory_space<hbm>>
      %dma_wait3A_68 = tpu.memref_squeeze %dma_wait3A_67 : memref<1x40x128xi32, #tpu.memory_space<hbm>> -> memref<40x128xi32, #tpu.memory_space<hbm>>
      %dma_wait3A_69 = arith.constant 0 : i32
      %dma_wait3A_70 = arith.constant 0 : i32
      %dma_wait3A_71 = tpu.memref_slice %arg3[%add3A, %dma_wait3A_69, %dma_wait3A_70] : memref<32x80x128xi32, #tpu.memory_space<hbm>> -> memref<1x40x128xi32, #tpu.memory_space<hbm>>
      %dma_wait3A_72 = tpu.memref_squeeze %dma_wait3A_71 : memref<1x40x128xi32, #tpu.memory_space<hbm>> -> memref<40x128xi32, #tpu.memory_space<hbm>>
      tpu.wait_dma2 semaphore(%run_scoped3A : memref<!tpu.dma_semaphore, #tpu.memory_space<semaphore_mem>>) src(%dma_wait3A_72 : memref<40x128xi32, #tpu.memory_space<hbm>>) dst(%arg8 : memref<40x128xi32, #tpu.memory_space<vmem>>)
      tpu.yield
    }) : () -> ()
    "tpu.region"() ({
      %run_scoped3A = tpu.sem_alloc : memref<!tpu.dma_semaphore, #tpu.memory_space<semaphore_mem>>
      %dma_start3A_58 = arith.constant 0 : i32
      %dma_start3A_59 = arith.constant 0 : i32
      %dma_start3A_60 = tpu.memref_slice %arg4[%add3A, %dma_start3A_58, %dma_start3A_59] : memref<32x80x128xi32, #tpu.memory_space<hbm>> -> memref<1x40x128xi32, #tpu.memory_space<hbm>>
      %dma_start3A_61 = tpu.memref_squeeze %dma_start3A_60 : memref<1x40x128xi32, #tpu.memory_space<hbm>> -> memref<40x128xi32, #tpu.memory_space<hbm>>
      %dma_start3A_62 = arith.constant 0 : i32
      %dma_start3A_63 = arith.constant 0 : i32
      %dma_start3A_64 = tpu.memref_slice %arg4[%add3A, %dma_start3A_62, %dma_start3A_63] : memref<32x80x128xi32, #tpu.memory_space<hbm>> -> memref<1x40x128xi32, #tpu.memory_space<hbm>>
      %dma_start3A_65 = tpu.memref_squeeze %dma_start3A_64 : memref<1x40x128xi32, #tpu.memory_space<hbm>> -> memref<40x128xi32, #tpu.memory_space<hbm>>
      tpu.enqueue_dma source(%dma_start3A_65 : memref<40x128xi32, #tpu.memory_space<hbm>>) target(%arg9 : memref<40x128xi32, #tpu.memory_space<vmem>>) target_semaphore(%run_scoped3A : memref<!tpu.dma_semaphore, #tpu.memory_space<semaphore_mem>>)
      %dma_wait3A = arith.constant 0 : i32
      %dma_wait3A_66 = arith.constant 0 : i32
      %dma_wait3A_67 = tpu.memref_slice %arg4[%add3A, %dma_wait3A, %dma_wait3A_66] : memref<32x80x128xi32, #tpu.memory_space<hbm>> -> memref<1x40x128xi32, #tpu.memory_space<hbm>>
      %dma_wait3A_68 = tpu.memref_squeeze %dma_wait3A_67 : memref<1x40x128xi32, #tpu.memory_space<hbm>> -> memref<40x128xi32, #tpu.memory_space<hbm>>
      %dma_wait3A_69 = arith.constant 0 : i32
      %dma_wait3A_70 = arith.constant 0 : i32
      %dma_wait3A_71 = tpu.memref_slice %arg4[%add3A, %dma_wait3A_69, %dma_wait3A_70] : memref<32x80x128xi32, #tpu.memory_space<hbm>> -> memref<1x40x128xi32, #tpu.memory_space<hbm>>
      %dma_wait3A_72 = tpu.memref_squeeze %dma_wait3A_71 : memref<1x40x128xi32, #tpu.memory_space<hbm>> -> memref<40x128xi32, #tpu.memory_space<hbm>>
      tpu.wait_dma2 semaphore(%run_scoped3A : memref<!tpu.dma_semaphore, #tpu.memory_space<semaphore_mem>>) src(%dma_wait3A_72 : memref<40x128xi32, #tpu.memory_space<hbm>>) dst(%arg9 : memref<40x128xi32, #tpu.memory_space<vmem>>)
      tpu.yield
    }) : () -> ()
    %dma_start3A = arith.constant 0 : i32
    %dma_start3A_9 = arith.constant 0 : i32
    %dma_start3A_10 = tpu.memref_slice %arg8[%dma_start3A, %dma_start3A_9] : memref<40x128xi32, #tpu.memory_space<vmem>> -> memref<1x128xi32, #tpu.memory_space<vmem>>
    %dma_start3A_11 = tpu.memref_squeeze %dma_start3A_10 : memref<1x128xi32, #tpu.memory_space<vmem>> -> memref<128xi32, #tpu.memory_space<vmem>>
    %dma_start3A_12 = arith.constant 0 : i32
    %dma_start3A_13 = arith.constant 0 : i32
    %dma_start3A_14 = tpu.memref_slice %arg6[%dma_start3A_12, %dma_start3A_13] : memref<10240x64xf32, #tpu.memory_space<vmem_shared>> -> memref<10240x64xf32, #tpu.memory_space<vmem_shared>>
    tpu.enqueue_indirect_dma source(%dma_start3A_14 : memref<10240x64xf32, #tpu.memory_space<vmem_shared>>) target(%arg10 : memref<128x64xf32, #tpu.memory_space<vmem>>) offsets(%dma_start3A_11 : memref<128xi32, #tpu.memory_space<vmem>>) semaphore(%arg12 : memref<!tpu.dma_semaphore, #tpu.memory_space<semaphore_mem>>)
    %dma_start3A_15 = arith.constant 1 : i32
    %dma_start3A_16 = arith.constant 0 : i32
    %dma_start3A_17 = tpu.memref_slice %arg8[%dma_start3A_15, %dma_start3A_16] : memref<40x128xi32, #tpu.memory_space<vmem>> -> memref<1x128xi32, #tpu.memory_space<vmem>>
    %dma_start3A_18 = tpu.memref_squeeze %dma_start3A_17 : memref<1x128xi32, #tpu.memory_space<vmem>> -> memref<128xi32, #tpu.memory_space<vmem>>
    %dma_start3A_19 = arith.constant 0 : i32
    %dma_start3A_20 = arith.constant 0 : i32
    %dma_start3A_21 = tpu.memref_slice %arg6[%dma_start3A_19, %dma_start3A_20] : memref<10240x64xf32, #tpu.memory_space<vmem_shared>> -> memref<10240x64xf32, #tpu.memory_space<vmem_shared>>
    tpu.enqueue_indirect_dma source(%dma_start3A_21 : memref<10240x64xf32, #tpu.memory_space<vmem_shared>>) target(%arg11 : memref<128x64xf32, #tpu.memory_space<vmem>>) offsets(%dma_start3A_18 : memref<128xi32, #tpu.memory_space<vmem>>) semaphore(%arg13 : memref<!tpu.dma_semaphore, #tpu.memory_space<semaphore_mem>>)
    %scan3A_22 = arith.constant 0 : i32
    %scan3A_23 = arith.constant 0 : i32
    %scan3A_24 = arith.constant 20 : i32
    %scan3A_25 = arith.addi %scan3A_23, %scan3A_24 : i32
    %scan3A_26 = arith.constant 1 : i32
    %scan3A_27 = scf.for %scan3A_58 = %scan3A_23 to %scan3A_25 step %scan3A_26 iter_args(%scan3A_59 = %scan3A_22) -> (i32)  : i32 {
      %mul3A_60 = arith.constant 2 : i32
      %mul3A_61 = arith.muli %scan3A_58, %mul3A_60 : i32
      %add3A_62 = arith.constant 0 : i32
      %add3A_63 = arith.addi %mul3A_61, %add3A_62 : i32
      %dma_wait3A = arith.constant 0 : i32
      %dma_wait3A_64 = tpu.memref_slice %arg8[%add3A_63, %dma_wait3A] : memref<40x128xi32, #tpu.memory_space<vmem>> -> memref<1x128xi32, #tpu.memory_space<vmem>>
      %dma_wait3A_65 = tpu.memref_squeeze %dma_wait3A_64 : memref<1x128xi32, #tpu.memory_space<vmem>> -> memref<128xi32, #tpu.memory_space<vmem>>
      %dma_wait3A_66 = arith.constant 0 : i32
      %dma_wait3A_67 = arith.constant 0 : i32
      %dma_wait3A_68 = tpu.memref_slice %arg6[%dma_wait3A_66, %dma_wait3A_67] : memref<10240x64xf32, #tpu.memory_space<vmem_shared>> -> memref<10240x64xf32, #tpu.memory_space<vmem_shared>>
      tpu.wait_indirect_dma semaphore(%arg12 : memref<!tpu.dma_semaphore, #tpu.memory_space<semaphore_mem>>) src(%dma_wait3A_68 : memref<10240x64xf32, #tpu.memory_space<vmem_shared>>) dst(%arg10 : memref<128x64xf32, #tpu.memory_space<vmem>>)
      "tpu.region"() ({
        %run_scoped3A = tpu.sem_alloc : memref<!tpu.dma_semaphore, #tpu.memory_space<semaphore_mem>>
        %dma_start3A_91 = arith.constant 0 : i32
        %dma_start3A_92 = tpu.memref_slice %arg9[%add3A_63, %dma_start3A_91] : memref<40x128xi32, #tpu.memory_space<vmem>> -> memref<1x128xi32, #tpu.memory_space<vmem>>
        %dma_start3A_93 = tpu.memref_squeeze %dma_start3A_92 : memref<1x128xi32, #tpu.memory_space<vmem>> -> memref<128xi32, #tpu.memory_space<vmem>>
        %dma_start3A_94 = arith.constant 0 : i32
        %dma_start3A_95 = arith.constant 0 : i32
        %dma_start3A_96 = tpu.memref_slice %arg7[%dma_start3A_94, %dma_start3A_95] : memref<10240x64xf32, #tpu.memory_space<vmem_shared>> -> memref<10240x64xf32, #tpu.memory_space<vmem_shared>>
        tpu.enqueue_indirect_dma source(%arg10 : memref<128x64xf32, #tpu.memory_space<vmem>>) target(%dma_start3A_96 : memref<10240x64xf32, #tpu.memory_space<vmem_shared>>) offsets(%dma_start3A_93 : memref<128xi32, #tpu.memory_space<vmem>>) semaphore(%run_scoped3A : memref<!tpu.dma_semaphore, #tpu.memory_space<semaphore_mem>>) {add = true}
        %dma_wait3A_97 = arith.constant 0 : i32
        %dma_wait3A_98 = tpu.memref_slice %arg9[%add3A_63, %dma_wait3A_97] : memref<40x128xi32, #tpu.memory_space<vmem>> -> memref<1x128xi32, #tpu.memory_space<vmem>>
        %dma_wait3A_99 = tpu.memref_squeeze %dma_wait3A_98 : memref<1x128xi32, #tpu.memory_space<vmem>> -> memref<128xi32, #tpu.memory_space<vmem>>
        %dma_wait3A_100 = arith.constant 0 : i32
        %dma_wait3A_101 = arith.constant 0 : i32
        %dma_wait3A_102 = tpu.memref_slice %arg7[%dma_wait3A_100, %dma_wait3A_101] : memref<10240x64xf32, #tpu.memory_space<vmem_shared>> -> memref<10240x64xf32, #tpu.memory_space<vmem_shared>>
        tpu.wait_indirect_dma semaphore(%run_scoped3A : memref<!tpu.dma_semaphore, #tpu.memory_space<semaphore_mem>>) src(%arg10 : memref<128x64xf32, #tpu.memory_space<vmem>>) dst(%dma_wait3A_102 : memref<10240x64xf32, #tpu.memory_space<vmem_shared>>)
        tpu.yield
      }) : () -> ()
      %add3A_69 = arith.constant 2 : i32
      %add3A_70 = arith.addi %add3A_63, %add3A_69 : i32
      %lt3A = arith.constant 40 : i32
      %lt3A_71 = arith.cmpi slt, %add3A_70, %lt3A : i32
      %convert_element_type3A = arith.extui %lt3A_71 : i1 to i32
      %cond3A = arith.constant 0 : i32
      %cond3A_72 = arith.cmpi ne, %convert_element_type3A, %cond3A : i32
      scf.if %cond3A_72 {
        %dma_start3A_91 = arith.constant 0 : i32
        %dma_start3A_92 = tpu.memref_slice %arg8[%add3A_70, %dma_start3A_91] : memref<40x128xi32, #tpu.memory_space<vmem>> -> memref<1x128xi32, #tpu.memory_space<vmem>>
        %dma_start3A_93 = tpu.memref_squeeze %dma_start3A_92 : memref<1x128xi32, #tpu.memory_space<vmem>> -> memref<128xi32, #tpu.memory_space<vmem>>
        %dma_start3A_94 = arith.constant 0 : i32
        %dma_start3A_95 = arith.constant 0 : i32
        %dma_start3A_96 = tpu.memref_slice %arg6[%dma_start3A_94, %dma_start3A_95] : memref<10240x64xf32, #tpu.memory_space<vmem_shared>> -> memref<10240x64xf32, #tpu.memory_space<vmem_shared>>
        tpu.enqueue_indirect_dma source(%dma_start3A_96 : memref<10240x64xf32, #tpu.memory_space<vmem_shared>>) target(%arg10 : memref<128x64xf32, #tpu.memory_space<vmem>>) offsets(%dma_start3A_93 : memref<128xi32, #tpu.memory_space<vmem>>) semaphore(%arg12 : memref<!tpu.dma_semaphore, #tpu.memory_space<semaphore_mem>>)
      } else {
      }
      %mul3A_73 = arith.constant 2 : i32
      %mul3A_74 = arith.muli %scan3A_58, %mul3A_73 : i32
      %add3A_75 = arith.constant 1 : i32
      %add3A_76 = arith.addi %mul3A_74, %add3A_75 : i32
      %dma_wait3A_77 = arith.constant 0 : i32
      %dma_wait3A_78 = tpu.memref_slice %arg8[%add3A_76, %dma_wait3A_77] : memref<40x128xi32, #tpu.memory_space<vmem>> -> memref<1x128xi32, #tpu.memory_space<vmem>>
      %dma_wait3A_79 = tpu.memref_squeeze %dma_wait3A_78 : memref<1x128xi32, #tpu.memory_space<vmem>> -> memref<128xi32, #tpu.memory_space<vmem>>
      %dma_wait3A_80 = arith.constant 0 : i32
      %dma_wait3A_81 = arith.constant 0 : i32
      %dma_wait3A_82 = tpu.memref_slice %arg6[%dma_wait3A_80, %dma_wait3A_81] : memref<10240x64xf32, #tpu.memory_space<vmem_shared>> -> memref<10240x64xf32, #tpu.memory_space<vmem_shared>>
      tpu.wait_indirect_dma semaphore(%arg13 : memref<!tpu.dma_semaphore, #tpu.memory_space<semaphore_mem>>) src(%dma_wait3A_82 : memref<10240x64xf32, #tpu.memory_space<vmem_shared>>) dst(%arg11 : memref<128x64xf32, #tpu.memory_space<vmem>>)
      "tpu.region"() ({
        %run_scoped3A = tpu.sem_alloc : memref<!tpu.dma_semaphore, #tpu.memory_space<semaphore_mem>>
        %dma_start3A_91 = arith.constant 0 : i32
        %dma_start3A_92 = tpu.memref_slice %arg9[%add3A_76, %dma_start3A_91] : memref<40x128xi32, #tpu.memory_space<vmem>> -> memref<1x128xi32, #tpu.memory_space<vmem>>
        %dma_start3A_93 = tpu.memref_squeeze %dma_start3A_92 : memref<1x128xi32, #tpu.memory_space<vmem>> -> memref<128xi32, #tpu.memory_space<vmem>>
        %dma_start3A_94 = arith.constant 0 : i32
        %dma_start3A_95 = arith.constant 0 : i32
        %dma_start3A_96 = tpu.memref_slice %arg7[%dma_start3A_94, %dma_start3A_95] : memref<10240x64xf32, #tpu.memory_space<vmem_shared>> -> memref<10240x64xf32, #tpu.memory_space<vmem_shared>>
        tpu.enqueue_indirect_dma source(%arg11 : memref<128x64xf32, #tpu.memory_space<vmem>>) target(%dma_start3A_96 : memref<10240x64xf32, #tpu.memory_space<vmem_shared>>) offsets(%dma_start3A_93 : memref<128xi32, #tpu.memory_space<vmem>>) semaphore(%run_scoped3A : memref<!tpu.dma_semaphore, #tpu.memory_space<semaphore_mem>>) {add = true}
        %dma_wait3A_97 = arith.constant 0 : i32
        %dma_wait3A_98 = tpu.memref_slice %arg9[%add3A_76, %dma_wait3A_97] : memref<40x128xi32, #tpu.memory_space<vmem>> -> memref<1x128xi32, #tpu.memory_space<vmem>>
        %dma_wait3A_99 = tpu.memref_squeeze %dma_wait3A_98 : memref<1x128xi32, #tpu.memory_space<vmem>> -> memref<128xi32, #tpu.memory_space<vmem>>
        %dma_wait3A_100 = arith.constant 0 : i32
        %dma_wait3A_101 = arith.constant 0 : i32
        %dma_wait3A_102 = tpu.memref_slice %arg7[%dma_wait3A_100, %dma_wait3A_101] : memref<10240x64xf32, #tpu.memory_space<vmem_shared>> -> memref<10240x64xf32, #tpu.memory_space<vmem_shared>>
        tpu.wait_indirect_dma semaphore(%run_scoped3A : memref<!tpu.dma_semaphore, #tpu.memory_space<semaphore_mem>>) src(%arg11 : memref<128x64xf32, #tpu.memory_space<vmem>>) dst(%dma_wait3A_102 : memref<10240x64xf32, #tpu.memory_space<vmem_shared>>)
        tpu.yield
      }) : () -> ()
      %add3A_83 = arith.constant 2 : i32
      %add3A_84 = arith.addi %add3A_76, %add3A_83 : i32
      %lt3A_85 = arith.constant 40 : i32
      %lt3A_86 = arith.cmpi slt, %add3A_84, %lt3A_85 : i32
      %convert_element_type3A_87 = arith.extui %lt3A_86 : i1 to i32
      %cond3A_88 = arith.constant 0 : i32
      %cond3A_89 = arith.cmpi ne, %convert_element_type3A_87, %cond3A_88 : i32
      scf.if %cond3A_89 {
        %dma_start3A_91 = arith.constant 0 : i32
        %dma_start3A_92 = tpu.memref_slice %arg8[%add3A_84, %dma_start3A_91] : memref<40x128xi32, #tpu.memory_space<vmem>> -> memref<1x128xi32, #tpu.memory_space<vmem>>
        %dma_start3A_93 = tpu.memref_squeeze %dma_start3A_92 : memref<1x128xi32, #tpu.memory_space<vmem>> -> memref<128xi32, #tpu.memory_space<vmem>>
        %dma_start3A_94 = arith.constant 0 : i32
        %dma_start3A_95 = arith.constant 0 : i32
        %dma_start3A_96 = tpu.memref_slice %arg6[%dma_start3A_94, %dma_start3A_95] : memref<10240x64xf32, #tpu.memory_space<vmem_shared>> -> memref<10240x64xf32, #tpu.memory_space<vmem_shared>>
        tpu.enqueue_indirect_dma source(%dma_start3A_96 : memref<10240x64xf32, #tpu.memory_space<vmem_shared>>) target(%arg11 : memref<128x64xf32, #tpu.memory_space<vmem>>) offsets(%dma_start3A_93 : memref<128xi32, #tpu.memory_space<vmem>>) semaphore(%arg13 : memref<!tpu.dma_semaphore, #tpu.memory_space<semaphore_mem>>)
      } else {
      }
      %scan3A_90 = arith.constant 0 : i32
      scf.yield %scan3A_90 : i32
    }
    %scan3A_28 = arith.constant 20 : i32
    "tpu.region"() ({
      %run_scoped3A = tpu.sem_alloc : memref<!tpu.dma_semaphore, #tpu.memory_space<semaphore_mem>>
      %dma_start3A_58 = arith.constant 40 : i32
      %dma_start3A_59 = arith.constant 0 : i32
      %dma_start3A_60 = tpu.memref_slice %arg3[%add3A, %dma_start3A_58, %dma_start3A_59] : memref<32x80x128xi32, #tpu.memory_space<hbm>> -> memref<1x40x128xi32, #tpu.memory_space<hbm>>
      %dma_start3A_61 = tpu.memref_squeeze %dma_start3A_60 : memref<1x40x128xi32, #tpu.memory_space<hbm>> -> memref<40x128xi32, #tpu.memory_space<hbm>>
      %dma_start3A_62 = arith.constant 40 : i32
      %dma_start3A_63 = arith.constant 0 : i32
      %dma_start3A_64 = tpu.memref_slice %arg3[%add3A, %dma_start3A_62, %dma_start3A_63] : memref<32x80x128xi32, #tpu.memory_space<hbm>> -> memref<1x40x128xi32, #tpu.memory_space<hbm>>
      %dma_start3A_65 = tpu.memref_squeeze %dma_start3A_64 : memref<1x40x128xi32, #tpu.memory_space<hbm>> -> memref<40x128xi32, #tpu.memory_space<hbm>>
      tpu.enqueue_dma source(%dma_start3A_65 : memref<40x128xi32, #tpu.memory_space<hbm>>) target(%arg8 : memref<40x128xi32, #tpu.memory_space<vmem>>) target_semaphore(%run_scoped3A : memref<!tpu.dma_semaphore, #tpu.memory_space<semaphore_mem>>)
      %dma_wait3A = arith.constant 40 : i32
      %dma_wait3A_66 = arith.constant 0 : i32
      %dma_wait3A_67 = tpu.memref_slice %arg3[%add3A, %dma_wait3A, %dma_wait3A_66] : memref<32x80x128xi32, #tpu.memory_space<hbm>> -> memref<1x40x128xi32, #tpu.memory_space<hbm>>
      %dma_wait3A_68 = tpu.memref_squeeze %dma_wait3A_67 : memref<1x40x128xi32, #tpu.memory_space<hbm>> -> memref<40x128xi32, #tpu.memory_space<hbm>>
      %dma_wait3A_69 = arith.constant 40 : i32
      %dma_wait3A_70 = arith.constant 0 : i32
      %dma_wait3A_71 = tpu.memref_slice %arg3[%add3A, %dma_wait3A_69, %dma_wait3A_70] : memref<32x80x128xi32, #tpu.memory_space<hbm>> -> memref<1x40x128xi32, #tpu.memory_space<hbm>>
      %dma_wait3A_72 = tpu.memref_squeeze %dma_wait3A_71 : memref<1x40x128xi32, #tpu.memory_space<hbm>> -> memref<40x128xi32, #tpu.memory_space<hbm>>
      tpu.wait_dma2 semaphore(%run_scoped3A : memref<!tpu.dma_semaphore, #tpu.memory_space<semaphore_mem>>) src(%dma_wait3A_72 : memref<40x128xi32, #tpu.memory_space<hbm>>) dst(%arg8 : memref<40x128xi32, #tpu.memory_space<vmem>>)
      tpu.yield
    }) : () -> ()
    "tpu.region"() ({
      %run_scoped3A = tpu.sem_alloc : memref<!tpu.dma_semaphore, #tpu.memory_space<semaphore_mem>>
      %dma_start3A_58 = arith.constant 40 : i32
      %dma_start3A_59 = arith.constant 0 : i32
      %dma_start3A_60 = tpu.memref_slice %arg4[%add3A, %dma_start3A_58, %dma_start3A_59] : memref<32x80x128xi32, #tpu.memory_space<hbm>> -> memref<1x40x128xi32, #tpu.memory_space<hbm>>
      %dma_start3A_61 = tpu.memref_squeeze %dma_start3A_60 : memref<1x40x128xi32, #tpu.memory_space<hbm>> -> memref<40x128xi32, #tpu.memory_space<hbm>>
      %dma_start3A_62 = arith.constant 40 : i32
      %dma_start3A_63 = arith.constant 0 : i32
      %dma_start3A_64 = tpu.memref_slice %arg4[%add3A, %dma_start3A_62, %dma_start3A_63] : memref<32x80x128xi32, #tpu.memory_space<hbm>> -> memref<1x40x128xi32, #tpu.memory_space<hbm>>
      %dma_start3A_65 = tpu.memref_squeeze %dma_start3A_64 : memref<1x40x128xi32, #tpu.memory_space<hbm>> -> memref<40x128xi32, #tpu.memory_space<hbm>>
      tpu.enqueue_dma source(%dma_start3A_65 : memref<40x128xi32, #tpu.memory_space<hbm>>) target(%arg9 : memref<40x128xi32, #tpu.memory_space<vmem>>) target_semaphore(%run_scoped3A : memref<!tpu.dma_semaphore, #tpu.memory_space<semaphore_mem>>)
      %dma_wait3A = arith.constant 40 : i32
      %dma_wait3A_66 = arith.constant 0 : i32
      %dma_wait3A_67 = tpu.memref_slice %arg4[%add3A, %dma_wait3A, %dma_wait3A_66] : memref<32x80x128xi32, #tpu.memory_space<hbm>> -> memref<1x40x128xi32, #tpu.memory_space<hbm>>
      %dma_wait3A_68 = tpu.memref_squeeze %dma_wait3A_67 : memref<1x40x128xi32, #tpu.memory_space<hbm>> -> memref<40x128xi32, #tpu.memory_space<hbm>>
      %dma_wait3A_69 = arith.constant 40 : i32
      %dma_wait3A_70 = arith.constant 0 : i32
      %dma_wait3A_71 = tpu.memref_slice %arg4[%add3A, %dma_wait3A_69, %dma_wait3A_70] : memref<32x80x128xi32, #tpu.memory_space<hbm>> -> memref<1x40x128xi32, #tpu.memory_space<hbm>>
      %dma_wait3A_72 = tpu.memref_squeeze %dma_wait3A_71 : memref<1x40x128xi32, #tpu.memory_space<hbm>> -> memref<40x128xi32, #tpu.memory_space<hbm>>
      tpu.wait_dma2 semaphore(%run_scoped3A : memref<!tpu.dma_semaphore, #tpu.memory_space<semaphore_mem>>) src(%dma_wait3A_72 : memref<40x128xi32, #tpu.memory_space<hbm>>) dst(%arg9 : memref<40x128xi32, #tpu.memory_space<vmem>>)
      tpu.yield
    }) : () -> ()
    %dma_start3A_29 = arith.constant 0 : i32
    %dma_start3A_30 = arith.constant 0 : i32
    %dma_start3A_31 = tpu.memref_slice %arg8[%dma_start3A_29, %dma_start3A_30] : memref<40x128xi32, #tpu.memory_space<vmem>> -> memref<1x128xi32, #tpu.memory_space<vmem>>
    %dma_start3A_32 = tpu.memref_squeeze %dma_start3A_31 : memref<1x128xi32, #tpu.memory_space<vmem>> -> memref<128xi32, #tpu.memory_space<vmem>>
    %dma_start3A_33 = arith.constant 0 : i32
    %dma_start3A_34 = arith.constant 0 : i32
    %dma_start3A_35 = tpu.memref_slice %arg6[%dma_start3A_33, %dma_start3A_34] : memref<10240x64xf32, #tpu.memory_space<vmem_shared>> -> memref<10240x64xf32, #tpu.memory_space<vmem_shared>>
    tpu.enqueue_indirect_dma source(%dma_start3A_35 : memref<10240x64xf32, #tpu.memory_space<vmem_shared>>) target(%arg10 : memref<128x64xf32, #tpu.memory_space<vmem>>) offsets(%dma_start3A_32 : memref<128xi32, #tpu.memory_space<vmem>>) semaphore(%arg12 : memref<!tpu.dma_semaphore, #tpu.memory_space<semaphore_mem>>)
    %dma_start3A_36 = arith.constant 1 : i32
    %dma_start3A_37 = arith.constant 0 : i32
    %dma_start3A_38 = tpu.memref_slice %arg8[%dma_start3A_36, %dma_start3A_37] : memref<40x128xi32, #tpu.memory_space<vmem>> -> memref<1x128xi32, #tpu.memory_space<vmem>>
    %dma_start3A_39 = tpu.memref_squeeze %dma_start3A_38 : memref<1x128xi32, #tpu.memory_space<vmem>> -> memref<128xi32, #tpu.memory_space<vmem>>
    %dma_start3A_40 = arith.constant 0 : i32
    %dma_start3A_41 = arith.constant 0 : i32
    %dma_start3A_42 = tpu.memref_slice %arg6[%dma_start3A_40, %dma_start3A_41] : memref<10240x64xf32, #tpu.memory_space<vmem_shared>> -> memref<10240x64xf32, #tpu.memory_space<vmem_shared>>
    tpu.enqueue_indirect_dma source(%dma_start3A_42 : memref<10240x64xf32, #tpu.memory_space<vmem_shared>>) target(%arg11 : memref<128x64xf32, #tpu.memory_space<vmem>>) offsets(%dma_start3A_39 : memref<128xi32, #tpu.memory_space<vmem>>) semaphore(%arg13 : memref<!tpu.dma_semaphore, #tpu.memory_space<semaphore_mem>>)
    %scan3A_43 = arith.constant 0 : i32
    %scan3A_44 = arith.constant 0 : i32
    %scan3A_45 = arith.constant 20 : i32
    %scan3A_46 = arith.addi %scan3A_44, %scan3A_45 : i32
    %scan3A_47 = arith.constant 1 : i32
    %scan3A_48 = scf.for %scan3A_58 = %scan3A_44 to %scan3A_46 step %scan3A_47 iter_args(%scan3A_59 = %scan3A_43) -> (i32)  : i32 {
      %mul3A_60 = arith.constant 2 : i32
      %mul3A_61 = arith.muli %scan3A_58, %mul3A_60 : i32
      %add3A_62 = arith.constant 0 : i32
      %add3A_63 = arith.addi %mul3A_61, %add3A_62 : i32
      %dma_wait3A = arith.constant 0 : i32
      %dma_wait3A_64 = tpu.memref_slice %arg8[%add3A_63, %dma_wait3A] : memref<40x128xi32, #tpu.memory_space<vmem>> -> memref<1x128xi32, #tpu.memory_space<vmem>>
      %dma_wait3A_65 = tpu.memref_squeeze %dma_wait3A_64 : memref<1x128xi32, #tpu.memory_space<vmem>> -> memref<128xi32, #tpu.memory_space<vmem>>
      %dma_wait3A_66 = arith.constant 0 : i32
      %dma_wait3A_67 = arith.constant 0 : i32
      %dma_wait3A_68 = tpu.memref_slice %arg6[%dma_wait3A_66, %dma_wait3A_67] : memref<10240x64xf32, #tpu.memory_space<vmem_shared>> -> memref<10240x64xf32, #tpu.memory_space<vmem_shared>>
      tpu.wait_indirect_dma semaphore(%arg12 : memref<!tpu.dma_semaphore, #tpu.memory_space<semaphore_mem>>) src(%dma_wait3A_68 : memref<10240x64xf32, #tpu.memory_space<vmem_shared>>) dst(%arg10 : memref<128x64xf32, #tpu.memory_space<vmem>>)
      "tpu.region"() ({
        %run_scoped3A = tpu.sem_alloc : memref<!tpu.dma_semaphore, #tpu.memory_space<semaphore_mem>>
        %dma_start3A_91 = arith.constant 0 : i32
        %dma_start3A_92 = tpu.memref_slice %arg9[%add3A_63, %dma_start3A_91] : memref<40x128xi32, #tpu.memory_space<vmem>> -> memref<1x128xi32, #tpu.memory_space<vmem>>
        %dma_start3A_93 = tpu.memref_squeeze %dma_start3A_92 : memref<1x128xi32, #tpu.memory_space<vmem>> -> memref<128xi32, #tpu.memory_space<vmem>>
        %dma_start3A_94 = arith.constant 0 : i32
        %dma_start3A_95 = arith.constant 0 : i32
        %dma_start3A_96 = tpu.memref_slice %arg7[%dma_start3A_94, %dma_start3A_95] : memref<10240x64xf32, #tpu.memory_space<vmem_shared>> -> memref<10240x64xf32, #tpu.memory_space<vmem_shared>>
        tpu.enqueue_indirect_dma source(%arg10 : memref<128x64xf32, #tpu.memory_space<vmem>>) target(%dma_start3A_96 : memref<10240x64xf32, #tpu.memory_space<vmem_shared>>) offsets(%dma_start3A_93 : memref<128xi32, #tpu.memory_space<vmem>>) semaphore(%run_scoped3A : memref<!tpu.dma_semaphore, #tpu.memory_space<semaphore_mem>>) {add = true}
        %dma_wait3A_97 = arith.constant 0 : i32
        %dma_wait3A_98 = tpu.memref_slice %arg9[%add3A_63, %dma_wait3A_97] : memref<40x128xi32, #tpu.memory_space<vmem>> -> memref<1x128xi32, #tpu.memory_space<vmem>>
        %dma_wait3A_99 = tpu.memref_squeeze %dma_wait3A_98 : memref<1x128xi32, #tpu.memory_space<vmem>> -> memref<128xi32, #tpu.memory_space<vmem>>
        %dma_wait3A_100 = arith.constant 0 : i32
        %dma_wait3A_101 = arith.constant 0 : i32
        %dma_wait3A_102 = tpu.memref_slice %arg7[%dma_wait3A_100, %dma_wait3A_101] : memref<10240x64xf32, #tpu.memory_space<vmem_shared>> -> memref<10240x64xf32, #tpu.memory_space<vmem_shared>>
        tpu.wait_indirect_dma semaphore(%run_scoped3A : memref<!tpu.dma_semaphore, #tpu.memory_space<semaphore_mem>>) src(%arg10 : memref<128x64xf32, #tpu.memory_space<vmem>>) dst(%dma_wait3A_102 : memref<10240x64xf32, #tpu.memory_space<vmem_shared>>)
        tpu.yield
      }) : () -> ()
      %add3A_69 = arith.constant 2 : i32
      %add3A_70 = arith.addi %add3A_63, %add3A_69 : i32
      %lt3A = arith.constant 40 : i32
      %lt3A_71 = arith.cmpi slt, %add3A_70, %lt3A : i32
      %convert_element_type3A = arith.extui %lt3A_71 : i1 to i32
      %cond3A = arith.constant 0 : i32
      %cond3A_72 = arith.cmpi ne, %convert_element_type3A, %cond3A : i32
      scf.if %cond3A_72 {
        %dma_start3A_91 = arith.constant 0 : i32
        %dma_start3A_92 = tpu.memref_slice %arg8[%add3A_70, %dma_start3A_91] : memref<40x128xi32, #tpu.memory_space<vmem>> -> memref<1x128xi32, #tpu.memory_space<vmem>>
        %dma_start3A_93 = tpu.memref_squeeze %dma_start3A_92 : memref<1x128xi32, #tpu.memory_space<vmem>> -> memref<128xi32, #tpu.memory_space<vmem>>
        %dma_start3A_94 = arith.constant 0 : i32
        %dma_start3A_95 = arith.constant 0 : i32
        %dma_start3A_96 = tpu.memref_slice %arg6[%dma_start3A_94, %dma_start3A_95] : memref<10240x64xf32, #tpu.memory_space<vmem_shared>> -> memref<10240x64xf32, #tpu.memory_space<vmem_shared>>
        tpu.enqueue_indirect_dma source(%dma_start3A_96 : memref<10240x64xf32, #tpu.memory_space<vmem_shared>>) target(%arg10 : memref<128x64xf32, #tpu.memory_space<vmem>>) offsets(%dma_start3A_93 : memref<128xi32, #tpu.memory_space<vmem>>) semaphore(%arg12 : memref<!tpu.dma_semaphore, #tpu.memory_space<semaphore_mem>>)
      } else {
      }
      %mul3A_73 = arith.constant 2 : i32
      %mul3A_74 = arith.muli %scan3A_58, %mul3A_73 : i32
      %add3A_75 = arith.constant 1 : i32
      %add3A_76 = arith.addi %mul3A_74, %add3A_75 : i32
      %dma_wait3A_77 = arith.constant 0 : i32
      %dma_wait3A_78 = tpu.memref_slice %arg8[%add3A_76, %dma_wait3A_77] : memref<40x128xi32, #tpu.memory_space<vmem>> -> memref<1x128xi32, #tpu.memory_space<vmem>>
      %dma_wait3A_79 = tpu.memref_squeeze %dma_wait3A_78 : memref<1x128xi32, #tpu.memory_space<vmem>> -> memref<128xi32, #tpu.memory_space<vmem>>
      %dma_wait3A_80 = arith.constant 0 : i32
      %dma_wait3A_81 = arith.constant 0 : i32
      %dma_wait3A_82 = tpu.memref_slice %arg6[%dma_wait3A_80, %dma_wait3A_81] : memref<10240x64xf32, #tpu.memory_space<vmem_shared>> -> memref<10240x64xf32, #tpu.memory_space<vmem_shared>>
      tpu.wait_indirect_dma semaphore(%arg13 : memref<!tpu.dma_semaphore, #tpu.memory_space<semaphore_mem>>) src(%dma_wait3A_82 : memref<10240x64xf32, #tpu.memory_space<vmem_shared>>) dst(%arg11 : memref<128x64xf32, #tpu.memory_space<vmem>>)
      "tpu.region"() ({
        %run_scoped3A = tpu.sem_alloc : memref<!tpu.dma_semaphore, #tpu.memory_space<semaphore_mem>>
        %dma_start3A_91 = arith.constant 0 : i32
        %dma_start3A_92 = tpu.memref_slice %arg9[%add3A_76, %dma_start3A_91] : memref<40x128xi32, #tpu.memory_space<vmem>> -> memref<1x128xi32, #tpu.memory_space<vmem>>
        %dma_start3A_93 = tpu.memref_squeeze %dma_start3A_92 : memref<1x128xi32, #tpu.memory_space<vmem>> -> memref<128xi32, #tpu.memory_space<vmem>>
        %dma_start3A_94 = arith.constant 0 : i32
        %dma_start3A_95 = arith.constant 0 : i32
        %dma_start3A_96 = tpu.memref_slice %arg7[%dma_start3A_94, %dma_start3A_95] : memref<10240x64xf32, #tpu.memory_space<vmem_shared>> -> memref<10240x64xf32, #tpu.memory_space<vmem_shared>>
        tpu.enqueue_indirect_dma source(%arg11 : memref<128x64xf32, #tpu.memory_space<vmem>>) target(%dma_start3A_96 : memref<10240x64xf32, #tpu.memory_space<vmem_shared>>) offsets(%dma_start3A_93 : memref<128xi32, #tpu.memory_space<vmem>>) semaphore(%run_scoped3A : memref<!tpu.dma_semaphore, #tpu.memory_space<semaphore_mem>>) {add = true}
        %dma_wait3A_97 = arith.constant 0 : i32
        %dma_wait3A_98 = tpu.memref_slice %arg9[%add3A_76, %dma_wait3A_97] : memref<40x128xi32, #tpu.memory_space<vmem>> -> memref<1x128xi32, #tpu.memory_space<vmem>>
        %dma_wait3A_99 = tpu.memref_squeeze %dma_wait3A_98 : memref<1x128xi32, #tpu.memory_space<vmem>> -> memref<128xi32, #tpu.memory_space<vmem>>
        %dma_wait3A_100 = arith.constant 0 : i32
        %dma_wait3A_101 = arith.constant 0 : i32
        %dma_wait3A_102 = tpu.memref_slice %arg7[%dma_wait3A_100, %dma_wait3A_101] : memref<10240x64xf32, #tpu.memory_space<vmem_shared>> -> memref<10240x64xf32, #tpu.memory_space<vmem_shared>>
        tpu.wait_indirect_dma semaphore(%run_scoped3A : memref<!tpu.dma_semaphore, #tpu.memory_space<semaphore_mem>>) src(%arg11 : memref<128x64xf32, #tpu.memory_space<vmem>>) dst(%dma_wait3A_102 : memref<10240x64xf32, #tpu.memory_space<vmem_shared>>)
        tpu.yield
      }) : () -> ()
      %add3A_83 = arith.constant 2 : i32
      %add3A_84 = arith.addi %add3A_76, %add3A_83 : i32
      %lt3A_85 = arith.constant 40 : i32
      %lt3A_86 = arith.cmpi slt, %add3A_84, %lt3A_85 : i32
      %convert_element_type3A_87 = arith.extui %lt3A_86 : i1 to i32
      %cond3A_88 = arith.constant 0 : i32
      %cond3A_89 = arith.cmpi ne, %convert_element_type3A_87, %cond3A_88 : i32
      scf.if %cond3A_89 {
        %dma_start3A_91 = arith.constant 0 : i32
        %dma_start3A_92 = tpu.memref_slice %arg8[%add3A_84, %dma_start3A_91] : memref<40x128xi32, #tpu.memory_space<vmem>> -> memref<1x128xi32, #tpu.memory_space<vmem>>
        %dma_start3A_93 = tpu.memref_squeeze %dma_start3A_92 : memref<1x128xi32, #tpu.memory_space<vmem>> -> memref<128xi32, #tpu.memory_space<vmem>>
        %dma_start3A_94 = arith.constant 0 : i32
        %dma_start3A_95 = arith.constant 0 : i32
        %dma_start3A_96 = tpu.memref_slice %arg6[%dma_start3A_94, %dma_start3A_95] : memref<10240x64xf32, #tpu.memory_space<vmem_shared>> -> memref<10240x64xf32, #tpu.memory_space<vmem_shared>>
        tpu.enqueue_indirect_dma source(%dma_start3A_96 : memref<10240x64xf32, #tpu.memory_space<vmem_shared>>) target(%arg11 : memref<128x64xf32, #tpu.memory_space<vmem>>) offsets(%dma_start3A_93 : memref<128xi32, #tpu.memory_space<vmem>>) semaphore(%arg13 : memref<!tpu.dma_semaphore, #tpu.memory_space<semaphore_mem>>)
      } else {
      }
      %scan3A_90 = arith.constant 0 : i32
      scf.yield %scan3A_90 : i32
    }
    %scan3A_49 = arith.constant 20 : i32
    %barrier3A_50 = arith.constant 0 : index
    tpu.barrier barrier_id(%barrier3A_50)
    %scan3A_51 = arith.constant 0 : i32
    %scan3A_52 = arith.constant 0 : i32
    %scan3A_53 = arith.constant 5 : i32
    %scan3A_54 = arith.addi %scan3A_52, %scan3A_53 : i32
    %scan3A_55 = arith.constant 1 : i32
    %scan3A_56 = scf.for %scan3A_58 = %scan3A_52 to %scan3A_54 step %scan3A_55 iter_args(%scan3A_59 = %scan3A_51) -> (i32)  : i32 {
      %mul3A_60 = arith.constant 128 : i32
      %mul3A_61 = arith.muli %scan3A_58, %mul3A_60 : i32
      %add3A_62 = arith.addi %mul3A_2, %mul3A_61 : i32
      "tpu.region"() ({
        %run_scoped3A = tpu.sem_alloc : memref<!tpu.dma_semaphore, #tpu.memory_space<semaphore_mem>>
        %dma_start3A_64 = arith.constant 0 : i32
        %dma_start3A_65 = tpu.memref_slice %arg7[%add3A_62, %dma_start3A_64] : memref<10240x64xf32, #tpu.memory_space<vmem_shared>> -> memref<128x64xf32, #tpu.memory_space<vmem_shared>>
        %dma_start3A_66 = arith.constant 0 : i32
        %dma_start3A_67 = tpu.memref_slice %arg7[%add3A_62, %dma_start3A_66] : memref<10240x64xf32, #tpu.memory_space<vmem_shared>> -> memref<128x64xf32, #tpu.memory_space<vmem_shared>>
        tpu.enqueue_dma source(%dma_start3A_67 : memref<128x64xf32, #tpu.memory_space<vmem_shared>>) target(%arg10 : memref<128x64xf32, #tpu.memory_space<vmem>>) target_semaphore(%run_scoped3A : memref<!tpu.dma_semaphore, #tpu.memory_space<semaphore_mem>>)
        %dma_wait3A = arith.constant 0 : i32
        %dma_wait3A_68 = tpu.memref_slice %arg7[%add3A_62, %dma_wait3A] : memref<10240x64xf32, #tpu.memory_space<vmem_shared>> -> memref<128x64xf32, #tpu.memory_space<vmem_shared>>
        %dma_wait3A_69 = arith.constant 0 : i32
        %dma_wait3A_70 = tpu.memref_slice %arg7[%add3A_62, %dma_wait3A_69] : memref<10240x64xf32, #tpu.memory_space<vmem_shared>> -> memref<128x64xf32, #tpu.memory_space<vmem_shared>>
        tpu.wait_dma2 semaphore(%run_scoped3A : memref<!tpu.dma_semaphore, #tpu.memory_space<semaphore_mem>>) src(%dma_wait3A_70 : memref<128x64xf32, #tpu.memory_space<vmem_shared>>) dst(%arg10 : memref<128x64xf32, #tpu.memory_space<vmem>>)
        tpu.yield
      }) : () -> ()
      "tpu.region"() ({
        %run_scoped3A = tpu.sem_alloc : memref<!tpu.dma_semaphore, #tpu.memory_space<semaphore_mem>>
        %dma_start3A_64 = arith.constant 0 : i32
        %dma_start3A_65 = tpu.memref_slice %arg5[%arg0, %add3A_62, %dma_start3A_64] : memref<2x10240x128xf32, #tpu.memory_space<hbm>> -> memref<1x128x64xf32, #tpu.memory_space<hbm>>
        %dma_start3A_66 = tpu.memref_squeeze %dma_start3A_65 : memref<1x128x64xf32, #tpu.memory_space<hbm>> -> memref<128x64xf32, #tpu.memory_space<hbm>>
        %dma_start3A_67 = arith.constant 0 : i32
        %dma_start3A_68 = tpu.memref_slice %arg5[%arg0, %add3A_62, %dma_start3A_67] : memref<2x10240x128xf32, #tpu.memory_space<hbm>> -> memref<1x128x64xf32, #tpu.memory_space<hbm>>
        %dma_start3A_69 = tpu.memref_squeeze %dma_start3A_68 : memref<1x128x64xf32, #tpu.memory_space<hbm>> -> memref<128x64xf32, #tpu.memory_space<hbm>>
        tpu.enqueue_dma source(%arg10 : memref<128x64xf32, #tpu.memory_space<vmem>>) target(%dma_start3A_69 : memref<128x64xf32, #tpu.memory_space<hbm>>) target_semaphore(%run_scoped3A : memref<!tpu.dma_semaphore, #tpu.memory_space<semaphore_mem>>)
        %dma_wait3A = arith.constant 0 : i32
        %dma_wait3A_70 = tpu.memref_slice %arg5[%arg0, %add3A_62, %dma_wait3A] : memref<2x10240x128xf32, #tpu.memory_space<hbm>> -> memref<1x128x64xf32, #tpu.memory_space<hbm>>
        %dma_wait3A_71 = tpu.memref_squeeze %dma_wait3A_70 : memref<1x128x64xf32, #tpu.memory_space<hbm>> -> memref<128x64xf32, #tpu.memory_space<hbm>>
        %dma_wait3A_72 = arith.constant 0 : i32
        %dma_wait3A_73 = tpu.memref_slice %arg5[%arg0, %add3A_62, %dma_wait3A_72] : memref<2x10240x128xf32, #tpu.memory_space<hbm>> -> memref<1x128x64xf32, #tpu.memory_space<hbm>>
        %dma_wait3A_74 = tpu.memref_squeeze %dma_wait3A_73 : memref<1x128x64xf32, #tpu.memory_space<hbm>> -> memref<128x64xf32, #tpu.memory_space<hbm>>
        tpu.wait_dma2 semaphore(%run_scoped3A : memref<!tpu.dma_semaphore, #tpu.memory_space<semaphore_mem>>) src(%arg10 : memref<128x64xf32, #tpu.memory_space<vmem>>) dst(%dma_wait3A_74 : memref<128x64xf32, #tpu.memory_space<hbm>>)
        tpu.yield
      }) : () -> ()
      %scan3A_63 = arith.constant 0 : i32
      scf.yield %scan3A_63 : i32
    }
    %scan3A_57 = arith.constant 5 : i32
    return
  }
}

#map = affine_map<(d0, d1) -> (0, 0)>
#map1 = affine_map<(d0, d1) -> (0, 0, 0)>
module attributes {stable_mosaic.version = 14 : i64} {
  func.func @agg_k(%arg0: i32, %arg1: i32, %arg2: memref<10240x128xf32, #tpu.memory_space<hbm>>, %arg3: memref<32x80x128xi32, #tpu.memory_space<hbm>>, %arg4: memref<32x80x128xi32, #tpu.memory_space<hbm>>, %arg5: memref<2x10240x128xf32, #tpu.memory_space<hbm>>, %arg6: memref<10240x64xf32, #tpu.memory_space<vmem_shared>>, %arg7: memref<10240x64xf32, #tpu.memory_space<vmem_shared>>, %arg8: memref<40x128xi32, #tpu.memory_space<vmem>>, %arg9: memref<40x128xi32, #tpu.memory_space<vmem>>, %arg10: memref<128x64xf32, #tpu.memory_space<vmem>>, %arg11: memref<128x64xf32, #tpu.memory_space<vmem>>, %arg12: memref<!tpu.dma_semaphore, #tpu.memory_space<semaphore_mem>>, %arg13: memref<!tpu.dma_semaphore, #tpu.memory_space<semaphore_mem>>) attributes {dimension_semantics = [#tpu.dimension_semantics<core_parallel>, #tpu.dimension_semantics<subcore_parallel>], iteration_bounds = array<i64: 2, 16>, scalar_prefetch = 0 : i64, scratch_operands = 8 : i64, tpu.core_type = #tpu.core_type<sc_vector_subcore>, window_params = [{transform_indices = #map}, {transform_indices = #map1}, {transform_indices = #map1}, {transform_indices = #map1}]} {
    %mul3A = arith.constant 2 : i32
    %mul3A_0 = arith.muli %arg1, %mul3A : i32
    %add3A = arith.addi %mul3A_0, %arg0 : i32
    %mul3A_1 = arith.constant 640 : i32
    %mul3A_2 = arith.muli %arg1, %mul3A_1 : i32
    %scan3A = arith.constant 0 : i32
    %scan3A_3 = arith.constant 0 : i32
    %scan3A_4 = arith.constant 5 : i32
    %scan3A_5 = arith.addi %scan3A_3, %scan3A_4 : i32
    %scan3A_6 = arith.constant 1 : i32
    %scan3A_7 = scf.for %scan3A_116 = %scan3A_3 to %scan3A_5 step %scan3A_6 iter_args(%scan3A_117 = %scan3A) -> (i32)  : i32 {
      %mul3A_118 = arith.constant 128 : i32
      %mul3A_119 = arith.muli %scan3A_116, %mul3A_118 : i32
      %add3A_120 = arith.addi %mul3A_2, %mul3A_119 : i32
      "tpu.region"() ({
        %run_scoped3A = tpu.sem_alloc : memref<!tpu.dma_semaphore, #tpu.memory_space<semaphore_mem>>
        %dma_start3A_122 = arith.constant 0 : i32
        %dma_start3A_123 = tpu.memref_slice %arg2[%add3A_120, %dma_start3A_122] : memref<10240x128xf32, #tpu.memory_space<hbm>> -> memref<128x64xf32, #tpu.memory_space<hbm>>
        %dma_start3A_124 = arith.constant 0 : i32
        %dma_start3A_125 = tpu.memref_slice %arg2[%add3A_120, %dma_start3A_124] : memref<10240x128xf32, #tpu.memory_space<hbm>> -> memref<128x64xf32, #tpu.memory_space<hbm>>
        tpu.enqueue_dma source(%dma_start3A_125 : memref<128x64xf32, #tpu.memory_space<hbm>>) target(%arg10 : memref<128x64xf32, #tpu.memory_space<vmem>>) target_semaphore(%run_scoped3A : memref<!tpu.dma_semaphore, #tpu.memory_space<semaphore_mem>>)
        %dma_wait3A = arith.constant 0 : i32
        %dma_wait3A_126 = tpu.memref_slice %arg2[%add3A_120, %dma_wait3A] : memref<10240x128xf32, #tpu.memory_space<hbm>> -> memref<128x64xf32, #tpu.memory_space<hbm>>
        %dma_wait3A_127 = arith.constant 0 : i32
        %dma_wait3A_128 = tpu.memref_slice %arg2[%add3A_120, %dma_wait3A_127] : memref<10240x128xf32, #tpu.memory_space<hbm>> -> memref<128x64xf32, #tpu.memory_space<hbm>>
        tpu.wait_dma2 semaphore(%run_scoped3A : memref<!tpu.dma_semaphore, #tpu.memory_space<semaphore_mem>>) src(%dma_wait3A_128 : memref<128x64xf32, #tpu.memory_space<hbm>>) dst(%arg10 : memref<128x64xf32, #tpu.memory_space<vmem>>)
        tpu.yield
      }) : () -> ()
      "tpu.region"() ({
        %run_scoped3A = tpu.sem_alloc : memref<!tpu.dma_semaphore, #tpu.memory_space<semaphore_mem>>
        %dma_start3A_122 = arith.constant 0 : i32
        %dma_start3A_123 = tpu.memref_slice %arg6[%add3A_120, %dma_start3A_122] : memref<10240x64xf32, #tpu.memory_space<vmem_shared>> -> memref<128x64xf32, #tpu.memory_space<vmem_shared>>
        %dma_start3A_124 = arith.constant 0 : i32
        %dma_start3A_125 = tpu.memref_slice %arg6[%add3A_120, %dma_start3A_124] : memref<10240x64xf32, #tpu.memory_space<vmem_shared>> -> memref<128x64xf32, #tpu.memory_space<vmem_shared>>
        tpu.enqueue_dma source(%arg10 : memref<128x64xf32, #tpu.memory_space<vmem>>) target(%dma_start3A_125 : memref<128x64xf32, #tpu.memory_space<vmem_shared>>) target_semaphore(%run_scoped3A : memref<!tpu.dma_semaphore, #tpu.memory_space<semaphore_mem>>)
        %dma_wait3A = arith.constant 0 : i32
        %dma_wait3A_126 = tpu.memref_slice %arg6[%add3A_120, %dma_wait3A] : memref<10240x64xf32, #tpu.memory_space<vmem_shared>> -> memref<128x64xf32, #tpu.memory_space<vmem_shared>>
        %dma_wait3A_127 = arith.constant 0 : i32
        %dma_wait3A_128 = tpu.memref_slice %arg6[%add3A_120, %dma_wait3A_127] : memref<10240x64xf32, #tpu.memory_space<vmem_shared>> -> memref<128x64xf32, #tpu.memory_space<vmem_shared>>
        tpu.wait_dma2 semaphore(%run_scoped3A : memref<!tpu.dma_semaphore, #tpu.memory_space<semaphore_mem>>) src(%arg10 : memref<128x64xf32, #tpu.memory_space<vmem>>) dst(%dma_wait3A_128 : memref<128x64xf32, #tpu.memory_space<vmem_shared>>)
        tpu.yield
      }) : () -> ()
      "tpu.region"() ({
        %run_scoped3A = tpu.sem_alloc : memref<!tpu.dma_semaphore, #tpu.memory_space<semaphore_mem>>
        %dma_start3A_122 = arith.constant 0 : i32
        %dma_start3A_123 = tpu.memref_slice %arg7[%add3A_120, %dma_start3A_122] : memref<10240x64xf32, #tpu.memory_space<vmem_shared>> -> memref<128x64xf32, #tpu.memory_space<vmem_shared>>
        %dma_start3A_124 = arith.constant 0 : i32
        %dma_start3A_125 = tpu.memref_slice %arg7[%add3A_120, %dma_start3A_124] : memref<10240x64xf32, #tpu.memory_space<vmem_shared>> -> memref<128x64xf32, #tpu.memory_space<vmem_shared>>
        tpu.enqueue_dma source(%arg10 : memref<128x64xf32, #tpu.memory_space<vmem>>) target(%dma_start3A_125 : memref<128x64xf32, #tpu.memory_space<vmem_shared>>) target_semaphore(%run_scoped3A : memref<!tpu.dma_semaphore, #tpu.memory_space<semaphore_mem>>)
        %dma_wait3A = arith.constant 0 : i32
        %dma_wait3A_126 = tpu.memref_slice %arg7[%add3A_120, %dma_wait3A] : memref<10240x64xf32, #tpu.memory_space<vmem_shared>> -> memref<128x64xf32, #tpu.memory_space<vmem_shared>>
        %dma_wait3A_127 = arith.constant 0 : i32
        %dma_wait3A_128 = tpu.memref_slice %arg7[%add3A_120, %dma_wait3A_127] : memref<10240x64xf32, #tpu.memory_space<vmem_shared>> -> memref<128x64xf32, #tpu.memory_space<vmem_shared>>
        tpu.wait_dma2 semaphore(%run_scoped3A : memref<!tpu.dma_semaphore, #tpu.memory_space<semaphore_mem>>) src(%arg10 : memref<128x64xf32, #tpu.memory_space<vmem>>) dst(%dma_wait3A_128 : memref<128x64xf32, #tpu.memory_space<vmem_shared>>)
        tpu.yield
      }) : () -> ()
      %scan3A_121 = arith.constant 0 : i32
      scf.yield %scan3A_121 : i32
    }
    %scan3A_8 = arith.constant 5 : i32
    %barrier3A = arith.constant 0 : index
    tpu.barrier barrier_id(%barrier3A)
    "tpu.region"() ({
      %run_scoped3A = tpu.sem_alloc : memref<!tpu.dma_semaphore, #tpu.memory_space<semaphore_mem>>
      %dma_start3A_116 = arith.constant 0 : i32
      %dma_start3A_117 = arith.constant 0 : i32
      %dma_start3A_118 = tpu.memref_slice %arg3[%add3A, %dma_start3A_116, %dma_start3A_117] : memref<32x80x128xi32, #tpu.memory_space<hbm>> -> memref<1x40x128xi32, #tpu.memory_space<hbm>>
      %dma_start3A_119 = tpu.memref_squeeze %dma_start3A_118 : memref<1x40x128xi32, #tpu.memory_space<hbm>> -> memref<40x128xi32, #tpu.memory_space<hbm>>
      %dma_start3A_120 = arith.constant 0 : i32
      %dma_start3A_121 = arith.constant 0 : i32
      %dma_start3A_122 = tpu.memref_slice %arg3[%add3A, %dma_start3A_120, %dma_start3A_121] : memref<32x80x128xi32, #tpu.memory_space<hbm>> -> memref<1x40x128xi32, #tpu.memory_space<hbm>>
      %dma_start3A_123 = tpu.memref_squeeze %dma_start3A_122 : memref<1x40x128xi32, #tpu.memory_space<hbm>> -> memref<40x128xi32, #tpu.memory_space<hbm>>
      tpu.enqueue_dma source(%dma_start3A_123 : memref<40x128xi32, #tpu.memory_space<hbm>>) target(%arg8 : memref<40x128xi32, #tpu.memory_space<vmem>>) target_semaphore(%run_scoped3A : memref<!tpu.dma_semaphore, #tpu.memory_space<semaphore_mem>>)
      %dma_wait3A = arith.constant 0 : i32
      %dma_wait3A_124 = arith.constant 0 : i32
      %dma_wait3A_125 = tpu.memref_slice %arg3[%add3A, %dma_wait3A, %dma_wait3A_124] : memref<32x80x128xi32, #tpu.memory_space<hbm>> -> memref<1x40x128xi32, #tpu.memory_space<hbm>>
      %dma_wait3A_126 = tpu.memref_squeeze %dma_wait3A_125 : memref<1x40x128xi32, #tpu.memory_space<hbm>> -> memref<40x128xi32, #tpu.memory_space<hbm>>
      %dma_wait3A_127 = arith.constant 0 : i32
      %dma_wait3A_128 = arith.constant 0 : i32
      %dma_wait3A_129 = tpu.memref_slice %arg3[%add3A, %dma_wait3A_127, %dma_wait3A_128] : memref<32x80x128xi32, #tpu.memory_space<hbm>> -> memref<1x40x128xi32, #tpu.memory_space<hbm>>
      %dma_wait3A_130 = tpu.memref_squeeze %dma_wait3A_129 : memref<1x40x128xi32, #tpu.memory_space<hbm>> -> memref<40x128xi32, #tpu.memory_space<hbm>>
      tpu.wait_dma2 semaphore(%run_scoped3A : memref<!tpu.dma_semaphore, #tpu.memory_space<semaphore_mem>>) src(%dma_wait3A_130 : memref<40x128xi32, #tpu.memory_space<hbm>>) dst(%arg8 : memref<40x128xi32, #tpu.memory_space<vmem>>)
      tpu.yield
    }) : () -> ()
    "tpu.region"() ({
      %run_scoped3A = tpu.sem_alloc : memref<!tpu.dma_semaphore, #tpu.memory_space<semaphore_mem>>
      %dma_start3A_116 = arith.constant 0 : i32
      %dma_start3A_117 = arith.constant 0 : i32
      %dma_start3A_118 = tpu.memref_slice %arg4[%add3A, %dma_start3A_116, %dma_start3A_117] : memref<32x80x128xi32, #tpu.memory_space<hbm>> -> memref<1x40x128xi32, #tpu.memory_space<hbm>>
      %dma_start3A_119 = tpu.memref_squeeze %dma_start3A_118 : memref<1x40x128xi32, #tpu.memory_space<hbm>> -> memref<40x128xi32, #tpu.memory_space<hbm>>
      %dma_start3A_120 = arith.constant 0 : i32
      %dma_start3A_121 = arith.constant 0 : i32
      %dma_start3A_122 = tpu.memref_slice %arg4[%add3A, %dma_start3A_120, %dma_start3A_121] : memref<32x80x128xi32, #tpu.memory_space<hbm>> -> memref<1x40x128xi32, #tpu.memory_space<hbm>>
      %dma_start3A_123 = tpu.memref_squeeze %dma_start3A_122 : memref<1x40x128xi32, #tpu.memory_space<hbm>> -> memref<40x128xi32, #tpu.memory_space<hbm>>
      tpu.enqueue_dma source(%dma_start3A_123 : memref<40x128xi32, #tpu.memory_space<hbm>>) target(%arg9 : memref<40x128xi32, #tpu.memory_space<vmem>>) target_semaphore(%run_scoped3A : memref<!tpu.dma_semaphore, #tpu.memory_space<semaphore_mem>>)
      %dma_wait3A = arith.constant 0 : i32
      %dma_wait3A_124 = arith.constant 0 : i32
      %dma_wait3A_125 = tpu.memref_slice %arg4[%add3A, %dma_wait3A, %dma_wait3A_124] : memref<32x80x128xi32, #tpu.memory_space<hbm>> -> memref<1x40x128xi32, #tpu.memory_space<hbm>>
      %dma_wait3A_126 = tpu.memref_squeeze %dma_wait3A_125 : memref<1x40x128xi32, #tpu.memory_space<hbm>> -> memref<40x128xi32, #tpu.memory_space<hbm>>
      %dma_wait3A_127 = arith.constant 0 : i32
      %dma_wait3A_128 = arith.constant 0 : i32
      %dma_wait3A_129 = tpu.memref_slice %arg4[%add3A, %dma_wait3A_127, %dma_wait3A_128] : memref<32x80x128xi32, #tpu.memory_space<hbm>> -> memref<1x40x128xi32, #tpu.memory_space<hbm>>
      %dma_wait3A_130 = tpu.memref_squeeze %dma_wait3A_129 : memref<1x40x128xi32, #tpu.memory_space<hbm>> -> memref<40x128xi32, #tpu.memory_space<hbm>>
      tpu.wait_dma2 semaphore(%run_scoped3A : memref<!tpu.dma_semaphore, #tpu.memory_space<semaphore_mem>>) src(%dma_wait3A_130 : memref<40x128xi32, #tpu.memory_space<hbm>>) dst(%arg9 : memref<40x128xi32, #tpu.memory_space<vmem>>)
      tpu.yield
    }) : () -> ()
    %dma_start3A = arith.constant 0 : i32
    %dma_start3A_9 = arith.constant 0 : i32
    %dma_start3A_10 = tpu.memref_slice %arg8[%dma_start3A, %dma_start3A_9] : memref<40x128xi32, #tpu.memory_space<vmem>> -> memref<1x128xi32, #tpu.memory_space<vmem>>
    %dma_start3A_11 = tpu.memref_squeeze %dma_start3A_10 : memref<1x128xi32, #tpu.memory_space<vmem>> -> memref<128xi32, #tpu.memory_space<vmem>>
    %dma_start3A_12 = arith.constant 0 : i32
    %dma_start3A_13 = arith.constant 0 : i32
    %dma_start3A_14 = tpu.memref_slice %arg6[%dma_start3A_12, %dma_start3A_13] : memref<10240x64xf32, #tpu.memory_space<vmem_shared>> -> memref<10240x64xf32, #tpu.memory_space<vmem_shared>>
    tpu.enqueue_indirect_dma source(%dma_start3A_14 : memref<10240x64xf32, #tpu.memory_space<vmem_shared>>) target(%arg10 : memref<128x64xf32, #tpu.memory_space<vmem>>) offsets(%dma_start3A_11 : memref<128xi32, #tpu.memory_space<vmem>>) semaphore(%arg12 : memref<!tpu.dma_semaphore, #tpu.memory_space<semaphore_mem>>)
    %dma_start3A_15 = arith.constant 1 : i32
    %dma_start3A_16 = arith.constant 0 : i32
    %dma_start3A_17 = tpu.memref_slice %arg8[%dma_start3A_15, %dma_start3A_16] : memref<40x128xi32, #tpu.memory_space<vmem>> -> memref<1x128xi32, #tpu.memory_space<vmem>>
    %dma_start3A_18 = tpu.memref_squeeze %dma_start3A_17 : memref<1x128xi32, #tpu.memory_space<vmem>> -> memref<128xi32, #tpu.memory_space<vmem>>
    %dma_start3A_19 = arith.constant 0 : i32
    %dma_start3A_20 = arith.constant 0 : i32
    %dma_start3A_21 = tpu.memref_slice %arg6[%dma_start3A_19, %dma_start3A_20] : memref<10240x64xf32, #tpu.memory_space<vmem_shared>> -> memref<10240x64xf32, #tpu.memory_space<vmem_shared>>
    tpu.enqueue_indirect_dma source(%dma_start3A_21 : memref<10240x64xf32, #tpu.memory_space<vmem_shared>>) target(%arg11 : memref<128x64xf32, #tpu.memory_space<vmem>>) offsets(%dma_start3A_18 : memref<128xi32, #tpu.memory_space<vmem>>) semaphore(%arg13 : memref<!tpu.dma_semaphore, #tpu.memory_space<semaphore_mem>>)
    %scan3A_22 = arith.constant 0 : i32
    %scan3A_23 = arith.constant 0 : i32
    %scan3A_24 = arith.constant 20 : i32
    %scan3A_25 = arith.addi %scan3A_23, %scan3A_24 : i32
    %scan3A_26 = arith.constant 1 : i32
    %scan3A_27 = scf.for %scan3A_116 = %scan3A_23 to %scan3A_25 step %scan3A_26 iter_args(%scan3A_117 = %scan3A_22) -> (i32)  : i32 {
      %mul3A_118 = arith.constant 2 : i32
      %mul3A_119 = arith.muli %scan3A_116, %mul3A_118 : i32
      %add3A_120 = arith.constant 0 : i32
      %add3A_121 = arith.addi %mul3A_119, %add3A_120 : i32
      %dma_wait3A = arith.constant 0 : i32
      %dma_wait3A_122 = tpu.memref_slice %arg8[%add3A_121, %dma_wait3A] : memref<40x128xi32, #tpu.memory_space<vmem>> -> memref<1x128xi32, #tpu.memory_space<vmem>>
      %dma_wait3A_123 = tpu.memref_squeeze %dma_wait3A_122 : memref<1x128xi32, #tpu.memory_space<vmem>> -> memref<128xi32, #tpu.memory_space<vmem>>
      %dma_wait3A_124 = arith.constant 0 : i32
      %dma_wait3A_125 = arith.constant 0 : i32
      %dma_wait3A_126 = tpu.memref_slice %arg6[%dma_wait3A_124, %dma_wait3A_125] : memref<10240x64xf32, #tpu.memory_space<vmem_shared>> -> memref<10240x64xf32, #tpu.memory_space<vmem_shared>>
      tpu.wait_indirect_dma semaphore(%arg12 : memref<!tpu.dma_semaphore, #tpu.memory_space<semaphore_mem>>) src(%dma_wait3A_126 : memref<10240x64xf32, #tpu.memory_space<vmem_shared>>) dst(%arg10 : memref<128x64xf32, #tpu.memory_space<vmem>>)
      "tpu.region"() ({
        %run_scoped3A = tpu.sem_alloc : memref<!tpu.dma_semaphore, #tpu.memory_space<semaphore_mem>>
        %dma_start3A_149 = arith.constant 0 : i32
        %dma_start3A_150 = tpu.memref_slice %arg9[%add3A_121, %dma_start3A_149] : memref<40x128xi32, #tpu.memory_space<vmem>> -> memref<1x128xi32, #tpu.memory_space<vmem>>
        %dma_start3A_151 = tpu.memref_squeeze %dma_start3A_150 : memref<1x128xi32, #tpu.memory_space<vmem>> -> memref<128xi32, #tpu.memory_space<vmem>>
        %dma_start3A_152 = arith.constant 0 : i32
        %dma_start3A_153 = arith.constant 0 : i32
        %dma_start3A_154 = tpu.memref_slice %arg7[%dma_start3A_152, %dma_start3A_153] : memref<10240x64xf32, #tpu.memory_space<vmem_shared>> -> memref<10240x64xf32, #tpu.memory_space<vmem_shared>>
        tpu.enqueue_indirect_dma source(%arg10 : memref<128x64xf32, #tpu.memory_space<vmem>>) target(%dma_start3A_154 : memref<10240x64xf32, #tpu.memory_space<vmem_shared>>) offsets(%dma_start3A_151 : memref<128xi32, #tpu.memory_space<vmem>>) semaphore(%run_scoped3A : memref<!tpu.dma_semaphore, #tpu.memory_space<semaphore_mem>>) {add = true}
        %dma_wait3A_155 = arith.constant 0 : i32
        %dma_wait3A_156 = tpu.memref_slice %arg9[%add3A_121, %dma_wait3A_155] : memref<40x128xi32, #tpu.memory_space<vmem>> -> memref<1x128xi32, #tpu.memory_space<vmem>>
        %dma_wait3A_157 = tpu.memref_squeeze %dma_wait3A_156 : memref<1x128xi32, #tpu.memory_space<vmem>> -> memref<128xi32, #tpu.memory_space<vmem>>
        %dma_wait3A_158 = arith.constant 0 : i32
        %dma_wait3A_159 = arith.constant 0 : i32
        %dma_wait3A_160 = tpu.memref_slice %arg7[%dma_wait3A_158, %dma_wait3A_159] : memref<10240x64xf32, #tpu.memory_space<vmem_shared>> -> memref<10240x64xf32, #tpu.memory_space<vmem_shared>>
        tpu.wait_indirect_dma semaphore(%run_scoped3A : memref<!tpu.dma_semaphore, #tpu.memory_space<semaphore_mem>>) src(%arg10 : memref<128x64xf32, #tpu.memory_space<vmem>>) dst(%dma_wait3A_160 : memref<10240x64xf32, #tpu.memory_space<vmem_shared>>)
        tpu.yield
      }) : () -> ()
      %add3A_127 = arith.constant 2 : i32
      %add3A_128 = arith.addi %add3A_121, %add3A_127 : i32
      %lt3A = arith.constant 40 : i32
      %lt3A_129 = arith.cmpi slt, %add3A_128, %lt3A : i32
      %convert_element_type3A = arith.extui %lt3A_129 : i1 to i32
      %cond3A = arith.constant 0 : i32
      %cond3A_130 = arith.cmpi ne, %convert_element_type3A, %cond3A : i32
      scf.if %cond3A_130 {
        %dma_start3A_149 = arith.constant 0 : i32
        %dma_start3A_150 = tpu.memref_slice %arg8[%add3A_128, %dma_start3A_149] : memref<40x128xi32, #tpu.memory_space<vmem>> -> memref<1x128xi32, #tpu.memory_space<vmem>>
        %dma_start3A_151 = tpu.memref_squeeze %dma_start3A_150 : memref<1x128xi32, #tpu.memory_space<vmem>> -> memref<128xi32, #tpu.memory_space<vmem>>
        %dma_start3A_152 = arith.constant 0 : i32
        %dma_start3A_153 = arith.constant 0 : i32
        %dma_start3A_154 = tpu.memref_slice %arg6[%dma_start3A_152, %dma_start3A_153] : memref<10240x64xf32, #tpu.memory_space<vmem_shared>> -> memref<10240x64xf32, #tpu.memory_space<vmem_shared>>
        tpu.enqueue_indirect_dma source(%dma_start3A_154 : memref<10240x64xf32, #tpu.memory_space<vmem_shared>>) target(%arg10 : memref<128x64xf32, #tpu.memory_space<vmem>>) offsets(%dma_start3A_151 : memref<128xi32, #tpu.memory_space<vmem>>) semaphore(%arg12 : memref<!tpu.dma_semaphore, #tpu.memory_space<semaphore_mem>>)
      } else {
      }
      %mul3A_131 = arith.constant 2 : i32
      %mul3A_132 = arith.muli %scan3A_116, %mul3A_131 : i32
      %add3A_133 = arith.constant 1 : i32
      %add3A_134 = arith.addi %mul3A_132, %add3A_133 : i32
      %dma_wait3A_135 = arith.constant 0 : i32
      %dma_wait3A_136 = tpu.memref_slice %arg8[%add3A_134, %dma_wait3A_135] : memref<40x128xi32, #tpu.memory_space<vmem>> -> memref<1x128xi32, #tpu.memory_space<vmem>>
      %dma_wait3A_137 = tpu.memref_squeeze %dma_wait3A_136 : memref<1x128xi32, #tpu.memory_space<vmem>> -> memref<128xi32, #tpu.memory_space<vmem>>
      %dma_wait3A_138 = arith.constant 0 : i32
      %dma_wait3A_139 = arith.constant 0 : i32
      %dma_wait3A_140 = tpu.memref_slice %arg6[%dma_wait3A_138, %dma_wait3A_139] : memref<10240x64xf32, #tpu.memory_space<vmem_shared>> -> memref<10240x64xf32, #tpu.memory_space<vmem_shared>>
      tpu.wait_indirect_dma semaphore(%arg13 : memref<!tpu.dma_semaphore, #tpu.memory_space<semaphore_mem>>) src(%dma_wait3A_140 : memref<10240x64xf32, #tpu.memory_space<vmem_shared>>) dst(%arg11 : memref<128x64xf32, #tpu.memory_space<vmem>>)
      "tpu.region"() ({
        %run_scoped3A = tpu.sem_alloc : memref<!tpu.dma_semaphore, #tpu.memory_space<semaphore_mem>>
        %dma_start3A_149 = arith.constant 0 : i32
        %dma_start3A_150 = tpu.memref_slice %arg9[%add3A_134, %dma_start3A_149] : memref<40x128xi32, #tpu.memory_space<vmem>> -> memref<1x128xi32, #tpu.memory_space<vmem>>
        %dma_start3A_151 = tpu.memref_squeeze %dma_start3A_150 : memref<1x128xi32, #tpu.memory_space<vmem>> -> memref<128xi32, #tpu.memory_space<vmem>>
        %dma_start3A_152 = arith.constant 0 : i32
        %dma_start3A_153 = arith.constant 0 : i32
        %dma_start3A_154 = tpu.memref_slice %arg7[%dma_start3A_152, %dma_start3A_153] : memref<10240x64xf32, #tpu.memory_space<vmem_shared>> -> memref<10240x64xf32, #tpu.memory_space<vmem_shared>>
        tpu.enqueue_indirect_dma source(%arg11 : memref<128x64xf32, #tpu.memory_space<vmem>>) target(%dma_start3A_154 : memref<10240x64xf32, #tpu.memory_space<vmem_shared>>) offsets(%dma_start3A_151 : memref<128xi32, #tpu.memory_space<vmem>>) semaphore(%run_scoped3A : memref<!tpu.dma_semaphore, #tpu.memory_space<semaphore_mem>>) {add = true}
        %dma_wait3A_155 = arith.constant 0 : i32
        %dma_wait3A_156 = tpu.memref_slice %arg9[%add3A_134, %dma_wait3A_155] : memref<40x128xi32, #tpu.memory_space<vmem>> -> memref<1x128xi32, #tpu.memory_space<vmem>>
        %dma_wait3A_157 = tpu.memref_squeeze %dma_wait3A_156 : memref<1x128xi32, #tpu.memory_space<vmem>> -> memref<128xi32, #tpu.memory_space<vmem>>
        %dma_wait3A_158 = arith.constant 0 : i32
        %dma_wait3A_159 = arith.constant 0 : i32
        %dma_wait3A_160 = tpu.memref_slice %arg7[%dma_wait3A_158, %dma_wait3A_159] : memref<10240x64xf32, #tpu.memory_space<vmem_shared>> -> memref<10240x64xf32, #tpu.memory_space<vmem_shared>>
        tpu.wait_indirect_dma semaphore(%run_scoped3A : memref<!tpu.dma_semaphore, #tpu.memory_space<semaphore_mem>>) src(%arg11 : memref<128x64xf32, #tpu.memory_space<vmem>>) dst(%dma_wait3A_160 : memref<10240x64xf32, #tpu.memory_space<vmem_shared>>)
        tpu.yield
      }) : () -> ()
      %add3A_141 = arith.constant 2 : i32
      %add3A_142 = arith.addi %add3A_134, %add3A_141 : i32
      %lt3A_143 = arith.constant 40 : i32
      %lt3A_144 = arith.cmpi slt, %add3A_142, %lt3A_143 : i32
      %convert_element_type3A_145 = arith.extui %lt3A_144 : i1 to i32
      %cond3A_146 = arith.constant 0 : i32
      %cond3A_147 = arith.cmpi ne, %convert_element_type3A_145, %cond3A_146 : i32
      scf.if %cond3A_147 {
        %dma_start3A_149 = arith.constant 0 : i32
        %dma_start3A_150 = tpu.memref_slice %arg8[%add3A_142, %dma_start3A_149] : memref<40x128xi32, #tpu.memory_space<vmem>> -> memref<1x128xi32, #tpu.memory_space<vmem>>
        %dma_start3A_151 = tpu.memref_squeeze %dma_start3A_150 : memref<1x128xi32, #tpu.memory_space<vmem>> -> memref<128xi32, #tpu.memory_space<vmem>>
        %dma_start3A_152 = arith.constant 0 : i32
        %dma_start3A_153 = arith.constant 0 : i32
        %dma_start3A_154 = tpu.memref_slice %arg6[%dma_start3A_152, %dma_start3A_153] : memref<10240x64xf32, #tpu.memory_space<vmem_shared>> -> memref<10240x64xf32, #tpu.memory_space<vmem_shared>>
        tpu.enqueue_indirect_dma source(%dma_start3A_154 : memref<10240x64xf32, #tpu.memory_space<vmem_shared>>) target(%arg11 : memref<128x64xf32, #tpu.memory_space<vmem>>) offsets(%dma_start3A_151 : memref<128xi32, #tpu.memory_space<vmem>>) semaphore(%arg13 : memref<!tpu.dma_semaphore, #tpu.memory_space<semaphore_mem>>)
      } else {
      }
      %scan3A_148 = arith.constant 0 : i32
      scf.yield %scan3A_148 : i32
    }
    %scan3A_28 = arith.constant 20 : i32
    "tpu.region"() ({
      %run_scoped3A = tpu.sem_alloc : memref<!tpu.dma_semaphore, #tpu.memory_space<semaphore_mem>>
      %dma_start3A_116 = arith.constant 40 : i32
      %dma_start3A_117 = arith.constant 0 : i32
      %dma_start3A_118 = tpu.memref_slice %arg3[%add3A, %dma_start3A_116, %dma_start3A_117] : memref<32x80x128xi32, #tpu.memory_space<hbm>> -> memref<1x40x128xi32, #tpu.memory_space<hbm>>
      %dma_start3A_119 = tpu.memref_squeeze %dma_start3A_118 : memref<1x40x128xi32, #tpu.memory_space<hbm>> -> memref<40x128xi32, #tpu.memory_space<hbm>>
      %dma_start3A_120 = arith.constant 40 : i32
      %dma_start3A_121 = arith.constant 0 : i32
      %dma_start3A_122 = tpu.memref_slice %arg3[%add3A, %dma_start3A_120, %dma_start3A_121] : memref<32x80x128xi32, #tpu.memory_space<hbm>> -> memref<1x40x128xi32, #tpu.memory_space<hbm>>
      %dma_start3A_123 = tpu.memref_squeeze %dma_start3A_122 : memref<1x40x128xi32, #tpu.memory_space<hbm>> -> memref<40x128xi32, #tpu.memory_space<hbm>>
      tpu.enqueue_dma source(%dma_start3A_123 : memref<40x128xi32, #tpu.memory_space<hbm>>) target(%arg8 : memref<40x128xi32, #tpu.memory_space<vmem>>) target_semaphore(%run_scoped3A : memref<!tpu.dma_semaphore, #tpu.memory_space<semaphore_mem>>)
      %dma_wait3A = arith.constant 40 : i32
      %dma_wait3A_124 = arith.constant 0 : i32
      %dma_wait3A_125 = tpu.memref_slice %arg3[%add3A, %dma_wait3A, %dma_wait3A_124] : memref<32x80x128xi32, #tpu.memory_space<hbm>> -> memref<1x40x128xi32, #tpu.memory_space<hbm>>
      %dma_wait3A_126 = tpu.memref_squeeze %dma_wait3A_125 : memref<1x40x128xi32, #tpu.memory_space<hbm>> -> memref<40x128xi32, #tpu.memory_space<hbm>>
      %dma_wait3A_127 = arith.constant 40 : i32
      %dma_wait3A_128 = arith.constant 0 : i32
      %dma_wait3A_129 = tpu.memref_slice %arg3[%add3A, %dma_wait3A_127, %dma_wait3A_128] : memref<32x80x128xi32, #tpu.memory_space<hbm>> -> memref<1x40x128xi32, #tpu.memory_space<hbm>>
      %dma_wait3A_130 = tpu.memref_squeeze %dma_wait3A_129 : memref<1x40x128xi32, #tpu.memory_space<hbm>> -> memref<40x128xi32, #tpu.memory_space<hbm>>
      tpu.wait_dma2 semaphore(%run_scoped3A : memref<!tpu.dma_semaphore, #tpu.memory_space<semaphore_mem>>) src(%dma_wait3A_130 : memref<40x128xi32, #tpu.memory_space<hbm>>) dst(%arg8 : memref<40x128xi32, #tpu.memory_space<vmem>>)
      tpu.yield
    }) : () -> ()
    "tpu.region"() ({
      %run_scoped3A = tpu.sem_alloc : memref<!tpu.dma_semaphore, #tpu.memory_space<semaphore_mem>>
      %dma_start3A_116 = arith.constant 40 : i32
      %dma_start3A_117 = arith.constant 0 : i32
      %dma_start3A_118 = tpu.memref_slice %arg4[%add3A, %dma_start3A_116, %dma_start3A_117] : memref<32x80x128xi32, #tpu.memory_space<hbm>> -> memref<1x40x128xi32, #tpu.memory_space<hbm>>
      %dma_start3A_119 = tpu.memref_squeeze %dma_start3A_118 : memref<1x40x128xi32, #tpu.memory_space<hbm>> -> memref<40x128xi32, #tpu.memory_space<hbm>>
      %dma_start3A_120 = arith.constant 40 : i32
      %dma_start3A_121 = arith.constant 0 : i32
      %dma_start3A_122 = tpu.memref_slice %arg4[%add3A, %dma_start3A_120, %dma_start3A_121] : memref<32x80x128xi32, #tpu.memory_space<hbm>> -> memref<1x40x128xi32, #tpu.memory_space<hbm>>
      %dma_start3A_123 = tpu.memref_squeeze %dma_start3A_122 : memref<1x40x128xi32, #tpu.memory_space<hbm>> -> memref<40x128xi32, #tpu.memory_space<hbm>>
      tpu.enqueue_dma source(%dma_start3A_123 : memref<40x128xi32, #tpu.memory_space<hbm>>) target(%arg9 : memref<40x128xi32, #tpu.memory_space<vmem>>) target_semaphore(%run_scoped3A : memref<!tpu.dma_semaphore, #tpu.memory_space<semaphore_mem>>)
      %dma_wait3A = arith.constant 40 : i32
      %dma_wait3A_124 = arith.constant 0 : i32
      %dma_wait3A_125 = tpu.memref_slice %arg4[%add3A, %dma_wait3A, %dma_wait3A_124] : memref<32x80x128xi32, #tpu.memory_space<hbm>> -> memref<1x40x128xi32, #tpu.memory_space<hbm>>
      %dma_wait3A_126 = tpu.memref_squeeze %dma_wait3A_125 : memref<1x40x128xi32, #tpu.memory_space<hbm>> -> memref<40x128xi32, #tpu.memory_space<hbm>>
      %dma_wait3A_127 = arith.constant 40 : i32
      %dma_wait3A_128 = arith.constant 0 : i32
      %dma_wait3A_129 = tpu.memref_slice %arg4[%add3A, %dma_wait3A_127, %dma_wait3A_128] : memref<32x80x128xi32, #tpu.memory_space<hbm>> -> memref<1x40x128xi32, #tpu.memory_space<hbm>>
      %dma_wait3A_130 = tpu.memref_squeeze %dma_wait3A_129 : memref<1x40x128xi32, #tpu.memory_space<hbm>> -> memref<40x128xi32, #tpu.memory_space<hbm>>
      tpu.wait_dma2 semaphore(%run_scoped3A : memref<!tpu.dma_semaphore, #tpu.memory_space<semaphore_mem>>) src(%dma_wait3A_130 : memref<40x128xi32, #tpu.memory_space<hbm>>) dst(%arg9 : memref<40x128xi32, #tpu.memory_space<vmem>>)
      tpu.yield
    }) : () -> ()
    %dma_start3A_29 = arith.constant 0 : i32
    %dma_start3A_30 = arith.constant 0 : i32
    %dma_start3A_31 = tpu.memref_slice %arg8[%dma_start3A_29, %dma_start3A_30] : memref<40x128xi32, #tpu.memory_space<vmem>> -> memref<1x128xi32, #tpu.memory_space<vmem>>
    %dma_start3A_32 = tpu.memref_squeeze %dma_start3A_31 : memref<1x128xi32, #tpu.memory_space<vmem>> -> memref<128xi32, #tpu.memory_space<vmem>>
    %dma_start3A_33 = arith.constant 0 : i32
    %dma_start3A_34 = arith.constant 0 : i32
    %dma_start3A_35 = tpu.memref_slice %arg6[%dma_start3A_33, %dma_start3A_34] : memref<10240x64xf32, #tpu.memory_space<vmem_shared>> -> memref<10240x64xf32, #tpu.memory_space<vmem_shared>>
    tpu.enqueue_indirect_dma source(%dma_start3A_35 : memref<10240x64xf32, #tpu.memory_space<vmem_shared>>) target(%arg10 : memref<128x64xf32, #tpu.memory_space<vmem>>) offsets(%dma_start3A_32 : memref<128xi32, #tpu.memory_space<vmem>>) semaphore(%arg12 : memref<!tpu.dma_semaphore, #tpu.memory_space<semaphore_mem>>)
    %dma_start3A_36 = arith.constant 1 : i32
    %dma_start3A_37 = arith.constant 0 : i32
    %dma_start3A_38 = tpu.memref_slice %arg8[%dma_start3A_36, %dma_start3A_37] : memref<40x128xi32, #tpu.memory_space<vmem>> -> memref<1x128xi32, #tpu.memory_space<vmem>>
    %dma_start3A_39 = tpu.memref_squeeze %dma_start3A_38 : memref<1x128xi32, #tpu.memory_space<vmem>> -> memref<128xi32, #tpu.memory_space<vmem>>
    %dma_start3A_40 = arith.constant 0 : i32
    %dma_start3A_41 = arith.constant 0 : i32
    %dma_start3A_42 = tpu.memref_slice %arg6[%dma_start3A_40, %dma_start3A_41] : memref<10240x64xf32, #tpu.memory_space<vmem_shared>> -> memref<10240x64xf32, #tpu.memory_space<vmem_shared>>
    tpu.enqueue_indirect_dma source(%dma_start3A_42 : memref<10240x64xf32, #tpu.memory_space<vmem_shared>>) target(%arg11 : memref<128x64xf32, #tpu.memory_space<vmem>>) offsets(%dma_start3A_39 : memref<128xi32, #tpu.memory_space<vmem>>) semaphore(%arg13 : memref<!tpu.dma_semaphore, #tpu.memory_space<semaphore_mem>>)
    %scan3A_43 = arith.constant 0 : i32
    %scan3A_44 = arith.constant 0 : i32
    %scan3A_45 = arith.constant 20 : i32
    %scan3A_46 = arith.addi %scan3A_44, %scan3A_45 : i32
    %scan3A_47 = arith.constant 1 : i32
    %scan3A_48 = scf.for %scan3A_116 = %scan3A_44 to %scan3A_46 step %scan3A_47 iter_args(%scan3A_117 = %scan3A_43) -> (i32)  : i32 {
      %mul3A_118 = arith.constant 2 : i32
      %mul3A_119 = arith.muli %scan3A_116, %mul3A_118 : i32
      %add3A_120 = arith.constant 0 : i32
      %add3A_121 = arith.addi %mul3A_119, %add3A_120 : i32
      %dma_wait3A = arith.constant 0 : i32
      %dma_wait3A_122 = tpu.memref_slice %arg8[%add3A_121, %dma_wait3A] : memref<40x128xi32, #tpu.memory_space<vmem>> -> memref<1x128xi32, #tpu.memory_space<vmem>>
      %dma_wait3A_123 = tpu.memref_squeeze %dma_wait3A_122 : memref<1x128xi32, #tpu.memory_space<vmem>> -> memref<128xi32, #tpu.memory_space<vmem>>
      %dma_wait3A_124 = arith.constant 0 : i32
      %dma_wait3A_125 = arith.constant 0 : i32
      %dma_wait3A_126 = tpu.memref_slice %arg6[%dma_wait3A_124, %dma_wait3A_125] : memref<10240x64xf32, #tpu.memory_space<vmem_shared>> -> memref<10240x64xf32, #tpu.memory_space<vmem_shared>>
      tpu.wait_indirect_dma semaphore(%arg12 : memref<!tpu.dma_semaphore, #tpu.memory_space<semaphore_mem>>) src(%dma_wait3A_126 : memref<10240x64xf32, #tpu.memory_space<vmem_shared>>) dst(%arg10 : memref<128x64xf32, #tpu.memory_space<vmem>>)
      "tpu.region"() ({
        %run_scoped3A = tpu.sem_alloc : memref<!tpu.dma_semaphore, #tpu.memory_space<semaphore_mem>>
        %dma_start3A_149 = arith.constant 0 : i32
        %dma_start3A_150 = tpu.memref_slice %arg9[%add3A_121, %dma_start3A_149] : memref<40x128xi32, #tpu.memory_space<vmem>> -> memref<1x128xi32, #tpu.memory_space<vmem>>
        %dma_start3A_151 = tpu.memref_squeeze %dma_start3A_150 : memref<1x128xi32, #tpu.memory_space<vmem>> -> memref<128xi32, #tpu.memory_space<vmem>>
        %dma_start3A_152 = arith.constant 0 : i32
        %dma_start3A_153 = arith.constant 0 : i32
        %dma_start3A_154 = tpu.memref_slice %arg7[%dma_start3A_152, %dma_start3A_153] : memref<10240x64xf32, #tpu.memory_space<vmem_shared>> -> memref<10240x64xf32, #tpu.memory_space<vmem_shared>>
        tpu.enqueue_indirect_dma source(%arg10 : memref<128x64xf32, #tpu.memory_space<vmem>>) target(%dma_start3A_154 : memref<10240x64xf32, #tpu.memory_space<vmem_shared>>) offsets(%dma_start3A_151 : memref<128xi32, #tpu.memory_space<vmem>>) semaphore(%run_scoped3A : memref<!tpu.dma_semaphore, #tpu.memory_space<semaphore_mem>>) {add = true}
        %dma_wait3A_155 = arith.constant 0 : i32
        %dma_wait3A_156 = tpu.memref_slice %arg9[%add3A_121, %dma_wait3A_155] : memref<40x128xi32, #tpu.memory_space<vmem>> -> memref<1x128xi32, #tpu.memory_space<vmem>>
        %dma_wait3A_157 = tpu.memref_squeeze %dma_wait3A_156 : memref<1x128xi32, #tpu.memory_space<vmem>> -> memref<128xi32, #tpu.memory_space<vmem>>
        %dma_wait3A_158 = arith.constant 0 : i32
        %dma_wait3A_159 = arith.constant 0 : i32
        %dma_wait3A_160 = tpu.memref_slice %arg7[%dma_wait3A_158, %dma_wait3A_159] : memref<10240x64xf32, #tpu.memory_space<vmem_shared>> -> memref<10240x64xf32, #tpu.memory_space<vmem_shared>>
        tpu.wait_indirect_dma semaphore(%run_scoped3A : memref<!tpu.dma_semaphore, #tpu.memory_space<semaphore_mem>>) src(%arg10 : memref<128x64xf32, #tpu.memory_space<vmem>>) dst(%dma_wait3A_160 : memref<10240x64xf32, #tpu.memory_space<vmem_shared>>)
        tpu.yield
      }) : () -> ()
      %add3A_127 = arith.constant 2 : i32
      %add3A_128 = arith.addi %add3A_121, %add3A_127 : i32
      %lt3A = arith.constant 40 : i32
      %lt3A_129 = arith.cmpi slt, %add3A_128, %lt3A : i32
      %convert_element_type3A = arith.extui %lt3A_129 : i1 to i32
      %cond3A = arith.constant 0 : i32
      %cond3A_130 = arith.cmpi ne, %convert_element_type3A, %cond3A : i32
      scf.if %cond3A_130 {
        %dma_start3A_149 = arith.constant 0 : i32
        %dma_start3A_150 = tpu.memref_slice %arg8[%add3A_128, %dma_start3A_149] : memref<40x128xi32, #tpu.memory_space<vmem>> -> memref<1x128xi32, #tpu.memory_space<vmem>>
        %dma_start3A_151 = tpu.memref_squeeze %dma_start3A_150 : memref<1x128xi32, #tpu.memory_space<vmem>> -> memref<128xi32, #tpu.memory_space<vmem>>
        %dma_start3A_152 = arith.constant 0 : i32
        %dma_start3A_153 = arith.constant 0 : i32
        %dma_start3A_154 = tpu.memref_slice %arg6[%dma_start3A_152, %dma_start3A_153] : memref<10240x64xf32, #tpu.memory_space<vmem_shared>> -> memref<10240x64xf32, #tpu.memory_space<vmem_shared>>
        tpu.enqueue_indirect_dma source(%dma_start3A_154 : memref<10240x64xf32, #tpu.memory_space<vmem_shared>>) target(%arg10 : memref<128x64xf32, #tpu.memory_space<vmem>>) offsets(%dma_start3A_151 : memref<128xi32, #tpu.memory_space<vmem>>) semaphore(%arg12 : memref<!tpu.dma_semaphore, #tpu.memory_space<semaphore_mem>>)
      } else {
      }
      %mul3A_131 = arith.constant 2 : i32
      %mul3A_132 = arith.muli %scan3A_116, %mul3A_131 : i32
      %add3A_133 = arith.constant 1 : i32
      %add3A_134 = arith.addi %mul3A_132, %add3A_133 : i32
      %dma_wait3A_135 = arith.constant 0 : i32
      %dma_wait3A_136 = tpu.memref_slice %arg8[%add3A_134, %dma_wait3A_135] : memref<40x128xi32, #tpu.memory_space<vmem>> -> memref<1x128xi32, #tpu.memory_space<vmem>>
      %dma_wait3A_137 = tpu.memref_squeeze %dma_wait3A_136 : memref<1x128xi32, #tpu.memory_space<vmem>> -> memref<128xi32, #tpu.memory_space<vmem>>
      %dma_wait3A_138 = arith.constant 0 : i32
      %dma_wait3A_139 = arith.constant 0 : i32
      %dma_wait3A_140 = tpu.memref_slice %arg6[%dma_wait3A_138, %dma_wait3A_139] : memref<10240x64xf32, #tpu.memory_space<vmem_shared>> -> memref<10240x64xf32, #tpu.memory_space<vmem_shared>>
      tpu.wait_indirect_dma semaphore(%arg13 : memref<!tpu.dma_semaphore, #tpu.memory_space<semaphore_mem>>) src(%dma_wait3A_140 : memref<10240x64xf32, #tpu.memory_space<vmem_shared>>) dst(%arg11 : memref<128x64xf32, #tpu.memory_space<vmem>>)
      "tpu.region"() ({
        %run_scoped3A = tpu.sem_alloc : memref<!tpu.dma_semaphore, #tpu.memory_space<semaphore_mem>>
        %dma_start3A_149 = arith.constant 0 : i32
        %dma_start3A_150 = tpu.memref_slice %arg9[%add3A_134, %dma_start3A_149] : memref<40x128xi32, #tpu.memory_space<vmem>> -> memref<1x128xi32, #tpu.memory_space<vmem>>
        %dma_start3A_151 = tpu.memref_squeeze %dma_start3A_150 : memref<1x128xi32, #tpu.memory_space<vmem>> -> memref<128xi32, #tpu.memory_space<vmem>>
        %dma_start3A_152 = arith.constant 0 : i32
        %dma_start3A_153 = arith.constant 0 : i32
        %dma_start3A_154 = tpu.memref_slice %arg7[%dma_start3A_152, %dma_start3A_153] : memref<10240x64xf32, #tpu.memory_space<vmem_shared>> -> memref<10240x64xf32, #tpu.memory_space<vmem_shared>>
        tpu.enqueue_indirect_dma source(%arg11 : memref<128x64xf32, #tpu.memory_space<vmem>>) target(%dma_start3A_154 : memref<10240x64xf32, #tpu.memory_space<vmem_shared>>) offsets(%dma_start3A_151 : memref<128xi32, #tpu.memory_space<vmem>>) semaphore(%run_scoped3A : memref<!tpu.dma_semaphore, #tpu.memory_space<semaphore_mem>>) {add = true}
        %dma_wait3A_155 = arith.constant 0 : i32
        %dma_wait3A_156 = tpu.memref_slice %arg9[%add3A_134, %dma_wait3A_155] : memref<40x128xi32, #tpu.memory_space<vmem>> -> memref<1x128xi32, #tpu.memory_space<vmem>>
        %dma_wait3A_157 = tpu.memref_squeeze %dma_wait3A_156 : memref<1x128xi32, #tpu.memory_space<vmem>> -> memref<128xi32, #tpu.memory_space<vmem>>
        %dma_wait3A_158 = arith.constant 0 : i32
        %dma_wait3A_159 = arith.constant 0 : i32
        %dma_wait3A_160 = tpu.memref_slice %arg7[%dma_wait3A_158, %dma_wait3A_159] : memref<10240x64xf32, #tpu.memory_space<vmem_shared>> -> memref<10240x64xf32, #tpu.memory_space<vmem_shared>>
        tpu.wait_indirect_dma semaphore(%run_scoped3A : memref<!tpu.dma_semaphore, #tpu.memory_space<semaphore_mem>>) src(%arg11 : memref<128x64xf32, #tpu.memory_space<vmem>>) dst(%dma_wait3A_160 : memref<10240x64xf32, #tpu.memory_space<vmem_shared>>)
        tpu.yield
      }) : () -> ()
      %add3A_141 = arith.constant 2 : i32
      %add3A_142 = arith.addi %add3A_134, %add3A_141 : i32
      %lt3A_143 = arith.constant 40 : i32
      %lt3A_144 = arith.cmpi slt, %add3A_142, %lt3A_143 : i32
      %convert_element_type3A_145 = arith.extui %lt3A_144 : i1 to i32
      %cond3A_146 = arith.constant 0 : i32
      %cond3A_147 = arith.cmpi ne, %convert_element_type3A_145, %cond3A_146 : i32
      scf.if %cond3A_147 {
        %dma_start3A_149 = arith.constant 0 : i32
        %dma_start3A_150 = tpu.memref_slice %arg8[%add3A_142, %dma_start3A_149] : memref<40x128xi32, #tpu.memory_space<vmem>> -> memref<1x128xi32, #tpu.memory_space<vmem>>
        %dma_start3A_151 = tpu.memref_squeeze %dma_start3A_150 : memref<1x128xi32, #tpu.memory_space<vmem>> -> memref<128xi32, #tpu.memory_space<vmem>>
        %dma_start3A_152 = arith.constant 0 : i32
        %dma_start3A_153 = arith.constant 0 : i32
        %dma_start3A_154 = tpu.memref_slice %arg6[%dma_start3A_152, %dma_start3A_153] : memref<10240x64xf32, #tpu.memory_space<vmem_shared>> -> memref<10240x64xf32, #tpu.memory_space<vmem_shared>>
        tpu.enqueue_indirect_dma source(%dma_start3A_154 : memref<10240x64xf32, #tpu.memory_space<vmem_shared>>) target(%arg11 : memref<128x64xf32, #tpu.memory_space<vmem>>) offsets(%dma_start3A_151 : memref<128xi32, #tpu.memory_space<vmem>>) semaphore(%arg13 : memref<!tpu.dma_semaphore, #tpu.memory_space<semaphore_mem>>)
      } else {
      }
      %scan3A_148 = arith.constant 0 : i32
      scf.yield %scan3A_148 : i32
    }
    %scan3A_49 = arith.constant 20 : i32
    %barrier3A_50 = arith.constant 0 : index
    tpu.barrier barrier_id(%barrier3A_50)
    %scan3A_51 = arith.constant 0 : i32
    %scan3A_52 = arith.constant 0 : i32
    %scan3A_53 = arith.constant 5 : i32
    %scan3A_54 = arith.addi %scan3A_52, %scan3A_53 : i32
    %scan3A_55 = arith.constant 1 : i32
    %scan3A_56 = scf.for %scan3A_116 = %scan3A_52 to %scan3A_54 step %scan3A_55 iter_args(%scan3A_117 = %scan3A_51) -> (i32)  : i32 {
      %mul3A_118 = arith.constant 128 : i32
      %mul3A_119 = arith.muli %scan3A_116, %mul3A_118 : i32
      %add3A_120 = arith.addi %mul3A_2, %mul3A_119 : i32
      "tpu.region"() ({
        %run_scoped3A = tpu.sem_alloc : memref<!tpu.dma_semaphore, #tpu.memory_space<semaphore_mem>>
        %dma_start3A_122 = arith.constant 0 : i32
        %dma_start3A_123 = tpu.memref_slice %arg7[%add3A_120, %dma_start3A_122] : memref<10240x64xf32, #tpu.memory_space<vmem_shared>> -> memref<128x64xf32, #tpu.memory_space<vmem_shared>>
        %dma_start3A_124 = arith.constant 0 : i32
        %dma_start3A_125 = tpu.memref_slice %arg7[%add3A_120, %dma_start3A_124] : memref<10240x64xf32, #tpu.memory_space<vmem_shared>> -> memref<128x64xf32, #tpu.memory_space<vmem_shared>>
        tpu.enqueue_dma source(%dma_start3A_125 : memref<128x64xf32, #tpu.memory_space<vmem_shared>>) target(%arg10 : memref<128x64xf32, #tpu.memory_space<vmem>>) target_semaphore(%run_scoped3A : memref<!tpu.dma_semaphore, #tpu.memory_space<semaphore_mem>>)
        %dma_wait3A = arith.constant 0 : i32
        %dma_wait3A_126 = tpu.memref_slice %arg7[%add3A_120, %dma_wait3A] : memref<10240x64xf32, #tpu.memory_space<vmem_shared>> -> memref<128x64xf32, #tpu.memory_space<vmem_shared>>
        %dma_wait3A_127 = arith.constant 0 : i32
        %dma_wait3A_128 = tpu.memref_slice %arg7[%add3A_120, %dma_wait3A_127] : memref<10240x64xf32, #tpu.memory_space<vmem_shared>> -> memref<128x64xf32, #tpu.memory_space<vmem_shared>>
        tpu.wait_dma2 semaphore(%run_scoped3A : memref<!tpu.dma_semaphore, #tpu.memory_space<semaphore_mem>>) src(%dma_wait3A_128 : memref<128x64xf32, #tpu.memory_space<vmem_shared>>) dst(%arg10 : memref<128x64xf32, #tpu.memory_space<vmem>>)
        tpu.yield
      }) : () -> ()
      "tpu.region"() ({
        %run_scoped3A = tpu.sem_alloc : memref<!tpu.dma_semaphore, #tpu.memory_space<semaphore_mem>>
        %dma_start3A_122 = arith.constant 0 : i32
        %dma_start3A_123 = tpu.memref_slice %arg5[%arg0, %add3A_120, %dma_start3A_122] : memref<2x10240x128xf32, #tpu.memory_space<hbm>> -> memref<1x128x64xf32, #tpu.memory_space<hbm>>
        %dma_start3A_124 = tpu.memref_squeeze %dma_start3A_123 : memref<1x128x64xf32, #tpu.memory_space<hbm>> -> memref<128x64xf32, #tpu.memory_space<hbm>>
        %dma_start3A_125 = arith.constant 0 : i32
        %dma_start3A_126 = tpu.memref_slice %arg5[%arg0, %add3A_120, %dma_start3A_125] : memref<2x10240x128xf32, #tpu.memory_space<hbm>> -> memref<1x128x64xf32, #tpu.memory_space<hbm>>
        %dma_start3A_127 = tpu.memref_squeeze %dma_start3A_126 : memref<1x128x64xf32, #tpu.memory_space<hbm>> -> memref<128x64xf32, #tpu.memory_space<hbm>>
        tpu.enqueue_dma source(%arg10 : memref<128x64xf32, #tpu.memory_space<vmem>>) target(%dma_start3A_127 : memref<128x64xf32, #tpu.memory_space<hbm>>) target_semaphore(%run_scoped3A : memref<!tpu.dma_semaphore, #tpu.memory_space<semaphore_mem>>)
        %dma_wait3A = arith.constant 0 : i32
        %dma_wait3A_128 = tpu.memref_slice %arg5[%arg0, %add3A_120, %dma_wait3A] : memref<2x10240x128xf32, #tpu.memory_space<hbm>> -> memref<1x128x64xf32, #tpu.memory_space<hbm>>
        %dma_wait3A_129 = tpu.memref_squeeze %dma_wait3A_128 : memref<1x128x64xf32, #tpu.memory_space<hbm>> -> memref<128x64xf32, #tpu.memory_space<hbm>>
        %dma_wait3A_130 = arith.constant 0 : i32
        %dma_wait3A_131 = tpu.memref_slice %arg5[%arg0, %add3A_120, %dma_wait3A_130] : memref<2x10240x128xf32, #tpu.memory_space<hbm>> -> memref<1x128x64xf32, #tpu.memory_space<hbm>>
        %dma_wait3A_132 = tpu.memref_squeeze %dma_wait3A_131 : memref<1x128x64xf32, #tpu.memory_space<hbm>> -> memref<128x64xf32, #tpu.memory_space<hbm>>
        tpu.wait_dma2 semaphore(%run_scoped3A : memref<!tpu.dma_semaphore, #tpu.memory_space<semaphore_mem>>) src(%arg10 : memref<128x64xf32, #tpu.memory_space<vmem>>) dst(%dma_wait3A_132 : memref<128x64xf32, #tpu.memory_space<hbm>>)
        tpu.yield
      }) : () -> ()
      %scan3A_121 = arith.constant 0 : i32
      scf.yield %scan3A_121 : i32
    }
    %scan3A_57 = arith.constant 5 : i32
    %scan3A_58 = arith.constant 0 : i32
    %scan3A_59 = arith.constant 0 : i32
    %scan3A_60 = arith.constant 5 : i32
    %scan3A_61 = arith.addi %scan3A_59, %scan3A_60 : i32
    %scan3A_62 = arith.constant 1 : i32
    %scan3A_63 = scf.for %scan3A_116 = %scan3A_59 to %scan3A_61 step %scan3A_62 iter_args(%scan3A_117 = %scan3A_58) -> (i32)  : i32 {
      %mul3A_118 = arith.constant 128 : i32
      %mul3A_119 = arith.muli %scan3A_116, %mul3A_118 : i32
      %add3A_120 = arith.addi %mul3A_2, %mul3A_119 : i32
      "tpu.region"() ({
        %run_scoped3A = tpu.sem_alloc : memref<!tpu.dma_semaphore, #tpu.memory_space<semaphore_mem>>
        %dma_start3A_122 = arith.constant 64 : i32
        %dma_start3A_123 = tpu.memref_slice %arg2[%add3A_120, %dma_start3A_122] : memref<10240x128xf32, #tpu.memory_space<hbm>> -> memref<128x64xf32, #tpu.memory_space<hbm>>
        %dma_start3A_124 = arith.constant 64 : i32
        %dma_start3A_125 = tpu.memref_slice %arg2[%add3A_120, %dma_start3A_124] : memref<10240x128xf32, #tpu.memory_space<hbm>> -> memref<128x64xf32, #tpu.memory_space<hbm>>
        tpu.enqueue_dma source(%dma_start3A_125 : memref<128x64xf32, #tpu.memory_space<hbm>>) target(%arg10 : memref<128x64xf32, #tpu.memory_space<vmem>>) target_semaphore(%run_scoped3A : memref<!tpu.dma_semaphore, #tpu.memory_space<semaphore_mem>>)
        %dma_wait3A = arith.constant 64 : i32
        %dma_wait3A_126 = tpu.memref_slice %arg2[%add3A_120, %dma_wait3A] : memref<10240x128xf32, #tpu.memory_space<hbm>> -> memref<128x64xf32, #tpu.memory_space<hbm>>
        %dma_wait3A_127 = arith.constant 64 : i32
        %dma_wait3A_128 = tpu.memref_slice %arg2[%add3A_120, %dma_wait3A_127] : memref<10240x128xf32, #tpu.memory_space<hbm>> -> memref<128x64xf32, #tpu.memory_space<hbm>>
        tpu.wait_dma2 semaphore(%run_scoped3A : memref<!tpu.dma_semaphore, #tpu.memory_space<semaphore_mem>>) src(%dma_wait3A_128 : memref<128x64xf32, #tpu.memory_space<hbm>>) dst(%arg10 : memref<128x64xf32, #tpu.memory_space<vmem>>)
        tpu.yield
      }) : () -> ()
      "tpu.region"() ({
        %run_scoped3A = tpu.sem_alloc : memref<!tpu.dma_semaphore, #tpu.memory_space<semaphore_mem>>
        %dma_start3A_122 = arith.constant 0 : i32
        %dma_start3A_123 = tpu.memref_slice %arg6[%add3A_120, %dma_start3A_122] : memref<10240x64xf32, #tpu.memory_space<vmem_shared>> -> memref<128x64xf32, #tpu.memory_space<vmem_shared>>
        %dma_start3A_124 = arith.constant 0 : i32
        %dma_start3A_125 = tpu.memref_slice %arg6[%add3A_120, %dma_start3A_124] : memref<10240x64xf32, #tpu.memory_space<vmem_shared>> -> memref<128x64xf32, #tpu.memory_space<vmem_shared>>
        tpu.enqueue_dma source(%arg10 : memref<128x64xf32, #tpu.memory_space<vmem>>) target(%dma_start3A_125 : memref<128x64xf32, #tpu.memory_space<vmem_shared>>) target_semaphore(%run_scoped3A : memref<!tpu.dma_semaphore, #tpu.memory_space<semaphore_mem>>)
        %dma_wait3A = arith.constant 0 : i32
        %dma_wait3A_126 = tpu.memref_slice %arg6[%add3A_120, %dma_wait3A] : memref<10240x64xf32, #tpu.memory_space<vmem_shared>> -> memref<128x64xf32, #tpu.memory_space<vmem_shared>>
        %dma_wait3A_127 = arith.constant 0 : i32
        %dma_wait3A_128 = tpu.memref_slice %arg6[%add3A_120, %dma_wait3A_127] : memref<10240x64xf32, #tpu.memory_space<vmem_shared>> -> memref<128x64xf32, #tpu.memory_space<vmem_shared>>
        tpu.wait_dma2 semaphore(%run_scoped3A : memref<!tpu.dma_semaphore, #tpu.memory_space<semaphore_mem>>) src(%arg10 : memref<128x64xf32, #tpu.memory_space<vmem>>) dst(%dma_wait3A_128 : memref<128x64xf32, #tpu.memory_space<vmem_shared>>)
        tpu.yield
      }) : () -> ()
      "tpu.region"() ({
        %run_scoped3A = tpu.sem_alloc : memref<!tpu.dma_semaphore, #tpu.memory_space<semaphore_mem>>
        %dma_start3A_122 = arith.constant 0 : i32
        %dma_start3A_123 = tpu.memref_slice %arg7[%add3A_120, %dma_start3A_122] : memref<10240x64xf32, #tpu.memory_space<vmem_shared>> -> memref<128x64xf32, #tpu.memory_space<vmem_shared>>
        %dma_start3A_124 = arith.constant 0 : i32
        %dma_start3A_125 = tpu.memref_slice %arg7[%add3A_120, %dma_start3A_124] : memref<10240x64xf32, #tpu.memory_space<vmem_shared>> -> memref<128x64xf32, #tpu.memory_space<vmem_shared>>
        tpu.enqueue_dma source(%arg10 : memref<128x64xf32, #tpu.memory_space<vmem>>) target(%dma_start3A_125 : memref<128x64xf32, #tpu.memory_space<vmem_shared>>) target_semaphore(%run_scoped3A : memref<!tpu.dma_semaphore, #tpu.memory_space<semaphore_mem>>)
        %dma_wait3A = arith.constant 0 : i32
        %dma_wait3A_126 = tpu.memref_slice %arg7[%add3A_120, %dma_wait3A] : memref<10240x64xf32, #tpu.memory_space<vmem_shared>> -> memref<128x64xf32, #tpu.memory_space<vmem_shared>>
        %dma_wait3A_127 = arith.constant 0 : i32
        %dma_wait3A_128 = tpu.memref_slice %arg7[%add3A_120, %dma_wait3A_127] : memref<10240x64xf32, #tpu.memory_space<vmem_shared>> -> memref<128x64xf32, #tpu.memory_space<vmem_shared>>
        tpu.wait_dma2 semaphore(%run_scoped3A : memref<!tpu.dma_semaphore, #tpu.memory_space<semaphore_mem>>) src(%arg10 : memref<128x64xf32, #tpu.memory_space<vmem>>) dst(%dma_wait3A_128 : memref<128x64xf32, #tpu.memory_space<vmem_shared>>)
        tpu.yield
      }) : () -> ()
      %scan3A_121 = arith.constant 0 : i32
      scf.yield %scan3A_121 : i32
    }
    %scan3A_64 = arith.constant 5 : i32
    %barrier3A_65 = arith.constant 0 : index
    tpu.barrier barrier_id(%barrier3A_65)
    "tpu.region"() ({
      %run_scoped3A = tpu.sem_alloc : memref<!tpu.dma_semaphore, #tpu.memory_space<semaphore_mem>>
      %dma_start3A_116 = arith.constant 0 : i32
      %dma_start3A_117 = arith.constant 0 : i32
      %dma_start3A_118 = tpu.memref_slice %arg3[%add3A, %dma_start3A_116, %dma_start3A_117] : memref<32x80x128xi32, #tpu.memory_space<hbm>> -> memref<1x40x128xi32, #tpu.memory_space<hbm>>
      %dma_start3A_119 = tpu.memref_squeeze %dma_start3A_118 : memref<1x40x128xi32, #tpu.memory_space<hbm>> -> memref<40x128xi32, #tpu.memory_space<hbm>>
      %dma_start3A_120 = arith.constant 0 : i32
      %dma_start3A_121 = arith.constant 0 : i32
      %dma_start3A_122 = tpu.memref_slice %arg3[%add3A, %dma_start3A_120, %dma_start3A_121] : memref<32x80x128xi32, #tpu.memory_space<hbm>> -> memref<1x40x128xi32, #tpu.memory_space<hbm>>
      %dma_start3A_123 = tpu.memref_squeeze %dma_start3A_122 : memref<1x40x128xi32, #tpu.memory_space<hbm>> -> memref<40x128xi32, #tpu.memory_space<hbm>>
      tpu.enqueue_dma source(%dma_start3A_123 : memref<40x128xi32, #tpu.memory_space<hbm>>) target(%arg8 : memref<40x128xi32, #tpu.memory_space<vmem>>) target_semaphore(%run_scoped3A : memref<!tpu.dma_semaphore, #tpu.memory_space<semaphore_mem>>)
      %dma_wait3A = arith.constant 0 : i32
      %dma_wait3A_124 = arith.constant 0 : i32
      %dma_wait3A_125 = tpu.memref_slice %arg3[%add3A, %dma_wait3A, %dma_wait3A_124] : memref<32x80x128xi32, #tpu.memory_space<hbm>> -> memref<1x40x128xi32, #tpu.memory_space<hbm>>
      %dma_wait3A_126 = tpu.memref_squeeze %dma_wait3A_125 : memref<1x40x128xi32, #tpu.memory_space<hbm>> -> memref<40x128xi32, #tpu.memory_space<hbm>>
      %dma_wait3A_127 = arith.constant 0 : i32
      %dma_wait3A_128 = arith.constant 0 : i32
      %dma_wait3A_129 = tpu.memref_slice %arg3[%add3A, %dma_wait3A_127, %dma_wait3A_128] : memref<32x80x128xi32, #tpu.memory_space<hbm>> -> memref<1x40x128xi32, #tpu.memory_space<hbm>>
      %dma_wait3A_130 = tpu.memref_squeeze %dma_wait3A_129 : memref<1x40x128xi32, #tpu.memory_space<hbm>> -> memref<40x128xi32, #tpu.memory_space<hbm>>
      tpu.wait_dma2 semaphore(%run_scoped3A : memref<!tpu.dma_semaphore, #tpu.memory_space<semaphore_mem>>) src(%dma_wait3A_130 : memref<40x128xi32, #tpu.memory_space<hbm>>) dst(%arg8 : memref<40x128xi32, #tpu.memory_space<vmem>>)
      tpu.yield
    }) : () -> ()
    "tpu.region"() ({
      %run_scoped3A = tpu.sem_alloc : memref<!tpu.dma_semaphore, #tpu.memory_space<semaphore_mem>>
      %dma_start3A_116 = arith.constant 0 : i32
      %dma_start3A_117 = arith.constant 0 : i32
      %dma_start3A_118 = tpu.memref_slice %arg4[%add3A, %dma_start3A_116, %dma_start3A_117] : memref<32x80x128xi32, #tpu.memory_space<hbm>> -> memref<1x40x128xi32, #tpu.memory_space<hbm>>
      %dma_start3A_119 = tpu.memref_squeeze %dma_start3A_118 : memref<1x40x128xi32, #tpu.memory_space<hbm>> -> memref<40x128xi32, #tpu.memory_space<hbm>>
      %dma_start3A_120 = arith.constant 0 : i32
      %dma_start3A_121 = arith.constant 0 : i32
      %dma_start3A_122 = tpu.memref_slice %arg4[%add3A, %dma_start3A_120, %dma_start3A_121] : memref<32x80x128xi32, #tpu.memory_space<hbm>> -> memref<1x40x128xi32, #tpu.memory_space<hbm>>
      %dma_start3A_123 = tpu.memref_squeeze %dma_start3A_122 : memref<1x40x128xi32, #tpu.memory_space<hbm>> -> memref<40x128xi32, #tpu.memory_space<hbm>>
      tpu.enqueue_dma source(%dma_start3A_123 : memref<40x128xi32, #tpu.memory_space<hbm>>) target(%arg9 : memref<40x128xi32, #tpu.memory_space<vmem>>) target_semaphore(%run_scoped3A : memref<!tpu.dma_semaphore, #tpu.memory_space<semaphore_mem>>)
      %dma_wait3A = arith.constant 0 : i32
      %dma_wait3A_124 = arith.constant 0 : i32
      %dma_wait3A_125 = tpu.memref_slice %arg4[%add3A, %dma_wait3A, %dma_wait3A_124] : memref<32x80x128xi32, #tpu.memory_space<hbm>> -> memref<1x40x128xi32, #tpu.memory_space<hbm>>
      %dma_wait3A_126 = tpu.memref_squeeze %dma_wait3A_125 : memref<1x40x128xi32, #tpu.memory_space<hbm>> -> memref<40x128xi32, #tpu.memory_space<hbm>>
      %dma_wait3A_127 = arith.constant 0 : i32
      %dma_wait3A_128 = arith.constant 0 : i32
      %dma_wait3A_129 = tpu.memref_slice %arg4[%add3A, %dma_wait3A_127, %dma_wait3A_128] : memref<32x80x128xi32, #tpu.memory_space<hbm>> -> memref<1x40x128xi32, #tpu.memory_space<hbm>>
      %dma_wait3A_130 = tpu.memref_squeeze %dma_wait3A_129 : memref<1x40x128xi32, #tpu.memory_space<hbm>> -> memref<40x128xi32, #tpu.memory_space<hbm>>
      tpu.wait_dma2 semaphore(%run_scoped3A : memref<!tpu.dma_semaphore, #tpu.memory_space<semaphore_mem>>) src(%dma_wait3A_130 : memref<40x128xi32, #tpu.memory_space<hbm>>) dst(%arg9 : memref<40x128xi32, #tpu.memory_space<vmem>>)
      tpu.yield
    }) : () -> ()
    %dma_start3A_66 = arith.constant 0 : i32
    %dma_start3A_67 = arith.constant 0 : i32
    %dma_start3A_68 = tpu.memref_slice %arg8[%dma_start3A_66, %dma_start3A_67] : memref<40x128xi32, #tpu.memory_space<vmem>> -> memref<1x128xi32, #tpu.memory_space<vmem>>
    %dma_start3A_69 = tpu.memref_squeeze %dma_start3A_68 : memref<1x128xi32, #tpu.memory_space<vmem>> -> memref<128xi32, #tpu.memory_space<vmem>>
    %dma_start3A_70 = arith.constant 0 : i32
    %dma_start3A_71 = arith.constant 0 : i32
    %dma_start3A_72 = tpu.memref_slice %arg6[%dma_start3A_70, %dma_start3A_71] : memref<10240x64xf32, #tpu.memory_space<vmem_shared>> -> memref<10240x64xf32, #tpu.memory_space<vmem_shared>>
    tpu.enqueue_indirect_dma source(%dma_start3A_72 : memref<10240x64xf32, #tpu.memory_space<vmem_shared>>) target(%arg10 : memref<128x64xf32, #tpu.memory_space<vmem>>) offsets(%dma_start3A_69 : memref<128xi32, #tpu.memory_space<vmem>>) semaphore(%arg12 : memref<!tpu.dma_semaphore, #tpu.memory_space<semaphore_mem>>)
    %dma_start3A_73 = arith.constant 1 : i32
    %dma_start3A_74 = arith.constant 0 : i32
    %dma_start3A_75 = tpu.memref_slice %arg8[%dma_start3A_73, %dma_start3A_74] : memref<40x128xi32, #tpu.memory_space<vmem>> -> memref<1x128xi32, #tpu.memory_space<vmem>>
    %dma_start3A_76 = tpu.memref_squeeze %dma_start3A_75 : memref<1x128xi32, #tpu.memory_space<vmem>> -> memref<128xi32, #tpu.memory_space<vmem>>
    %dma_start3A_77 = arith.constant 0 : i32
    %dma_start3A_78 = arith.constant 0 : i32
    %dma_start3A_79 = tpu.memref_slice %arg6[%dma_start3A_77, %dma_start3A_78] : memref<10240x64xf32, #tpu.memory_space<vmem_shared>> -> memref<10240x64xf32, #tpu.memory_space<vmem_shared>>
    tpu.enqueue_indirect_dma source(%dma_start3A_79 : memref<10240x64xf32, #tpu.memory_space<vmem_shared>>) target(%arg11 : memref<128x64xf32, #tpu.memory_space<vmem>>) offsets(%dma_start3A_76 : memref<128xi32, #tpu.memory_space<vmem>>) semaphore(%arg13 : memref<!tpu.dma_semaphore, #tpu.memory_space<semaphore_mem>>)
    %scan3A_80 = arith.constant 0 : i32
    %scan3A_81 = arith.constant 0 : i32
    %scan3A_82 = arith.constant 20 : i32
    %scan3A_83 = arith.addi %scan3A_81, %scan3A_82 : i32
    %scan3A_84 = arith.constant 1 : i32
    %scan3A_85 = scf.for %scan3A_116 = %scan3A_81 to %scan3A_83 step %scan3A_84 iter_args(%scan3A_117 = %scan3A_80) -> (i32)  : i32 {
      %mul3A_118 = arith.constant 2 : i32
      %mul3A_119 = arith.muli %scan3A_116, %mul3A_118 : i32
      %add3A_120 = arith.constant 0 : i32
      %add3A_121 = arith.addi %mul3A_119, %add3A_120 : i32
      %dma_wait3A = arith.constant 0 : i32
      %dma_wait3A_122 = tpu.memref_slice %arg8[%add3A_121, %dma_wait3A] : memref<40x128xi32, #tpu.memory_space<vmem>> -> memref<1x128xi32, #tpu.memory_space<vmem>>
      %dma_wait3A_123 = tpu.memref_squeeze %dma_wait3A_122 : memref<1x128xi32, #tpu.memory_space<vmem>> -> memref<128xi32, #tpu.memory_space<vmem>>
      %dma_wait3A_124 = arith.constant 0 : i32
      %dma_wait3A_125 = arith.constant 0 : i32
      %dma_wait3A_126 = tpu.memref_slice %arg6[%dma_wait3A_124, %dma_wait3A_125] : memref<10240x64xf32, #tpu.memory_space<vmem_shared>> -> memref<10240x64xf32, #tpu.memory_space<vmem_shared>>
      tpu.wait_indirect_dma semaphore(%arg12 : memref<!tpu.dma_semaphore, #tpu.memory_space<semaphore_mem>>) src(%dma_wait3A_126 : memref<10240x64xf32, #tpu.memory_space<vmem_shared>>) dst(%arg10 : memref<128x64xf32, #tpu.memory_space<vmem>>)
      "tpu.region"() ({
        %run_scoped3A = tpu.sem_alloc : memref<!tpu.dma_semaphore, #tpu.memory_space<semaphore_mem>>
        %dma_start3A_149 = arith.constant 0 : i32
        %dma_start3A_150 = tpu.memref_slice %arg9[%add3A_121, %dma_start3A_149] : memref<40x128xi32, #tpu.memory_space<vmem>> -> memref<1x128xi32, #tpu.memory_space<vmem>>
        %dma_start3A_151 = tpu.memref_squeeze %dma_start3A_150 : memref<1x128xi32, #tpu.memory_space<vmem>> -> memref<128xi32, #tpu.memory_space<vmem>>
        %dma_start3A_152 = arith.constant 0 : i32
        %dma_start3A_153 = arith.constant 0 : i32
        %dma_start3A_154 = tpu.memref_slice %arg7[%dma_start3A_152, %dma_start3A_153] : memref<10240x64xf32, #tpu.memory_space<vmem_shared>> -> memref<10240x64xf32, #tpu.memory_space<vmem_shared>>
        tpu.enqueue_indirect_dma source(%arg10 : memref<128x64xf32, #tpu.memory_space<vmem>>) target(%dma_start3A_154 : memref<10240x64xf32, #tpu.memory_space<vmem_shared>>) offsets(%dma_start3A_151 : memref<128xi32, #tpu.memory_space<vmem>>) semaphore(%run_scoped3A : memref<!tpu.dma_semaphore, #tpu.memory_space<semaphore_mem>>) {add = true}
        %dma_wait3A_155 = arith.constant 0 : i32
        %dma_wait3A_156 = tpu.memref_slice %arg9[%add3A_121, %dma_wait3A_155] : memref<40x128xi32, #tpu.memory_space<vmem>> -> memref<1x128xi32, #tpu.memory_space<vmem>>
        %dma_wait3A_157 = tpu.memref_squeeze %dma_wait3A_156 : memref<1x128xi32, #tpu.memory_space<vmem>> -> memref<128xi32, #tpu.memory_space<vmem>>
        %dma_wait3A_158 = arith.constant 0 : i32
        %dma_wait3A_159 = arith.constant 0 : i32
        %dma_wait3A_160 = tpu.memref_slice %arg7[%dma_wait3A_158, %dma_wait3A_159] : memref<10240x64xf32, #tpu.memory_space<vmem_shared>> -> memref<10240x64xf32, #tpu.memory_space<vmem_shared>>
        tpu.wait_indirect_dma semaphore(%run_scoped3A : memref<!tpu.dma_semaphore, #tpu.memory_space<semaphore_mem>>) src(%arg10 : memref<128x64xf32, #tpu.memory_space<vmem>>) dst(%dma_wait3A_160 : memref<10240x64xf32, #tpu.memory_space<vmem_shared>>)
        tpu.yield
      }) : () -> ()
      %add3A_127 = arith.constant 2 : i32
      %add3A_128 = arith.addi %add3A_121, %add3A_127 : i32
      %lt3A = arith.constant 40 : i32
      %lt3A_129 = arith.cmpi slt, %add3A_128, %lt3A : i32
      %convert_element_type3A = arith.extui %lt3A_129 : i1 to i32
      %cond3A = arith.constant 0 : i32
      %cond3A_130 = arith.cmpi ne, %convert_element_type3A, %cond3A : i32
      scf.if %cond3A_130 {
        %dma_start3A_149 = arith.constant 0 : i32
        %dma_start3A_150 = tpu.memref_slice %arg8[%add3A_128, %dma_start3A_149] : memref<40x128xi32, #tpu.memory_space<vmem>> -> memref<1x128xi32, #tpu.memory_space<vmem>>
        %dma_start3A_151 = tpu.memref_squeeze %dma_start3A_150 : memref<1x128xi32, #tpu.memory_space<vmem>> -> memref<128xi32, #tpu.memory_space<vmem>>
        %dma_start3A_152 = arith.constant 0 : i32
        %dma_start3A_153 = arith.constant 0 : i32
        %dma_start3A_154 = tpu.memref_slice %arg6[%dma_start3A_152, %dma_start3A_153] : memref<10240x64xf32, #tpu.memory_space<vmem_shared>> -> memref<10240x64xf32, #tpu.memory_space<vmem_shared>>
        tpu.enqueue_indirect_dma source(%dma_start3A_154 : memref<10240x64xf32, #tpu.memory_space<vmem_shared>>) target(%arg10 : memref<128x64xf32, #tpu.memory_space<vmem>>) offsets(%dma_start3A_151 : memref<128xi32, #tpu.memory_space<vmem>>) semaphore(%arg12 : memref<!tpu.dma_semaphore, #tpu.memory_space<semaphore_mem>>)
      } else {
      }
      %mul3A_131 = arith.constant 2 : i32
      %mul3A_132 = arith.muli %scan3A_116, %mul3A_131 : i32
      %add3A_133 = arith.constant 1 : i32
      %add3A_134 = arith.addi %mul3A_132, %add3A_133 : i32
      %dma_wait3A_135 = arith.constant 0 : i32
      %dma_wait3A_136 = tpu.memref_slice %arg8[%add3A_134, %dma_wait3A_135] : memref<40x128xi32, #tpu.memory_space<vmem>> -> memref<1x128xi32, #tpu.memory_space<vmem>>
      %dma_wait3A_137 = tpu.memref_squeeze %dma_wait3A_136 : memref<1x128xi32, #tpu.memory_space<vmem>> -> memref<128xi32, #tpu.memory_space<vmem>>
      %dma_wait3A_138 = arith.constant 0 : i32
      %dma_wait3A_139 = arith.constant 0 : i32
      %dma_wait3A_140 = tpu.memref_slice %arg6[%dma_wait3A_138, %dma_wait3A_139] : memref<10240x64xf32, #tpu.memory_space<vmem_shared>> -> memref<10240x64xf32, #tpu.memory_space<vmem_shared>>
      tpu.wait_indirect_dma semaphore(%arg13 : memref<!tpu.dma_semaphore, #tpu.memory_space<semaphore_mem>>) src(%dma_wait3A_140 : memref<10240x64xf32, #tpu.memory_space<vmem_shared>>) dst(%arg11 : memref<128x64xf32, #tpu.memory_space<vmem>>)
      "tpu.region"() ({
        %run_scoped3A = tpu.sem_alloc : memref<!tpu.dma_semaphore, #tpu.memory_space<semaphore_mem>>
        %dma_start3A_149 = arith.constant 0 : i32
        %dma_start3A_150 = tpu.memref_slice %arg9[%add3A_134, %dma_start3A_149] : memref<40x128xi32, #tpu.memory_space<vmem>> -> memref<1x128xi32, #tpu.memory_space<vmem>>
        %dma_start3A_151 = tpu.memref_squeeze %dma_start3A_150 : memref<1x128xi32, #tpu.memory_space<vmem>> -> memref<128xi32, #tpu.memory_space<vmem>>
        %dma_start3A_152 = arith.constant 0 : i32
        %dma_start3A_153 = arith.constant 0 : i32
        %dma_start3A_154 = tpu.memref_slice %arg7[%dma_start3A_152, %dma_start3A_153] : memref<10240x64xf32, #tpu.memory_space<vmem_shared>> -> memref<10240x64xf32, #tpu.memory_space<vmem_shared>>
        tpu.enqueue_indirect_dma source(%arg11 : memref<128x64xf32, #tpu.memory_space<vmem>>) target(%dma_start3A_154 : memref<10240x64xf32, #tpu.memory_space<vmem_shared>>) offsets(%dma_start3A_151 : memref<128xi32, #tpu.memory_space<vmem>>) semaphore(%run_scoped3A : memref<!tpu.dma_semaphore, #tpu.memory_space<semaphore_mem>>) {add = true}
        %dma_wait3A_155 = arith.constant 0 : i32
        %dma_wait3A_156 = tpu.memref_slice %arg9[%add3A_134, %dma_wait3A_155] : memref<40x128xi32, #tpu.memory_space<vmem>> -> memref<1x128xi32, #tpu.memory_space<vmem>>
        %dma_wait3A_157 = tpu.memref_squeeze %dma_wait3A_156 : memref<1x128xi32, #tpu.memory_space<vmem>> -> memref<128xi32, #tpu.memory_space<vmem>>
        %dma_wait3A_158 = arith.constant 0 : i32
        %dma_wait3A_159 = arith.constant 0 : i32
        %dma_wait3A_160 = tpu.memref_slice %arg7[%dma_wait3A_158, %dma_wait3A_159] : memref<10240x64xf32, #tpu.memory_space<vmem_shared>> -> memref<10240x64xf32, #tpu.memory_space<vmem_shared>>
        tpu.wait_indirect_dma semaphore(%run_scoped3A : memref<!tpu.dma_semaphore, #tpu.memory_space<semaphore_mem>>) src(%arg11 : memref<128x64xf32, #tpu.memory_space<vmem>>) dst(%dma_wait3A_160 : memref<10240x64xf32, #tpu.memory_space<vmem_shared>>)
        tpu.yield
      }) : () -> ()
      %add3A_141 = arith.constant 2 : i32
      %add3A_142 = arith.addi %add3A_134, %add3A_141 : i32
      %lt3A_143 = arith.constant 40 : i32
      %lt3A_144 = arith.cmpi slt, %add3A_142, %lt3A_143 : i32
      %convert_element_type3A_145 = arith.extui %lt3A_144 : i1 to i32
      %cond3A_146 = arith.constant 0 : i32
      %cond3A_147 = arith.cmpi ne, %convert_element_type3A_145, %cond3A_146 : i32
      scf.if %cond3A_147 {
        %dma_start3A_149 = arith.constant 0 : i32
        %dma_start3A_150 = tpu.memref_slice %arg8[%add3A_142, %dma_start3A_149] : memref<40x128xi32, #tpu.memory_space<vmem>> -> memref<1x128xi32, #tpu.memory_space<vmem>>
        %dma_start3A_151 = tpu.memref_squeeze %dma_start3A_150 : memref<1x128xi32, #tpu.memory_space<vmem>> -> memref<128xi32, #tpu.memory_space<vmem>>
        %dma_start3A_152 = arith.constant 0 : i32
        %dma_start3A_153 = arith.constant 0 : i32
        %dma_start3A_154 = tpu.memref_slice %arg6[%dma_start3A_152, %dma_start3A_153] : memref<10240x64xf32, #tpu.memory_space<vmem_shared>> -> memref<10240x64xf32, #tpu.memory_space<vmem_shared>>
        tpu.enqueue_indirect_dma source(%dma_start3A_154 : memref<10240x64xf32, #tpu.memory_space<vmem_shared>>) target(%arg11 : memref<128x64xf32, #tpu.memory_space<vmem>>) offsets(%dma_start3A_151 : memref<128xi32, #tpu.memory_space<vmem>>) semaphore(%arg13 : memref<!tpu.dma_semaphore, #tpu.memory_space<semaphore_mem>>)
      } else {
      }
      %scan3A_148 = arith.constant 0 : i32
      scf.yield %scan3A_148 : i32
    }
    %scan3A_86 = arith.constant 20 : i32
    "tpu.region"() ({
      %run_scoped3A = tpu.sem_alloc : memref<!tpu.dma_semaphore, #tpu.memory_space<semaphore_mem>>
      %dma_start3A_116 = arith.constant 40 : i32
      %dma_start3A_117 = arith.constant 0 : i32
      %dma_start3A_118 = tpu.memref_slice %arg3[%add3A, %dma_start3A_116, %dma_start3A_117] : memref<32x80x128xi32, #tpu.memory_space<hbm>> -> memref<1x40x128xi32, #tpu.memory_space<hbm>>
      %dma_start3A_119 = tpu.memref_squeeze %dma_start3A_118 : memref<1x40x128xi32, #tpu.memory_space<hbm>> -> memref<40x128xi32, #tpu.memory_space<hbm>>
      %dma_start3A_120 = arith.constant 40 : i32
      %dma_start3A_121 = arith.constant 0 : i32
      %dma_start3A_122 = tpu.memref_slice %arg3[%add3A, %dma_start3A_120, %dma_start3A_121] : memref<32x80x128xi32, #tpu.memory_space<hbm>> -> memref<1x40x128xi32, #tpu.memory_space<hbm>>
      %dma_start3A_123 = tpu.memref_squeeze %dma_start3A_122 : memref<1x40x128xi32, #tpu.memory_space<hbm>> -> memref<40x128xi32, #tpu.memory_space<hbm>>
      tpu.enqueue_dma source(%dma_start3A_123 : memref<40x128xi32, #tpu.memory_space<hbm>>) target(%arg8 : memref<40x128xi32, #tpu.memory_space<vmem>>) target_semaphore(%run_scoped3A : memref<!tpu.dma_semaphore, #tpu.memory_space<semaphore_mem>>)
      %dma_wait3A = arith.constant 40 : i32
      %dma_wait3A_124 = arith.constant 0 : i32
      %dma_wait3A_125 = tpu.memref_slice %arg3[%add3A, %dma_wait3A, %dma_wait3A_124] : memref<32x80x128xi32, #tpu.memory_space<hbm>> -> memref<1x40x128xi32, #tpu.memory_space<hbm>>
      %dma_wait3A_126 = tpu.memref_squeeze %dma_wait3A_125 : memref<1x40x128xi32, #tpu.memory_space<hbm>> -> memref<40x128xi32, #tpu.memory_space<hbm>>
      %dma_wait3A_127 = arith.constant 40 : i32
      %dma_wait3A_128 = arith.constant 0 : i32
      %dma_wait3A_129 = tpu.memref_slice %arg3[%add3A, %dma_wait3A_127, %dma_wait3A_128] : memref<32x80x128xi32, #tpu.memory_space<hbm>> -> memref<1x40x128xi32, #tpu.memory_space<hbm>>
      %dma_wait3A_130 = tpu.memref_squeeze %dma_wait3A_129 : memref<1x40x128xi32, #tpu.memory_space<hbm>> -> memref<40x128xi32, #tpu.memory_space<hbm>>
      tpu.wait_dma2 semaphore(%run_scoped3A : memref<!tpu.dma_semaphore, #tpu.memory_space<semaphore_mem>>) src(%dma_wait3A_130 : memref<40x128xi32, #tpu.memory_space<hbm>>) dst(%arg8 : memref<40x128xi32, #tpu.memory_space<vmem>>)
      tpu.yield
    }) : () -> ()
    "tpu.region"() ({
      %run_scoped3A = tpu.sem_alloc : memref<!tpu.dma_semaphore, #tpu.memory_space<semaphore_mem>>
      %dma_start3A_116 = arith.constant 40 : i32
      %dma_start3A_117 = arith.constant 0 : i32
      %dma_start3A_118 = tpu.memref_slice %arg4[%add3A, %dma_start3A_116, %dma_start3A_117] : memref<32x80x128xi32, #tpu.memory_space<hbm>> -> memref<1x40x128xi32, #tpu.memory_space<hbm>>
      %dma_start3A_119 = tpu.memref_squeeze %dma_start3A_118 : memref<1x40x128xi32, #tpu.memory_space<hbm>> -> memref<40x128xi32, #tpu.memory_space<hbm>>
      %dma_start3A_120 = arith.constant 40 : i32
      %dma_start3A_121 = arith.constant 0 : i32
      %dma_start3A_122 = tpu.memref_slice %arg4[%add3A, %dma_start3A_120, %dma_start3A_121] : memref<32x80x128xi32, #tpu.memory_space<hbm>> -> memref<1x40x128xi32, #tpu.memory_space<hbm>>
      %dma_start3A_123 = tpu.memref_squeeze %dma_start3A_122 : memref<1x40x128xi32, #tpu.memory_space<hbm>> -> memref<40x128xi32, #tpu.memory_space<hbm>>
      tpu.enqueue_dma source(%dma_start3A_123 : memref<40x128xi32, #tpu.memory_space<hbm>>) target(%arg9 : memref<40x128xi32, #tpu.memory_space<vmem>>) target_semaphore(%run_scoped3A : memref<!tpu.dma_semaphore, #tpu.memory_space<semaphore_mem>>)
      %dma_wait3A = arith.constant 40 : i32
      %dma_wait3A_124 = arith.constant 0 : i32
      %dma_wait3A_125 = tpu.memref_slice %arg4[%add3A, %dma_wait3A, %dma_wait3A_124] : memref<32x80x128xi32, #tpu.memory_space<hbm>> -> memref<1x40x128xi32, #tpu.memory_space<hbm>>
      %dma_wait3A_126 = tpu.memref_squeeze %dma_wait3A_125 : memref<1x40x128xi32, #tpu.memory_space<hbm>> -> memref<40x128xi32, #tpu.memory_space<hbm>>
      %dma_wait3A_127 = arith.constant 40 : i32
      %dma_wait3A_128 = arith.constant 0 : i32
      %dma_wait3A_129 = tpu.memref_slice %arg4[%add3A, %dma_wait3A_127, %dma_wait3A_128] : memref<32x80x128xi32, #tpu.memory_space<hbm>> -> memref<1x40x128xi32, #tpu.memory_space<hbm>>
      %dma_wait3A_130 = tpu.memref_squeeze %dma_wait3A_129 : memref<1x40x128xi32, #tpu.memory_space<hbm>> -> memref<40x128xi32, #tpu.memory_space<hbm>>
      tpu.wait_dma2 semaphore(%run_scoped3A : memref<!tpu.dma_semaphore, #tpu.memory_space<semaphore_mem>>) src(%dma_wait3A_130 : memref<40x128xi32, #tpu.memory_space<hbm>>) dst(%arg9 : memref<40x128xi32, #tpu.memory_space<vmem>>)
      tpu.yield
    }) : () -> ()
    %dma_start3A_87 = arith.constant 0 : i32
    %dma_start3A_88 = arith.constant 0 : i32
    %dma_start3A_89 = tpu.memref_slice %arg8[%dma_start3A_87, %dma_start3A_88] : memref<40x128xi32, #tpu.memory_space<vmem>> -> memref<1x128xi32, #tpu.memory_space<vmem>>
    %dma_start3A_90 = tpu.memref_squeeze %dma_start3A_89 : memref<1x128xi32, #tpu.memory_space<vmem>> -> memref<128xi32, #tpu.memory_space<vmem>>
    %dma_start3A_91 = arith.constant 0 : i32
    %dma_start3A_92 = arith.constant 0 : i32
    %dma_start3A_93 = tpu.memref_slice %arg6[%dma_start3A_91, %dma_start3A_92] : memref<10240x64xf32, #tpu.memory_space<vmem_shared>> -> memref<10240x64xf32, #tpu.memory_space<vmem_shared>>
    tpu.enqueue_indirect_dma source(%dma_start3A_93 : memref<10240x64xf32, #tpu.memory_space<vmem_shared>>) target(%arg10 : memref<128x64xf32, #tpu.memory_space<vmem>>) offsets(%dma_start3A_90 : memref<128xi32, #tpu.memory_space<vmem>>) semaphore(%arg12 : memref<!tpu.dma_semaphore, #tpu.memory_space<semaphore_mem>>)
    %dma_start3A_94 = arith.constant 1 : i32
    %dma_start3A_95 = arith.constant 0 : i32
    %dma_start3A_96 = tpu.memref_slice %arg8[%dma_start3A_94, %dma_start3A_95] : memref<40x128xi32, #tpu.memory_space<vmem>> -> memref<1x128xi32, #tpu.memory_space<vmem>>
    %dma_start3A_97 = tpu.memref_squeeze %dma_start3A_96 : memref<1x128xi32, #tpu.memory_space<vmem>> -> memref<128xi32, #tpu.memory_space<vmem>>
    %dma_start3A_98 = arith.constant 0 : i32
    %dma_start3A_99 = arith.constant 0 : i32
    %dma_start3A_100 = tpu.memref_slice %arg6[%dma_start3A_98, %dma_start3A_99] : memref<10240x64xf32, #tpu.memory_space<vmem_shared>> -> memref<10240x64xf32, #tpu.memory_space<vmem_shared>>
    tpu.enqueue_indirect_dma source(%dma_start3A_100 : memref<10240x64xf32, #tpu.memory_space<vmem_shared>>) target(%arg11 : memref<128x64xf32, #tpu.memory_space<vmem>>) offsets(%dma_start3A_97 : memref<128xi32, #tpu.memory_space<vmem>>) semaphore(%arg13 : memref<!tpu.dma_semaphore, #tpu.memory_space<semaphore_mem>>)
    %scan3A_101 = arith.constant 0 : i32
    %scan3A_102 = arith.constant 0 : i32
    %scan3A_103 = arith.constant 20 : i32
    %scan3A_104 = arith.addi %scan3A_102, %scan3A_103 : i32
    %scan3A_105 = arith.constant 1 : i32
    %scan3A_106 = scf.for %scan3A_116 = %scan3A_102 to %scan3A_104 step %scan3A_105 iter_args(%scan3A_117 = %scan3A_101) -> (i32)  : i32 {
      %mul3A_118 = arith.constant 2 : i32
      %mul3A_119 = arith.muli %scan3A_116, %mul3A_118 : i32
      %add3A_120 = arith.constant 0 : i32
      %add3A_121 = arith.addi %mul3A_119, %add3A_120 : i32
      %dma_wait3A = arith.constant 0 : i32
      %dma_wait3A_122 = tpu.memref_slice %arg8[%add3A_121, %dma_wait3A] : memref<40x128xi32, #tpu.memory_space<vmem>> -> memref<1x128xi32, #tpu.memory_space<vmem>>
      %dma_wait3A_123 = tpu.memref_squeeze %dma_wait3A_122 : memref<1x128xi32, #tpu.memory_space<vmem>> -> memref<128xi32, #tpu.memory_space<vmem>>
      %dma_wait3A_124 = arith.constant 0 : i32
      %dma_wait3A_125 = arith.constant 0 : i32
      %dma_wait3A_126 = tpu.memref_slice %arg6[%dma_wait3A_124, %dma_wait3A_125] : memref<10240x64xf32, #tpu.memory_space<vmem_shared>> -> memref<10240x64xf32, #tpu.memory_space<vmem_shared>>
      tpu.wait_indirect_dma semaphore(%arg12 : memref<!tpu.dma_semaphore, #tpu.memory_space<semaphore_mem>>) src(%dma_wait3A_126 : memref<10240x64xf32, #tpu.memory_space<vmem_shared>>) dst(%arg10 : memref<128x64xf32, #tpu.memory_space<vmem>>)
      "tpu.region"() ({
        %run_scoped3A = tpu.sem_alloc : memref<!tpu.dma_semaphore, #tpu.memory_space<semaphore_mem>>
        %dma_start3A_149 = arith.constant 0 : i32
        %dma_start3A_150 = tpu.memref_slice %arg9[%add3A_121, %dma_start3A_149] : memref<40x128xi32, #tpu.memory_space<vmem>> -> memref<1x128xi32, #tpu.memory_space<vmem>>
        %dma_start3A_151 = tpu.memref_squeeze %dma_start3A_150 : memref<1x128xi32, #tpu.memory_space<vmem>> -> memref<128xi32, #tpu.memory_space<vmem>>
        %dma_start3A_152 = arith.constant 0 : i32
        %dma_start3A_153 = arith.constant 0 : i32
        %dma_start3A_154 = tpu.memref_slice %arg7[%dma_start3A_152, %dma_start3A_153] : memref<10240x64xf32, #tpu.memory_space<vmem_shared>> -> memref<10240x64xf32, #tpu.memory_space<vmem_shared>>
        tpu.enqueue_indirect_dma source(%arg10 : memref<128x64xf32, #tpu.memory_space<vmem>>) target(%dma_start3A_154 : memref<10240x64xf32, #tpu.memory_space<vmem_shared>>) offsets(%dma_start3A_151 : memref<128xi32, #tpu.memory_space<vmem>>) semaphore(%run_scoped3A : memref<!tpu.dma_semaphore, #tpu.memory_space<semaphore_mem>>) {add = true}
        %dma_wait3A_155 = arith.constant 0 : i32
        %dma_wait3A_156 = tpu.memref_slice %arg9[%add3A_121, %dma_wait3A_155] : memref<40x128xi32, #tpu.memory_space<vmem>> -> memref<1x128xi32, #tpu.memory_space<vmem>>
        %dma_wait3A_157 = tpu.memref_squeeze %dma_wait3A_156 : memref<1x128xi32, #tpu.memory_space<vmem>> -> memref<128xi32, #tpu.memory_space<vmem>>
        %dma_wait3A_158 = arith.constant 0 : i32
        %dma_wait3A_159 = arith.constant 0 : i32
        %dma_wait3A_160 = tpu.memref_slice %arg7[%dma_wait3A_158, %dma_wait3A_159] : memref<10240x64xf32, #tpu.memory_space<vmem_shared>> -> memref<10240x64xf32, #tpu.memory_space<vmem_shared>>
        tpu.wait_indirect_dma semaphore(%run_scoped3A : memref<!tpu.dma_semaphore, #tpu.memory_space<semaphore_mem>>) src(%arg10 : memref<128x64xf32, #tpu.memory_space<vmem>>) dst(%dma_wait3A_160 : memref<10240x64xf32, #tpu.memory_space<vmem_shared>>)
        tpu.yield
      }) : () -> ()
      %add3A_127 = arith.constant 2 : i32
      %add3A_128 = arith.addi %add3A_121, %add3A_127 : i32
      %lt3A = arith.constant 40 : i32
      %lt3A_129 = arith.cmpi slt, %add3A_128, %lt3A : i32
      %convert_element_type3A = arith.extui %lt3A_129 : i1 to i32
      %cond3A = arith.constant 0 : i32
      %cond3A_130 = arith.cmpi ne, %convert_element_type3A, %cond3A : i32
      scf.if %cond3A_130 {
        %dma_start3A_149 = arith.constant 0 : i32
        %dma_start3A_150 = tpu.memref_slice %arg8[%add3A_128, %dma_start3A_149] : memref<40x128xi32, #tpu.memory_space<vmem>> -> memref<1x128xi32, #tpu.memory_space<vmem>>
        %dma_start3A_151 = tpu.memref_squeeze %dma_start3A_150 : memref<1x128xi32, #tpu.memory_space<vmem>> -> memref<128xi32, #tpu.memory_space<vmem>>
        %dma_start3A_152 = arith.constant 0 : i32
        %dma_start3A_153 = arith.constant 0 : i32
        %dma_start3A_154 = tpu.memref_slice %arg6[%dma_start3A_152, %dma_start3A_153] : memref<10240x64xf32, #tpu.memory_space<vmem_shared>> -> memref<10240x64xf32, #tpu.memory_space<vmem_shared>>
        tpu.enqueue_indirect_dma source(%dma_start3A_154 : memref<10240x64xf32, #tpu.memory_space<vmem_shared>>) target(%arg10 : memref<128x64xf32, #tpu.memory_space<vmem>>) offsets(%dma_start3A_151 : memref<128xi32, #tpu.memory_space<vmem>>) semaphore(%arg12 : memref<!tpu.dma_semaphore, #tpu.memory_space<semaphore_mem>>)
      } else {
      }
      %mul3A_131 = arith.constant 2 : i32
      %mul3A_132 = arith.muli %scan3A_116, %mul3A_131 : i32
      %add3A_133 = arith.constant 1 : i32
      %add3A_134 = arith.addi %mul3A_132, %add3A_133 : i32
      %dma_wait3A_135 = arith.constant 0 : i32
      %dma_wait3A_136 = tpu.memref_slice %arg8[%add3A_134, %dma_wait3A_135] : memref<40x128xi32, #tpu.memory_space<vmem>> -> memref<1x128xi32, #tpu.memory_space<vmem>>
      %dma_wait3A_137 = tpu.memref_squeeze %dma_wait3A_136 : memref<1x128xi32, #tpu.memory_space<vmem>> -> memref<128xi32, #tpu.memory_space<vmem>>
      %dma_wait3A_138 = arith.constant 0 : i32
      %dma_wait3A_139 = arith.constant 0 : i32
      %dma_wait3A_140 = tpu.memref_slice %arg6[%dma_wait3A_138, %dma_wait3A_139] : memref<10240x64xf32, #tpu.memory_space<vmem_shared>> -> memref<10240x64xf32, #tpu.memory_space<vmem_shared>>
      tpu.wait_indirect_dma semaphore(%arg13 : memref<!tpu.dma_semaphore, #tpu.memory_space<semaphore_mem>>) src(%dma_wait3A_140 : memref<10240x64xf32, #tpu.memory_space<vmem_shared>>) dst(%arg11 : memref<128x64xf32, #tpu.memory_space<vmem>>)
      "tpu.region"() ({
        %run_scoped3A = tpu.sem_alloc : memref<!tpu.dma_semaphore, #tpu.memory_space<semaphore_mem>>
        %dma_start3A_149 = arith.constant 0 : i32
        %dma_start3A_150 = tpu.memref_slice %arg9[%add3A_134, %dma_start3A_149] : memref<40x128xi32, #tpu.memory_space<vmem>> -> memref<1x128xi32, #tpu.memory_space<vmem>>
        %dma_start3A_151 = tpu.memref_squeeze %dma_start3A_150 : memref<1x128xi32, #tpu.memory_space<vmem>> -> memref<128xi32, #tpu.memory_space<vmem>>
        %dma_start3A_152 = arith.constant 0 : i32
        %dma_start3A_153 = arith.constant 0 : i32
        %dma_start3A_154 = tpu.memref_slice %arg7[%dma_start3A_152, %dma_start3A_153] : memref<10240x64xf32, #tpu.memory_space<vmem_shared>> -> memref<10240x64xf32, #tpu.memory_space<vmem_shared>>
        tpu.enqueue_indirect_dma source(%arg11 : memref<128x64xf32, #tpu.memory_space<vmem>>) target(%dma_start3A_154 : memref<10240x64xf32, #tpu.memory_space<vmem_shared>>) offsets(%dma_start3A_151 : memref<128xi32, #tpu.memory_space<vmem>>) semaphore(%run_scoped3A : memref<!tpu.dma_semaphore, #tpu.memory_space<semaphore_mem>>) {add = true}
        %dma_wait3A_155 = arith.constant 0 : i32
        %dma_wait3A_156 = tpu.memref_slice %arg9[%add3A_134, %dma_wait3A_155] : memref<40x128xi32, #tpu.memory_space<vmem>> -> memref<1x128xi32, #tpu.memory_space<vmem>>
        %dma_wait3A_157 = tpu.memref_squeeze %dma_wait3A_156 : memref<1x128xi32, #tpu.memory_space<vmem>> -> memref<128xi32, #tpu.memory_space<vmem>>
        %dma_wait3A_158 = arith.constant 0 : i32
        %dma_wait3A_159 = arith.constant 0 : i32
        %dma_wait3A_160 = tpu.memref_slice %arg7[%dma_wait3A_158, %dma_wait3A_159] : memref<10240x64xf32, #tpu.memory_space<vmem_shared>> -> memref<10240x64xf32, #tpu.memory_space<vmem_shared>>
        tpu.wait_indirect_dma semaphore(%run_scoped3A : memref<!tpu.dma_semaphore, #tpu.memory_space<semaphore_mem>>) src(%arg11 : memref<128x64xf32, #tpu.memory_space<vmem>>) dst(%dma_wait3A_160 : memref<10240x64xf32, #tpu.memory_space<vmem_shared>>)
        tpu.yield
      }) : () -> ()
      %add3A_141 = arith.constant 2 : i32
      %add3A_142 = arith.addi %add3A_134, %add3A_141 : i32
      %lt3A_143 = arith.constant 40 : i32
      %lt3A_144 = arith.cmpi slt, %add3A_142, %lt3A_143 : i32
      %convert_element_type3A_145 = arith.extui %lt3A_144 : i1 to i32
      %cond3A_146 = arith.constant 0 : i32
      %cond3A_147 = arith.cmpi ne, %convert_element_type3A_145, %cond3A_146 : i32
      scf.if %cond3A_147 {
        %dma_start3A_149 = arith.constant 0 : i32
        %dma_start3A_150 = tpu.memref_slice %arg8[%add3A_142, %dma_start3A_149] : memref<40x128xi32, #tpu.memory_space<vmem>> -> memref<1x128xi32, #tpu.memory_space<vmem>>
        %dma_start3A_151 = tpu.memref_squeeze %dma_start3A_150 : memref<1x128xi32, #tpu.memory_space<vmem>> -> memref<128xi32, #tpu.memory_space<vmem>>
        %dma_start3A_152 = arith.constant 0 : i32
        %dma_start3A_153 = arith.constant 0 : i32
        %dma_start3A_154 = tpu.memref_slice %arg6[%dma_start3A_152, %dma_start3A_153] : memref<10240x64xf32, #tpu.memory_space<vmem_shared>> -> memref<10240x64xf32, #tpu.memory_space<vmem_shared>>
        tpu.enqueue_indirect_dma source(%dma_start3A_154 : memref<10240x64xf32, #tpu.memory_space<vmem_shared>>) target(%arg11 : memref<128x64xf32, #tpu.memory_space<vmem>>) offsets(%dma_start3A_151 : memref<128xi32, #tpu.memory_space<vmem>>) semaphore(%arg13 : memref<!tpu.dma_semaphore, #tpu.memory_space<semaphore_mem>>)
      } else {
      }
      %scan3A_148 = arith.constant 0 : i32
      scf.yield %scan3A_148 : i32
    }
    %scan3A_107 = arith.constant 20 : i32
    %barrier3A_108 = arith.constant 0 : index
    tpu.barrier barrier_id(%barrier3A_108)
    %scan3A_109 = arith.constant 0 : i32
    %scan3A_110 = arith.constant 0 : i32
    %scan3A_111 = arith.constant 5 : i32
    %scan3A_112 = arith.addi %scan3A_110, %scan3A_111 : i32
    %scan3A_113 = arith.constant 1 : i32
    %scan3A_114 = scf.for %scan3A_116 = %scan3A_110 to %scan3A_112 step %scan3A_113 iter_args(%scan3A_117 = %scan3A_109) -> (i32)  : i32 {
      %mul3A_118 = arith.constant 128 : i32
      %mul3A_119 = arith.muli %scan3A_116, %mul3A_118 : i32
      %add3A_120 = arith.addi %mul3A_2, %mul3A_119 : i32
      "tpu.region"() ({
        %run_scoped3A = tpu.sem_alloc : memref<!tpu.dma_semaphore, #tpu.memory_space<semaphore_mem>>
        %dma_start3A_122 = arith.constant 0 : i32
        %dma_start3A_123 = tpu.memref_slice %arg7[%add3A_120, %dma_start3A_122] : memref<10240x64xf32, #tpu.memory_space<vmem_shared>> -> memref<128x64xf32, #tpu.memory_space<vmem_shared>>
        %dma_start3A_124 = arith.constant 0 : i32
        %dma_start3A_125 = tpu.memref_slice %arg7[%add3A_120, %dma_start3A_124] : memref<10240x64xf32, #tpu.memory_space<vmem_shared>> -> memref<128x64xf32, #tpu.memory_space<vmem_shared>>
        tpu.enqueue_dma source(%dma_start3A_125 : memref<128x64xf32, #tpu.memory_space<vmem_shared>>) target(%arg10 : memref<128x64xf32, #tpu.memory_space<vmem>>) target_semaphore(%run_scoped3A : memref<!tpu.dma_semaphore, #tpu.memory_space<semaphore_mem>>)
        %dma_wait3A = arith.constant 0 : i32
        %dma_wait3A_126 = tpu.memref_slice %arg7[%add3A_120, %dma_wait3A] : memref<10240x64xf32, #tpu.memory_space<vmem_shared>> -> memref<128x64xf32, #tpu.memory_space<vmem_shared>>
        %dma_wait3A_127 = arith.constant 0 : i32
        %dma_wait3A_128 = tpu.memref_slice %arg7[%add3A_120, %dma_wait3A_127] : memref<10240x64xf32, #tpu.memory_space<vmem_shared>> -> memref<128x64xf32, #tpu.memory_space<vmem_shared>>
        tpu.wait_dma2 semaphore(%run_scoped3A : memref<!tpu.dma_semaphore, #tpu.memory_space<semaphore_mem>>) src(%dma_wait3A_128 : memref<128x64xf32, #tpu.memory_space<vmem_shared>>) dst(%arg10 : memref<128x64xf32, #tpu.memory_space<vmem>>)
        tpu.yield
      }) : () -> ()
      "tpu.region"() ({
        %run_scoped3A = tpu.sem_alloc : memref<!tpu.dma_semaphore, #tpu.memory_space<semaphore_mem>>
        %dma_start3A_122 = arith.constant 64 : i32
        %dma_start3A_123 = tpu.memref_slice %arg5[%arg0, %add3A_120, %dma_start3A_122] : memref<2x10240x128xf32, #tpu.memory_space<hbm>> -> memref<1x128x64xf32, #tpu.memory_space<hbm>>
        %dma_start3A_124 = tpu.memref_squeeze %dma_start3A_123 : memref<1x128x64xf32, #tpu.memory_space<hbm>> -> memref<128x64xf32, #tpu.memory_space<hbm>>
        %dma_start3A_125 = arith.constant 64 : i32
        %dma_start3A_126 = tpu.memref_slice %arg5[%arg0, %add3A_120, %dma_start3A_125] : memref<2x10240x128xf32, #tpu.memory_space<hbm>> -> memref<1x128x64xf32, #tpu.memory_space<hbm>>
        %dma_start3A_127 = tpu.memref_squeeze %dma_start3A_126 : memref<1x128x64xf32, #tpu.memory_space<hbm>> -> memref<128x64xf32, #tpu.memory_space<hbm>>
        tpu.enqueue_dma source(%arg10 : memref<128x64xf32, #tpu.memory_space<vmem>>) target(%dma_start3A_127 : memref<128x64xf32, #tpu.memory_space<hbm>>) target_semaphore(%run_scoped3A : memref<!tpu.dma_semaphore, #tpu.memory_space<semaphore_mem>>)
        %dma_wait3A = arith.constant 64 : i32
        %dma_wait3A_128 = tpu.memref_slice %arg5[%arg0, %add3A_120, %dma_wait3A] : memref<2x10240x128xf32, #tpu.memory_space<hbm>> -> memref<1x128x64xf32, #tpu.memory_space<hbm>>
        %dma_wait3A_129 = tpu.memref_squeeze %dma_wait3A_128 : memref<1x128x64xf32, #tpu.memory_space<hbm>> -> memref<128x64xf32, #tpu.memory_space<hbm>>
        %dma_wait3A_130 = arith.constant 64 : i32
        %dma_wait3A_131 = tpu.memref_slice %arg5[%arg0, %add3A_120, %dma_wait3A_130] : memref<2x10240x128xf32, #tpu.memory_space<hbm>> -> memref<1x128x64xf32, #tpu.memory_space<hbm>>
        %dma_wait3A_132 = tpu.memref_squeeze %dma_wait3A_131 : memref<1x128x64xf32, #tpu.memory_space<hbm>> -> memref<128x64xf32, #tpu.memory_space<hbm>>
        tpu.wait_dma2 semaphore(%run_scoped3A : memref<!tpu.dma_semaphore, #tpu.memory_space<semaphore_mem>>) src(%arg10 : memref<128x64xf32, #tpu.memory_space<vmem>>) dst(%dma_wait3A_132 : memref<128x64xf32, #tpu.memory_space<hbm>>)
        tpu.yield
      }) : () -> ()
      %scan3A_121 = arith.constant 0 : i32
      scf.yield %scan3A_121 : i32
    }
    %scan3A_115 = arith.constant 5 : i32
    return
  }
}

module attributes {stable_mosaic.version = 14 : i64} {
  func.func @_dinv_body(%arg0: memref<2x80x128xf32, #tpu.memory_space<vmem>>, %arg1: memref<80x128xf32, #tpu.memory_space<vmem>>) attributes {dimension_semantics = [], scalar_prefetch = 0 : i64, scratch_operands = 0 : i64, tpu.core_type = #tpu.core_type<tc>} {
    %get3A = arith.constant 0 : index
    %get3A_0 = arith.constant 0 : index
    %get3A_1 = arith.constant 0 : index
    %get3A_2 = vector.load %arg0[%get3A, %get3A_0, %get3A_1] : memref<2x80x128xf32, #tpu.memory_space<vmem>>, vector<1x80x128xf32>
    %get3A_3 = vector.shape_cast %get3A_2 : vector<1x80x128xf32> to vector<80x128xf32>
    %get3A_4 = arith.constant 1 : index
    %get3A_5 = arith.constant 0 : index
    %get3A_6 = arith.constant 0 : index
    %get3A_7 = vector.load %arg0[%get3A_4, %get3A_5, %get3A_6] : memref<2x80x128xf32, #tpu.memory_space<vmem>>, vector<1x80x128xf32>
    %get3A_8 = vector.shape_cast %get3A_7 : vector<1x80x128xf32> to vector<80x128xf32>
    %add3A = arith.addf %get3A_3, %get3A_8 : vector<80x128xf32>
    %add3A_9 = arith.constant 1.000000e+00 : f32
    %add3A_10 = vector.broadcast %add3A_9 : f32 to vector<80x128xf32>
    %add3A_11 = arith.addf %add3A, %add3A_10 : vector<80x128xf32>
    %rsqrt3A = math.rsqrt %add3A_11 : vector<80x128xf32>
    %swap3A = arith.constant 0 : index
    %swap3A_12 = arith.constant 0 : index
    %swap3A_13 = vector.load %arg1[%swap3A, %swap3A_12] : memref<80x128xf32, #tpu.memory_space<vmem>>, vector<80x128xf32>
    tpu.vector_store %arg1[%swap3A, %swap3A_12], %rsqrt3A {strides = array<i32>} : memref<80x128xf32, #tpu.memory_space<vmem>>, vector<80x128xf32>,
    return
  }
}

module attributes {stable_mosaic.version = 14 : i64} {
  func.func @_pre_body(%arg0: i32, %arg1: memref<1024x128xf32, #tpu.memory_space<vmem>>, %arg2: memref<128x128xf32, #tpu.memory_space<vmem>>, %arg3: memref<1024x1xf32, #tpu.memory_space<vmem>>, %arg4: memref<1024x128xf32, #tpu.memory_space<vmem>>) attributes {dimension_semantics = [#tpu.dimension_semantics<arbitrary>], iteration_bounds = array<i64: 10>, scalar_prefetch = 0 : i64, scratch_operands = 0 : i64, tpu.core_type = #tpu.core_type<tc>, window_params = [{transform_indices = @transform_0, window_bounds = array<i64: 1024, 128>}, {pipeline_mode = #tpu.pipeline_mode<synchronous>, transform_indices = @transform_1, window_bounds = array<i64: 128, 128>}, {transform_indices = @transform_2, window_bounds = array<i64: 1024, 1>}, {transform_indices = @transform_3, window_bounds = array<i64: 1024, 128>}]} {
    %get3A = arith.constant 0 : index
    %get3A_0 = arith.constant 0 : index
    %get3A_1 = vector.load %arg3[%get3A, %get3A_0] : memref<1024x1xf32, #tpu.memory_space<vmem>>, vector<1024x1xf32>
    %get3A_2 = arith.constant 0 : index
    %get3A_3 = arith.constant 0 : index
    %get3A_4 = vector.load %arg1[%get3A_2, %get3A_3] : memref<1024x128xf32, #tpu.memory_space<vmem>>, vector<1024x128xf32>
    %mul3A = vector.broadcast %get3A_1 : vector<1024x1xf32> to vector<1024x128xf32>
    %mul3A_5 = arith.mulf %mul3A, %get3A_4 : vector<1024x128xf32>
    %get3A_6 = arith.constant 0 : index
    %get3A_7 = arith.constant 0 : index
    %get3A_8 = vector.load %arg2[%get3A_6, %get3A_7] : memref<128x128xf32, #tpu.memory_space<vmem>>, vector<128x128xf32>
    %dot_general3A = arith.constant dense<0.000000e+00> : vector<1024x128xf32>
    %dot_general3A_9 = tpu.matmul %mul3A_5, %get3A_8, %dot_general3A {dimension_numbers = #tpu.dot_dimension_numbers<[1], [0], [0], [1], [0, 0, 1, 1], [], []>, transpose_lhs_hint = false} : vector<1024x128xf32>, vector<128x128xf32>, vector<1024x128xf32> -> vector<1024x128xf32>
    %swap3A = arith.constant 0 : index
    %swap3A_10 = arith.constant 0 : index
    %swap3A_11 = vector.load %arg4[%swap3A, %swap3A_10] : memref<1024x128xf32, #tpu.memory_space<vmem>>, vector<1024x128xf32>
    tpu.vector_store %arg4[%swap3A, %swap3A_10], %dot_general3A_9 {strides = array<i32>} : memref<1024x128xf32, #tpu.memory_space<vmem>>, vector<1024x128xf32>,
    return
  }
  func.func @transform_0(%arg0: i32) -> (i32, i32) {
    %c0_i32 = arith.constant 0 : i32
    %c0_i32_0 = arith.constant 0 : i32
    return %arg0, %c0_i32 : i32, i32
  }
  func.func @transform_1(%arg0: i32) -> (i32, i32) {
    %c0_i32 = arith.constant 0 : i32
    %c0_i32_0 = arith.constant 0 : i32
    %c0_i32_1 = arith.constant 0 : i32
    return %c0_i32, %c0_i32_0 : i32, i32
  }
  func.func @transform_2(%arg0: i32) -> (i32, i32) {
    %c0_i32 = arith.constant 0 : i32
    %c0_i32_0 = arith.constant 0 : i32
    return %arg0, %c0_i32 : i32, i32
  }
  func.func @transform_3(%arg0: i32) -> (i32, i32) {
    %c0_i32 = arith.constant 0 : i32
    %c0_i32_0 = arith.constant 0 : i32
    return %arg0, %c0_i32 : i32, i32
  }
}

module attributes {stable_mosaic.version = 14 : i64} {
  func.func @_mid_body(%arg0: i32, %arg1: memref<2x1024x128xf32, #tpu.memory_space<vmem>>, %arg2: memref<1024x128xf32, #tpu.memory_space<vmem>>, %arg3: memref<1024x1xf32, #tpu.memory_space<vmem>>, %arg4: memref<1x128xf32, #tpu.memory_space<vmem>>, %arg5: memref<128x128xf32, #tpu.memory_space<vmem>>, %arg6: memref<1024x128xf32, #tpu.memory_space<vmem>>) attributes {dimension_semantics = [#tpu.dimension_semantics<arbitrary>], iteration_bounds = array<i64: 10>, scalar_prefetch = 0 : i64, scratch_operands = 0 : i64, tpu.core_type = #tpu.core_type<tc>, window_params = [{transform_indices = @transform_0, window_bounds = array<i64: 2, 1024, 128>}, {transform_indices = @transform_1, window_bounds = array<i64: 1024, 128>}, {transform_indices = @transform_2, window_bounds = array<i64: 1024, 1>}, {pipeline_mode = #tpu.pipeline_mode<synchronous>, transform_indices = @transform_3, window_bounds = array<i64: 1, 128>}, {pipeline_mode = #tpu.pipeline_mode<synchronous>, transform_indices = @transform_4, window_bounds = array<i64: 128, 128>}, {transform_indices = @transform_5, window_bounds = array<i64: 1024, 128>}]} {
    %get3A = arith.constant 0 : index
    %get3A_0 = arith.constant 0 : index
    %get3A_1 = vector.load %arg3[%get3A, %get3A_0] : memref<1024x1xf32, #tpu.memory_space<vmem>>, vector<1024x1xf32>
    %get3A_2 = arith.constant 0 : index
    %get3A_3 = arith.constant 0 : index
    %get3A_4 = arith.constant 0 : index
    %get3A_5 = vector.load %arg1[%get3A_2, %get3A_3, %get3A_4] : memref<2x1024x128xf32, #tpu.memory_space<vmem>>, vector<1x1024x128xf32>
    %get3A_6 = vector.shape_cast %get3A_5 : vector<1x1024x128xf32> to vector<1024x128xf32>
    %get3A_7 = arith.constant 1 : index
    %get3A_8 = arith.constant 0 : index
    %get3A_9 = arith.constant 0 : index
    %get3A_10 = vector.load %arg1[%get3A_7, %get3A_8, %get3A_9] : memref<2x1024x128xf32, #tpu.memory_space<vmem>>, vector<1x1024x128xf32>
    %get3A_11 = vector.shape_cast %get3A_10 : vector<1x1024x128xf32> to vector<1024x128xf32>
    %add3A = arith.addf %get3A_6, %get3A_11 : vector<1024x128xf32>
    %get3A_12 = arith.constant 0 : index
    %get3A_13 = arith.constant 0 : index
    %get3A_14 = vector.load %arg2[%get3A_12, %get3A_13] : memref<1024x128xf32, #tpu.memory_space<vmem>>, vector<1024x128xf32>
    %sub3A = arith.subf %add3A, %get3A_14 : vector<1024x128xf32>
    %mul3A = vector.broadcast %get3A_1 : vector<1024x1xf32> to vector<1024x128xf32>
    %mul3A_15 = arith.mulf %mul3A, %sub3A : vector<1024x128xf32>
    %get3A_16 = arith.constant 0 : index
    %get3A_17 = arith.constant 0 : index
    %get3A_18 = vector.load %arg4[%get3A_16, %get3A_17] : memref<1x128xf32, #tpu.memory_space<vmem>>, vector<1x128xf32>
    %add3A_19 = vector.broadcast %get3A_18 : vector<1x128xf32> to vector<1024x128xf32>
    %add3A_20 = arith.addf %mul3A_15, %add3A_19 : vector<1024x128xf32>
    %max3A = arith.constant 0.000000e+00 : f32
    %max3A_21 = vector.broadcast %max3A : f32 to vector<1024x128xf32>
    %max3A_22 = arith.maximumf %add3A_20, %max3A_21 : vector<1024x128xf32>
    %mul3A_23 = vector.broadcast %get3A_1 : vector<1024x1xf32> to vector<1024x128xf32>
    %mul3A_24 = arith.mulf %mul3A_23, %max3A_22 : vector<1024x128xf32>
    %get3A_25 = arith.constant 0 : index
    %get3A_26 = arith.constant 0 : index
    %get3A_27 = vector.load %arg5[%get3A_25, %get3A_26] : memref<128x128xf32, #tpu.memory_space<vmem>>, vector<128x128xf32>
    %dot_general3A = arith.constant dense<0.000000e+00> : vector<1024x128xf32>
    %dot_general3A_28 = tpu.matmul %mul3A_24, %get3A_27, %dot_general3A {dimension_numbers = #tpu.dot_dimension_numbers<[1], [0], [0], [1], [0, 0, 1, 1], [], []>, transpose_lhs_hint = false} : vector<1024x128xf32>, vector<128x128xf32>, vector<1024x128xf32> -> vector<1024x128xf32>
    %swap3A = arith.constant 0 : index
    %swap3A_29 = arith.constant 0 : index
    %swap3A_30 = vector.load %arg6[%swap3A, %swap3A_29] : memref<1024x128xf32, #tpu.memory_space<vmem>>, vector<1024x128xf32>
    tpu.vector_store %arg6[%swap3A, %swap3A_29], %dot_general3A_28 {strides = array<i32>} : memref<1024x128xf32, #tpu.memory_space<vmem>>, vector<1024x128xf32>,
    return
  }
  func.func @transform_0(%arg0: i32) -> (i32, i32, i32) {
    %c0_i32 = arith.constant 0 : i32
    %c0_i32_0 = arith.constant 0 : i32
    %c0_i32_1 = arith.constant 0 : i32
    return %c0_i32, %arg0, %c0_i32_0 : i32, i32, i32
  }
  func.func @transform_1(%arg0: i32) -> (i32, i32) {
    %c0_i32 = arith.constant 0 : i32
    %c0_i32_0 = arith.constant 0 : i32
    return %arg0, %c0_i32 : i32, i32
  }
  func.func @transform_2(%arg0: i32) -> (i32, i32) {
    %c0_i32 = arith.constant 0 : i32
    %c0_i32_0 = arith.constant 0 : i32
    return %arg0, %c0_i32 : i32, i32
  }
  func.func @transform_3(%arg0: i32) -> (i32, i32) {
    %c0_i32 = arith.constant 0 : i32
    %c0_i32_0 = arith.constant 0 : i32
    %c0_i32_1 = arith.constant 0 : i32
    return %c0_i32, %c0_i32_0 : i32, i32
  }
  func.func @transform_4(%arg0: i32) -> (i32, i32) {
    %c0_i32 = arith.constant 0 : i32
    %c0_i32_0 = arith.constant 0 : i32
    %c0_i32_1 = arith.constant 0 : i32
    return %c0_i32, %c0_i32_0 : i32, i32
  }
  func.func @transform_5(%arg0: i32) -> (i32, i32) {
    %c0_i32 = arith.constant 0 : i32
    %c0_i32_0 = arith.constant 0 : i32
    return %arg0, %c0_i32 : i32, i32
  }
}

module attributes {stable_mosaic.version = 14 : i64} {
  func.func @_fin_body(%arg0: i32, %arg1: memref<2x1024x128xf32, #tpu.memory_space<vmem>>, %arg2: memref<1024x128xf32, #tpu.memory_space<vmem>>, %arg3: memref<1024x1xf32, #tpu.memory_space<vmem>>, %arg4: memref<1x128xf32, #tpu.memory_space<vmem>>, %arg5: memref<1024x64xf32, #tpu.memory_space<vmem>>) attributes {dimension_semantics = [#tpu.dimension_semantics<arbitrary>], iteration_bounds = array<i64: 10>, scalar_prefetch = 0 : i64, scratch_operands = 0 : i64, tpu.core_type = #tpu.core_type<tc>, window_params = [{transform_indices = @transform_0, window_bounds = array<i64: 2, 1024, 128>}, {transform_indices = @transform_1, window_bounds = array<i64: 1024, 128>}, {transform_indices = @transform_2, window_bounds = array<i64: 1024, 1>}, {pipeline_mode = #tpu.pipeline_mode<synchronous>, transform_indices = @transform_3, window_bounds = array<i64: 1, 128>}, {transform_indices = @transform_4, window_bounds = array<i64: 1024, 64>}]} {
    %get3A = arith.constant 0 : index
    %get3A_0 = arith.constant 0 : index
    %get3A_1 = vector.load %arg3[%get3A, %get3A_0] : memref<1024x1xf32, #tpu.memory_space<vmem>>, vector<1024x1xf32>
    %get3A_2 = arith.constant 0 : index
    %get3A_3 = arith.constant 0 : index
    %get3A_4 = arith.constant 0 : index
    %get3A_5 = vector.load %arg1[%get3A_2, %get3A_3, %get3A_4] : memref<2x1024x128xf32, #tpu.memory_space<vmem>>, vector<1x1024x128xf32>
    %get3A_6 = vector.shape_cast %get3A_5 : vector<1x1024x128xf32> to vector<1024x128xf32>
    %get3A_7 = arith.constant 1 : index
    %get3A_8 = arith.constant 0 : index
    %get3A_9 = arith.constant 0 : index
    %get3A_10 = vector.load %arg1[%get3A_7, %get3A_8, %get3A_9] : memref<2x1024x128xf32, #tpu.memory_space<vmem>>, vector<1x1024x128xf32>
    %get3A_11 = vector.shape_cast %get3A_10 : vector<1x1024x128xf32> to vector<1024x128xf32>
    %add3A = arith.addf %get3A_6, %get3A_11 : vector<1024x128xf32>
    %get3A_12 = arith.constant 0 : index
    %get3A_13 = arith.constant 0 : index
    %get3A_14 = vector.load %arg2[%get3A_12, %get3A_13] : memref<1024x128xf32, #tpu.memory_space<vmem>>, vector<1024x128xf32>
    %sub3A = arith.subf %add3A, %get3A_14 : vector<1024x128xf32>
    %mul3A = vector.broadcast %get3A_1 : vector<1024x1xf32> to vector<1024x128xf32>
    %mul3A_15 = arith.mulf %mul3A, %sub3A : vector<1024x128xf32>
    %get3A_16 = arith.constant 0 : index
    %get3A_17 = arith.constant 0 : index
    %get3A_18 = vector.load %arg4[%get3A_16, %get3A_17] : memref<1x128xf32, #tpu.memory_space<vmem>>, vector<1x128xf32>
    %add3A_19 = vector.broadcast %get3A_18 : vector<1x128xf32> to vector<1024x128xf32>
    %add3A_20 = arith.addf %mul3A_15, %add3A_19 : vector<1024x128xf32>
    %iota3A = tpu.iota {dimensions = array<i32: 1>} : vector<1024x128xi32>
    %lt3A = arith.constant 64 : i32
    %lt3A_21 = vector.broadcast %lt3A : i32 to vector<1024x128xi32>
    %lt3A_22 = arith.cmpi slt, %iota3A, %lt3A_21 : vector<1024x128xi32>
    %jit3A = arith.constant 0xFF800000 : f32
    %broadcast_in_dim3A = vector.broadcast %jit3A : f32 to vector<1024x128xf32>
    %select_n3A = arith.select %lt3A_22, %add3A_20, %broadcast_in_dim3A : vector<1024x128xi1>, vector<1024x128xf32>
    %reduce_max3A = arith.constant dense<0xFF800000> : vector<1024xf32>
    %reduce_max3A_23 = vector.multi_reduction <maximumf>, %select_n3A, %reduce_max3A [1] : vector<1024x128xf32> to vector<1024xf32>
    %broadcast_in_dim3A_24 = vector.shape_cast %reduce_max3A_23 : vector<1024xf32> to vector<1024x1xf32>
    %sub3A_25 = vector.broadcast %broadcast_in_dim3A_24 : vector<1024x1xf32> to vector<1024x128xf32>
    %sub3A_26 = arith.subf %add3A_20, %sub3A_25 : vector<1024x128xf32>
    %exp3A = math.exp %sub3A_26 : vector<1024x128xf32>
    %jit3A_27 = arith.constant 0.000000e+00 : f32
    %broadcast_in_dim3A_28 = vector.broadcast %jit3A_27 : f32 to vector<1024x128xf32>
    %select_n3A_29 = arith.select %lt3A_22, %exp3A, %broadcast_in_dim3A_28 : vector<1024x128xi1>, vector<1024x128xf32>
    %sub3A_30 = vector.broadcast %broadcast_in_dim3A_24 : vector<1024x1xf32> to vector<1024x128xf32>
    %sub3A_31 = arith.subf %add3A_20, %sub3A_30 : vector<1024x128xf32>
    %reduce_sum3A = arith.constant dense<0.000000e+00> : vector<1024xf32>
    %reduce_sum3A_32 = vector.multi_reduction <add>, %select_n3A_29, %reduce_sum3A [1] : vector<1024x128xf32> to vector<1024xf32>
    %broadcast_in_dim3A_33 = vector.shape_cast %reduce_sum3A_32 : vector<1024xf32> to vector<1024x1xf32>
    %log3A = math.log %broadcast_in_dim3A_33 : vector<1024x1xf32>
    %sub3A_34 = vector.broadcast %log3A : vector<1024x1xf32> to vector<1024x128xf32>
    %sub3A_35 = arith.subf %sub3A_31, %sub3A_34 : vector<1024x128xf32>
    %slice3A = vector.extract_strided_slice %sub3A_35 {offsets = [0, 0], sizes = [1024, 64], strides = [1, 1]} : vector<1024x128xf32> to vector<1024x64xf32>
    %swap3A = arith.constant 0 : index
    %swap3A_36 = arith.constant 0 : index
    %swap3A_37 = vector.load %arg5[%swap3A, %swap3A_36] : memref<1024x64xf32, #tpu.memory_space<vmem>>, vector<1024x64xf32>
    tpu.vector_store %arg5[%swap3A, %swap3A_36], %slice3A {strides = array<i32>} : memref<1024x64xf32, #tpu.memory_space<vmem>>, vector<1024x64xf32>,
    return
  }
  func.func @transform_0(%arg0: i32) -> (i32, i32, i32) {
    %c0_i32 = arith.constant 0 : i32
    %c0_i32_0 = arith.constant 0 : i32
    %c0_i32_1 = arith.constant 0 : i32
    return %c0_i32, %arg0, %c0_i32_0 : i32, i32, i32
  }
  func.func @transform_1(%arg0: i32) -> (i32, i32) {
    %c0_i32 = arith.constant 0 : i32
    %c0_i32_0 = arith.constant 0 : i32
    return %arg0, %c0_i32 : i32, i32
  }
  func.func @transform_2(%arg0: i32) -> (i32, i32) {
    %c0_i32 = arith.constant 0 : i32
    %c0_i32_0 = arith.constant 0 : i32
    return %arg0, %c0_i32 : i32, i32
  }
  func.func @transform_3(%arg0: i32) -> (i32, i32) {
    %c0_i32 = arith.constant 0 : i32
    %c0_i32_0 = arith.constant 0 : i32
    %c0_i32_1 = arith.constant 0 : i32
    return %c0_i32, %c0_i32_0 : i32, i32
  }
  func.func @transform_4(%arg0: i32) -> (i32, i32) {
    %c0_i32 = arith.constant 0 : i32
    %c0_i32_0 = arith.constant 0 : i32
    return %arg0, %c0_i32 : i32, i32
  }
}

</mosaic_0001>

<sc_bundles>
// kernel: kernel.11.cloned.1.call-start
scs
__scs_entry_jumppad:
0x0: {  	(pc) =	sbr.rel $0x88, $3  }
0x1: {  	(tag) =	ssettag $0x0;
	lr =	simm.s32 $0x1  }
0x2: {  	[smem:$0x3F99] =	sst lr;
	_ =	strace $0xD0000000  }
0x3: {  	_ = 	snop  }
0x4: {  	_ = 	snop  }
0x5: {  	_ = 	snop  }
0x6: {  	_ = 	snop  }
0x7: {  	_ = 	snop  }
__scs_overlays_trampoline_lowered:
0x8: {  	[smem:$0x3FA8] =	sst s0  }
0x9: {  	[smem:$0x3FA9] =	sst s1  }
0xa: {  	[smem:$0x3FAA] =	sst s2  }
0xb: {  	[smem:$0x3FAB] =	sst s3  }
0xc: {  	[smem:$0x3FAC] =	sst s4  }
0xd: {  	[smem:$0x3FAD] =	sst s5  }
0xe: {  	[smem:$0x3FAE] =	sst s6  }
0xf: {  	[smem:$0x3FAF] =	sst s7  }
0x10: {  	[smem:$0x3FB0] =	sst s8  }
0x11: {  	[smem:$0x3FB1] =	sst s9;
	s0 =	simm.s32 @!p0 $0x0  }
0x12: {  	s1 =	sld [smem:$0x3F97];
	s0 =	simm.s32 @p0 $0x1  }
0x13: {  	[smem:$0x3FB2] =	sst s0;
	s0 =	simm.s32 @!p1 $0x0  }
0x14: {  	s2 =	sld [smem:$0x3F96];
	s0 =	simm.s32 @p1 $0x1  }
0x15: {  	[smem:$0x3FB3] =	sst s0;
	s0 =	simm.s32 @!p2 $0x0  }
0x16: {  	s3 =	sld [smem:$0x3FDB];
	s0 =	simm.s32 @p2 $0x1  }
0x17: {  	s4 =	simm.s32 $0x1BF5;
	[smem:$0x3FB5] =	sst s0  }
0x18: {  	s0 =	sld [smem:$0x3F98];
	_ =	swait.ge [sflag:s4], $0x0  }
0x19: {  	s7 =	sld [smem:$0x3F99]  }
0x1a: {  	s8 =	sadd.s32 $0xFFFFE003, lr  }
0x1b: {  	s9 =	sadd.s32 $0xFFFFFEF7, lr;
	s5 =	simm.s32 $0xFFFFFFFF;
	p2 =	slt.u32 s8, $0xFFFFF086  }
0x1c: {  	p1 =	slt.u32 s9, $0xF7A;
	s5 =	simm.s32 @!p2 $0x0  }
0x1d: {  	s5 =	simm.s32 @p1 $0x1;
	p0 =	seq.s32 s7, s2  }
0x1e: {  	s7 =	smul.u32 @!p0 $0xF7A, s2;
	p2 =	seq.s32 @!p0 s5, $0x0  }
0x1f: {  	s9 =	smul.u32 $0xF7A, s1;
	s8 =	simm.s32 @!p0 $0x1BF5;
	p2 =	por !p2, p0  }
0x20: {  	[sflag:s8] =	ssyncset.s32 @!p0 $0xFFFFF086;
	s6 =	sadd.s32 @!p0 s3, s7;
	s7 =	simm.s32 @!p0 $0x108  }
0x21: {  	s3 =	sadd.s32 s3, s9;
	s6 =	sadd.s32 @!p0 $0x88, s6;
	s7 =	simm.s32 @p2 $0x1082  }
0x22: {  	[simem:s7], [sflag:s8] =	dma.local @!p0 [hbm:s6], $0xF7A  }
0x23: {  	s9 =	sor.u32 $0xD0000000, s2;
	s6 =	simm.s32 $0x108;
	_ =	swait.ge @!p0 [sflag:s8], $0x0  }
0x24: {  	s3 =	sadd.s32 $0x88, s3;
	s6 =	simm.s32 @!p1 $0x1082;
	[sflag:s4] =	ssyncset.s32 $0xFFFFF086  }
0x25: {  	[simem:s6], [sflag:s4] =	dma.local [hbm:s3], $0xF7A  }
0x26: {  	[smem:$0x3F99] =	sst s1;
	(tag) =	ssettag s2;
	_ =	strace s9  }
0x27: {  	s1 =	sld [smem:$0x3FA9]  }
0x28: {  	s2 =	sld [smem:$0x3FAA]  }
0x29: {  	s4 =	sld [smem:$0x3FAC]  }
0x2a: {  	p0 =	seq.s32 s5, $0x0;
	s5 =	sld [smem:$0x3FAD]  }
0x2b: {  	s6 =	sld [smem:$0x3FAE]  }
0x2c: {  	s7 =	sld [smem:$0x3FAF]  }
0x2d: {  	s3 =	simm.s32 $0x108;
	s8 =	sld [smem:$0x3FB0]  }
0x2e: {  	s3 =	simm.s32 @!p0 $0x1082;
	s9 =	sld [smem:$0x3FB1]  }
0x2f: {  	lr =	sadd.s32 s0, s3;
	s0 =	sld [smem:$0x3FA8]  }
0x30: {  	s3 =	sld [smem:$0x3FAB]  }
0x31: {  	[smem:$0x3FB4] =	sst s10  }
0x32: {  	s10 =	sld [smem:$0x3FB2];
	_ =	sdelay $0x3  }
0x33: {  	p0 =	seq.s32 s10, $0x1;
	s10 =	sld [smem:$0x3FB4];
	_ =	sdelay $0x3  }
0x34: {  	[smem:$0x3FB4] =	sst s10  }
0x35: {  	s10 =	sld [smem:$0x3FB3];
	_ =	sdelay $0x3  }
0x36: {  	p1 =	seq.s32 s10, $0x1;
	s10 =	sld [smem:$0x3FB4];
	_ =	sdelay $0x3  }
0x37: {  	[smem:$0x3FB4] =	sst s10  }
0x38: {  	s10 =	sld [smem:$0x3FB5]  }
0x39: {  	_ = 	snop;
	(pc) =	sbr.ind lr, $3  }
0x3a: {  	_ = 	snop  }
0x3b: {  	_ = 	snop  }
0x3c: {  	p2 =	seq.s32 s10, $0x1;
	s10 =	sld [smem:$0x3FB4]  }
0x3d: {  	_ =	shalt  }
0x3e: {  	_ =	shalt  }
0x3f: {  	_ =	shalt  }
0x40: {  	_ =	shalt  }
0x41: {  	_ =	shalt  }
0x42: {  	_ =	shalt  }
0x43: {  	_ =	shalt  }
0x44: {  	_ =	shalt  }
0x45: {  	_ =	shalt  }
0x46: {  	_ =	shalt  }
0x47: {  	_ =	shalt  }
0x48: {  	_ =	shalt  }
0x49: {  	_ =	shalt  }
0x4a: {  	_ =	shalt  }
0x4b: {  	_ =	shalt  }
0x4c: {  	_ =	shalt  }
0x4d: {  	_ =	shalt  }
0x4e: {  	_ =	shalt  }
0x4f: {  	_ =	shalt  }
0x50: {  	_ =	shalt  }
0x51: {  	_ =	shalt  }
0x52: {  	_ =	shalt  }
0x53: {  	_ =	shalt  }
0x54: {  	_ =	shalt  }
0x55: {  	_ =	shalt  }
0x56: {  	_ =	shalt  }
0x57: {  	_ =	shalt  }
0x58: {  	_ =	shalt  }
0x59: {  	_ =	shalt  }
0x5a: {  	_ =	shalt  }
0x5b: {  	_ =	shalt  }
0x5c: {  	_ =	shalt  }
0x5d: {  	_ =	shalt  }
0x5e: {  	_ =	shalt  }
0x5f: {  	_ =	shalt  }
0x60: {  	_ =	shalt  }
0x61: {  	_ =	shalt  }
0x62: {  	_ =	shalt  }
0x63: {  	_ =	shalt  }
0x64: {  	_ =	shalt  }
0x65: {  	_ =	shalt  }
0x66: {  	_ =	shalt  }
0x67: {  	_ =	shalt  }
0x68: {  	_ =	shalt  }
0x69: {  	_ =	shalt  }
0x6a: {  	_ =	shalt  }
0x6b: {  	_ =	shalt  }
0x6c: {  	_ =	shalt  }
0x6d: {  	_ =	shalt  }
0x6e: {  	_ =	shalt  }
0x6f: {  	_ =	shalt  }
0x70: {  	_ =	shalt  }
0x71: {  	_ =	shalt  }
0x72: {  	_ =	shalt  }
0x73: {  	_ =	shalt  }
0x74: {  	_ =	shalt  }
0x75: {  	_ =	shalt  }
0x76: {  	_ =	shalt  }
0x77: {  	_ =	shalt  }
0x78: {  	_ =	shalt  }
0x79: {  	_ =	shalt  }
0x7a: {  	_ =	shalt  }
0x7b: {  	_ =	shalt  }
0x7c: {  	_ =	shalt  }
0x7d: {  	_ =	shalt  }
0x7e: {  	_ =	shalt  }
0x7f: {  	_ =	shalt  }
0x80: {  	_ =	shalt  }
0x81: {  	_ =	shalt  }
0x82: {  	_ =	shalt  }
0x83: {  	_ =	shalt  }
0x84: {  	_ =	shalt  }
0x85: {  	_ =	shalt  }
0x86: {  	_ =	shalt  }
0x87: {  	_ =	shalt  }
.Lfunc_end0:
.L_simem_size_0:
called_computation_lowered:
.L_overlay_start_0:
0x88: {  	s2 =	sld [smem:$0x3FD9]  }
0x89: {  	s3 =	sld [smem:$0x3FFE];
	_ =	sdelay $0x1  }
0x8a: {  	s1 =	srdreg.scid  }
0x8b: {  	s0 =	sand.u32 $0x1, s1  }
0x8c: {  	s17 =	sshll.u32 s0, $0xA;
	s2 =	sadd.s32 s3, s2  }
0x8d: {  	s2 =	sadd.s32 s2, s17  }
0x8e: {  	[smem:$0x3FC0] =	sst s2  }
0x8f: {  	_ = 	snop  }
0x90: {  	s2 =	sld [smem:$0x3FD0];
	(tm) =	ssettm $0x1  }
0x91: {  	s18 =	sld [smem:$0x3FFB];
	_ =	sdelay $0x3  }
0x92: {  	_ =	strace s18  }
0x93: {  	s3 =	sld [smem:$0x3FFC];
	_ =	sdelay $0x3  }
0x94: {  	_ =	strace s3  }
0x95: {  	s3 =	sld [smem:$0x3FFD];
	_ =	sdelay $0x3  }
0x96: {  	_ =	strace s3  }
0x97: {  	_ =	strace $0x8FFFFFFF  }
0x98: {  	s19 =	sld [smem:$0x3FDB];
	_ =	sdelay $0x1  }
0x99: {  	s4 =	simm.s32 $_scs_section_size  }
0x9a: {  	s5 =	simm.s32 $_size__tile_overlayer_lowered;
	s6 =	simm.s32 $_tile_overlayer_lowered  }
0x9b: {  	s22 =	simm.s32 $0x1BFF;
	s21 =	sshll.u32 s6, $0x1;
	s3 =	sadd.s32 s4, s19  }
0x9c: {  	s7 =	simm.s32 $0x0;
	s20 =	sshll.u32 s5, $0x1;
	s5 =	sadd.s32 s21, s3  }
0x9d: {  	[timem:s7], [sflag:s22] =	dma.local [hbm:s5], s20  }
0x9e: {  	_ =	swait.ge [sflag:s22], s20  }
0x9f: {  	s4 =	ssub.s32 $0x0, s20;
	[sflag:s22] =	ssyncset.done $0x0  }
0xa0: {  	[sflag:s22] =	ssyncadd.s32 s4;
	_ =	sdelay $0x1  }
0xa1: {  	s23 =	simm.s32 $0x1B8B  }
0xa2: {  	_ =	swait.ge [sflag:s23], $0x1  }
0xa3: {  	[sflag:s23] =	ssyncset.done $0x0  }
0xa4: {  	s25 =	simm.s32 $0x1B8E;
	s24 =	sld [smem:$0x3FFE];
	[sflag:s23] =	ssyncadd.s32 $0xFFFFFFFF  }
0xa5: {  	s26 =	simm.s32 $execute0_lowered;
	[smem:$0x3FD2] =	sst s25  }
0xa6: {  	s5 =	sshll.u32 s26, $0x1;
	_ =	strace $0x80000046;
	[dreg:$0x1] =	wrdreg $0xFFFFFFFF  }
0xa7: {  	s28 =	simm.s32 $_size_execute0_lowered;
	s3 =	sadd.s32 s3, s5;
	[dreg:$0x0] =	wrdreg $0x0  }
0xa8: {  	s5 =	sshll.u32 s28, $0x1;
	[dreg:$0x2] =	wrdreg s3  }
0xa9: {  	[dreg:$0x3] =	wrdreg s5  }
0xaa: {  	[dreg:$0x4] =	wrdreg $0xC0  }
0xab: {  	_ =	task [dreg:s7], $0x5FFFF  }
0xac: {  	[dreg:$0x1] =	wrdreg $0xFFFFFFFF  }
0xad: {  	[dreg:$0x0] =	wrdreg $0x60  }
0xae: {  	[dreg:$0x2] =	wrdreg s2  }
0xaf: {  	[dreg:$0x3] =	wrdreg s24  }
0xb0: {  	[dreg:$0x4] =	wrdreg $0x0  }
0xb1: {  	[dreg:$0x5] =	wrdreg $0x9  }
0xb2: {  	_ =	task.clear_ibuf [dreg:s7], $0x6FFFF;
	_ =	strace $0x90000046  }
0xb3: {  	s29 =	simm.s32 $0x9;
	_ =	strace $0x80000048  }
0xb4: {  	_ =	swait.ge [sflag:s29], $0x1  }
0xb5: {  	[sflag:s29] =	ssyncadd.s32 $0xFFFFFFFF  }
0xb6: {  	_ =	strace $0x90000048  }
0xb7: {  	_ =	sfence  }
0xb8: {  	s30 =	sld [smem:$0x0];
	_ =	sdelay $0x2  }
0xb9: {  	s31 =	sshll.u32 s1, $0xD;
	s1 =	sshrl.u32 s1, $0x2  }
0xba: {  	s3 =	sand.u32 $0x4000, s31;
	s1 =	sadd.s32 s1, s30  }
0xbb: {  	s0 =	sor.u32 s3, s0;
	s1 =	sshll.u32 s1, $0x11  }
0xbc: {  	s0 =	sor.u32 s1, s0  }
0xbd: {  	s0 =	sadd.s32 $0x8F2B, s0  }
0xbe: {  	[sflag:s0] =	ssyncadd.remote.s32 $0x1  }
0xbf: {  	_ =	sfence.sel $0xFFFF  }
0xc0: {  	[dreg:$0x0] =	wrdreg $0xFFFFFFFF;
	(pc) =	sbr.abs _section_cstart, $3  }
0xc1: {  	[dreg:$0x1] =	wrdreg $0xFFFFFFFF  }
0xc2: {  	_ =	task.clear_ibuf [dreg:s7], $0x2FFFF;
	_ =	strace $0x9FFFFFFF  }
0xc3: {  	(tm) =	ssettm $0x7FFFFFFF  }
tec
execute0_lowered:
.L_overlay_start_1:
0x0: {  	(tag) =	ssettag $0x1  }
0x1: {  	s4 =	rddreg [dreg:$0x0]  }
0x2: {  	s5 =	rddreg [dreg:$0x1]  }
0x3: {  	s2 =	rddreg [dreg:$0x2]  }
0x4: {  	s0 =	rddreg [dreg:$0x3];
	s6 =	srdreg.scid  }
0x5: {  	s1 =	stileid.u32;
	s3 =	simm.s32 $0x0;
	s11 =	simm.s32 $0x80  }
0x6: {  	s12 =	simm.s32 $0x2A80;
	s15 =	simm.s32 $0x20;
	s16 =	simm.s32 $0x10  }
0x7: {  	s17 =	simm.s32 $0x0;
	s6 =	sand.u32 $0x1, s6;
	s7 =	smul.u32 $0x500, s1  }
0x8: {  	[smem:$0x7FF] =	sst s3;
	s29 =	sshll.u32 s1, $0x1;
	s30 =	smul.u32 $0xA00, s1  }
0x9: {  	s13 =	sshll.u32 s1, $0x6;
	s8 =	sshll.u32 s6, $0x7;
	_ =	strace $0x80000047  }
0xa: {  	s9 =	ssub.s32 $0x2, s6;
	s6 =	sor.u32 s6, s29;
	s13 =	sor.u32 $0x1C01, s13  }
0xb: {  	s7 =	sor.u32 s8, s7;
	s10 =	sshrl.u32 s9, $0x1;
	s6 =	smul.u32 $0x500, s6  }
0xc: {  	s31 =	sshrl.u32 s30, $0x2;
	s8 =	simm.s32 $0x280;
	s7 =	sshrl.u32 s7, $0x3  }
0xd: {  	s9 =	ssub.s32 s9, s10;
	s10 =	simm.s32 $0x2B00;
	s7 =	sadd.s32 s7, s5  }
0xe: {  	s4 =	sadd.s32 s4, s6;
	s5 =	sadd.s32 s31, s2;
	s6 =	sadd.s32 $0x2200, s7  }
0xf: {  	v0 =	vimm.f32 $1.000000000e+00;
	v1 =	vimm.f32 $0.0e+00;
	s7 =	smax.u32 s9, $0x1;
	s9 =	simm.s32 $0x1;
	s14 =	sshrl.u32 s5, $0x3  }
.LBB2_1:
0x10: {  	[tilespmem:$0x2A80] =	vst v0  }
0x11: {  	[tilespmem:$0x2A90] =	vst v0  }
0x12: {  	[tilespmem:$0x2AA0] =	vst v0  }
0x13: {  	[tilespmem:$0x2AB0] =	vst v0  }
0x14: {  	[tilespmem:$0x2AC0] =	vst v0  }
0x15: {  	[tilespmem:$0x2AD0] =	vst v0  }
0x16: {  	[tilespmem:$0x2AE0] =	vst v0  }
0x17: {  	[tilespmem:$0x2AF0] =	vst v0  }
0x18: {  	[tilespmem:$0x2B00] =	vst v1  }
0x19: {  	[tilespmem:$0x2B10] =	vst v1  }
0x1a: {  	[tilespmem:$0x2B20] =	vst v1  }
0x1b: {  	[tilespmem:$0x2B30] =	vst v1  }
0x1c: {  	[tilespmem:$0x2B40] =	vst v1  }
0x1d: {  	[tilespmem:$0x2B50] =	vst v1  }
0x1e: {  	[tilespmem:$0x2B60] =	vst v1  }
0x1f: {  	[tilespmem:$0x2B70] =	vst v1  }
0x20: {  	[tilespmem:$0x2B80] =	vst v1  }
0x21: {  	[tilespmem:$0x2B90] =	vst v1  }
0x22: {  	[tilespmem:$0x2BA0] =	vst v1  }
0x23: {  	[tilespmem:$0x2BB0] =	vst v1  }
0x24: {  	[tilespmem:$0x2BC0] =	vst v1  }
0x25: {  	[tilespmem:$0x2BD0] =	vst v1  }
0x26: {  	[tilespmem:$0x2BE0] =	vst v1  }
0x27: {  	[tilespmem:$0x2BF0] =	vst v1  }
0x28: {  	[tilespmem:$0x2C00] =	vst v1  }
0x29: {  	[tilespmem:$0x2C10] =	vst v1  }
0x2a: {  	[tilespmem:$0x2C20] =	vst v1  }
0x2b: {  	[tilespmem:$0x2C30] =	vst v1  }
0x2c: {  	[tilespmem:$0x2C40] =	vst v1  }
0x2d: {  	[tilespmem:$0x2C50] =	vst v1  }
0x2e: {  	[tilespmem:$0x2C60] =	vst v1  }
0x2f: {  	[tilespmem:$0x2C70] =	vst v1  }
0x30: {  	[tilespmem:$0x2C80] =	vst v1  }
0x31: {  	[tilespmem:$0x2C90] =	vst v1  }
0x32: {  	[tilespmem:$0x2CA0] =	vst v1  }
0x33: {  	[tilespmem:$0x2CB0] =	vst v1  }
0x34: {  	[tilespmem:$0x2CC0] =	vst v1  }
0x35: {  	[tilespmem:$0x2CD0] =	vst v1  }
0x36: {  	[tilespmem:$0x2CE0] =	vst v1  }
0x37: {  	[tilespmem:$0x2CF0] =	vst v1  }
0x38: {  	[tilespmem:$0x2D00] =	vst v1  }
0x39: {  	[tilespmem:$0x2D10] =	vst v1  }
0x3a: {  	[tilespmem:$0x2D20] =	vst v1  }
0x3b: {  	[tilespmem:$0x2D30] =	vst v1  }
0x3c: {  	[tilespmem:$0x2D40] =	vst v1  }
0x3d: {  	[tilespmem:$0x2D50] =	vst v1  }
0x3e: {  	[tilespmem:$0x2D60] =	vst v1  }
0x3f: {  	[tilespmem:$0x2D70] =	vst v1  }
0x40: {  	[tilespmem:s8], [sflag:$0x1] =	stream.linear.gather [hbm4b:s4+s3], $0x2800, $0x38;
	[tilespmem:$0x2D80] =	vst v63  }
0x41: {  	_ =	swait.ge [sflag:s9], $0x2800  }
0x42: {  	[sflag:s9] =	ssyncset.done $0x0  }
0x43: {  	[sflag:s9] =	ssyncadd.s32 $0xFFFFD800  }
0x44: {  	[spmem:s5] =	stream.linear.scatter [tilespmem:s10], [sflag:$0x1], $0x280, $0x38;
	[tilespmem:$0x2D80] =	vst v63  }
0x45: {  	_ =	swait.ge [sflag:s9], $0x280  }
0x46: {  	[sflag:s9] =	ssyncset.done $0x0  }
0x47: {  	[sflag:s9] =	ssyncadd.s32 $0xFFFFFD80  }
0x48: {  	s18 =	simm.s32 $0x280;
	[bflag:$0x0] =	sbarrier.arrive $0xFFFF  }
0x49: {  	[spmem:s2] =	stream.indirect.scatter.add.f32 [tilespmem:s12], [sflag:$0x1], $0x1, s18, s11, $0xb8;
	[tilespmem:$0x2D80] =	vst v63  }
0x4a: {  	s18 =	simm.s32 $0x200;
	_ =	swait.ge [sflag:s9], $0x80  }
.LBB2_2:
0x4b: {  	s19 =	sshra.s32 s18, $0x2;
	[sflag:s9] =	ssyncset.done $0x0;
	p0 =	sne.s32 s18, $0x9E00  }
.Ltmp0:
0x4c: {  	s19 =	sadd.s32 $0x280, s19;
	[sflag:s9] =	ssyncadd.s32 $0xFFFFFF80;
	(pc) =	sbr.rel @p0 .LBB2_2-.Ltmp0, $3  }
0x4d: {  	[spmem:s2] =	stream.indirect.scatter.add.f32 [tilespmem:s12], [sflag:$0x1], $0x1, s19, s11, $0xb8;
	[tilespmem:$0x2D80] =	vst v63  }
0x4e: {  	s18 =	sadd.s32 $0x200, s18;
	_ =	sdelay $0x1  }
0x4f: {  	_ =	swait.ge [sflag:s9], $0x80  }
0x50: {  	[sflag:s9] =	ssyncset.done $0x0;
	s17 =	sadd.s32 $0x1, s17  }
0x51: {  	[sflag:s9] =	ssyncadd.s32 $0xFFFFFF80;
	p0 =	sne.s32 s17, s7  }
.Ltmp1:
0x52: {  	[bflag:$0x0] =	sbarrier.arrive $0xFFFF;
	(pc) =	sbr.rel @p0 .LBB2_1-.Ltmp1, $4  }
0x53: {  	[hbm:s6@s15], [sflag:s13] =	dma.strided [spmem:s14@s16], $0x50, s9, $0x10   }
0x54: {  	_ =	swait.ge [sflag:s9], $0x50  }
0x55: {  	[sflag:s9] =	ssyncset.done $0x0  }
0x56: {  	[sflag:s9] =	ssyncadd.s32 $0xFFFFFFB0  }
0x57: {  	_ =	sfence.sel $0x180000  }
0x58: {  	[bflag:$0x0] =	sbarrier.arrive $0xFFFF  }
0x59: {  	p0 =	sne.s32 s1, $0x0;
	_ =	strace $0x90000047  }
0x5a: {  	s0 =	sadd.s32 @!p0 $0x100000, s0;
	[bflag:$0x2] =	sbarrier.arrive $0xFFFF  }
0x5b: {  	[sflag:s0] =	ssyncadd.tile.s32 @!p0 $0x1;
	_ =	shalt  }
.Lfunc_end2:
_tile_overlayer_lowered:
.L_overlay_start_2:
0x5c: {  	(tag) =	ssettag $0x2  }
0x5d: {  	s0 =	rddreg [dreg:$0x0];
	s2 =	stileid.u32  }
0x5e: {  	s1 =	rddreg [dreg:$0x1];
	p0 =	sne.s32 s2, $0x0  }
0x5f: {  	s3 =	rddreg [dreg:$0x2];
	[bflag:$0x3] =	sbarrier.arrive $0xFFFF;
	s2 =	simm.s32 @!p0 $0x1C01  }
0x60: {  	[timem:s3], [sflag:s2] =	dma.local @!p0 [hbm:s0], s1  }
0x61: {  	s0 =	simm.s32 @!p0 $0x1  }
0x62: {  	_ =	swait.ge @!p0 [sflag:s0], s1  }
0x63: {  	s1 =	ssub.s32 @!p0 $0x0, s1;
	[sflag:s0] =	ssyncset.done @!p0 $0x0  }
0x64: {  	[sflag:s0] =	ssyncadd.s32 @!p0 s1  }
0x65: {  	[bflag:$0x3] =	sbarrier.arrive $0xFFFF  }
0x66: {  	_ =	shalt  }

// kernel: kernel.14.cloned.1.call-start
scs
__scs_entry_jumppad:
0x0: {  	(pc) =	sbr.rel $0x88, $3  }
0x1: {  	(tag) =	ssettag $0x0;
	lr =	simm.s32 $0x1  }
0x2: {  	[smem:$0x3F99] =	sst lr;
	_ =	strace $0xD0000000  }
0x3: {  	_ = 	snop  }
0x4: {  	_ = 	snop  }
0x5: {  	_ = 	snop  }
0x6: {  	_ = 	snop  }
0x7: {  	_ = 	snop  }
__scs_overlays_trampoline_lowered:
0x8: {  	[smem:$0x3FA8] =	sst s0  }
0x9: {  	[smem:$0x3FA9] =	sst s1  }
0xa: {  	[smem:$0x3FAA] =	sst s2  }
0xb: {  	[smem:$0x3FAB] =	sst s3  }
0xc: {  	[smem:$0x3FAC] =	sst s4  }
0xd: {  	[smem:$0x3FAD] =	sst s5  }
0xe: {  	[smem:$0x3FAE] =	sst s6  }
0xf: {  	[smem:$0x3FAF] =	sst s7  }
0x10: {  	[smem:$0x3FB0] =	sst s8  }
0x11: {  	[smem:$0x3FB1] =	sst s9;
	s0 =	simm.s32 @!p0 $0x0  }
0x12: {  	s1 =	sld [smem:$0x3F97];
	s0 =	simm.s32 @p0 $0x1  }
0x13: {  	[smem:$0x3FB2] =	sst s0;
	s0 =	simm.s32 @!p1 $0x0  }
0x14: {  	s2 =	sld [smem:$0x3F96];
	s0 =	simm.s32 @p1 $0x1  }
0x15: {  	[smem:$0x3FB3] =	sst s0;
	s0 =	simm.s32 @!p2 $0x0  }
0x16: {  	s3 =	sld [smem:$0x3FDB];
	s0 =	simm.s32 @p2 $0x1  }
0x17: {  	s4 =	simm.s32 $0x1BF5;
	[smem:$0x3FB5] =	sst s0  }
0x18: {  	s0 =	sld [smem:$0x3F98];
	_ =	swait.ge [sflag:s4], $0x0  }
0x19: {  	s7 =	sld [smem:$0x3F99]  }
0x1a: {  	s8 =	sadd.s32 $0xFFFFE003, lr  }
0x1b: {  	s9 =	sadd.s32 $0xFFFFFEF7, lr;
	s5 =	simm.s32 $0xFFFFFFFF;
	p2 =	slt.u32 s8, $0xFFFFF086  }
0x1c: {  	p1 =	slt.u32 s9, $0xF7A;
	s5 =	simm.s32 @!p2 $0x0  }
0x1d: {  	s5 =	simm.s32 @p1 $0x1;
	p0 =	seq.s32 s7, s2  }
0x1e: {  	s7 =	smul.u32 @!p0 $0xF7A, s2;
	p2 =	seq.s32 @!p0 s5, $0x0  }
0x1f: {  	s9 =	smul.u32 $0xF7A, s1;
	s8 =	simm.s32 @!p0 $0x1BF5;
	p2 =	por !p2, p0  }
0x20: {  	[sflag:s8] =	ssyncset.s32 @!p0 $0xFFFFF086;
	s6 =	sadd.s32 @!p0 s3, s7;
	s7 =	simm.s32 @!p0 $0x108  }
0x21: {  	s3 =	sadd.s32 s3, s9;
	s6 =	sadd.s32 @!p0 $0x88, s6;
	s7 =	simm.s32 @p2 $0x1082  }
0x22: {  	[simem:s7], [sflag:s8] =	dma.local @!p0 [hbm:s6], $0xF7A  }
0x23: {  	s9 =	sor.u32 $0xD0000000, s2;
	s6 =	simm.s32 $0x108;
	_ =	swait.ge @!p0 [sflag:s8], $0x0  }
0x24: {  	s3 =	sadd.s32 $0x88, s3;
	s6 =	simm.s32 @!p1 $0x1082;
	[sflag:s4] =	ssyncset.s32 $0xFFFFF086  }
0x25: {  	[simem:s6], [sflag:s4] =	dma.local [hbm:s3], $0xF7A  }
0x26: {  	[smem:$0x3F99] =	sst s1;
	(tag) =	ssettag s2;
	_ =	strace s9  }
0x27: {  	s1 =	sld [smem:$0x3FA9]  }
0x28: {  	s2 =	sld [smem:$0x3FAA]  }
0x29: {  	s4 =	sld [smem:$0x3FAC]  }
0x2a: {  	p0 =	seq.s32 s5, $0x0;
	s5 =	sld [smem:$0x3FAD]  }
0x2b: {  	s6 =	sld [smem:$0x3FAE]  }
0x2c: {  	s7 =	sld [smem:$0x3FAF]  }
0x2d: {  	s3 =	simm.s32 $0x108;
	s8 =	sld [smem:$0x3FB0]  }
0x2e: {  	s3 =	simm.s32 @!p0 $0x1082;
	s9 =	sld [smem:$0x3FB1]  }
0x2f: {  	lr =	sadd.s32 s0, s3;
	s0 =	sld [smem:$0x3FA8]  }
0x30: {  	s3 =	sld [smem:$0x3FAB]  }
0x31: {  	[smem:$0x3FB4] =	sst s10  }
0x32: {  	s10 =	sld [smem:$0x3FB2];
	_ =	sdelay $0x3  }
0x33: {  	p0 =	seq.s32 s10, $0x1;
	s10 =	sld [smem:$0x3FB4];
	_ =	sdelay $0x3  }
0x34: {  	[smem:$0x3FB4] =	sst s10  }
0x35: {  	s10 =	sld [smem:$0x3FB3];
	_ =	sdelay $0x3  }
0x36: {  	p1 =	seq.s32 s10, $0x1;
	s10 =	sld [smem:$0x3FB4];
	_ =	sdelay $0x3  }
0x37: {  	[smem:$0x3FB4] =	sst s10  }
0x38: {  	s10 =	sld [smem:$0x3FB5]  }
0x39: {  	_ = 	snop;
	(pc) =	sbr.ind lr, $3  }
0x3a: {  	_ = 	snop  }
0x3b: {  	_ = 	snop  }
0x3c: {  	p2 =	seq.s32 s10, $0x1;
	s10 =	sld [smem:$0x3FB4]  }
0x3d: {  	_ =	shalt  }
0x3e: {  	_ =	shalt  }
0x3f: {  	_ =	shalt  }
0x40: {  	_ =	shalt  }
0x41: {  	_ =	shalt  }
0x42: {  	_ =	shalt  }
0x43: {  	_ =	shalt  }
0x44: {  	_ =	shalt  }
0x45: {  	_ =	shalt  }
0x46: {  	_ =	shalt  }
0x47: {  	_ =	shalt  }
0x48: {  	_ =	shalt  }
0x49: {  	_ =	shalt  }
0x4a: {  	_ =	shalt  }
0x4b: {  	_ =	shalt  }
0x4c: {  	_ =	shalt  }
0x4d: {  	_ =	shalt  }
0x4e: {  	_ =	shalt  }
0x4f: {  	_ =	shalt  }
0x50: {  	_ =	shalt  }
0x51: {  	_ =	shalt  }
0x52: {  	_ =	shalt  }
0x53: {  	_ =	shalt  }
0x54: {  	_ =	shalt  }
0x55: {  	_ =	shalt  }
0x56: {  	_ =	shalt  }
0x57: {  	_ =	shalt  }
0x58: {  	_ =	shalt  }
0x59: {  	_ =	shalt  }
0x5a: {  	_ =	shalt  }
0x5b: {  	_ =	shalt  }
0x5c: {  	_ =	shalt  }
0x5d: {  	_ =	shalt  }
0x5e: {  	_ =	shalt  }
0x5f: {  	_ =	shalt  }
0x60: {  	_ =	shalt  }
0x61: {  	_ =	shalt  }
0x62: {  	_ =	shalt  }
0x63: {  	_ =	shalt  }
0x64: {  	_ =	shalt  }
0x65: {  	_ =	shalt  }
0x66: {  	_ =	shalt  }
0x67: {  	_ =	shalt  }
0x68: {  	_ =	shalt  }
0x69: {  	_ =	shalt  }
0x6a: {  	_ =	shalt  }
0x6b: {  	_ =	shalt  }
0x6c: {  	_ =	shalt  }
0x6d: {  	_ =	shalt  }
0x6e: {  	_ =	shalt  }
0x6f: {  	_ =	shalt  }
0x70: {  	_ =	shalt  }
0x71: {  	_ =	shalt  }
0x72: {  	_ =	shalt  }
0x73: {  	_ =	shalt  }
0x74: {  	_ =	shalt  }
0x75: {  	_ =	shalt  }
0x76: {  	_ =	shalt  }
0x77: {  	_ =	shalt  }
0x78: {  	_ =	shalt  }
0x79: {  	_ =	shalt  }
0x7a: {  	_ =	shalt  }
0x7b: {  	_ =	shalt  }
0x7c: {  	_ =	shalt  }
0x7d: {  	_ =	shalt  }
0x7e: {  	_ =	shalt  }
0x7f: {  	_ =	shalt  }
0x80: {  	_ =	shalt  }
0x81: {  	_ =	shalt  }
0x82: {  	_ =	shalt  }
0x83: {  	_ =	shalt  }
0x84: {  	_ =	shalt  }
0x85: {  	_ =	shalt  }
0x86: {  	_ =	shalt  }
0x87: {  	_ =	shalt  }
.Lfunc_end0:
.L_simem_size_0:
called_computation.1_lowered:
.L_overlay_start_0:
0x88: {  	s2 =	sld [smem:$0x3FD9]  }
0x89: {  	s3 =	sld [smem:$0x3FFE];
	_ =	sdelay $0x1  }
0x8a: {  	s1 =	srdreg.scid  }
0x8b: {  	s0 =	sand.u32 $0x1, s1  }
0x8c: {  	s17 =	sshll.u32 s0, $0xA;
	s2 =	sadd.s32 s3, s2  }
0x8d: {  	s2 =	sadd.s32 s2, s17  }
0x8e: {  	[smem:$0x3FC0] =	sst s2  }
0x8f: {  	_ = 	snop  }
0x90: {  	s2 =	sld [smem:$0x3FD0];
	(tm) =	ssettm $0x1  }
0x91: {  	s18 =	sld [smem:$0x3FFB];
	_ =	sdelay $0x3  }
0x92: {  	_ =	strace s18  }
0x93: {  	s3 =	sld [smem:$0x3FFC];
	_ =	sdelay $0x3  }
0x94: {  	_ =	strace s3  }
0x95: {  	s3 =	sld [smem:$0x3FFD];
	_ =	sdelay $0x3  }
0x96: {  	_ =	strace s3  }
0x97: {  	_ =	strace $0x8FFFFFFF  }
0x98: {  	s19 =	sld [smem:$0x3FDB];
	_ =	sdelay $0x1  }
0x99: {  	s4 =	simm.s32 $_scs_section_size  }
0x9a: {  	s5 =	simm.s32 $_size__tile_overlayer_lowered;
	s6 =	simm.s32 $_tile_overlayer_lowered  }
0x9b: {  	s22 =	simm.s32 $0x1BFF;
	s21 =	sshll.u32 s6, $0x1;
	s3 =	sadd.s32 s4, s19  }
0x9c: {  	s7 =	simm.s32 $0x0;
	s20 =	sshll.u32 s5, $0x1;
	s5 =	sadd.s32 s21, s3  }
0x9d: {  	[timem:s7], [sflag:s22] =	dma.local [hbm:s5], s20  }
0x9e: {  	_ =	swait.ge [sflag:s22], s20  }
0x9f: {  	s4 =	ssub.s32 $0x0, s20;
	[sflag:s22] =	ssyncset.done $0x0  }
0xa0: {  	[sflag:s22] =	ssyncadd.s32 s4;
	_ =	sdelay $0x1  }
0xa1: {  	s23 =	simm.s32 $0x1B8B  }
0xa2: {  	_ =	swait.ge [sflag:s23], $0x1  }
0xa3: {  	[sflag:s23] =	ssyncset.done $0x0  }
0xa4: {  	s25 =	simm.s32 $0x1B8E;
	s24 =	sld [smem:$0x3FFE];
	[sflag:s23] =	ssyncadd.s32 $0xFFFFFFFF  }
0xa5: {  	s26 =	simm.s32 $execute0_lowered;
	[smem:$0x3FD2] =	sst s25  }
0xa6: {  	s5 =	sshll.u32 s26, $0x1;
	_ =	strace $0x80000049;
	[dreg:$0x1] =	wrdreg $0xFFFFFFFF  }
0xa7: {  	s28 =	simm.s32 $_size_execute0_lowered;
	s3 =	sadd.s32 s3, s5;
	[dreg:$0x0] =	wrdreg $0x0  }
0xa8: {  	s5 =	sshll.u32 s28, $0x1;
	[dreg:$0x2] =	wrdreg s3  }
0xa9: {  	[dreg:$0x3] =	wrdreg s5  }
0xaa: {  	[dreg:$0x4] =	wrdreg $0xC0  }
0xab: {  	_ =	task [dreg:s7], $0x5FFFF  }
0xac: {  	[dreg:$0x1] =	wrdreg $0xFFFFFFFF  }
0xad: {  	[dreg:$0x0] =	wrdreg $0x60  }
0xae: {  	[dreg:$0x2] =	wrdreg s24  }
0xaf: {  	[dreg:$0x3] =	wrdreg s2  }
0xb0: {  	[dreg:$0x4] =	wrdreg $0x0  }
0xb1: {  	[dreg:$0x5] =	wrdreg $0xA0000  }
0xb2: {  	[dreg:$0x6] =	wrdreg $0x9  }
0xb3: {  	_ =	task.clear_ibuf [dreg:s7], $0x7FFFF;
	_ =	strace $0x90000049  }
0xb4: {  	s29 =	simm.s32 $0x9;
	_ =	strace $0x8000004B  }
0xb5: {  	_ =	swait.ge [sflag:s29], $0x1  }
0xb6: {  	[sflag:s29] =	ssyncadd.s32 $0xFFFFFFFF  }
0xb7: {  	_ =	strace $0x9000004B  }
0xb8: {  	_ =	sfence  }
0xb9: {  	s30 =	sld [smem:$0x0];
	_ =	sdelay $0x2  }
0xba: {  	s31 =	sshll.u32 s1, $0xD;
	s1 =	sshrl.u32 s1, $0x2  }
0xbb: {  	s3 =	sand.u32 $0x4000, s31;
	s1 =	sadd.s32 s1, s30  }
0xbc: {  	s0 =	sor.u32 s3, s0;
	s1 =	sshll.u32 s1, $0x11  }
0xbd: {  	s0 =	sor.u32 s1, s0  }
0xbe: {  	s0 =	sadd.s32 $0x8F2B, s0  }
0xbf: {  	[sflag:s0] =	ssyncadd.remote.s32 $0x1  }
0xc0: {  	_ =	sfence.sel $0xFFFF  }
0xc1: {  	[dreg:$0x0] =	wrdreg $0xFFFFFFFF;
	(pc) =	sbr.abs _section_cstart, $3  }
0xc2: {  	[dreg:$0x1] =	wrdreg $0xFFFFFFFF  }
0xc3: {  	_ =	task.clear_ibuf [dreg:s7], $0x2FFFF;
	_ =	strace $0x9FFFFFFF  }
0xc4: {  	(tm) =	ssettm $0x7FFFFFFF  }
0xc5: {  	_ =	shalt  }
tec
execute0_lowered:
.L_overlay_start_1:
0x0: {  	(tag) =	ssettag $0x1  }
0x1: {  	s0 =	srdreg.scid  }
0x2: {  	s21 =	stileid.u32;
	s5 =	rddreg [dreg:$0x0]  }
0x3: {  	s4 =	rddreg [dreg:$0x1];
	s24 =	smul.u32 $0x280, s21  }
0x4: {  	s29 =	rddreg [dreg:$0x3];
	s28 =	simm.s32 $0x0;
	s31 =	smul.u32 $0x2800, s21  }
0x5: {  	s1 =	sand.u32 $0x1, s0;
	s23 =	sshll.u32 s21, $0x1;
	s14 =	smul.u32 $0x14000, s21  }
0x6: {  	s0 =	sor.u32 s1, s23;
	s2 =	ssub.s32 $0x2, s1;
	s1 =	smul.u32 $0x140000, s1  }
0x7: {  	s6 =	sadd.s32 $0xCC00, s5;
	s3 =	sadd.s32 $0x2C00, s5;
	s0 =	smul.u32 $0x2800, s0  }
0x8: {  	s7 =	sshrl.u32 s2, $0x1;
	s11 =	sadd.s32 $0x100, s24;
	s18 =	sadd.s32 s6, s31  }
0x9: {  	s13 =	sadd.s32 $0x180, s24;
	s16 =	sadd.s32 $0x200, s24;
	[dreg:$0x7] =	wrdreg s18  }
0xa: {  	s12 =	sshll.u32 s11, $0x4;
	s15 =	sshll.u32 s13, $0x4;
	s17 =	sshll.u32 s16, $0x4  }
0xb: {  	s14 =	sadd.s32 s1, s14;
	s18 =	sshll.u32 s11, $0x7;
	s8 =	sshrl.u32 s0, $0x3  }
0xc: {  	s0 =	ssub.s32 s2, s7;
	s20 =	sadd.s32 s6, s12;
	s18 =	sadd.s32 s1, s18  }
0xd: {  	s23 =	sadd.s32 s6, s15;
	s9 =	sadd.s32 $0x280, s8;
	[dreg:$0x9] =	wrdreg s20  }
0xe: {  	s25 =	sadd.s32 s3, s8;
	s26 =	sadd.s32 s4, s8;
	[dreg:$0xa] =	wrdreg s23  }
0xf: {  	s20 =	sshll.u32 s16, $0x7;
	s0 =	smax.u32 s0, $0x1;
	[dreg:$0x5] =	wrdreg s25  }
0x10: {  	[dreg:$0x6] =	wrdreg s26;
	s3 =	sadd.s32 s3, s9;
	s4 =	sadd.s32 s4, s9  }
0x11: {  	s9 =	sadd.s32 $0x80, s24;
	s24 =	sadd.s32 s6, s17;
	s25 =	sadd.s32 $0xCC08, s5  }
0x12: {  	s10 =	sshll.u32 s9, $0x4;
	[dreg:$0xb] =	wrdreg s24;
	s26 =	sadd.s32 s31, s25  }
0x13: {  	s22 =	sshll.u32 s9, $0x7;
	s8 =	sadd.s32 s12, s25;
	[dreg:$0xc] =	wrdreg s26  }
0x14: {  	s12 =	sadd.s32 s17, s25;
	s17 =	sadd.s32 $0x34C00, s5;
	[dreg:$0xe] =	wrdreg s8  }
0x15: {  	s5 =	sadd.s32 $0x34C08, s5;
	s19 =	sadd.s32 s6, s10;
	[dreg:$0x10] =	wrdreg s12  }
0x16: {  	s7 =	sadd.s32 s1, s22;
	s31 =	sadd.s32 s10, s25;
	[dreg:$0x8] =	wrdreg s19  }
0x17: {  	s10 =	sadd.s32 s15, s25;
	s15 =	simm.s32 $0x0;
	[dreg:$0xd] =	wrdreg s31  }
0x18: {  	s22 =	sshrl.u32 s18, $0x3;
	s18 =	smul.u32 $0x28000, s21;
	[dreg:$0xf] =	wrdreg s10  }
0x19: {  	s21 =	smul.u32 $0xA000, s21;
	s19 =	sshll.u32 s13, $0x7;
	[smem:$0x7FF] =	sst s15  }
0x1a: {  	s7 =	sshrl.u32 s7, $0x3;
	s26 =	sadd.s32 s17, s22;
	s19 =	sadd.s32 s1, s19  }
0x1b: {  	s1 =	sadd.s32 s1, s20;
	s20 =	sshrl.u32 s14, $0x3;
	s25 =	sadd.s32 s17, s7  }
0x1c: {  	[dreg:$0x13] =	wrdreg s26;
	s15 =	sadd.s32 s7, s5;
	s26 =	sshll.u32 s13, $0x6  }
0x1d: {  	s13 =	simm.s32 $0x40;
	s23 =	sshrl.u32 s19, $0x3;
	[dreg:$0x12] =	wrdreg s25  }
0x1e: {  	s1 =	sshrl.u32 s1, $0x3;
	s24 =	sadd.s32 s17, s20;
	[dreg:$0x17] =	wrdreg s15  }
0x1f: {  	s14 =	sadd.s32 s20, s5;
	s25 =	rddreg [dreg:$0x2];
	s20 =	sshrl.u32 s18, $0x2  }
0x20: {  	s10 =	sadd.s32 s26, s29;
	s15 =	simm.s32 $0x16800;
	s18 =	simm.s32 $0x15400  }
0x21: {  	[dreg:$0x11] =	wrdreg s24;
	s31 =	sadd.s32 s17, s23;
	s6 =	sadd.s32 s17, s1  }
0x22: {  	[dreg:$0x16] =	wrdreg s14;
	s17 =	sadd.s32 s22, s5;
	s19 =	sadd.s32 s23, s5  }
0x23: {  	s1 =	sadd.s32 s1, s5;
	s30 =	sadd.s32 s20, s29;
	[dreg:$0x14] =	wrdreg s31  }
0x24: {  	s24 =	sadd.s32 s21, s25;
	s22 =	sshll.u32 s9, $0x6;
	[dreg:$0x15] =	wrdreg s6  }
0x25: {  	s23 =	sshll.u32 s11, $0x6;
	s9 =	sadd.s32 s26, s25;
	[dreg:$0x18] =	wrdreg s17  }
0x26: {  	s14 =	simm.s32 $0x80;
	s20 =	simm.s32 $0x18800;
	[dreg:$0x19] =	wrdreg s19  }
0x27: {  	s26 =	simm.s32 $0x16780;
	[dreg:$0x1a] =	wrdreg s1;
	s5 =	sadd.s32 s22, s25  }
0x28: {  	s6 =	sadd.s32 s22, s29;
	s7 =	sadd.s32 s23, s25;
	s8 =	sadd.s32 s23, s29  }
0x29: {  	s31 =	sshll.u32 s16, $0x6;
	s16 =	simm.s32 $0x3;
	s17 =	simm.s32 $0x14000  }
0x2a: {  	s19 =	simm.s32 $0x14080;
	s22 =	simm.s32 $0x2;
	s23 =	simm.s32 $0x16700  }
0x2b: {  	_ =	strace $0x8000004A;
	[dreg:$0x1b] =	wrdreg s0;
	s0 =	sadd.s32 s21, s29  }
0x2c: {  	s11 =	sadd.s32 s31, s25;
	s12 =	sadd.s32 s31, s29;
	s21 =	simm.s32 $0x1  }
.LBB2_1:
0x2d: {  	s1 =	rddreg [dreg:$0x7]  }
0x2e: {  	[tilespmem:s15], [sflag:$0x3] =	stream.strided.gather [hbm4b:s1+s13], $0x2000, s14, s13, $0x38;
	[tilespmem:$0x1A800] =	vst v63  }
0x2f: {  	_ =	swait.ge [sflag:s16], $0x2000  }
0x30: {  	[sflag:s16] =	ssyncset.done $0x0  }
0x31: {  	[sflag:s16] =	ssyncadd.s32 $0xFFFFE000  }
0x32: {  	[spmem:s24] =	stream.linear.scatter [tilespmem:s15], [sflag:$0x3], $0x2000, $0x38;
	[tilespmem:$0x1A800] =	vst v63  }
0x33: {  	_ =	swait.ge [sflag:s16], $0x2000  }
0x34: {  	[sflag:s16] =	ssyncset.done $0x0  }
0x35: {  	[sflag:s16] =	ssyncadd.s32 $0xFFFFE000  }
0x36: {  	[spmem:s0] =	stream.linear.scatter [tilespmem:s15], [sflag:$0x3], $0x2000, $0x38;
	[tilespmem:$0x1A800] =	vst v63  }
0x37: {  	_ =	swait.ge [sflag:s16], $0x2000  }
0x38: {  	[sflag:s16] =	ssyncset.done $0x0  }
0x39: {  	s2 =	rddreg [dreg:$0x8];
	[sflag:s16] =	ssyncadd.s32 $0xFFFFE000  }
0x3a: {  	[tilespmem:s15], [sflag:$0x3] =	stream.strided.gather [hbm4b:s2+s13], $0x2000, s14, s13, $0x38;
	[tilespmem:$0x1A800] =	vst v63  }
0x3b: {  	_ =	swait.ge [sflag:s16], $0x2000  }
0x3c: {  	[sflag:s16] =	ssyncset.done $0x0  }
0x3d: {  	[sflag:s16] =	ssyncadd.s32 $0xFFFFE000  }
0x3e: {  	[spmem:s5] =	stream.linear.scatter [tilespmem:s15], [sflag:$0x3], $0x2000, $0x38;
	[tilespmem:$0x1A800] =	vst v63  }
0x3f: {  	_ =	swait.ge [sflag:s16], $0x2000  }
0x40: {  	[sflag:s16] =	ssyncset.done $0x0  }
0x41: {  	[sflag:s16] =	ssyncadd.s32 $0xFFFFE000  }
0x42: {  	[spmem:s6] =	stream.linear.scatter [tilespmem:s15], [sflag:$0x3], $0x2000, $0x38;
	[tilespmem:$0x1A800] =	vst v63  }
0x43: {  	_ =	swait.ge [sflag:s16], $0x2000  }
0x44: {  	[sflag:s16] =	ssyncset.done $0x0  }
0x45: {  	s2 =	rddreg [dreg:$0x9];
	[sflag:s16] =	ssyncadd.s32 $0xFFFFE000  }
0x46: {  	[tilespmem:s15], [sflag:$0x3] =	stream.strided.gather [hbm4b:s2+s13], $0x2000, s14, s13, $0x38;
	[tilespmem:$0x1A800] =	vst v63  }
0x47: {  	_ =	swait.ge [sflag:s16], $0x2000  }
0x48: {  	[sflag:s16] =	ssyncset.done $0x0  }
0x49: {  	[sflag:s16] =	ssyncadd.s32 $0xFFFFE000  }
0x4a: {  	[spmem:s7] =	stream.linear.scatter [tilespmem:s15], [sflag:$0x3], $0x2000, $0x38;
	[tilespmem:$0x1A800] =	vst v63  }
0x4b: {  	_ =	swait.ge [sflag:s16], $0x2000  }
0x4c: {  	[sflag:s16] =	ssyncset.done $0x0  }
0x4d: {  	[sflag:s16] =	ssyncadd.s32 $0xFFFFE000  }
0x4e: {  	[spmem:s8] =	stream.linear.scatter [tilespmem:s15], [sflag:$0x3], $0x2000, $0x38;
	[tilespmem:$0x1A800] =	vst v63  }
0x4f: {  	_ =	swait.ge [sflag:s16], $0x2000  }
0x50: {  	[sflag:s16] =	ssyncset.done $0x0  }
0x51: {  	s2 =	rddreg [dreg:$0xa];
	[sflag:s16] =	ssyncadd.s32 $0xFFFFE000  }
0x52: {  	[tilespmem:s15], [sflag:$0x3] =	stream.strided.gather [hbm4b:s2+s13], $0x2000, s14, s13, $0x38;
	[tilespmem:$0x1A800] =	vst v63  }
0x53: {  	_ =	swait.ge [sflag:s16], $0x2000  }
0x54: {  	[sflag:s16] =	ssyncset.done $0x0  }
0x55: {  	[sflag:s16] =	ssyncadd.s32 $0xFFFFE000  }
0x56: {  	[spmem:s9] =	stream.linear.scatter [tilespmem:s15], [sflag:$0x3], $0x2000, $0x38;
	[tilespmem:$0x1A800] =	vst v63  }
0x57: {  	_ =	swait.ge [sflag:s16], $0x2000  }
0x58: {  	[sflag:s16] =	ssyncset.done $0x0  }
0x59: {  	[sflag:s16] =	ssyncadd.s32 $0xFFFFE000  }
0x5a: {  	[spmem:s10] =	stream.linear.scatter [tilespmem:s15], [sflag:$0x3], $0x2000, $0x38;
	[tilespmem:$0x1A800] =	vst v63  }
0x5b: {  	_ =	swait.ge [sflag:s16], $0x2000  }
0x5c: {  	[sflag:s16] =	ssyncset.done $0x0  }
0x5d: {  	s2 =	rddreg [dreg:$0xb];
	[sflag:s16] =	ssyncadd.s32 $0xFFFFE000  }
0x5e: {  	[tilespmem:s15], [sflag:$0x3] =	stream.strided.gather [hbm4b:s2+s13], $0x2000, s14, s13, $0x38;
	[tilespmem:$0x1A800] =	vst v63  }
0x5f: {  	_ =	swait.ge [sflag:s16], $0x2000  }
0x60: {  	[sflag:s16] =	ssyncset.done $0x0  }
0x61: {  	[sflag:s16] =	ssyncadd.s32 $0xFFFFE000  }
0x62: {  	[spmem:s11] =	stream.linear.scatter [tilespmem:s15], [sflag:$0x3], $0x2000, $0x38;
	[tilespmem:$0x1A800] =	vst v63  }
0x63: {  	_ =	swait.ge [sflag:s16], $0x2000  }
0x64: {  	[sflag:s16] =	ssyncset.done $0x0  }
0x65: {  	[sflag:s16] =	ssyncadd.s32 $0xFFFFE000  }
0x66: {  	[spmem:s12] =	stream.linear.scatter [tilespmem:s15], [sflag:$0x3], $0x2000, $0x38;
	[tilespmem:$0x1A800] =	vst v63  }
0x67: {  	_ =	swait.ge [sflag:s16], $0x2000  }
0x68: {  	[sflag:s16] =	ssyncset.done $0x0  }
0x69: {  	[sflag:s16] =	ssyncadd.s32 $0xFFFFE000  }
0x6a: {  	[bflag:$0x0] =	sbarrier.arrive $0xFFFF  }
0x6b: {  	s2 =	simm.s32 $0x0;
	s1 =	rddreg [dreg:$0x5]  }
0x6c: {  	[tilespmem:s17], [sflag:$0x3] =	stream.linear.gather [hbm4b:s1+s2], $0x1400, $0x38;
	[tilespmem:$0x1A800] =	vst v63  }
0x6d: {  	_ =	swait.ge [sflag:s16], $0x1400  }
0x6e: {  	[sflag:s16] =	ssyncset.done $0x0  }
0x6f: {  	s1 =	rddreg [dreg:$0x6];
	[sflag:s16] =	ssyncadd.s32 $0xFFFFEC00  }
0x70: {  	[tilespmem:s18], [sflag:$0x3] =	stream.linear.gather [hbm4b:s1+s2], $0x1400, $0x38;
	[tilespmem:$0x1A800] =	vst v63  }
0x71: {  	_ =	swait.ge [sflag:s16], $0x1400  }
0x72: {  	[sflag:s16] =	ssyncset.done $0x0  }
0x73: {  	[sflag:s16] =	ssyncadd.s32 $0xFFFFEC00  }
0x74: {  	[tilespmem:s15], [sflag:$0x1] =	stream.indirect.gather [spmem:s25], $0x40, s17, s14, $0xb8;
	[tilespmem:$0x1A800] =	vst v63  }
0x75: {  	_ = 	snop  }
0x76: {  	[tilespmem:s20], [sflag:$0x2] =	stream.indirect.gather [spmem:s25], $0x40, s19, s14, $0xb8;
	[tilespmem:$0x1A800] =	vst v63  }
0x77: {  	_ =	swait.ge [sflag:s21], $0x2000  }
0x78: {  	[sflag:s21] =	ssyncset.done $0x0  }
0x79: {  	s2 =	simm.s32 $0x15400;
	[sflag:s21] =	ssyncadd.s32 $0xFFFFE000  }
0x7a: {  	[spmem:s29] =	stream.indirect.scatter.add.f32 [tilespmem:s15], [sflag:$0x3], $0x40, s2, s14, $0xb8;
	[tilespmem:$0x1A800] =	vst v63  }
0x7b: {  	_ =	swait.ge [sflag:s16], $0x2000  }
0x7c: {  	[sflag:s16] =	ssyncset.done $0x0  }
0x7d: {  	s2 =	simm.s32 $0x14100;
	[sflag:s16] =	ssyncadd.s32 $0xFFFFE000  }
0x7e: {  	[tilespmem:s15], [sflag:$0x1] =	stream.indirect.gather [spmem:s25], $0x40, s2, s14, $0xb8;
	[tilespmem:$0x1A800] =	vst v63  }
0x7f: {  	_ =	swait.ge [sflag:s22], $0x2000  }
0x80: {  	[sflag:s22] =	ssyncset.done $0x0  }
0x81: {  	s2 =	simm.s32 $0x15480;
	[sflag:s22] =	ssyncadd.s32 $0xFFFFE000  }
0x82: {  	[spmem:s29] =	stream.indirect.scatter.add.f32 [tilespmem:s20], [sflag:$0x3], $0x40, s2, s14, $0xb8;
	[tilespmem:$0x1A800] =	vst v63  }
0x83: {  	_ =	swait.ge [sflag:s16], $0x2000  }
0x84: {  	[sflag:s16] =	ssyncset.done $0x0  }
0x85: {  	s31 =	simm.s32 $0x400;
	s1 =	simm.s32 $0x14180;
	[sflag:s16] =	ssyncadd.s32 $0xFFFFE000  }
.LBB2_2:
0x86: {  	[tilespmem:s20], [sflag:$0x2] =	stream.indirect.gather [spmem:s25], $0x40, s1, s14, $0xb8;
	[tilespmem:$0x1A800] =	vst v63  }
0x87: {  	s1 =	smov.u32 s31  }
0x88: {  	p0 =	sne.s32 s31, $0x4800;
	s31 =	sadd.s32 $0x400, s31;
	_ =	swait.ge [sflag:s21], $0x2000  }
0x89: {  	s1 =	sshra.s32 s1, $0x2;
	[sflag:s21] =	ssyncset.done $0x0  }
0x8a: {  	s2 =	sadd.s32 $0x15400, s1;
	[sflag:s21] =	ssyncadd.s32 $0xFFFFE000  }
0x8b: {  	[spmem:s29] =	stream.indirect.scatter.add.f32 [tilespmem:s15], [sflag:$0x3], $0x40, s2, s14, $0xb8;
	[tilespmem:$0x1A800] =	vst v63  }
0x8c: {  	_ =	swait.ge [sflag:s16], $0x2000  }
0x8d: {  	[sflag:s16] =	ssyncset.done $0x0  }
0x8e: {  	s2 =	sadd.s32 $0x14100, s1;
	[sflag:s16] =	ssyncadd.s32 $0xFFFFE000  }
0x8f: {  	[tilespmem:s15], [sflag:$0x1] =	stream.indirect.gather [spmem:s25], $0x40, s2, s14, $0xb8;
	[tilespmem:$0x1A800] =	vst v63  }
0x90: {  	_ =	swait.ge [sflag:s22], $0x2000  }
0x91: {  	[sflag:s22] =	ssyncset.done $0x0  }
.Ltmp0:
0x92: {  	s2 =	sadd.s32 $0x15480, s1;
	[sflag:s22] =	ssyncadd.s32 $0xFFFFE000;
	(pc) =	sbr.rel @p0 .LBB2_2-.Ltmp0, $4  }
0x93: {  	[spmem:s29] =	stream.indirect.scatter.add.f32 [tilespmem:s20], [sflag:$0x3], $0x40, s2, s14, $0xb8;
	[tilespmem:$0x1A800] =	vst v63  }
0x94: {  	_ =	swait.ge [sflag:s16], $0x2000  }
0x95: {  	[sflag:s16] =	ssyncset.done $0x0  }
0x96: {  	s1 =	sadd.s32 $0x14180, s1;
	[sflag:s16] =	ssyncadd.s32 $0xFFFFE000  }
0x97: {  	[tilespmem:s20], [sflag:$0x2] =	stream.indirect.gather [spmem:s25], $0x40, s1, s14, $0xb8;
	[tilespmem:$0x1A800] =	vst v63  }
0x98: {  	_ =	swait.ge [sflag:s21], $0x2000  }
0x99: {  	[sflag:s21] =	ssyncset.done $0x0  }
0x9a: {  	[sflag:s21] =	ssyncadd.s32 $0xFFFFE000  }
0x9b: {  	[spmem:s29] =	stream.indirect.scatter.add.f32 [tilespmem:s15], [sflag:$0x3], $0x40, s23, s14, $0xb8;
	[tilespmem:$0x1A800] =	vst v63  }
0x9c: {  	_ =	swait.ge [sflag:s16], $0x2000  }
0x9d: {  	[sflag:s16] =	ssyncset.done $0x0  }
0x9e: {  	[sflag:s16] =	ssyncadd.s32 $0xFFFFE000  }
0x9f: {  	_ =	swait.ge [sflag:s22], $0x2000  }
0xa0: {  	[sflag:s22] =	ssyncset.done $0x0  }
0xa1: {  	[sflag:s22] =	ssyncadd.s32 $0xFFFFE000  }
0xa2: {  	[spmem:s29] =	stream.indirect.scatter.add.f32 [tilespmem:s20], [sflag:$0x3], $0x40, s26, s14, $0xb8;
	[tilespmem:$0x1A800] =	vst v63  }
0xa3: {  	_ =	swait.ge [sflag:s16], $0x2000  }
0xa4: {  	[sflag:s16] =	ssyncset.done $0x0  }
0xa5: {  	s2 =	simm.s32 $0x0;
	[sflag:s16] =	ssyncadd.s32 $0xFFFFE000  }
0xa6: {  	[tilespmem:s17], [sflag:$0x3] =	stream.linear.gather [hbm4b:s3+s2], $0x1400, $0x38;
	[tilespmem:$0x1A800] =	vst v63  }
0xa7: {  	_ =	swait.ge [sflag:s16], $0x1400  }
0xa8: {  	[sflag:s16] =	ssyncset.done $0x0  }
0xa9: {  	[sflag:s16] =	ssyncadd.s32 $0xFFFFEC00  }
0xaa: {  	[tilespmem:s18], [sflag:$0x3] =	stream.linear.gather [hbm4b:s4+s2], $0x1400, $0x38;
	[tilespmem:$0x1A800] =	vst v63  }
0xab: {  	_ =	swait.ge [sflag:s16], $0x1400  }
0xac: {  	[sflag:s16] =	ssyncset.done $0x0  }
0xad: {  	[sflag:s16] =	ssyncadd.s32 $0xFFFFEC00  }
0xae: {  	[tilespmem:s15], [sflag:$0x1] =	stream.indirect.gather [spmem:s25], $0x40, s17, s14, $0xb8;
	[tilespmem:$0x1A800] =	vst v63  }
0xaf: {  	_ = 	snop  }
0xb0: {  	[tilespmem:s20], [sflag:$0x2] =	stream.indirect.gather [spmem:s25], $0x40, s19, s14, $0xb8;
	[tilespmem:$0x1A800] =	vst v63  }
0xb1: {  	_ =	swait.ge [sflag:s21], $0x2000  }
0xb2: {  	[sflag:s21] =	ssyncset.done $0x0  }
0xb3: {  	s2 =	simm.s32 $0x15400;
	[sflag:s21] =	ssyncadd.s32 $0xFFFFE000  }
0xb4: {  	[spmem:s29] =	stream.indirect.scatter.add.f32 [tilespmem:s15], [sflag:$0x3], $0x40, s2, s14, $0xb8;
	[tilespmem:$0x1A800] =	vst v63  }
0xb5: {  	_ =	swait.ge [sflag:s16], $0x2000  }
0xb6: {  	[sflag:s16] =	ssyncset.done $0x0  }
0xb7: {  	s2 =	simm.s32 $0x14100;
	[sflag:s16] =	ssyncadd.s32 $0xFFFFE000  }
0xb8: {  	[tilespmem:s15], [sflag:$0x1] =	stream.indirect.gather [spmem:s25], $0x40, s2, s14, $0xb8;
	[tilespmem:$0x1A800] =	vst v63  }
0xb9: {  	_ =	swait.ge [sflag:s22], $0x2000  }
0xba: {  	[sflag:s22] =	ssyncset.done $0x0  }
0xbb: {  	s2 =	simm.s32 $0x15480;
	[sflag:s22] =	ssyncadd.s32 $0xFFFFE000  }
0xbc: {  	[spmem:s29] =	stream.indirect.scatter.add.f32 [tilespmem:s20], [sflag:$0x3], $0x40, s2, s14, $0xb8;
	[tilespmem:$0x1A800] =	vst v63  }
0xbd: {  	_ =	swait.ge [sflag:s16], $0x2000  }
0xbe: {  	[sflag:s16] =	ssyncset.done $0x0  }
0xbf: {  	s31 =	simm.s32 $0x400;
	s1 =	simm.s32 $0x14180;
	[sflag:s16] =	ssyncadd.s32 $0xFFFFE000  }
.LBB2_4:
0xc0: {  	[tilespmem:s20], [sflag:$0x2] =	stream.indirect.gather [spmem:s25], $0x40, s1, s14, $0xb8;
	[tilespmem:$0x1A800] =	vst v63  }
0xc1: {  	s1 =	smov.u32 s31  }
0xc2: {  	p0 =	sne.s32 s31, $0x4800;
	s31 =	sadd.s32 $0x400, s31;
	_ =	swait.ge [sflag:s21], $0x2000  }
0xc3: {  	s1 =	sshra.s32 s1, $0x2;
	[sflag:s21] =	ssyncset.done $0x0  }
0xc4: {  	s2 =	sadd.s32 $0x15400, s1;
	[sflag:s21] =	ssyncadd.s32 $0xFFFFE000  }
0xc5: {  	[spmem:s29] =	stream.indirect.scatter.add.f32 [tilespmem:s15], [sflag:$0x3], $0x40, s2, s14, $0xb8;
	[tilespmem:$0x1A800] =	vst v63  }
0xc6: {  	_ =	swait.ge [sflag:s16], $0x2000  }
0xc7: {  	[sflag:s16] =	ssyncset.done $0x0  }
0xc8: {  	s2 =	sadd.s32 $0x14100, s1;
	[sflag:s16] =	ssyncadd.s32 $0xFFFFE000  }
0xc9: {  	[tilespmem:s15], [sflag:$0x1] =	stream.indirect.gather [spmem:s25], $0x40, s2, s14, $0xb8;
	[tilespmem:$0x1A800] =	vst v63  }
0xca: {  	_ =	swait.ge [sflag:s22], $0x2000  }
0xcb: {  	[sflag:s22] =	ssyncset.done $0x0  }
.Ltmp1:
0xcc: {  	s2 =	sadd.s32 $0x15480, s1;
	[sflag:s22] =	ssyncadd.s32 $0xFFFFE000;
	(pc) =	sbr.rel @p0 .LBB2_4-.Ltmp1, $4  }
0xcd: {  	[spmem:s29] =	stream.indirect.scatter.add.f32 [tilespmem:s20], [sflag:$0x3], $0x40, s2, s14, $0xb8;
	[tilespmem:$0x1A800] =	vst v63  }
0xce: {  	_ =	swait.ge [sflag:s16], $0x2000  }
0xcf: {  	[sflag:s16] =	ssyncset.done $0x0  }
0xd0: {  	s1 =	sadd.s32 $0x14180, s1;
	[sflag:s16] =	ssyncadd.s32 $0xFFFFE000  }
0xd1: {  	[tilespmem:s20], [sflag:$0x2] =	stream.indirect.gather [spmem:s25], $0x40, s1, s14, $0xb8;
	[tilespmem:$0x1A800] =	vst v63  }
0xd2: {  	_ =	swait.ge [sflag:s21], $0x2000  }
0xd3: {  	[sflag:s21] =	ssyncset.done $0x0  }
0xd4: {  	[sflag:s21] =	ssyncadd.s32 $0xFFFFE000  }
0xd5: {  	[spmem:s29] =	stream.indirect.scatter.add.f32 [tilespmem:s15], [sflag:$0x3], $0x40, s23, s14, $0xb8;
	[tilespmem:$0x1A800] =	vst v63  }
0xd6: {  	_ =	swait.ge [sflag:s16], $0x2000  }
0xd7: {  	[sflag:s16] =	ssyncset.done $0x0  }
0xd8: {  	[sflag:s16] =	ssyncadd.s32 $0xFFFFE000  }
0xd9: {  	_ =	swait.ge [sflag:s22], $0x2000  }
0xda: {  	[sflag:s22] =	ssyncset.done $0x0  }
0xdb: {  	[sflag:s22] =	ssyncadd.s32 $0xFFFFE000  }
0xdc: {  	[spmem:s29] =	stream.indirect.scatter.add.f32 [tilespmem:s20], [sflag:$0x3], $0x40, s26, s14, $0xb8;
	[tilespmem:$0x1A800] =	vst v63  }
0xdd: {  	_ =	swait.ge [sflag:s16], $0x2000  }
0xde: {  	[sflag:s16] =	ssyncset.done $0x0  }
0xdf: {  	[sflag:s16] =	ssyncadd.s32 $0xFFFFE000  }
0xe0: {  	[bflag:$0x0] =	sbarrier.arrive $0xFFFF  }
0xe1: {  	[tilespmem:s15], [sflag:$0x3] =	stream.linear.gather [spmem:s30], $0x2000, $0x38;
	[tilespmem:$0x1A800] =	vst v63  }
0xe2: {  	_ =	swait.ge [sflag:s16], $0x2000  }
0xe3: {  	[sflag:s16] =	ssyncset.done $0x0  }
0xe4: {  	s2 =	rddreg [dreg:$0x11];
	[sflag:s16] =	ssyncadd.s32 $0xFFFFE000  }
0xe5: {  	[hbm4b:s2+s13] =	stream.strided.scatter [tilespmem:s15], [sflag:$0x3], $0x2000, s14, s13, $0x38;
	[tilespmem:$0x1A800] =	vst v63  }
0xe6: {  	_ =	swait.ge [sflag:s16], $0x2000  }
0xe7: {  	[sflag:s16] =	ssyncset.done $0x0  }
0xe8: {  	[sflag:s16] =	ssyncadd.s32 $0xFFFFE000  }
0xe9: {  	[tilespmem:s15], [sflag:$0x3] =	stream.linear.gather [spmem:s6], $0x2000, $0x38;
	[tilespmem:$0x1A800] =	vst v63  }
0xea: {  	_ =	swait.ge [sflag:s16], $0x2000  }
0xeb: {  	[sflag:s16] =	ssyncset.done $0x0  }
0xec: {  	s2 =	rddreg [dreg:$0x12];
	[sflag:s16] =	ssyncadd.s32 $0xFFFFE000  }
0xed: {  	[hbm4b:s2+s13] =	stream.strided.scatter [tilespmem:s15], [sflag:$0x3], $0x2000, s14, s13, $0x38;
	[tilespmem:$0x1A800] =	vst v63  }
0xee: {  	_ =	swait.ge [sflag:s16], $0x2000  }
0xef: {  	[sflag:s16] =	ssyncset.done $0x0  }
0xf0: {  	[sflag:s16] =	ssyncadd.s32 $0xFFFFE000  }
0xf1: {  	[tilespmem:s15], [sflag:$0x3] =	stream.linear.gather [spmem:s8], $0x2000, $0x38;
	[tilespmem:$0x1A800] =	vst v63  }
0xf2: {  	_ =	swait.ge [sflag:s16], $0x2000  }
0xf3: {  	[sflag:s16] =	ssyncset.done $0x0  }
0xf4: {  	s2 =	rddreg [dreg:$0x13];
	[sflag:s16] =	ssyncadd.s32 $0xFFFFE000  }
0xf5: {  	[hbm4b:s2+s13] =	stream.strided.scatter [tilespmem:s15], [sflag:$0x3], $0x2000, s14, s13, $0x38;
	[tilespmem:$0x1A800] =	vst v63  }
0xf6: {  	_ =	swait.ge [sflag:s16], $0x2000  }
0xf7: {  	[sflag:s16] =	ssyncset.done $0x0  }
0xf8: {  	[sflag:s16] =	ssyncadd.s32 $0xFFFFE000  }
0xf9: {  	[tilespmem:s15], [sflag:$0x3] =	stream.linear.gather [spmem:s10], $0x2000, $0x38;
	[tilespmem:$0x1A800] =	vst v63  }
0xfa: {  	_ =	swait.ge [sflag:s16], $0x2000  }
0xfb: {  	[sflag:s16] =	ssyncset.done $0x0  }
0xfc: {  	s2 =	rddreg [dreg:$0x14];
	[sflag:s16] =	ssyncadd.s32 $0xFFFFE000  }
0xfd: {  	[hbm4b:s2+s13] =	stream.strided.scatter [tilespmem:s15], [sflag:$0x3], $0x2000, s14, s13, $0x38;
	[tilespmem:$0x1A800] =	vst v63  }
0xfe: {  	_ =	swait.ge [sflag:s16], $0x2000  }
0xff: {  	[sflag:s16] =	ssyncset.done $0x0  }
0x100: {  	[sflag:s16] =	ssyncadd.s32 $0xFFFFE000  }
0x101: {  	[tilespmem:s15], [sflag:$0x3] =	stream.linear.gather [spmem:s12], $0x2000, $0x38;
	[tilespmem:$0x1A800] =	vst v63  }
0x102: {  	_ =	swait.ge [sflag:s16], $0x2000  }
0x103: {  	[sflag:s16] =	ssyncset.done $0x0  }
0x104: {  	s2 =	rddreg [dreg:$0x15];
	[sflag:s16] =	ssyncadd.s32 $0xFFFFE000  }
0x105: {  	[hbm4b:s2+s13] =	stream.strided.scatter [tilespmem:s15], [sflag:$0x3], $0x2000, s14, s13, $0x38;
	[tilespmem:$0x1A800] =	vst v63  }
0x106: {  	_ =	swait.ge [sflag:s16], $0x2000  }
0x107: {  	[sflag:s16] =	ssyncset.done $0x0  }
0x108: {  	s2 =	rddreg [dreg:$0xc];
	[sflag:s16] =	ssyncadd.s32 $0xFFFFE000  }
0x109: {  	[tilespmem:s15], [sflag:$0x3] =	stream.strided.gather [hbm4b:s2+s13], $0x2000, s14, s13, $0x38;
	[tilespmem:$0x1A800] =	vst v63  }
0x10a: {  	_ =	swait.ge [sflag:s16], $0x2000  }
0x10b: {  	[sflag:s16] =	ssyncset.done $0x0  }
0x10c: {  	[sflag:s16] =	ssyncadd.s32 $0xFFFFE000  }
0x10d: {  	[spmem:s24] =	stream.linear.scatter [tilespmem:s15], [sflag:$0x3], $0x2000, $0x38;
	[tilespmem:$0x1A800] =	vst v63  }
0x10e: {  	_ =	swait.ge [sflag:s16], $0x2000  }
0x10f: {  	[sflag:s16] =	ssyncset.done $0x0  }
0x110: {  	[sflag:s16] =	ssyncadd.s32 $0xFFFFE000  }
0x111: {  	[spmem:s0] =	stream.linear.scatter [tilespmem:s15], [sflag:$0x3], $0x2000, $0x38;
	[tilespmem:$0x1A800] =	vst v63  }
0x112: {  	_ =	swait.ge [sflag:s16], $0x2000  }
0x113: {  	[sflag:s16] =	ssyncset.done $0x0  }
0x114: {  	s2 =	rddreg [dreg:$0xd];
	[sflag:s16] =	ssyncadd.s32 $0xFFFFE000  }
0x115: {  	[tilespmem:s15], [sflag:$0x3] =	stream.strided.gather [hbm4b:s2+s13], $0x2000, s14, s13, $0x38;
	[tilespmem:$0x1A800] =	vst v63  }
0x116: {  	_ =	swait.ge [sflag:s16], $0x2000  }
0x117: {  	[sflag:s16] =	ssyncset.done $0x0  }
0x118: {  	[sflag:s16] =	ssyncadd.s32 $0xFFFFE000  }
0x119: {  	[spmem:s5] =	stream.linear.scatter [tilespmem:s15], [sflag:$0x3], $0x2000, $0x38;
	[tilespmem:$0x1A800] =	vst v63  }
0x11a: {  	_ =	swait.ge [sflag:s16], $0x2000  }
0x11b: {  	[sflag:s16] =	ssyncset.done $0x0  }
0x11c: {  	[sflag:s16] =	ssyncadd.s32 $0xFFFFE000  }
0x11d: {  	[spmem:s6] =	stream.linear.scatter [tilespmem:s15], [sflag:$0x3], $0x2000, $0x38;
	[tilespmem:$0x1A800] =	vst v63  }
0x11e: {  	_ =	swait.ge [sflag:s16], $0x2000  }
0x11f: {  	[sflag:s16] =	ssyncset.done $0x0  }
0x120: {  	s2 =	rddreg [dreg:$0xe];
	[sflag:s16] =	ssyncadd.s32 $0xFFFFE000  }
0x121: {  	[tilespmem:s15], [sflag:$0x3] =	stream.strided.gather [hbm4b:s2+s13], $0x2000, s14, s13, $0x38;
	[tilespmem:$0x1A800] =	vst v63  }
0x122: {  	_ =	swait.ge [sflag:s16], $0x2000  }
0x123: {  	[sflag:s16] =	ssyncset.done $0x0  }
0x124: {  	[sflag:s16] =	ssyncadd.s32 $0xFFFFE000  }
0x125: {  	[spmem:s7] =	stream.linear.scatter [tilespmem:s15], [sflag:$0x3], $0x2000, $0x38;
	[tilespmem:$0x1A800] =	vst v63  }
0x126: {  	_ =	swait.ge [sflag:s16], $0x2000  }
0x127: {  	[sflag:s16] =	ssyncset.done $0x0  }
0x128: {  	[sflag:s16] =	ssyncadd.s32 $0xFFFFE000  }
0x129: {  	[spmem:s8] =	stream.linear.scatter [tilespmem:s15], [sflag:$0x3], $0x2000, $0x38;
	[tilespmem:$0x1A800] =	vst v63  }
0x12a: {  	_ =	swait.ge [sflag:s16], $0x2000  }
0x12b: {  	[sflag:s16] =	ssyncset.done $0x0  }
0x12c: {  	s2 =	rddreg [dreg:$0xf];
	[sflag:s16] =	ssyncadd.s32 $0xFFFFE000  }
0x12d: {  	[tilespmem:s15], [sflag:$0x3] =	stream.strided.gather [hbm4b:s2+s13], $0x2000, s14, s13, $0x38;
	[tilespmem:$0x1A800] =	vst v63  }
0x12e: {  	_ =	swait.ge [sflag:s16], $0x2000  }
0x12f: {  	[sflag:s16] =	ssyncset.done $0x0  }
0x130: {  	[sflag:s16] =	ssyncadd.s32 $0xFFFFE000  }
0x131: {  	[spmem:s9] =	stream.linear.scatter [tilespmem:s15], [sflag:$0x3], $0x2000, $0x38;
	[tilespmem:$0x1A800] =	vst v63  }
0x132: {  	_ =	swait.ge [sflag:s16], $0x2000  }
0x133: {  	[sflag:s16] =	ssyncset.done $0x0  }
0x134: {  	[sflag:s16] =	ssyncadd.s32 $0xFFFFE000  }
0x135: {  	[spmem:s10] =	stream.linear.scatter [tilespmem:s15], [sflag:$0x3], $0x2000, $0x38;
	[tilespmem:$0x1A800] =	vst v63  }
0x136: {  	_ =	swait.ge [sflag:s16], $0x2000  }
0x137: {  	[sflag:s16] =	ssyncset.done $0x0  }
0x138: {  	s2 =	rddreg [dreg:$0x10];
	[sflag:s16] =	ssyncadd.s32 $0xFFFFE000  }
0x139: {  	[tilespmem:s15], [sflag:$0x3] =	stream.strided.gather [hbm4b:s2+s13], $0x2000, s14, s13, $0x38;
	[tilespmem:$0x1A800] =	vst v63  }
0x13a: {  	_ =	swait.ge [sflag:s16], $0x2000  }
0x13b: {  	[sflag:s16] =	ssyncset.done $0x0  }
0x13c: {  	[sflag:s16] =	ssyncadd.s32 $0xFFFFE000  }
0x13d: {  	[spmem:s11] =	stream.linear.scatter [tilespmem:s15], [sflag:$0x3], $0x2000, $0x38;
	[tilespmem:$0x1A800] =	vst v63  }
0x13e: {  	_ =	swait.ge [sflag:s16], $0x2000  }
0x13f: {  	[sflag:s16] =	ssyncset.done $0x0  }
0x140: {  	[sflag:s16] =	ssyncadd.s32 $0xFFFFE000  }
0x141: {  	[spmem:s12] =	stream.linear.scatter [tilespmem:s15], [sflag:$0x3], $0x2000, $0x38;
	[tilespmem:$0x1A800] =	vst v63  }
0x142: {  	_ =	swait.ge [sflag:s16], $0x2000  }
0x143: {  	[sflag:s16] =	ssyncset.done $0x0  }
0x144: {  	[sflag:s16] =	ssyncadd.s32 $0xFFFFE000  }
0x145: {  	[bflag:$0x0] =	sbarrier.arrive $0xFFFF  }
0x146: {  	s1 =	simm.s32 $0x0;
	s2 =	rddreg [dreg:$0x5]  }
0x147: {  	[tilespmem:s17], [sflag:$0x3] =	stream.linear.gather [hbm4b:s2+s1], $0x1400, $0x38;
	[tilespmem:$0x1A800] =	vst v63  }
0x148: {  	_ =	swait.ge [sflag:s16], $0x1400  }
0x149: {  	[sflag:s16] =	ssyncset.done $0x0  }
0x14a: {  	s2 =	rddreg [dreg:$0x6];
	[sflag:s16] =	ssyncadd.s32 $0xFFFFEC00  }
0x14b: {  	[tilespmem:s18], [sflag:$0x3] =	stream.linear.gather [hbm4b:s2+s1], $0x1400, $0x38;
	[tilespmem:$0x1A800] =	vst v63  }
0x14c: {  	_ =	swait.ge [sflag:s16], $0x1400  }
0x14d: {  	[sflag:s16] =	ssyncset.done $0x0  }
0x14e: {  	[sflag:s16] =	ssyncadd.s32 $0xFFFFEC00  }
0x14f: {  	[tilespmem:s15], [sflag:$0x1] =	stream.indirect.gather [spmem:s25], $0x40, s17, s14, $0xb8;
	[tilespmem:$0x1A800] =	vst v63  }
0x150: {  	_ = 	snop  }
0x151: {  	[tilespmem:s20], [sflag:$0x2] =	stream.indirect.gather [spmem:s25], $0x40, s19, s14, $0xb8;
	[tilespmem:$0x1A800] =	vst v63  }
0x152: {  	_ =	swait.ge [sflag:s21], $0x2000  }
0x153: {  	[sflag:s21] =	ssyncset.done $0x0  }
0x154: {  	s2 =	simm.s32 $0x15400;
	[sflag:s21] =	ssyncadd.s32 $0xFFFFE000  }
0x155: {  	[spmem:s29] =	stream.indirect.scatter.add.f32 [tilespmem:s15], [sflag:$0x3], $0x40, s2, s14, $0xb8;
	[tilespmem:$0x1A800] =	vst v63  }
0x156: {  	_ =	swait.ge [sflag:s16], $0x2000  }
0x157: {  	[sflag:s16] =	ssyncset.done $0x0  }
0x158: {  	s2 =	simm.s32 $0x14100;
	[sflag:s16] =	ssyncadd.s32 $0xFFFFE000  }
0x159: {  	[tilespmem:s15], [sflag:$0x1] =	stream.indirect.gather [spmem:s25], $0x40, s2, s14, $0xb8;
	[tilespmem:$0x1A800] =	vst v63  }
0x15a: {  	_ =	swait.ge [sflag:s22], $0x2000  }
0x15b: {  	[sflag:s22] =	ssyncset.done $0x0  }
0x15c: {  	s2 =	simm.s32 $0x15480;
	[sflag:s22] =	ssyncadd.s32 $0xFFFFE000  }
0x15d: {  	[spmem:s29] =	stream.indirect.scatter.add.f32 [tilespmem:s20], [sflag:$0x3], $0x40, s2, s14, $0xb8;
	[tilespmem:$0x1A800] =	vst v63  }
0x15e: {  	_ =	swait.ge [sflag:s16], $0x2000  }
0x15f: {  	[sflag:s16] =	ssyncset.done $0x0  }
0x160: {  	s31 =	simm.s32 $0x400;
	s1 =	simm.s32 $0x14180;
	[sflag:s16] =	ssyncadd.s32 $0xFFFFE000  }
.LBB2_6:
0x161: {  	[tilespmem:s20], [sflag:$0x2] =	stream.indirect.gather [spmem:s25], $0x40, s1, s14, $0xb8;
	[tilespmem:$0x1A800] =	vst v63  }
0x162: {  	s1 =	smov.u32 s31  }
0x163: {  	p0 =	sne.s32 s31, $0x4800;
	s31 =	sadd.s32 $0x400, s31;
	_ =	swait.ge [sflag:s21], $0x2000  }
0x164: {  	s1 =	sshra.s32 s1, $0x2;
	[sflag:s21] =	ssyncset.done $0x0  }
0x165: {  	s2 =	sadd.s32 $0x15400, s1;
	[sflag:s21] =	ssyncadd.s32 $0xFFFFE000  }
0x166: {  	[spmem:s29] =	stream.indirect.scatter.add.f32 [tilespmem:s15], [sflag:$0x3], $0x40, s2, s14, $0xb8;
	[tilespmem:$0x1A800] =	vst v63  }
0x167: {  	_ =	swait.ge [sflag:s16], $0x2000  }
0x168: {  	[sflag:s16] =	ssyncset.done $0x0  }
0x169: {  	s2 =	sadd.s32 $0x14100, s1;
	[sflag:s16] =	ssyncadd.s32 $0xFFFFE000  }
0x16a: {  	[tilespmem:s15], [sflag:$0x1] =	stream.indirect.gather [spmem:s25], $0x40, s2, s14, $0xb8;
	[tilespmem:$0x1A800] =	vst v63  }
0x16b: {  	_ =	swait.ge [sflag:s22], $0x2000  }
0x16c: {  	[sflag:s22] =	ssyncset.done $0x0  }
.Ltmp2:
0x16d: {  	s2 =	sadd.s32 $0x15480, s1;
	[sflag:s22] =	ssyncadd.s32 $0xFFFFE000;
	(pc) =	sbr.rel @p0 .LBB2_6-.Ltmp2, $4  }
0x16e: {  	[spmem:s29] =	stream.indirect.scatter.add.f32 [tilespmem:s20], [sflag:$0x3], $0x40, s2, s14, $0xb8;
	[tilespmem:$0x1A800] =	vst v63  }
0x16f: {  	_ =	swait.ge [sflag:s16], $0x2000  }
0x170: {  	[sflag:s16] =	ssyncset.done $0x0  }
0x171: {  	s1 =	sadd.s32 $0x14180, s1;
	[sflag:s16] =	ssyncadd.s32 $0xFFFFE000  }
0x172: {  	[tilespmem:s20], [sflag:$0x2] =	stream.indirect.gather [spmem:s25], $0x40, s1, s14, $0xb8;
	[tilespmem:$0x1A800] =	vst v63  }
0x173: {  	_ =	swait.ge [sflag:s21], $0x2000  }
0x174: {  	[sflag:s21] =	ssyncset.done $0x0  }
0x175: {  	[sflag:s21] =	ssyncadd.s32 $0xFFFFE000  }
0x176: {  	[spmem:s29] =	stream.indirect.scatter.add.f32 [tilespmem:s15], [sflag:$0x3], $0x40, s23, s14, $0xb8;
	[tilespmem:$0x1A800] =	vst v63  }
0x177: {  	_ =	swait.ge [sflag:s16], $0x2000  }
0x178: {  	[sflag:s16] =	ssyncset.done $0x0  }
0x179: {  	[sflag:s16] =	ssyncadd.s32 $0xFFFFE000  }
0x17a: {  	_ =	swait.ge [sflag:s22], $0x2000  }
0x17b: {  	[sflag:s22] =	ssyncset.done $0x0  }
0x17c: {  	[sflag:s22] =	ssyncadd.s32 $0xFFFFE000  }
0x17d: {  	[spmem:s29] =	stream.indirect.scatter.add.f32 [tilespmem:s20], [sflag:$0x3], $0x40, s26, s14, $0xb8;
	[tilespmem:$0x1A800] =	vst v63  }
0x17e: {  	_ =	swait.ge [sflag:s16], $0x2000  }
0x17f: {  	[sflag:s16] =	ssyncset.done $0x0  }
0x180: {  	s2 =	simm.s32 $0x0;
	[sflag:s16] =	ssyncadd.s32 $0xFFFFE000  }
0x181: {  	[tilespmem:s17], [sflag:$0x3] =	stream.linear.gather [hbm4b:s3+s2], $0x1400, $0x38;
	[tilespmem:$0x1A800] =	vst v63  }
0x182: {  	_ =	swait.ge [sflag:s16], $0x1400  }
0x183: {  	[sflag:s16] =	ssyncset.done $0x0  }
0x184: {  	[sflag:s16] =	ssyncadd.s32 $0xFFFFEC00  }
0x185: {  	[tilespmem:s18], [sflag:$0x3] =	stream.linear.gather [hbm4b:s4+s2], $0x1400, $0x38;
	[tilespmem:$0x1A800] =	vst v63  }
0x186: {  	_ =	swait.ge [sflag:s16], $0x1400  }
0x187: {  	[sflag:s16] =	ssyncset.done $0x0  }
0x188: {  	[sflag:s16] =	ssyncadd.s32 $0xFFFFEC00  }
0x189: {  	[tilespmem:s15], [sflag:$0x1] =	stream.indirect.gather [spmem:s25], $0x40, s17, s14, $0xb8;
	[tilespmem:$0x1A800] =	vst v63  }
0x18a: {  	_ = 	snop  }
0x18b: {  	[tilespmem:s20], [sflag:$0x2] =	stream.indirect.gather [spmem:s25], $0x40, s19, s14, $0xb8;
	[tilespmem:$0x1A800] =	vst v63  }
0x18c: {  	_ =	swait.ge [sflag:s21], $0x2000  }
0x18d: {  	[sflag:s21] =	ssyncset.done $0x0  }
0x18e: {  	s2 =	simm.s32 $0x15400;
	[sflag:s21] =	ssyncadd.s32 $0xFFFFE000  }
0x18f: {  	[spmem:s29] =	stream.indirect.scatter.add.f32 [tilespmem:s15], [sflag:$0x3], $0x40, s2, s14, $0xb8;
	[tilespmem:$0x1A800] =	vst v63  }
0x190: {  	_ =	swait.ge [sflag:s16], $0x2000  }
0x191: {  	[sflag:s16] =	ssyncset.done $0x0  }
0x192: {  	s2 =	simm.s32 $0x14100;
	[sflag:s16] =	ssyncadd.s32 $0xFFFFE000  }
0x193: {  	[tilespmem:s15], [sflag:$0x1] =	stream.indirect.gather [spmem:s25], $0x40, s2, s14, $0xb8;
	[tilespmem:$0x1A800] =	vst v63  }
0x194: {  	_ =	swait.ge [sflag:s22], $0x2000  }
0x195: {  	[sflag:s22] =	ssyncset.done $0x0  }
0x196: {  	s2 =	simm.s32 $0x15480;
	[sflag:s22] =	ssyncadd.s32 $0xFFFFE000  }
0x197: {  	[spmem:s29] =	stream.indirect.scatter.add.f32 [tilespmem:s20], [sflag:$0x3], $0x40, s2, s14, $0xb8;
	[tilespmem:$0x1A800] =	vst v63  }
0x198: {  	_ =	swait.ge [sflag:s16], $0x2000  }
0x199: {  	[sflag:s16] =	ssyncset.done $0x0  }
0x19a: {  	s31 =	simm.s32 $0x400;
	s1 =	simm.s32 $0x14180;
	[sflag:s16] =	ssyncadd.s32 $0xFFFFE000  }
.LBB2_8:
0x19b: {  	[tilespmem:s20], [sflag:$0x2] =	stream.indirect.gather [spmem:s25], $0x40, s1, s14, $0xb8;
	[tilespmem:$0x1A800] =	vst v63  }
0x19c: {  	s1 =	smov.u32 s31  }
0x19d: {  	p0 =	sne.s32 s31, $0x4800;
	s31 =	sadd.s32 $0x400, s31;
	_ =	swait.ge [sflag:s21], $0x2000  }
0x19e: {  	s1 =	sshra.s32 s1, $0x2;
	[sflag:s21] =	ssyncset.done $0x0  }
0x19f: {  	s2 =	sadd.s32 $0x15400, s1;
	[sflag:s21] =	ssyncadd.s32 $0xFFFFE000  }
0x1a0: {  	[spmem:s29] =	stream.indirect.scatter.add.f32 [tilespmem:s15], [sflag:$0x3], $0x40, s2, s14, $0xb8;
	[tilespmem:$0x1A800] =	vst v63  }
0x1a1: {  	_ =	swait.ge [sflag:s16], $0x2000  }
0x1a2: {  	[sflag:s16] =	ssyncset.done $0x0  }
0x1a3: {  	s2 =	sadd.s32 $0x14100, s1;
	[sflag:s16] =	ssyncadd.s32 $0xFFFFE000  }
0x1a4: {  	[tilespmem:s15], [sflag:$0x1] =	stream.indirect.gather [spmem:s25], $0x40, s2, s14, $0xb8;
	[tilespmem:$0x1A800] =	vst v63  }
0x1a5: {  	_ =	swait.ge [sflag:s22], $0x2000  }
0x1a6: {  	[sflag:s22] =	ssyncset.done $0x0  }
.Ltmp3:
0x1a7: {  	s2 =	sadd.s32 $0x15480, s1;
	[sflag:s22] =	ssyncadd.s32 $0xFFFFE000;
	(pc) =	sbr.rel @p0 .LBB2_8-.Ltmp3, $4  }
0x1a8: {  	[spmem:s29] =	stream.indirect.scatter.add.f32 [tilespmem:s20], [sflag:$0x3], $0x40, s2, s14, $0xb8;
	[tilespmem:$0x1A800] =	vst v63  }
0x1a9: {  	_ =	swait.ge [sflag:s16], $0x2000  }
0x1aa: {  	[sflag:s16] =	ssyncset.done $0x0  }
0x1ab: {  	s1 =	sadd.s32 $0x14180, s1;
	[sflag:s16] =	ssyncadd.s32 $0xFFFFE000  }
0x1ac: {  	[tilespmem:s20], [sflag:$0x2] =	stream.indirect.gather [spmem:s25], $0x40, s1, s14, $0xb8;
	[tilespmem:$0x1A800] =	vst v63  }
0x1ad: {  	_ =	swait.ge [sflag:s21], $0x2000  }
0x1ae: {  	[sflag:s21] =	ssyncset.done $0x0  }
0x1af: {  	[sflag:s21] =	ssyncadd.s32 $0xFFFFE000  }
0x1b0: {  	[spmem:s29] =	stream.indirect.scatter.add.f32 [tilespmem:s15], [sflag:$0x3], $0x40, s23, s14, $0xb8;
	[tilespmem:$0x1A800] =	vst v63  }
0x1b1: {  	_ =	swait.ge [sflag:s16], $0x2000  }
0x1b2: {  	[sflag:s16] =	ssyncset.done $0x0  }
0x1b3: {  	[sflag:s16] =	ssyncadd.s32 $0xFFFFE000  }
0x1b4: {  	_ =	swait.ge [sflag:s22], $0x2000  }
0x1b5: {  	[sflag:s22] =	ssyncset.done $0x0  }
0x1b6: {  	[sflag:s22] =	ssyncadd.s32 $0xFFFFE000  }
0x1b7: {  	[spmem:s29] =	stream.indirect.scatter.add.f32 [tilespmem:s20], [sflag:$0x3], $0x40, s26, s14, $0xb8;
	[tilespmem:$0x1A800] =	vst v63  }
0x1b8: {  	_ =	swait.ge [sflag:s16], $0x2000  }
0x1b9: {  	[sflag:s16] =	ssyncset.done $0x0  }
0x1ba: {  	[sflag:s16] =	ssyncadd.s32 $0xFFFFE000  }
0x1bb: {  	[bflag:$0x0] =	sbarrier.arrive $0xFFFF  }
0x1bc: {  	[tilespmem:s15], [sflag:$0x3] =	stream.linear.gather [spmem:s30], $0x2000, $0x38;
	[tilespmem:$0x1A800] =	vst v63  }
0x1bd: {  	_ =	swait.ge [sflag:s16], $0x2000  }
0x1be: {  	[sflag:s16] =	ssyncset.done $0x0  }
0x1bf: {  	s2 =	rddreg [dreg:$0x16];
	[sflag:s16] =	ssyncadd.s32 $0xFFFFE000  }
0x1c0: {  	[hbm4b:s2+s13] =	stream.strided.scatter [tilespmem:s15], [sflag:$0x3], $0x2000, s14, s13, $0x38;
	[tilespmem:$0x1A800] =	vst v63  }
0x1c1: {  	_ =	swait.ge [sflag:s16], $0x2000  }
0x1c2: {  	[sflag:s16] =	ssyncset.done $0x0  }
0x1c3: {  	[sflag:s16] =	ssyncadd.s32 $0xFFFFE000  }
0x1c4: {  	[tilespmem:s15], [sflag:$0x3] =	stream.linear.gather [spmem:s6], $0x2000, $0x38;
	[tilespmem:$0x1A800] =	vst v63  }
0x1c5: {  	_ =	swait.ge [sflag:s16], $0x2000  }
0x1c6: {  	[sflag:s16] =	ssyncset.done $0x0  }
0x1c7: {  	s31 =	rddreg [dreg:$0x17];
	[sflag:s16] =	ssyncadd.s32 $0xFFFFE000  }
0x1c8: {  	[hbm4b:s31+s13] =	stream.strided.scatter [tilespmem:s15], [sflag:$0x3], $0x2000, s14, s13, $0x38;
	[tilespmem:$0x1A800] =	vst v63  }
0x1c9: {  	_ =	swait.ge [sflag:s16], $0x2000  }
0x1ca: {  	[sflag:s16] =	ssyncset.done $0x0  }
0x1cb: {  	[sflag:s16] =	ssyncadd.s32 $0xFFFFE000  }
0x1cc: {  	[tilespmem:s15], [sflag:$0x3] =	stream.linear.gather [spmem:s8], $0x2000, $0x38;
	[tilespmem:$0x1A800] =	vst v63  }
0x1cd: {  	_ =	swait.ge [sflag:s16], $0x2000  }
0x1ce: {  	[sflag:s16] =	ssyncset.done $0x0  }
0x1cf: {  	s2 =	rddreg [dreg:$0x18];
	[sflag:s16] =	ssyncadd.s32 $0xFFFFE000  }
0x1d0: {  	[hbm4b:s2+s13] =	stream.strided.scatter [tilespmem:s15], [sflag:$0x3], $0x2000, s14, s13, $0x38;
	[tilespmem:$0x1A800] =	vst v63  }
0x1d1: {  	_ =	swait.ge [sflag:s16], $0x2000  }
0x1d2: {  	[sflag:s16] =	ssyncset.done $0x0  }
0x1d3: {  	[sflag:s16] =	ssyncadd.s32 $0xFFFFE000  }
0x1d4: {  	[tilespmem:s15], [sflag:$0x3] =	stream.linear.gather [spmem:s10], $0x2000, $0x38;
	[tilespmem:$0x1A800] =	vst v63  }
0x1d5: {  	_ =	swait.ge [sflag:s16], $0x2000  }
0x1d6: {  	[sflag:s16] =	ssyncset.done $0x0  }
0x1d7: {  	s31 =	rddreg [dreg:$0x19];
	[sflag:s16] =	ssyncadd.s32 $0xFFFFE000  }
0x1d8: {  	[hbm4b:s31+s13] =	stream.strided.scatter [tilespmem:s15], [sflag:$0x3], $0x2000, s14, s13, $0x38;
	[tilespmem:$0x1A800] =	vst v63  }
0x1d9: {  	_ =	swait.ge [sflag:s16], $0x2000  }
0x1da: {  	[sflag:s16] =	ssyncset.done $0x0  }
0x1db: {  	[sflag:s16] =	ssyncadd.s32 $0xFFFFE000  }
0x1dc: {  	[tilespmem:s15], [sflag:$0x3] =	stream.linear.gather [spmem:s12], $0x2000, $0x38;
	[tilespmem:$0x1A800] =	vst v63  }
0x1dd: {  	_ =	swait.ge [sflag:s16], $0x2000  }
0x1de: {  	[sflag:s16] =	ssyncset.done $0x0  }
0x1df: {  	s2 =	rddreg [dreg:$0x1a];
	[sflag:s16] =	ssyncadd.s32 $0xFFFFE000  }
0x1e0: {  	[hbm4b:s2+s13] =	stream.strided.scatter [tilespmem:s15], [sflag:$0x3], $0x2000, s14, s13, $0x38;
	[tilespmem:$0x1A800] =	vst v63  }
0x1e1: {  	_ =	swait.ge [sflag:s16], $0x2000  }
0x1e2: {  	s28 =	sadd.s32 $0x1, s28;
	s31 =	rddreg [dreg:$0x1b]  }
0x1e3: {  	p0 =	sne.s32 s28, s31  }
.Ltmp4:
0x1e4: {  	_ = 	snop;
	(pc) =	sbr.rel @p0 .LBB2_1-.Ltmp4, $3  }
0x1e5: {  	_ =	sdelay $0x1  }
0x1e6: {  	[sflag:s16] =	ssyncset.done $0x0  }
0x1e7: {  	[sflag:s16] =	ssyncadd.s32 $0xFFFFE000  }
0x1e8: {  	_ =	sfence.sel $0x180000  }
0x1e9: {  	[bflag:$0x0] =	sbarrier.arrive $0xFFFF  }
0x1ea: {  	_ =	strace $0x9000004A  }
0x1eb: {  	s0 =	stileid.u32;
	[bflag:$0x2] =	sbarrier.arrive $0xFFFF  }
0x1ec: {  	p0 =	sne.s32 s0, $0x0;
	s0 =	rddreg [dreg:$0x4]  }
0x1ed: {  	s0 =	sadd.s32 @!p0 $0x100000, s0  }
0x1ee: {  	[sflag:s0] =	ssyncadd.tile.s32 @!p0 $0x1;
	_ =	shalt  }
.Lfunc_end2:
_tile_overlayer_lowered:
.L_overlay_start_2:
0x1ef: {  	(tag) =	ssettag $0x2  }
0x1f0: {  	s0 =	rddreg [dreg:$0x0];
	s2 =	stileid.u32  }
0x1f1: {  	s1 =	rddreg [dreg:$0x1];
	p0 =	sne.s32 s2, $0x0  }
0x1f2: {  	s3 =	rddreg [dreg:$0x2];
	[bflag:$0x3] =	sbarrier.arrive $0xFFFF;
	s2 =	simm.s32 @!p0 $0x1C03  }
0x1f3: {  	[timem:s3], [sflag:s2] =	dma.local @!p0 [hbm:s0], s1  }
0x1f4: {  	s0 =	simm.s32 @!p0 $0x3  }
0x1f5: {  	_ =	swait.ge @!p0 [sflag:s0], s1  }
0x1f6: {  	s1 =	ssub.s32 @!p0 $0x0, s1;
	[sflag:s0] =	ssyncset.done @!p0 $0x0  }
0x1f7: {  	[sflag:s0] =	ssyncadd.s32 @!p0 s1  }
0x1f8: {  	[bflag:$0x3] =	sbarrier.arrive $0xFFFF  }
0x1f9: {  	_ =	shalt  }

// kernel: kernel.17.cloned.1.call-start
scs
__scs_entry_jumppad:
0x0: {  	(pc) =	sbr.rel $0x88, $3  }
0x1: {  	(tag) =	ssettag $0x0;
	lr =	simm.s32 $0x1  }
0x2: {  	[smem:$0x3F99] =	sst lr;
	_ =	strace $0xD0000000  }
0x3: {  	_ = 	snop  }
0x4: {  	_ = 	snop  }
0x5: {  	_ = 	snop  }
0x6: {  	_ = 	snop  }
0x7: {  	_ = 	snop  }
__scs_overlays_trampoline_lowered:
0x8: {  	[smem:$0x3FA8] =	sst s0  }
0x9: {  	[smem:$0x3FA9] =	sst s1  }
0xa: {  	[smem:$0x3FAA] =	sst s2  }
0xb: {  	[smem:$0x3FAB] =	sst s3  }
0xc: {  	[smem:$0x3FAC] =	sst s4  }
0xd: {  	[smem:$0x3FAD] =	sst s5  }
0xe: {  	[smem:$0x3FAE] =	sst s6  }
0xf: {  	[smem:$0x3FAF] =	sst s7  }
0x10: {  	[smem:$0x3FB0] =	sst s8  }
0x11: {  	[smem:$0x3FB1] =	sst s9;
	s0 =	simm.s32 @!p0 $0x0  }
0x12: {  	s1 =	sld [smem:$0x3F97];
	s0 =	simm.s32 @p0 $0x1  }
0x13: {  	[smem:$0x3FB2] =	sst s0;
	s0 =	simm.s32 @!p1 $0x0  }
0x14: {  	s2 =	sld [smem:$0x3F96];
	s0 =	simm.s32 @p1 $0x1  }
0x15: {  	[smem:$0x3FB3] =	sst s0;
	s0 =	simm.s32 @!p2 $0x0  }
0x16: {  	s3 =	sld [smem:$0x3FDB];
	s0 =	simm.s32 @p2 $0x1  }
0x17: {  	s4 =	simm.s32 $0x1BF5;
	[smem:$0x3FB5] =	sst s0  }
0x18: {  	s0 =	sld [smem:$0x3F98];
	_ =	swait.ge [sflag:s4], $0x0  }
0x19: {  	s7 =	sld [smem:$0x3F99]  }
0x1a: {  	s8 =	sadd.s32 $0xFFFFE003, lr  }
0x1b: {  	s9 =	sadd.s32 $0xFFFFFEF7, lr;
	s5 =	simm.s32 $0xFFFFFFFF;
	p2 =	slt.u32 s8, $0xFFFFF086  }
0x1c: {  	p1 =	slt.u32 s9, $0xF7A;
	s5 =	simm.s32 @!p2 $0x0  }
0x1d: {  	s5 =	simm.s32 @p1 $0x1;
	p0 =	seq.s32 s7, s2  }
0x1e: {  	s7 =	smul.u32 @!p0 $0xF7A, s2;
	p2 =	seq.s32 @!p0 s5, $0x0  }
0x1f: {  	s9 =	smul.u32 $0xF7A, s1;
	s8 =	simm.s32 @!p0 $0x1BF5;
	p2 =	por !p2, p0  }
0x20: {  	[sflag:s8] =	ssyncset.s32 @!p0 $0xFFFFF086;
	s6 =	sadd.s32 @!p0 s3, s7;
	s7 =	simm.s32 @!p0 $0x108  }
0x21: {  	s3 =	sadd.s32 s3, s9;
	s6 =	sadd.s32 @!p0 $0x88, s6;
	s7 =	simm.s32 @p2 $0x1082  }
0x22: {  	[simem:s7], [sflag:s8] =	dma.local @!p0 [hbm:s6], $0xF7A  }
0x23: {  	s9 =	sor.u32 $0xD0000000, s2;
	s6 =	simm.s32 $0x108;
	_ =	swait.ge @!p0 [sflag:s8], $0x0  }
0x24: {  	s3 =	sadd.s32 $0x88, s3;
	s6 =	simm.s32 @!p1 $0x1082;
	[sflag:s4] =	ssyncset.s32 $0xFFFFF086  }
0x25: {  	[simem:s6], [sflag:s4] =	dma.local [hbm:s3], $0xF7A  }
0x26: {  	[smem:$0x3F99] =	sst s1;
	(tag) =	ssettag s2;
	_ =	strace s9  }
0x27: {  	s1 =	sld [smem:$0x3FA9]  }
0x28: {  	s2 =	sld [smem:$0x3FAA]  }
0x29: {  	s4 =	sld [smem:$0x3FAC]  }
0x2a: {  	p0 =	seq.s32 s5, $0x0;
	s5 =	sld [smem:$0x3FAD]  }
0x2b: {  	s6 =	sld [smem:$0x3FAE]  }
0x2c: {  	s7 =	sld [smem:$0x3FAF]  }
0x2d: {  	s3 =	simm.s32 $0x108;
	s8 =	sld [smem:$0x3FB0]  }
0x2e: {  	s3 =	simm.s32 @!p0 $0x1082;
	s9 =	sld [smem:$0x3FB1]  }
0x2f: {  	lr =	sadd.s32 s0, s3;
	s0 =	sld [smem:$0x3FA8]  }
0x30: {  	s3 =	sld [smem:$0x3FAB]  }
0x31: {  	[smem:$0x3FB4] =	sst s10  }
0x32: {  	s10 =	sld [smem:$0x3FB2];
	_ =	sdelay $0x3  }
0x33: {  	p0 =	seq.s32 s10, $0x1;
	s10 =	sld [smem:$0x3FB4];
	_ =	sdelay $0x3  }
0x34: {  	[smem:$0x3FB4] =	sst s10  }
0x35: {  	s10 =	sld [smem:$0x3FB3];
	_ =	sdelay $0x3  }
0x36: {  	p1 =	seq.s32 s10, $0x1;
	s10 =	sld [smem:$0x3FB4];
	_ =	sdelay $0x3  }
0x37: {  	[smem:$0x3FB4] =	sst s10  }
0x38: {  	s10 =	sld [smem:$0x3FB5]  }
0x39: {  	_ = 	snop;
	(pc) =	sbr.ind lr, $3  }
0x3a: {  	_ = 	snop  }
0x3b: {  	_ = 	snop  }
0x3c: {  	p2 =	seq.s32 s10, $0x1;
	s10 =	sld [smem:$0x3FB4]  }
0x3d: {  	_ =	shalt  }
0x3e: {  	_ =	shalt  }
0x3f: {  	_ =	shalt  }
0x40: {  	_ =	shalt  }
0x41: {  	_ =	shalt  }
0x42: {  	_ =	shalt  }
0x43: {  	_ =	shalt  }
0x44: {  	_ =	shalt  }
0x45: {  	_ =	shalt  }
0x46: {  	_ =	shalt  }
0x47: {  	_ =	shalt  }
0x48: {  	_ =	shalt  }
0x49: {  	_ =	shalt  }
0x4a: {  	_ =	shalt  }
0x4b: {  	_ =	shalt  }
0x4c: {  	_ =	shalt  }
0x4d: {  	_ =	shalt  }
0x4e: {  	_ =	shalt  }
0x4f: {  	_ =	shalt  }
0x50: {  	_ =	shalt  }
0x51: {  	_ =	shalt  }
0x52: {  	_ =	shalt  }
0x53: {  	_ =	shalt  }
0x54: {  	_ =	shalt  }
0x55: {  	_ =	shalt  }
0x56: {  	_ =	shalt  }
0x57: {  	_ =	shalt  }
0x58: {  	_ =	shalt  }
0x59: {  	_ =	shalt  }
0x5a: {  	_ =	shalt  }
0x5b: {  	_ =	shalt  }
0x5c: {  	_ =	shalt  }
0x5d: {  	_ =	shalt  }
0x5e: {  	_ =	shalt  }
0x5f: {  	_ =	shalt  }
0x60: {  	_ =	shalt  }
0x61: {  	_ =	shalt  }
0x62: {  	_ =	shalt  }
0x63: {  	_ =	shalt  }
0x64: {  	_ =	shalt  }
0x65: {  	_ =	shalt  }
0x66: {  	_ =	shalt  }
0x67: {  	_ =	shalt  }
0x68: {  	_ =	shalt  }
0x69: {  	_ =	shalt  }
0x6a: {  	_ =	shalt  }
0x6b: {  	_ =	shalt  }
0x6c: {  	_ =	shalt  }
0x6d: {  	_ =	shalt  }
0x6e: {  	_ =	shalt  }
0x6f: {  	_ =	shalt  }
0x70: {  	_ =	shalt  }
0x71: {  	_ =	shalt  }
0x72: {  	_ =	shalt  }
0x73: {  	_ =	shalt  }
0x74: {  	_ =	shalt  }
0x75: {  	_ =	shalt  }
0x76: {  	_ =	shalt  }
0x77: {  	_ =	shalt  }
0x78: {  	_ =	shalt  }
0x79: {  	_ =	shalt  }
0x7a: {  	_ =	shalt  }
0x7b: {  	_ =	shalt  }
0x7c: {  	_ =	shalt  }
0x7d: {  	_ =	shalt  }
0x7e: {  	_ =	shalt  }
0x7f: {  	_ =	shalt  }
0x80: {  	_ =	shalt  }
0x81: {  	_ =	shalt  }
0x82: {  	_ =	shalt  }
0x83: {  	_ =	shalt  }
0x84: {  	_ =	shalt  }
0x85: {  	_ =	shalt  }
0x86: {  	_ =	shalt  }
0x87: {  	_ =	shalt  }
.Lfunc_end0:
.L_simem_size_0:
called_computation.2_lowered:
.L_overlay_start_0:
0x88: {  	s2 =	sld [smem:$0x3FD9]  }
0x89: {  	s3 =	sld [smem:$0x3FFE];
	_ =	sdelay $0x1  }
0x8a: {  	s1 =	srdreg.scid  }
0x8b: {  	s0 =	sand.u32 $0x1, s1  }
0x8c: {  	s17 =	sshll.u32 s0, $0xA;
	s2 =	sadd.s32 s3, s2  }
0x8d: {  	s2 =	sadd.s32 s2, s17  }
0x8e: {  	[smem:$0x3FC0] =	sst s2  }
0x8f: {  	_ = 	snop  }
0x90: {  	s2 =	sld [smem:$0x3FD0];
	(tm) =	ssettm $0x1  }
0x91: {  	s18 =	sld [smem:$0x3FFB];
	_ =	sdelay $0x3  }
0x92: {  	_ =	strace s18  }
0x93: {  	s3 =	sld [smem:$0x3FFC];
	_ =	sdelay $0x3  }
0x94: {  	_ =	strace s3  }
0x95: {  	s3 =	sld [smem:$0x3FFD];
	_ =	sdelay $0x3  }
0x96: {  	_ =	strace s3  }
0x97: {  	_ =	strace $0x8FFFFFFF  }
0x98: {  	s19 =	sld [smem:$0x3FDB];
	_ =	sdelay $0x1  }
0x99: {  	s4 =	simm.s32 $_scs_section_size  }
0x9a: {  	s5 =	simm.s32 $_size__tile_overlayer_lowered;
	s6 =	simm.s32 $_tile_overlayer_lowered  }
0x9b: {  	s22 =	simm.s32 $0x1BFF;
	s21 =	sshll.u32 s6, $0x1;
	s3 =	sadd.s32 s4, s19  }
0x9c: {  	s7 =	simm.s32 $0x0;
	s20 =	sshll.u32 s5, $0x1;
	s5 =	sadd.s32 s21, s3  }
0x9d: {  	[timem:s7], [sflag:s22] =	dma.local [hbm:s5], s20  }
0x9e: {  	_ =	swait.ge [sflag:s22], s20  }
0x9f: {  	s4 =	ssub.s32 $0x0, s20;
	[sflag:s22] =	ssyncset.done $0x0  }
0xa0: {  	[sflag:s22] =	ssyncadd.s32 s4;
	_ =	sdelay $0x1  }
0xa1: {  	s23 =	simm.s32 $0x1B8B  }
0xa2: {  	_ =	swait.ge [sflag:s23], $0x1  }
0xa3: {  	[sflag:s23] =	ssyncset.done $0x0  }
0xa4: {  	s25 =	simm.s32 $0x1B8E;
	s24 =	sld [smem:$0x3FFE];
	[sflag:s23] =	ssyncadd.s32 $0xFFFFFFFF  }
0xa5: {  	s26 =	simm.s32 $execute0_lowered;
	[smem:$0x3FD2] =	sst s25  }
0xa6: {  	s5 =	sshll.u32 s26, $0x1;
	_ =	strace $0x8000004C;
	[dreg:$0x1] =	wrdreg $0xFFFFFFFF  }
0xa7: {  	s28 =	simm.s32 $_size_execute0_lowered;
	s3 =	sadd.s32 s3, s5;
	[dreg:$0x0] =	wrdreg $0x0  }
0xa8: {  	s5 =	sshll.u32 s28, $0x1;
	[dreg:$0x2] =	wrdreg s3  }
0xa9: {  	[dreg:$0x3] =	wrdreg s5  }
0xaa: {  	[dreg:$0x4] =	wrdreg $0xC0  }
0xab: {  	_ =	task [dreg:s7], $0x5FFFF  }
0xac: {  	[dreg:$0x1] =	wrdreg $0xFFFFFFFF  }
0xad: {  	[dreg:$0x0] =	wrdreg $0x60  }
0xae: {  	[dreg:$0x2] =	wrdreg s24  }
0xaf: {  	[dreg:$0x3] =	wrdreg s2  }
0xb0: {  	[dreg:$0x4] =	wrdreg $0x0  }
0xb1: {  	[dreg:$0x5] =	wrdreg $0xA0000  }
0xb2: {  	[dreg:$0x6] =	wrdreg $0x9  }
0xb3: {  	_ =	task.clear_ibuf [dreg:s7], $0x7FFFF;
	_ =	strace $0x9000004C  }
0xb4: {  	s29 =	simm.s32 $0x9;
	_ =	strace $0x8000004E  }
0xb5: {  	_ =	swait.ge [sflag:s29], $0x1  }
0xb6: {  	[sflag:s29] =	ssyncadd.s32 $0xFFFFFFFF  }
0xb7: {  	_ =	strace $0x9000004E  }
0xb8: {  	_ =	sfence  }
0xb9: {  	s30 =	sld [smem:$0x0];
	_ =	sdelay $0x2  }
0xba: {  	s31 =	sshll.u32 s1, $0xD;
	s1 =	sshrl.u32 s1, $0x2  }
0xbb: {  	s3 =	sand.u32 $0x4000, s31;
	s1 =	sadd.s32 s1, s30  }
0xbc: {  	s0 =	sor.u32 s3, s0;
	s1 =	sshll.u32 s1, $0x11  }
0xbd: {  	s0 =	sor.u32 s1, s0  }
0xbe: {  	s0 =	sadd.s32 $0x8F2B, s0  }
0xbf: {  	[sflag:s0] =	ssyncadd.remote.s32 $0x1  }
0xc0: {  	_ =	sfence.sel $0xFFFF  }
0xc1: {  	[dreg:$0x0] =	wrdreg $0xFFFFFFFF;
	(pc) =	sbr.abs _section_cstart, $3  }
0xc2: {  	[dreg:$0x1] =	wrdreg $0xFFFFFFFF  }
0xc3: {  	_ =	task.clear_ibuf [dreg:s7], $0x2FFFF;
	_ =	strace $0x9FFFFFFF  }
0xc4: {  	(tm) =	ssettm $0x7FFFFFFF  }
0xc5: {  	_ =	shalt  }
tec
execute0_lowered:
.L_overlay_start_1:
0x0: {  	(tag) =	ssettag $0x1  }
0x1: {  	s0 =	srdreg.scid  }
0x2: {  	s21 =	stileid.u32;
	s5 =	rddreg [dreg:$0x0]  }
0x3: {  	s4 =	rddreg [dreg:$0x1];
	s24 =	smul.u32 $0x280, s21  }
0x4: {  	s29 =	rddreg [dreg:$0x3];
	s28 =	simm.s32 $0x0;
	s31 =	smul.u32 $0x2800, s21  }
0x5: {  	s1 =	sand.u32 $0x1, s0;
	s23 =	sshll.u32 s21, $0x1;
	s14 =	smul.u32 $0x14000, s21  }
0x6: {  	s0 =	sor.u32 s1, s23;
	s2 =	ssub.s32 $0x2, s1;
	s1 =	smul.u32 $0x140000, s1  }
0x7: {  	s6 =	sadd.s32 $0xCC00, s5;
	s3 =	sadd.s32 $0x2C00, s5;
	s0 =	smul.u32 $0x2800, s0  }
0x8: {  	s7 =	sshrl.u32 s2, $0x1;
	s11 =	sadd.s32 $0x100, s24;
	s18 =	sadd.s32 s6, s31  }
0x9: {  	s13 =	sadd.s32 $0x180, s24;
	s16 =	sadd.s32 $0x200, s24;
	[dreg:$0x7] =	wrdreg s18  }
0xa: {  	s12 =	sshll.u32 s11, $0x4;
	s15 =	sshll.u32 s13, $0x4;
	s17 =	sshll.u32 s16, $0x4  }
0xb: {  	s14 =	sadd.s32 s1, s14;
	s18 =	sshll.u32 s11, $0x7;
	s8 =	sshrl.u32 s0, $0x3  }
0xc: {  	s0 =	ssub.s32 s2, s7;
	s20 =	sadd.s32 s6, s12;
	s18 =	sadd.s32 s1, s18  }
0xd: {  	s23 =	sadd.s32 s6, s15;
	s9 =	sadd.s32 $0x280, s8;
	[dreg:$0x9] =	wrdreg s20  }
0xe: {  	s25 =	sadd.s32 s3, s8;
	s26 =	sadd.s32 s4, s8;
	[dreg:$0xa] =	wrdreg s23  }
0xf: {  	s20 =	sshll.u32 s16, $0x7;
	s0 =	smax.u32 s0, $0x1;
	[dreg:$0x5] =	wrdreg s25  }
0x10: {  	[dreg:$0x6] =	wrdreg s26;
	s3 =	sadd.s32 s3, s9;
	s4 =	sadd.s32 s4, s9  }
0x11: {  	s9 =	sadd.s32 $0x80, s24;
	s24 =	sadd.s32 s6, s17;
	s25 =	sadd.s32 $0xCC08, s5  }
0x12: {  	s10 =	sshll.u32 s9, $0x4;
	[dreg:$0xb] =	wrdreg s24;
	s26 =	sadd.s32 s31, s25  }
0x13: {  	s22 =	sshll.u32 s9, $0x7;
	s8 =	sadd.s32 s12, s25;
	[dreg:$0xc] =	wrdreg s26  }
0x14: {  	s12 =	sadd.s32 s17, s25;
	s17 =	sadd.s32 $0x34C00, s5;
	[dreg:$0xe] =	wrdreg s8  }
0x15: {  	s5 =	sadd.s32 $0x34C08, s5;
	s19 =	sadd.s32 s6, s10;
	[dreg:$0x10] =	wrdreg s12  }
0x16: {  	s7 =	sadd.s32 s1, s22;
	s31 =	sadd.s32 s10, s25;
	[dreg:$0x8] =	wrdreg s19  }
0x17: {  	s10 =	sadd.s32 s15, s25;
	s15 =	simm.s32 $0x0;
	[dreg:$0xd] =	wrdreg s31  }
0x18: {  	s22 =	sshrl.u32 s18, $0x3;
	s18 =	smul.u32 $0x28000, s21;
	[dreg:$0xf] =	wrdreg s10  }
0x19: {  	s21 =	smul.u32 $0xA000, s21;
	s19 =	sshll.u32 s13, $0x7;
	[smem:$0x7FF] =	sst s15  }
0x1a: {  	s7 =	sshrl.u32 s7, $0x3;
	s26 =	sadd.s32 s17, s22;
	s19 =	sadd.s32 s1, s19  }
0x1b: {  	s1 =	sadd.s32 s1, s20;
	s20 =	sshrl.u32 s14, $0x3;
	s25 =	sadd.s32 s17, s7  }
0x1c: {  	[dreg:$0x13] =	wrdreg s26;
	s15 =	sadd.s32 s7, s5;
	s26 =	sshll.u32 s13, $0x6  }
0x1d: {  	s13 =	simm.s32 $0x40;
	s23 =	sshrl.u32 s19, $0x3;
	[dreg:$0x12] =	wrdreg s25  }
0x1e: {  	s1 =	sshrl.u32 s1, $0x3;
	s24 =	sadd.s32 s17, s20;
	[dreg:$0x17] =	wrdreg s15  }
0x1f: {  	s14 =	sadd.s32 s20, s5;
	s25 =	rddreg [dreg:$0x2];
	s20 =	sshrl.u32 s18, $0x2  }
0x20: {  	s10 =	sadd.s32 s26, s29;
	s15 =	simm.s32 $0x16800;
	s18 =	simm.s32 $0x15400  }
0x21: {  	[dreg:$0x11] =	wrdreg s24;
	s31 =	sadd.s32 s17, s23;
	s6 =	sadd.s32 s17, s1  }
0x22: {  	[dreg:$0x16] =	wrdreg s14;
	s17 =	sadd.s32 s22, s5;
	s19 =	sadd.s32 s23, s5  }
0x23: {  	s1 =	sadd.s32 s1, s5;
	s30 =	sadd.s32 s20, s29;
	[dreg:$0x14] =	wrdreg s31  }
0x24: {  	s24 =	sadd.s32 s21, s25;
	s22 =	sshll.u32 s9, $0x6;
	[dreg:$0x15] =	wrdreg s6  }
0x25: {  	s23 =	sshll.u32 s11, $0x6;
	s9 =	sadd.s32 s26, s25;
	[dreg:$0x18] =	wrdreg s17  }
0x26: {  	s14 =	simm.s32 $0x80;
	s20 =	simm.s32 $0x18800;
	[dreg:$0x19] =	wrdreg s19  }
0x27: {  	s26 =	simm.s32 $0x16780;
	[dreg:$0x1a] =	wrdreg s1;
	s5 =	sadd.s32 s22, s25  }
0x28: {  	s6 =	sadd.s32 s22, s29;
	s7 =	sadd.s32 s23, s25;
	s8 =	sadd.s32 s23, s29  }
0x29: {  	s31 =	sshll.u32 s16, $0x6;
	s16 =	simm.s32 $0x3;
	s17 =	simm.s32 $0x14000  }
0x2a: {  	s19 =	simm.s32 $0x14080;
	s22 =	simm.s32 $0x2;
	s23 =	simm.s32 $0x16700  }
0x2b: {  	_ =	strace $0x8000004D;
	[dreg:$0x1b] =	wrdreg s0;
	s0 =	sadd.s32 s21, s29  }
0x2c: {  	s11 =	sadd.s32 s31, s25;
	s12 =	sadd.s32 s31, s29;
	s21 =	simm.s32 $0x1  }
.LBB2_1:
0x2d: {  	s1 =	rddreg [dreg:$0x7]  }
0x2e: {  	[tilespmem:s15], [sflag:$0x3] =	stream.strided.gather [hbm4b:s1+s13], $0x2000, s14, s13, $0x38;
	[tilespmem:$0x1A800] =	vst v63  }
0x2f: {  	_ =	swait.ge [sflag:s16], $0x2000  }
0x30: {  	[sflag:s16] =	ssyncset.done $0x0  }
0x31: {  	[sflag:s16] =	ssyncadd.s32 $0xFFFFE000  }
0x32: {  	[spmem:s24] =	stream.linear.scatter [tilespmem:s15], [sflag:$0x3], $0x2000, $0x38;
	[tilespmem:$0x1A800] =	vst v63  }
0x33: {  	_ =	swait.ge [sflag:s16], $0x2000  }
0x34: {  	[sflag:s16] =	ssyncset.done $0x0  }
0x35: {  	[sflag:s16] =	ssyncadd.s32 $0xFFFFE000  }
0x36: {  	[spmem:s0] =	stream.linear.scatter [tilespmem:s15], [sflag:$0x3], $0x2000, $0x38;
	[tilespmem:$0x1A800] =	vst v63  }
0x37: {  	_ =	swait.ge [sflag:s16], $0x2000  }
0x38: {  	[sflag:s16] =	ssyncset.done $0x0  }
0x39: {  	s2 =	rddreg [dreg:$0x8];
	[sflag:s16] =	ssyncadd.s32 $0xFFFFE000  }
0x3a: {  	[tilespmem:s15], [sflag:$0x3] =	stream.strided.gather [hbm4b:s2+s13], $0x2000, s14, s13, $0x38;
	[tilespmem:$0x1A800] =	vst v63  }
0x3b: {  	_ =	swait.ge [sflag:s16], $0x2000  }
0x3c: {  	[sflag:s16] =	ssyncset.done $0x0  }
0x3d: {  	[sflag:s16] =	ssyncadd.s32 $0xFFFFE000  }
0x3e: {  	[spmem:s5] =	stream.linear.scatter [tilespmem:s15], [sflag:$0x3], $0x2000, $0x38;
	[tilespmem:$0x1A800] =	vst v63  }
0x3f: {  	_ =	swait.ge [sflag:s16], $0x2000  }
0x40: {  	[sflag:s16] =	ssyncset.done $0x0  }
0x41: {  	[sflag:s16] =	ssyncadd.s32 $0xFFFFE000  }
0x42: {  	[spmem:s6] =	stream.linear.scatter [tilespmem:s15], [sflag:$0x3], $0x2000, $0x38;
	[tilespmem:$0x1A800] =	vst v63  }
0x43: {  	_ =	swait.ge [sflag:s16], $0x2000  }
0x44: {  	[sflag:s16] =	ssyncset.done $0x0  }
0x45: {  	s2 =	rddreg [dreg:$0x9];
	[sflag:s16] =	ssyncadd.s32 $0xFFFFE000  }
0x46: {  	[tilespmem:s15], [sflag:$0x3] =	stream.strided.gather [hbm4b:s2+s13], $0x2000, s14, s13, $0x38;
	[tilespmem:$0x1A800] =	vst v63  }
0x47: {  	_ =	swait.ge [sflag:s16], $0x2000  }
0x48: {  	[sflag:s16] =	ssyncset.done $0x0  }
0x49: {  	[sflag:s16] =	ssyncadd.s32 $0xFFFFE000  }
0x4a: {  	[spmem:s7] =	stream.linear.scatter [tilespmem:s15], [sflag:$0x3], $0x2000, $0x38;
	[tilespmem:$0x1A800] =	vst v63  }
0x4b: {  	_ =	swait.ge [sflag:s16], $0x2000  }
0x4c: {  	[sflag:s16] =	ssyncset.done $0x0  }
0x4d: {  	[sflag:s16] =	ssyncadd.s32 $0xFFFFE000  }
0x4e: {  	[spmem:s8] =	stream.linear.scatter [tilespmem:s15], [sflag:$0x3], $0x2000, $0x38;
	[tilespmem:$0x1A800] =	vst v63  }
0x4f: {  	_ =	swait.ge [sflag:s16], $0x2000  }
0x50: {  	[sflag:s16] =	ssyncset.done $0x0  }
0x51: {  	s2 =	rddreg [dreg:$0xa];
	[sflag:s16] =	ssyncadd.s32 $0xFFFFE000  }
0x52: {  	[tilespmem:s15], [sflag:$0x3] =	stream.strided.gather [hbm4b:s2+s13], $0x2000, s14, s13, $0x38;
	[tilespmem:$0x1A800] =	vst v63  }
0x53: {  	_ =	swait.ge [sflag:s16], $0x2000  }
0x54: {  	[sflag:s16] =	ssyncset.done $0x0  }
0x55: {  	[sflag:s16] =	ssyncadd.s32 $0xFFFFE000  }
0x56: {  	[spmem:s9] =	stream.linear.scatter [tilespmem:s15], [sflag:$0x3], $0x2000, $0x38;
	[tilespmem:$0x1A800] =	vst v63  }
0x57: {  	_ =	swait.ge [sflag:s16], $0x2000  }
0x58: {  	[sflag:s16] =	ssyncset.done $0x0  }
0x59: {  	[sflag:s16] =	ssyncadd.s32 $0xFFFFE000  }
0x5a: {  	[spmem:s10] =	stream.linear.scatter [tilespmem:s15], [sflag:$0x3], $0x2000, $0x38;
	[tilespmem:$0x1A800] =	vst v63  }
0x5b: {  	_ =	swait.ge [sflag:s16], $0x2000  }
0x5c: {  	[sflag:s16] =	ssyncset.done $0x0  }
0x5d: {  	s2 =	rddreg [dreg:$0xb];
	[sflag:s16] =	ssyncadd.s32 $0xFFFFE000  }
0x5e: {  	[tilespmem:s15], [sflag:$0x3] =	stream.strided.gather [hbm4b:s2+s13], $0x2000, s14, s13, $0x38;
	[tilespmem:$0x1A800] =	vst v63  }
0x5f: {  	_ =	swait.ge [sflag:s16], $0x2000  }
0x60: {  	[sflag:s16] =	ssyncset.done $0x0  }
0x61: {  	[sflag:s16] =	ssyncadd.s32 $0xFFFFE000  }
0x62: {  	[spmem:s11] =	stream.linear.scatter [tilespmem:s15], [sflag:$0x3], $0x2000, $0x38;
	[tilespmem:$0x1A800] =	vst v63  }
0x63: {  	_ =	swait.ge [sflag:s16], $0x2000  }
0x64: {  	[sflag:s16] =	ssyncset.done $0x0  }
0x65: {  	[sflag:s16] =	ssyncadd.s32 $0xFFFFE000  }
0x66: {  	[spmem:s12] =	stream.linear.scatter [tilespmem:s15], [sflag:$0x3], $0x2000, $0x38;
	[tilespmem:$0x1A800] =	vst v63  }
0x67: {  	_ =	swait.ge [sflag:s16], $0x2000  }
0x68: {  	[sflag:s16] =	ssyncset.done $0x0  }
0x69: {  	[sflag:s16] =	ssyncadd.s32 $0xFFFFE000  }
0x6a: {  	[bflag:$0x0] =	sbarrier.arrive $0xFFFF  }
0x6b: {  	s2 =	simm.s32 $0x0;
	s1 =	rddreg [dreg:$0x5]  }
0x6c: {  	[tilespmem:s17], [sflag:$0x3] =	stream.linear.gather [hbm4b:s1+s2], $0x1400, $0x38;
	[tilespmem:$0x1A800] =	vst v63  }
0x6d: {  	_ =	swait.ge [sflag:s16], $0x1400  }
0x6e: {  	[sflag:s16] =	ssyncset.done $0x0  }
0x6f: {  	s1 =	rddreg [dreg:$0x6];
	[sflag:s16] =	ssyncadd.s32 $0xFFFFEC00  }
0x70: {  	[tilespmem:s18], [sflag:$0x3] =	stream.linear.gather [hbm4b:s1+s2], $0x1400, $0x38;
	[tilespmem:$0x1A800] =	vst v63  }
0x71: {  	_ =	swait.ge [sflag:s16], $0x1400  }
0x72: {  	[sflag:s16] =	ssyncset.done $0x0  }
0x73: {  	[sflag:s16] =	ssyncadd.s32 $0xFFFFEC00  }
0x74: {  	[tilespmem:s15], [sflag:$0x1] =	stream.indirect.gather [spmem:s25], $0x40, s17, s14, $0xb8;
	[tilespmem:$0x1A800] =	vst v63  }
0x75: {  	_ = 	snop  }
0x76: {  	[tilespmem:s20], [sflag:$0x2] =	stream.indirect.gather [spmem:s25], $0x40, s19, s14, $0xb8;
	[tilespmem:$0x1A800] =	vst v63  }
0x77: {  	_ =	swait.ge [sflag:s21], $0x2000  }
0x78: {  	[sflag:s21] =	ssyncset.done $0x0  }
0x79: {  	s2 =	simm.s32 $0x15400;
	[sflag:s21] =	ssyncadd.s32 $0xFFFFE000  }
0x7a: {  	[spmem:s29] =	stream.indirect.scatter.add.f32 [tilespmem:s15], [sflag:$0x3], $0x40, s2, s14, $0xb8;
	[tilespmem:$0x1A800] =	vst v63  }
0x7b: {  	_ =	swait.ge [sflag:s16], $0x2000  }
0x7c: {  	[sflag:s16] =	ssyncset.done $0x0  }
0x7d: {  	s2 =	simm.s32 $0x14100;
	[sflag:s16] =	ssyncadd.s32 $0xFFFFE000  }
0x7e: {  	[tilespmem:s15], [sflag:$0x1] =	stream.indirect.gather [spmem:s25], $0x40, s2, s14, $0xb8;
	[tilespmem:$0x1A800] =	vst v63  }
0x7f: {  	_ =	swait.ge [sflag:s22], $0x2000  }
0x80: {  	[sflag:s22] =	ssyncset.done $0x0  }
0x81: {  	s2 =	simm.s32 $0x15480;
	[sflag:s22] =	ssyncadd.s32 $0xFFFFE000  }
0x82: {  	[spmem:s29] =	stream.indirect.scatter.add.f32 [tilespmem:s20], [sflag:$0x3], $0x40, s2, s14, $0xb8;
	[tilespmem:$0x1A800] =	vst v63  }
0x83: {  	_ =	swait.ge [sflag:s16], $0x2000  }
0x84: {  	[sflag:s16] =	ssyncset.done $0x0  }
0x85: {  	s31 =	simm.s32 $0x400;
	s1 =	simm.s32 $0x14180;
	[sflag:s16] =	ssyncadd.s32 $0xFFFFE000  }
.LBB2_2:
0x86: {  	[tilespmem:s20], [sflag:$0x2] =	stream.indirect.gather [spmem:s25], $0x40, s1, s14, $0xb8;
	[tilespmem:$0x1A800] =	vst v63  }
0x87: {  	s1 =	smov.u32 s31  }
0x88: {  	p0 =	sne.s32 s31, $0x4800;
	s31 =	sadd.s32 $0x400, s31;
	_ =	swait.ge [sflag:s21], $0x2000  }
0x89: {  	s1 =	sshra.s32 s1, $0x2;
	[sflag:s21] =	ssyncset.done $0x0  }
0x8a: {  	s2 =	sadd.s32 $0x15400, s1;
	[sflag:s21] =	ssyncadd.s32 $0xFFFFE000  }
0x8b: {  	[spmem:s29] =	stream.indirect.scatter.add.f32 [tilespmem:s15], [sflag:$0x3], $0x40, s2, s14, $0xb8;
	[tilespmem:$0x1A800] =	vst v63  }
0x8c: {  	_ =	swait.ge [sflag:s16], $0x2000  }
0x8d: {  	[sflag:s16] =	ssyncset.done $0x0  }
0x8e: {  	s2 =	sadd.s32 $0x14100, s1;
	[sflag:s16] =	ssyncadd.s32 $0xFFFFE000  }
0x8f: {  	[tilespmem:s15], [sflag:$0x1] =	stream.indirect.gather [spmem:s25], $0x40, s2, s14, $0xb8;
	[tilespmem:$0x1A800] =	vst v63  }
0x90: {  	_ =	swait.ge [sflag:s22], $0x2000  }
0x91: {  	[sflag:s22] =	ssyncset.done $0x0  }
.Ltmp0:
0x92: {  	s2 =	sadd.s32 $0x15480, s1;
	[sflag:s22] =	ssyncadd.s32 $0xFFFFE000;
	(pc) =	sbr.rel @p0 .LBB2_2-.Ltmp0, $4  }
0x93: {  	[spmem:s29] =	stream.indirect.scatter.add.f32 [tilespmem:s20], [sflag:$0x3], $0x40, s2, s14, $0xb8;
	[tilespmem:$0x1A800] =	vst v63  }
0x94: {  	_ =	swait.ge [sflag:s16], $0x2000  }
0x95: {  	[sflag:s16] =	ssyncset.done $0x0  }
0x96: {  	s1 =	sadd.s32 $0x14180, s1;
	[sflag:s16] =	ssyncadd.s32 $0xFFFFE000  }
0x97: {  	[tilespmem:s20], [sflag:$0x2] =	stream.indirect.gather [spmem:s25], $0x40, s1, s14, $0xb8;
	[tilespmem:$0x1A800] =	vst v63  }
0x98: {  	_ =	swait.ge [sflag:s21], $0x2000  }
0x99: {  	[sflag:s21] =	ssyncset.done $0x0  }
0x9a: {  	[sflag:s21] =	ssyncadd.s32 $0xFFFFE000  }
0x9b: {  	[spmem:s29] =	stream.indirect.scatter.add.f32 [tilespmem:s15], [sflag:$0x3], $0x40, s23, s14, $0xb8;
	[tilespmem:$0x1A800] =	vst v63  }
0x9c: {  	_ =	swait.ge [sflag:s16], $0x2000  }
0x9d: {  	[sflag:s16] =	ssyncset.done $0x0  }
0x9e: {  	[sflag:s16] =	ssyncadd.s32 $0xFFFFE000  }
0x9f: {  	_ =	swait.ge [sflag:s22], $0x2000  }
0xa0: {  	[sflag:s22] =	ssyncset.done $0x0  }
0xa1: {  	[sflag:s22] =	ssyncadd.s32 $0xFFFFE000  }
0xa2: {  	[spmem:s29] =	stream.indirect.scatter.add.f32 [tilespmem:s20], [sflag:$0x3], $0x40, s26, s14, $0xb8;
	[tilespmem:$0x1A800] =	vst v63  }
0xa3: {  	_ =	swait.ge [sflag:s16], $0x2000  }
0xa4: {  	[sflag:s16] =	ssyncset.done $0x0  }
0xa5: {  	s2 =	simm.s32 $0x0;
	[sflag:s16] =	ssyncadd.s32 $0xFFFFE000  }
0xa6: {  	[tilespmem:s17], [sflag:$0x3] =	stream.linear.gather [hbm4b:s3+s2], $0x1400, $0x38;
	[tilespmem:$0x1A800] =	vst v63  }
0xa7: {  	_ =	swait.ge [sflag:s16], $0x1400  }
0xa8: {  	[sflag:s16] =	ssyncset.done $0x0  }
0xa9: {  	[sflag:s16] =	ssyncadd.s32 $0xFFFFEC00  }
0xaa: {  	[tilespmem:s18], [sflag:$0x3] =	stream.linear.gather [hbm4b:s4+s2], $0x1400, $0x38;
	[tilespmem:$0x1A800] =	vst v63  }
0xab: {  	_ =	swait.ge [sflag:s16], $0x1400  }
0xac: {  	[sflag:s16] =	ssyncset.done $0x0  }
0xad: {  	[sflag:s16] =	ssyncadd.s32 $0xFFFFEC00  }
0xae: {  	[tilespmem:s15], [sflag:$0x1] =	stream.indirect.gather [spmem:s25], $0x40, s17, s14, $0xb8;
	[tilespmem:$0x1A800] =	vst v63  }
0xaf: {  	_ = 	snop  }
0xb0: {  	[tilespmem:s20], [sflag:$0x2] =	stream.indirect.gather [spmem:s25], $0x40, s19, s14, $0xb8;
	[tilespmem:$0x1A800] =	vst v63  }
0xb1: {  	_ =	swait.ge [sflag:s21], $0x2000  }
0xb2: {  	[sflag:s21] =	ssyncset.done $0x0  }
0xb3: {  	s2 =	simm.s32 $0x15400;
	[sflag:s21] =	ssyncadd.s32 $0xFFFFE000  }
0xb4: {  	[spmem:s29] =	stream.indirect.scatter.add.f32 [tilespmem:s15], [sflag:$0x3], $0x40, s2, s14, $0xb8;
	[tilespmem:$0x1A800] =	vst v63  }
0xb5: {  	_ =	swait.ge [sflag:s16], $0x2000  }
0xb6: {  	[sflag:s16] =	ssyncset.done $0x0  }
0xb7: {  	s2 =	simm.s32 $0x14100;
	[sflag:s16] =	ssyncadd.s32 $0xFFFFE000  }
0xb8: {  	[tilespmem:s15], [sflag:$0x1] =	stream.indirect.gather [spmem:s25], $0x40, s2, s14, $0xb8;
	[tilespmem:$0x1A800] =	vst v63  }
0xb9: {  	_ =	swait.ge [sflag:s22], $0x2000  }
0xba: {  	[sflag:s22] =	ssyncset.done $0x0  }
0xbb: {  	s2 =	simm.s32 $0x15480;
	[sflag:s22] =	ssyncadd.s32 $0xFFFFE000  }
0xbc: {  	[spmem:s29] =	stream.indirect.scatter.add.f32 [tilespmem:s20], [sflag:$0x3], $0x40, s2, s14, $0xb8;
	[tilespmem:$0x1A800] =	vst v63  }
0xbd: {  	_ =	swait.ge [sflag:s16], $0x2000  }
0xbe: {  	[sflag:s16] =	ssyncset.done $0x0  }
0xbf: {  	s31 =	simm.s32 $0x400;
	s1 =	simm.s32 $0x14180;
	[sflag:s16] =	ssyncadd.s32 $0xFFFFE000  }
.LBB2_4:
0xc0: {  	[tilespmem:s20], [sflag:$0x2] =	stream.indirect.gather [spmem:s25], $0x40, s1, s14, $0xb8;
	[tilespmem:$0x1A800] =	vst v63  }
0xc1: {  	s1 =	smov.u32 s31  }
0xc2: {  	p0 =	sne.s32 s31, $0x4800;
	s31 =	sadd.s32 $0x400, s31;
	_ =	swait.ge [sflag:s21], $0x2000  }
0xc3: {  	s1 =	sshra.s32 s1, $0x2;
	[sflag:s21] =	ssyncset.done $0x0  }
0xc4: {  	s2 =	sadd.s32 $0x15400, s1;
	[sflag:s21] =	ssyncadd.s32 $0xFFFFE000  }
0xc5: {  	[spmem:s29] =	stream.indirect.scatter.add.f32 [tilespmem:s15], [sflag:$0x3], $0x40, s2, s14, $0xb8;
	[tilespmem:$0x1A800] =	vst v63  }
0xc6: {  	_ =	swait.ge [sflag:s16], $0x2000  }
0xc7: {  	[sflag:s16] =	ssyncset.done $0x0  }
0xc8: {  	s2 =	sadd.s32 $0x14100, s1;
	[sflag:s16] =	ssyncadd.s32 $0xFFFFE000  }
0xc9: {  	[tilespmem:s15], [sflag:$0x1] =	stream.indirect.gather [spmem:s25], $0x40, s2, s14, $0xb8;
	[tilespmem:$0x1A800] =	vst v63  }
0xca: {  	_ =	swait.ge [sflag:s22], $0x2000  }
0xcb: {  	[sflag:s22] =	ssyncset.done $0x0  }
.Ltmp1:
0xcc: {  	s2 =	sadd.s32 $0x15480, s1;
	[sflag:s22] =	ssyncadd.s32 $0xFFFFE000;
	(pc) =	sbr.rel @p0 .LBB2_4-.Ltmp1, $4  }
0xcd: {  	[spmem:s29] =	stream.indirect.scatter.add.f32 [tilespmem:s20], [sflag:$0x3], $0x40, s2, s14, $0xb8;
	[tilespmem:$0x1A800] =	vst v63  }
0xce: {  	_ =	swait.ge [sflag:s16], $0x2000  }
0xcf: {  	[sflag:s16] =	ssyncset.done $0x0  }
0xd0: {  	s1 =	sadd.s32 $0x14180, s1;
	[sflag:s16] =	ssyncadd.s32 $0xFFFFE000  }
0xd1: {  	[tilespmem:s20], [sflag:$0x2] =	stream.indirect.gather [spmem:s25], $0x40, s1, s14, $0xb8;
	[tilespmem:$0x1A800] =	vst v63  }
0xd2: {  	_ =	swait.ge [sflag:s21], $0x2000  }
0xd3: {  	[sflag:s21] =	ssyncset.done $0x0  }
0xd4: {  	[sflag:s21] =	ssyncadd.s32 $0xFFFFE000  }
0xd5: {  	[spmem:s29] =	stream.indirect.scatter.add.f32 [tilespmem:s15], [sflag:$0x3], $0x40, s23, s14, $0xb8;
	[tilespmem:$0x1A800] =	vst v63  }
0xd6: {  	_ =	swait.ge [sflag:s16], $0x2000  }
0xd7: {  	[sflag:s16] =	ssyncset.done $0x0  }
0xd8: {  	[sflag:s16] =	ssyncadd.s32 $0xFFFFE000  }
0xd9: {  	_ =	swait.ge [sflag:s22], $0x2000  }
0xda: {  	[sflag:s22] =	ssyncset.done $0x0  }
0xdb: {  	[sflag:s22] =	ssyncadd.s32 $0xFFFFE000  }
0xdc: {  	[spmem:s29] =	stream.indirect.scatter.add.f32 [tilespmem:s20], [sflag:$0x3], $0x40, s26, s14, $0xb8;
	[tilespmem:$0x1A800] =	vst v63  }
0xdd: {  	_ =	swait.ge [sflag:s16], $0x2000  }
0xde: {  	[sflag:s16] =	ssyncset.done $0x0  }
0xdf: {  	[sflag:s16] =	ssyncadd.s32 $0xFFFFE000  }
0xe0: {  	[bflag:$0x0] =	sbarrier.arrive $0xFFFF  }
0xe1: {  	[tilespmem:s15], [sflag:$0x3] =	stream.linear.gather [spmem:s30], $0x2000, $0x38;
	[tilespmem:$0x1A800] =	vst v63  }
0xe2: {  	_ =	swait.ge [sflag:s16], $0x2000  }
0xe3: {  	[sflag:s16] =	ssyncset.done $0x0  }
0xe4: {  	s2 =	rddreg [dreg:$0x11];
	[sflag:s16] =	ssyncadd.s32 $0xFFFFE000  }
0xe5: {  	[hbm4b:s2+s13] =	stream.strided.scatter [tilespmem:s15], [sflag:$0x3], $0x2000, s14, s13, $0x38;
	[tilespmem:$0x1A800] =	vst v63  }
0xe6: {  	_ =	swait.ge [sflag:s16], $0x2000  }
0xe7: {  	[sflag:s16] =	ssyncset.done $0x0  }
0xe8: {  	[sflag:s16] =	ssyncadd.s32 $0xFFFFE000  }
0xe9: {  	[tilespmem:s15], [sflag:$0x3] =	stream.linear.gather [spmem:s6], $0x2000, $0x38;
	[tilespmem:$0x1A800] =	vst v63  }
0xea: {  	_ =	swait.ge [sflag:s16], $0x2000  }
0xeb: {  	[sflag:s16] =	ssyncset.done $0x0  }
0xec: {  	s2 =	rddreg [dreg:$0x12];
	[sflag:s16] =	ssyncadd.s32 $0xFFFFE000  }
0xed: {  	[hbm4b:s2+s13] =	stream.strided.scatter [tilespmem:s15], [sflag:$0x3], $0x2000, s14, s13, $0x38;
	[tilespmem:$0x1A800] =	vst v63  }
0xee: {  	_ =	swait.ge [sflag:s16], $0x2000  }
0xef: {  	[sflag:s16] =	ssyncset.done $0x0  }
0xf0: {  	[sflag:s16] =	ssyncadd.s32 $0xFFFFE000  }
0xf1: {  	[tilespmem:s15], [sflag:$0x3] =	stream.linear.gather [spmem:s8], $0x2000, $0x38;
	[tilespmem:$0x1A800] =	vst v63  }
0xf2: {  	_ =	swait.ge [sflag:s16], $0x2000  }
0xf3: {  	[sflag:s16] =	ssyncset.done $0x0  }
0xf4: {  	s2 =	rddreg [dreg:$0x13];
	[sflag:s16] =	ssyncadd.s32 $0xFFFFE000  }
0xf5: {  	[hbm4b:s2+s13] =	stream.strided.scatter [tilespmem:s15], [sflag:$0x3], $0x2000, s14, s13, $0x38;
	[tilespmem:$0x1A800] =	vst v63  }
0xf6: {  	_ =	swait.ge [sflag:s16], $0x2000  }
0xf7: {  	[sflag:s16] =	ssyncset.done $0x0  }
0xf8: {  	[sflag:s16] =	ssyncadd.s32 $0xFFFFE000  }
0xf9: {  	[tilespmem:s15], [sflag:$0x3] =	stream.linear.gather [spmem:s10], $0x2000, $0x38;
	[tilespmem:$0x1A800] =	vst v63  }
0xfa: {  	_ =	swait.ge [sflag:s16], $0x2000  }
0xfb: {  	[sflag:s16] =	ssyncset.done $0x0  }
0xfc: {  	s2 =	rddreg [dreg:$0x14];
	[sflag:s16] =	ssyncadd.s32 $0xFFFFE000  }
0xfd: {  	[hbm4b:s2+s13] =	stream.strided.scatter [tilespmem:s15], [sflag:$0x3], $0x2000, s14, s13, $0x38;
	[tilespmem:$0x1A800] =	vst v63  }
0xfe: {  	_ =	swait.ge [sflag:s16], $0x2000  }
0xff: {  	[sflag:s16] =	ssyncset.done $0x0  }
0x100: {  	[sflag:s16] =	ssyncadd.s32 $0xFFFFE000  }
0x101: {  	[tilespmem:s15], [sflag:$0x3] =	stream.linear.gather [spmem:s12], $0x2000, $0x38;
	[tilespmem:$0x1A800] =	vst v63  }
0x102: {  	_ =	swait.ge [sflag:s16], $0x2000  }
0x103: {  	[sflag:s16] =	ssyncset.done $0x0  }
0x104: {  	s2 =	rddreg [dreg:$0x15];
	[sflag:s16] =	ssyncadd.s32 $0xFFFFE000  }
0x105: {  	[hbm4b:s2+s13] =	stream.strided.scatter [tilespmem:s15], [sflag:$0x3], $0x2000, s14, s13, $0x38;
	[tilespmem:$0x1A800] =	vst v63  }
0x106: {  	_ =	swait.ge [sflag:s16], $0x2000  }
0x107: {  	[sflag:s16] =	ssyncset.done $0x0  }
0x108: {  	s2 =	rddreg [dreg:$0xc];
	[sflag:s16] =	ssyncadd.s32 $0xFFFFE000  }
0x109: {  	[tilespmem:s15], [sflag:$0x3] =	stream.strided.gather [hbm4b:s2+s13], $0x2000, s14, s13, $0x38;
	[tilespmem:$0x1A800] =	vst v63  }
0x10a: {  	_ =	swait.ge [sflag:s16], $0x2000  }
0x10b: {  	[sflag:s16] =	ssyncset.done $0x0  }
0x10c: {  	[sflag:s16] =	ssyncadd.s32 $0xFFFFE000  }
0x10d: {  	[spmem:s24] =	stream.linear.scatter [tilespmem:s15], [sflag:$0x3], $0x2000, $0x38;
	[tilespmem:$0x1A800] =	vst v63  }
0x10e: {  	_ =	swait.ge [sflag:s16], $0x2000  }
0x10f: {  	[sflag:s16] =	ssyncset.done $0x0  }
0x110: {  	[sflag:s16] =	ssyncadd.s32 $0xFFFFE000  }
0x111: {  	[spmem:s0] =	stream.linear.scatter [tilespmem:s15], [sflag:$0x3], $0x2000, $0x38;
	[tilespmem:$0x1A800] =	vst v63  }
0x112: {  	_ =	swait.ge [sflag:s16], $0x2000  }
0x113: {  	[sflag:s16] =	ssyncset.done $0x0  }
0x114: {  	s2 =	rddreg [dreg:$0xd];
	[sflag:s16] =	ssyncadd.s32 $0xFFFFE000  }
0x115: {  	[tilespmem:s15], [sflag:$0x3] =	stream.strided.gather [hbm4b:s2+s13], $0x2000, s14, s13, $0x38;
	[tilespmem:$0x1A800] =	vst v63  }
0x116: {  	_ =	swait.ge [sflag:s16], $0x2000  }
0x117: {  	[sflag:s16] =	ssyncset.done $0x0  }
0x118: {  	[sflag:s16] =	ssyncadd.s32 $0xFFFFE000  }
0x119: {  	[spmem:s5] =	stream.linear.scatter [tilespmem:s15], [sflag:$0x3], $0x2000, $0x38;
	[tilespmem:$0x1A800] =	vst v63  }
0x11a: {  	_ =	swait.ge [sflag:s16], $0x2000  }
0x11b: {  	[sflag:s16] =	ssyncset.done $0x0  }
0x11c: {  	[sflag:s16] =	ssyncadd.s32 $0xFFFFE000  }
0x11d: {  	[spmem:s6] =	stream.linear.scatter [tilespmem:s15], [sflag:$0x3], $0x2000, $0x38;
	[tilespmem:$0x1A800] =	vst v63  }
0x11e: {  	_ =	swait.ge [sflag:s16], $0x2000  }
0x11f: {  	[sflag:s16] =	ssyncset.done $0x0  }
0x120: {  	s2 =	rddreg [dreg:$0xe];
	[sflag:s16] =	ssyncadd.s32 $0xFFFFE000  }
0x121: {  	[tilespmem:s15], [sflag:$0x3] =	stream.strided.gather [hbm4b:s2+s13], $0x2000, s14, s13, $0x38;
	[tilespmem:$0x1A800] =	vst v63  }
0x122: {  	_ =	swait.ge [sflag:s16], $0x2000  }
0x123: {  	[sflag:s16] =	ssyncset.done $0x0  }
0x124: {  	[sflag:s16] =	ssyncadd.s32 $0xFFFFE000  }
0x125: {  	[spmem:s7] =	stream.linear.scatter [tilespmem:s15], [sflag:$0x3], $0x2000, $0x38;
	[tilespmem:$0x1A800] =	vst v63  }
0x126: {  	_ =	swait.ge [sflag:s16], $0x2000  }
0x127: {  	[sflag:s16] =	ssyncset.done $0x0  }
0x128: {  	[sflag:s16] =	ssyncadd.s32 $0xFFFFE000  }
0x129: {  	[spmem:s8] =	stream.linear.scatter [tilespmem:s15], [sflag:$0x3], $0x2000, $0x38;
	[tilespmem:$0x1A800] =	vst v63  }
0x12a: {  	_ =	swait.ge [sflag:s16], $0x2000  }
0x12b: {  	[sflag:s16] =	ssyncset.done $0x0  }
0x12c: {  	s2 =	rddreg [dreg:$0xf];
	[sflag:s16] =	ssyncadd.s32 $0xFFFFE000  }
0x12d: {  	[tilespmem:s15], [sflag:$0x3] =	stream.strided.gather [hbm4b:s2+s13], $0x2000, s14, s13, $0x38;
	[tilespmem:$0x1A800] =	vst v63  }
0x12e: {  	_ =	swait.ge [sflag:s16], $0x2000  }
0x12f: {  	[sflag:s16] =	ssyncset.done $0x0  }
0x130: {  	[sflag:s16] =	ssyncadd.s32 $0xFFFFE000  }
0x131: {  	[spmem:s9] =	stream.linear.scatter [tilespmem:s15], [sflag:$0x3], $0x2000, $0x38;
	[tilespmem:$0x1A800] =	vst v63  }
0x132: {  	_ =	swait.ge [sflag:s16], $0x2000  }
0x133: {  	[sflag:s16] =	ssyncset.done $0x0  }
0x134: {  	[sflag:s16] =	ssyncadd.s32 $0xFFFFE000  }
0x135: {  	[spmem:s10] =	stream.linear.scatter [tilespmem:s15], [sflag:$0x3], $0x2000, $0x38;
	[tilespmem:$0x1A800] =	vst v63  }
0x136: {  	_ =	swait.ge [sflag:s16], $0x2000  }
0x137: {  	[sflag:s16] =	ssyncset.done $0x0  }
0x138: {  	s2 =	rddreg [dreg:$0x10];
	[sflag:s16] =	ssyncadd.s32 $0xFFFFE000  }
0x139: {  	[tilespmem:s15], [sflag:$0x3] =	stream.strided.gather [hbm4b:s2+s13], $0x2000, s14, s13, $0x38;
	[tilespmem:$0x1A800] =	vst v63  }
0x13a: {  	_ =	swait.ge [sflag:s16], $0x2000  }
0x13b: {  	[sflag:s16] =	ssyncset.done $0x0  }
0x13c: {  	[sflag:s16] =	ssyncadd.s32 $0xFFFFE000  }
0x13d: {  	[spmem:s11] =	stream.linear.scatter [tilespmem:s15], [sflag:$0x3], $0x2000, $0x38;
	[tilespmem:$0x1A800] =	vst v63  }
0x13e: {  	_ =	swait.ge [sflag:s16], $0x2000  }
0x13f: {  	[sflag:s16] =	ssyncset.done $0x0  }
0x140: {  	[sflag:s16] =	ssyncadd.s32 $0xFFFFE000  }
0x141: {  	[spmem:s12] =	stream.linear.scatter [tilespmem:s15], [sflag:$0x3], $0x2000, $0x38;
	[tilespmem:$0x1A800] =	vst v63  }
0x142: {  	_ =	swait.ge [sflag:s16], $0x2000  }
0x143: {  	[sflag:s16] =	ssyncset.done $0x0  }
0x144: {  	[sflag:s16] =	ssyncadd.s32 $0xFFFFE000  }
0x145: {  	[bflag:$0x0] =	sbarrier.arrive $0xFFFF  }
0x146: {  	s1 =	simm.s32 $0x0;
	s2 =	rddreg [dreg:$0x5]  }
0x147: {  	[tilespmem:s17], [sflag:$0x3] =	stream.linear.gather [hbm4b:s2+s1], $0x1400, $0x38;
	[tilespmem:$0x1A800] =	vst v63  }
0x148: {  	_ =	swait.ge [sflag:s16], $0x1400  }
0x149: {  	[sflag:s16] =	ssyncset.done $0x0  }
0x14a: {  	s2 =	rddreg [dreg:$0x6];
	[sflag:s16] =	ssyncadd.s32 $0xFFFFEC00  }
0x14b: {  	[tilespmem:s18], [sflag:$0x3] =	stream.linear.gather [hbm4b:s2+s1], $0x1400, $0x38;
	[tilespmem:$0x1A800] =	vst v63  }
0x14c: {  	_ =	swait.ge [sflag:s16], $0x1400  }
0x14d: {  	[sflag:s16] =	ssyncset.done $0x0  }
0x14e: {  	[sflag:s16] =	ssyncadd.s32 $0xFFFFEC00  }
0x14f: {  	[tilespmem:s15], [sflag:$0x1] =	stream.indirect.gather [spmem:s25], $0x40, s17, s14, $0xb8;
	[tilespmem:$0x1A800] =	vst v63  }
0x150: {  	_ = 	snop  }
0x151: {  	[tilespmem:s20], [sflag:$0x2] =	stream.indirect.gather [spmem:s25], $0x40, s19, s14, $0xb8;
	[tilespmem:$0x1A800] =	vst v63  }
0x152: {  	_ =	swait.ge [sflag:s21], $0x2000  }
0x153: {  	[sflag:s21] =	ssyncset.done $0x0  }
0x154: {  	s2 =	simm.s32 $0x15400;
	[sflag:s21] =	ssyncadd.s32 $0xFFFFE000  }
0x155: {  	[spmem:s29] =	stream.indirect.scatter.add.f32 [tilespmem:s15], [sflag:$0x3], $0x40, s2, s14, $0xb8;
	[tilespmem:$0x1A800] =	vst v63  }
0x156: {  	_ =	swait.ge [sflag:s16], $0x2000  }
0x157: {  	[sflag:s16] =	ssyncset.done $0x0  }
0x158: {  	s2 =	simm.s32 $0x14100;
	[sflag:s16] =	ssyncadd.s32 $0xFFFFE000  }
0x159: {  	[tilespmem:s15], [sflag:$0x1] =	stream.indirect.gather [spmem:s25], $0x40, s2, s14, $0xb8;
	[tilespmem:$0x1A800] =	vst v63  }
0x15a: {  	_ =	swait.ge [sflag:s22], $0x2000  }
0x15b: {  	[sflag:s22] =	ssyncset.done $0x0  }
0x15c: {  	s2 =	simm.s32 $0x15480;
	[sflag:s22] =	ssyncadd.s32 $0xFFFFE000  }
0x15d: {  	[spmem:s29] =	stream.indirect.scatter.add.f32 [tilespmem:s20], [sflag:$0x3], $0x40, s2, s14, $0xb8;
	[tilespmem:$0x1A800] =	vst v63  }
0x15e: {  	_ =	swait.ge [sflag:s16], $0x2000  }
0x15f: {  	[sflag:s16] =	ssyncset.done $0x0  }
0x160: {  	s31 =	simm.s32 $0x400;
	s1 =	simm.s32 $0x14180;
	[sflag:s16] =	ssyncadd.s32 $0xFFFFE000  }
.LBB2_6:
0x161: {  	[tilespmem:s20], [sflag:$0x2] =	stream.indirect.gather [spmem:s25], $0x40, s1, s14, $0xb8;
	[tilespmem:$0x1A800] =	vst v63  }
0x162: {  	s1 =	smov.u32 s31  }
0x163: {  	p0 =	sne.s32 s31, $0x4800;
	s31 =	sadd.s32 $0x400, s31;
	_ =	swait.ge [sflag:s21], $0x2000  }
0x164: {  	s1 =	sshra.s32 s1, $0x2;
	[sflag:s21] =	ssyncset.done $0x0  }
0x165: {  	s2 =	sadd.s32 $0x15400, s1;
	[sflag:s21] =	ssyncadd.s32 $0xFFFFE000  }
0x166: {  	[spmem:s29] =	stream.indirect.scatter.add.f32 [tilespmem:s15], [sflag:$0x3], $0x40, s2, s14, $0xb8;
	[tilespmem:$0x1A800] =	vst v63  }
0x167: {  	_ =	swait.ge [sflag:s16], $0x2000  }
0x168: {  	[sflag:s16] =	ssyncset.done $0x0  }
0x169: {  	s2 =	sadd.s32 $0x14100, s1;
	[sflag:s16] =	ssyncadd.s32 $0xFFFFE000  }
0x16a: {  	[tilespmem:s15], [sflag:$0x1] =	stream.indirect.gather [spmem:s25], $0x40, s2, s14, $0xb8;
	[tilespmem:$0x1A800] =	vst v63  }
0x16b: {  	_ =	swait.ge [sflag:s22], $0x2000  }
0x16c: {  	[sflag:s22] =	ssyncset.done $0x0  }
.Ltmp2:
0x16d: {  	s2 =	sadd.s32 $0x15480, s1;
	[sflag:s22] =	ssyncadd.s32 $0xFFFFE000;
	(pc) =	sbr.rel @p0 .LBB2_6-.Ltmp2, $4  }
0x16e: {  	[spmem:s29] =	stream.indirect.scatter.add.f32 [tilespmem:s20], [sflag:$0x3], $0x40, s2, s14, $0xb8;
	[tilespmem:$0x1A800] =	vst v63  }
0x16f: {  	_ =	swait.ge [sflag:s16], $0x2000  }
0x170: {  	[sflag:s16] =	ssyncset.done $0x0  }
0x171: {  	s1 =	sadd.s32 $0x14180, s1;
	[sflag:s16] =	ssyncadd.s32 $0xFFFFE000  }
0x172: {  	[tilespmem:s20], [sflag:$0x2] =	stream.indirect.gather [spmem:s25], $0x40, s1, s14, $0xb8;
	[tilespmem:$0x1A800] =	vst v63  }
0x173: {  	_ =	swait.ge [sflag:s21], $0x2000  }
0x174: {  	[sflag:s21] =	ssyncset.done $0x0  }
0x175: {  	[sflag:s21] =	ssyncadd.s32 $0xFFFFE000  }
0x176: {  	[spmem:s29] =	stream.indirect.scatter.add.f32 [tilespmem:s15], [sflag:$0x3], $0x40, s23, s14, $0xb8;
	[tilespmem:$0x1A800] =	vst v63  }
0x177: {  	_ =	swait.ge [sflag:s16], $0x2000  }
0x178: {  	[sflag:s16] =	ssyncset.done $0x0  }
0x179: {  	[sflag:s16] =	ssyncadd.s32 $0xFFFFE000  }
0x17a: {  	_ =	swait.ge [sflag:s22], $0x2000  }
0x17b: {  	[sflag:s22] =	ssyncset.done $0x0  }
0x17c: {  	[sflag:s22] =	ssyncadd.s32 $0xFFFFE000  }
0x17d: {  	[spmem:s29] =	stream.indirect.scatter.add.f32 [tilespmem:s20], [sflag:$0x3], $0x40, s26, s14, $0xb8;
	[tilespmem:$0x1A800] =	vst v63  }
0x17e: {  	_ =	swait.ge [sflag:s16], $0x2000  }
0x17f: {  	[sflag:s16] =	ssyncset.done $0x0  }
0x180: {  	s2 =	simm.s32 $0x0;
	[sflag:s16] =	ssyncadd.s32 $0xFFFFE000  }
0x181: {  	[tilespmem:s17], [sflag:$0x3] =	stream.linear.gather [hbm4b:s3+s2], $0x1400, $0x38;
	[tilespmem:$0x1A800] =	vst v63  }
0x182: {  	_ =	swait.ge [sflag:s16], $0x1400  }
0x183: {  	[sflag:s16] =	ssyncset.done $0x0  }
0x184: {  	[sflag:s16] =	ssyncadd.s32 $0xFFFFEC00  }
0x185: {  	[tilespmem:s18], [sflag:$0x3] =	stream.linear.gather [hbm4b:s4+s2], $0x1400, $0x38;
	[tilespmem:$0x1A800] =	vst v63  }
0x186: {  	_ =	swait.ge [sflag:s16], $0x1400  }
0x187: {  	[sflag:s16] =	ssyncset.done $0x0  }
0x188: {  	[sflag:s16] =	ssyncadd.s32 $0xFFFFEC00  }
0x189: {  	[tilespmem:s15], [sflag:$0x1] =	stream.indirect.gather [spmem:s25], $0x40, s17, s14, $0xb8;
	[tilespmem:$0x1A800] =	vst v63  }
0x18a: {  	_ = 	snop  }
0x18b: {  	[tilespmem:s20], [sflag:$0x2] =	stream.indirect.gather [spmem:s25], $0x40, s19, s14, $0xb8;
	[tilespmem:$0x1A800] =	vst v63  }
0x18c: {  	_ =	swait.ge [sflag:s21], $0x2000  }
0x18d: {  	[sflag:s21] =	ssyncset.done $0x0  }
0x18e: {  	s2 =	simm.s32 $0x15400;
	[sflag:s21] =	ssyncadd.s32 $0xFFFFE000  }
0x18f: {  	[spmem:s29] =	stream.indirect.scatter.add.f32 [tilespmem:s15], [sflag:$0x3], $0x40, s2, s14, $0xb8;
	[tilespmem:$0x1A800] =	vst v63  }
0x190: {  	_ =	swait.ge [sflag:s16], $0x2000  }
0x191: {  	[sflag:s16] =	ssyncset.done $0x0  }
0x192: {  	s2 =	simm.s32 $0x14100;
	[sflag:s16] =	ssyncadd.s32 $0xFFFFE000  }
0x193: {  	[tilespmem:s15], [sflag:$0x1] =	stream.indirect.gather [spmem:s25], $0x40, s2, s14, $0xb8;
	[tilespmem:$0x1A800] =	vst v63  }
0x194: {  	_ =	swait.ge [sflag:s22], $0x2000  }
0x195: {  	[sflag:s22] =	ssyncset.done $0x0  }
0x196: {  	s2 =	simm.s32 $0x15480;
	[sflag:s22] =	ssyncadd.s32 $0xFFFFE000  }
0x197: {  	[spmem:s29] =	stream.indirect.scatter.add.f32 [tilespmem:s20], [sflag:$0x3], $0x40, s2, s14, $0xb8;
	[tilespmem:$0x1A800] =	vst v63  }
0x198: {  	_ =	swait.ge [sflag:s16], $0x2000  }
0x199: {  	[sflag:s16] =	ssyncset.done $0x0  }
0x19a: {  	s31 =	simm.s32 $0x400;
	s1 =	simm.s32 $0x14180;
	[sflag:s16] =	ssyncadd.s32 $0xFFFFE000  }
.LBB2_8:
0x19b: {  	[tilespmem:s20], [sflag:$0x2] =	stream.indirect.gather [spmem:s25], $0x40, s1, s14, $0xb8;
	[tilespmem:$0x1A800] =	vst v63  }
0x19c: {  	s1 =	smov.u32 s31  }
0x19d: {  	p0 =	sne.s32 s31, $0x4800;
	s31 =	sadd.s32 $0x400, s31;
	_ =	swait.ge [sflag:s21], $0x2000  }
0x19e: {  	s1 =	sshra.s32 s1, $0x2;
	[sflag:s21] =	ssyncset.done $0x0  }
0x19f: {  	s2 =	sadd.s32 $0x15400, s1;
	[sflag:s21] =	ssyncadd.s32 $0xFFFFE000  }
0x1a0: {  	[spmem:s29] =	stream.indirect.scatter.add.f32 [tilespmem:s15], [sflag:$0x3], $0x40, s2, s14, $0xb8;
	[tilespmem:$0x1A800] =	vst v63  }
0x1a1: {  	_ =	swait.ge [sflag:s16], $0x2000  }
0x1a2: {  	[sflag:s16] =	ssyncset.done $0x0  }
0x1a3: {  	s2 =	sadd.s32 $0x14100, s1;
	[sflag:s16] =	ssyncadd.s32 $0xFFFFE000  }
0x1a4: {  	[tilespmem:s15], [sflag:$0x1] =	stream.indirect.gather [spmem:s25], $0x40, s2, s14, $0xb8;
	[tilespmem:$0x1A800] =	vst v63  }
0x1a5: {  	_ =	swait.ge [sflag:s22], $0x2000  }
0x1a6: {  	[sflag:s22] =	ssyncset.done $0x0  }
.Ltmp3:
0x1a7: {  	s2 =	sadd.s32 $0x15480, s1;
	[sflag:s22] =	ssyncadd.s32 $0xFFFFE000;
	(pc) =	sbr.rel @p0 .LBB2_8-.Ltmp3, $4  }
0x1a8: {  	[spmem:s29] =	stream.indirect.scatter.add.f32 [tilespmem:s20], [sflag:$0x3], $0x40, s2, s14, $0xb8;
	[tilespmem:$0x1A800] =	vst v63  }
0x1a9: {  	_ =	swait.ge [sflag:s16], $0x2000  }
0x1aa: {  	[sflag:s16] =	ssyncset.done $0x0  }
0x1ab: {  	s1 =	sadd.s32 $0x14180, s1;
	[sflag:s16] =	ssyncadd.s32 $0xFFFFE000  }
0x1ac: {  	[tilespmem:s20], [sflag:$0x2] =	stream.indirect.gather [spmem:s25], $0x40, s1, s14, $0xb8;
	[tilespmem:$0x1A800] =	vst v63  }
0x1ad: {  	_ =	swait.ge [sflag:s21], $0x2000  }
0x1ae: {  	[sflag:s21] =	ssyncset.done $0x0  }
0x1af: {  	[sflag:s21] =	ssyncadd.s32 $0xFFFFE000  }
0x1b0: {  	[spmem:s29] =	stream.indirect.scatter.add.f32 [tilespmem:s15], [sflag:$0x3], $0x40, s23, s14, $0xb8;
	[tilespmem:$0x1A800] =	vst v63  }
0x1b1: {  	_ =	swait.ge [sflag:s16], $0x2000  }
0x1b2: {  	[sflag:s16] =	ssyncset.done $0x0  }
0x1b3: {  	[sflag:s16] =	ssyncadd.s32 $0xFFFFE000  }
0x1b4: {  	_ =	swait.ge [sflag:s22], $0x2000  }
0x1b5: {  	[sflag:s22] =	ssyncset.done $0x0  }
0x1b6: {  	[sflag:s22] =	ssyncadd.s32 $0xFFFFE000  }
0x1b7: {  	[spmem:s29] =	stream.indirect.scatter.add.f32 [tilespmem:s20], [sflag:$0x3], $0x40, s26, s14, $0xb8;
	[tilespmem:$0x1A800] =	vst v63  }
0x1b8: {  	_ =	swait.ge [sflag:s16], $0x2000  }
0x1b9: {  	[sflag:s16] =	ssyncset.done $0x0  }
0x1ba: {  	[sflag:s16] =	ssyncadd.s32 $0xFFFFE000  }
0x1bb: {  	[bflag:$0x0] =	sbarrier.arrive $0xFFFF  }
0x1bc: {  	[tilespmem:s15], [sflag:$0x3] =	stream.linear.gather [spmem:s30], $0x2000, $0x38;
	[tilespmem:$0x1A800] =	vst v63  }
0x1bd: {  	_ =	swait.ge [sflag:s16], $0x2000  }
0x1be: {  	[sflag:s16] =	ssyncset.done $0x0  }
0x1bf: {  	s2 =	rddreg [dreg:$0x16];
	[sflag:s16] =	ssyncadd.s32 $0xFFFFE000  }
0x1c0: {  	[hbm4b:s2+s13] =	stream.strided.scatter [tilespmem:s15], [sflag:$0x3], $0x2000, s14, s13, $0x38;
	[tilespmem:$0x1A800] =	vst v63  }
0x1c1: {  	_ =	swait.ge [sflag:s16], $0x2000  }
0x1c2: {  	[sflag:s16] =	ssyncset.done $0x0  }
0x1c3: {  	[sflag:s16] =	ssyncadd.s32 $0xFFFFE000  }
0x1c4: {  	[tilespmem:s15], [sflag:$0x3] =	stream.linear.gather [spmem:s6], $0x2000, $0x38;
	[tilespmem:$0x1A800] =	vst v63  }
0x1c5: {  	_ =	swait.ge [sflag:s16], $0x2000  }
0x1c6: {  	[sflag:s16] =	ssyncset.done $0x0  }
0x1c7: {  	s31 =	rddreg [dreg:$0x17];
	[sflag:s16] =	ssyncadd.s32 $0xFFFFE000  }
0x1c8: {  	[hbm4b:s31+s13] =	stream.strided.scatter [tilespmem:s15], [sflag:$0x3], $0x2000, s14, s13, $0x38;
	[tilespmem:$0x1A800] =	vst v63  }
0x1c9: {  	_ =	swait.ge [sflag:s16], $0x2000  }
0x1ca: {  	[sflag:s16] =	ssyncset.done $0x0  }
0x1cb: {  	[sflag:s16] =	ssyncadd.s32 $0xFFFFE000  }
0x1cc: {  	[tilespmem:s15], [sflag:$0x3] =	stream.linear.gather [spmem:s8], $0x2000, $0x38;
	[tilespmem:$0x1A800] =	vst v63  }
0x1cd: {  	_ =	swait.ge [sflag:s16], $0x2000  }
0x1ce: {  	[sflag:s16] =	ssyncset.done $0x0  }
0x1cf: {  	s2 =	rddreg [dreg:$0x18];
	[sflag:s16] =	ssyncadd.s32 $0xFFFFE000  }
0x1d0: {  	[hbm4b:s2+s13] =	stream.strided.scatter [tilespmem:s15], [sflag:$0x3], $0x2000, s14, s13, $0x38;
	[tilespmem:$0x1A800] =	vst v63  }
0x1d1: {  	_ =	swait.ge [sflag:s16], $0x2000  }
0x1d2: {  	[sflag:s16] =	ssyncset.done $0x0  }
0x1d3: {  	[sflag:s16] =	ssyncadd.s32 $0xFFFFE000  }
0x1d4: {  	[tilespmem:s15], [sflag:$0x3] =	stream.linear.gather [spmem:s10], $0x2000, $0x38;
	[tilespmem:$0x1A800] =	vst v63  }
0x1d5: {  	_ =	swait.ge [sflag:s16], $0x2000  }
0x1d6: {  	[sflag:s16] =	ssyncset.done $0x0  }
0x1d7: {  	s31 =	rddreg [dreg:$0x19];
	[sflag:s16] =	ssyncadd.s32 $0xFFFFE000  }
0x1d8: {  	[hbm4b:s31+s13] =	stream.strided.scatter [tilespmem:s15], [sflag:$0x3], $0x2000, s14, s13, $0x38;
	[tilespmem:$0x1A800] =	vst v63  }
0x1d9: {  	_ =	swait.ge [sflag:s16], $0x2000  }
0x1da: {  	[sflag:s16] =	ssyncset.done $0x0  }
0x1db: {  	[sflag:s16] =	ssyncadd.s32 $0xFFFFE000  }
0x1dc: {  	[tilespmem:s15], [sflag:$0x3] =	stream.linear.gather [spmem:s12], $0x2000, $0x38;
	[tilespmem:$0x1A800] =	vst v63  }
0x1dd: {  	_ =	swait.ge [sflag:s16], $0x2000  }
0x1de: {  	[sflag:s16] =	ssyncset.done $0x0  }
0x1df: {  	s2 =	rddreg [dreg:$0x1a];
	[sflag:s16] =	ssyncadd.s32 $0xFFFFE000  }
0x1e0: {  	[hbm4b:s2+s13] =	stream.strided.scatter [tilespmem:s15], [sflag:$0x3], $0x2000, s14, s13, $0x38;
	[tilespmem:$0x1A800] =	vst v63  }
0x1e1: {  	_ =	swait.ge [sflag:s16], $0x2000  }
0x1e2: {  	s28 =	sadd.s32 $0x1, s28;
	s31 =	rddreg [dreg:$0x1b]  }
0x1e3: {  	p0 =	sne.s32 s28, s31  }
.Ltmp4:
0x1e4: {  	_ = 	snop;
	(pc) =	sbr.rel @p0 .LBB2_1-.Ltmp4, $3  }
0x1e5: {  	_ =	sdelay $0x1  }
0x1e6: {  	[sflag:s16] =	ssyncset.done $0x0  }
0x1e7: {  	[sflag:s16] =	ssyncadd.s32 $0xFFFFE000  }
0x1e8: {  	_ =	sfence.sel $0x180000  }
0x1e9: {  	[bflag:$0x0] =	sbarrier.arrive $0xFFFF  }
0x1ea: {  	_ =	strace $0x9000004D  }
0x1eb: {  	s0 =	stileid.u32;
	[bflag:$0x2] =	sbarrier.arrive $0xFFFF  }
0x1ec: {  	p0 =	sne.s32 s0, $0x0;
	s0 =	rddreg [dreg:$0x4]  }
0x1ed: {  	s0 =	sadd.s32 @!p0 $0x100000, s0  }
0x1ee: {  	[sflag:s0] =	ssyncadd.tile.s32 @!p0 $0x1;
	_ =	shalt  }
.Lfunc_end2:
_tile_overlayer_lowered:
.L_overlay_start_2:
0x1ef: {  	(tag) =	ssettag $0x2  }
0x1f0: {  	s0 =	rddreg [dreg:$0x0];
	s2 =	stileid.u32  }
0x1f1: {  	s1 =	rddreg [dreg:$0x1];
	p0 =	sne.s32 s2, $0x0  }
0x1f2: {  	s3 =	rddreg [dreg:$0x2];
	[bflag:$0x3] =	sbarrier.arrive $0xFFFF;
	s2 =	simm.s32 @!p0 $0x1C03  }
0x1f3: {  	[timem:s3], [sflag:s2] =	dma.local @!p0 [hbm:s0], s1  }
0x1f4: {  	s0 =	simm.s32 @!p0 $0x3  }
0x1f5: {  	_ =	swait.ge @!p0 [sflag:s0], s1  }
0x1f6: {  	s1 =	ssub.s32 @!p0 $0x0, s1;
	[sflag:s0] =	ssyncset.done @!p0 $0x0  }
0x1f7: {  	[sflag:s0] =	ssyncadd.s32 @!p0 s1  }
0x1f8: {  	[bflag:$0x3] =	sbarrier.arrive $0xFFFF  }
0x1f9: {  	_ =	shalt  }

// kernel: kernel.20.cloned.1.call-start
scs
__scs_entry_jumppad:
0x0: {  	(pc) =	sbr.rel $0x88, $3  }
0x1: {  	(tag) =	ssettag $0x0;
	lr =	simm.s32 $0x1  }
0x2: {  	[smem:$0x3F99] =	sst lr;
	_ =	strace $0xD0000000  }
0x3: {  	_ = 	snop  }
0x4: {  	_ = 	snop  }
0x5: {  	_ = 	snop  }
0x6: {  	_ = 	snop  }
0x7: {  	_ = 	snop  }
__scs_overlays_trampoline_lowered:
0x8: {  	[smem:$0x3FA8] =	sst s0  }
0x9: {  	[smem:$0x3FA9] =	sst s1  }
0xa: {  	[smem:$0x3FAA] =	sst s2  }
0xb: {  	[smem:$0x3FAB] =	sst s3  }
0xc: {  	[smem:$0x3FAC] =	sst s4  }
0xd: {  	[smem:$0x3FAD] =	sst s5  }
0xe: {  	[smem:$0x3FAE] =	sst s6  }
0xf: {  	[smem:$0x3FAF] =	sst s7  }
0x10: {  	[smem:$0x3FB0] =	sst s8  }
0x11: {  	[smem:$0x3FB1] =	sst s9;
	s0 =	simm.s32 @!p0 $0x0  }
0x12: {  	s1 =	sld [smem:$0x3F97];
	s0 =	simm.s32 @p0 $0x1  }
0x13: {  	[smem:$0x3FB2] =	sst s0;
	s0 =	simm.s32 @!p1 $0x0  }
0x14: {  	s2 =	sld [smem:$0x3F96];
	s0 =	simm.s32 @p1 $0x1  }
0x15: {  	[smem:$0x3FB3] =	sst s0;
	s0 =	simm.s32 @!p2 $0x0  }
0x16: {  	s3 =	sld [smem:$0x3FDB];
	s0 =	simm.s32 @p2 $0x1  }
0x17: {  	s4 =	simm.s32 $0x1BF5;
	[smem:$0x3FB5] =	sst s0  }
0x18: {  	s0 =	sld [smem:$0x3F98];
	_ =	swait.ge [sflag:s4], $0x0  }
0x19: {  	s7 =	sld [smem:$0x3F99]  }
0x1a: {  	s8 =	sadd.s32 $0xFFFFE003, lr  }
0x1b: {  	s9 =	sadd.s32 $0xFFFFFEF7, lr;
	s5 =	simm.s32 $0xFFFFFFFF;
	p2 =	slt.u32 s8, $0xFFFFF086  }
0x1c: {  	p1 =	slt.u32 s9, $0xF7A;
	s5 =	simm.s32 @!p2 $0x0  }
0x1d: {  	s5 =	simm.s32 @p1 $0x1;
	p0 =	seq.s32 s7, s2  }
0x1e: {  	s7 =	smul.u32 @!p0 $0xF7A, s2;
	p2 =	seq.s32 @!p0 s5, $0x0  }
0x1f: {  	s9 =	smul.u32 $0xF7A, s1;
	s8 =	simm.s32 @!p0 $0x1BF5;
	p2 =	por !p2, p0  }
0x20: {  	[sflag:s8] =	ssyncset.s32 @!p0 $0xFFFFF086;
	s6 =	sadd.s32 @!p0 s3, s7;
	s7 =	simm.s32 @!p0 $0x108  }
0x21: {  	s3 =	sadd.s32 s3, s9;
	s6 =	sadd.s32 @!p0 $0x88, s6;
	s7 =	simm.s32 @p2 $0x1082  }
0x22: {  	[simem:s7], [sflag:s8] =	dma.local @!p0 [hbm:s6], $0xF7A  }
0x23: {  	s9 =	sor.u32 $0xD0000000, s2;
	s6 =	simm.s32 $0x108;
	_ =	swait.ge @!p0 [sflag:s8], $0x0  }
0x24: {  	s3 =	sadd.s32 $0x88, s3;
	s6 =	simm.s32 @!p1 $0x1082;
	[sflag:s4] =	ssyncset.s32 $0xFFFFF086  }
0x25: {  	[simem:s6], [sflag:s4] =	dma.local [hbm:s3], $0xF7A  }
0x26: {  	[smem:$0x3F99] =	sst s1;
	(tag) =	ssettag s2;
	_ =	strace s9  }
0x27: {  	s1 =	sld [smem:$0x3FA9]  }
0x28: {  	s2 =	sld [smem:$0x3FAA]  }
0x29: {  	s4 =	sld [smem:$0x3FAC]  }
0x2a: {  	p0 =	seq.s32 s5, $0x0;
	s5 =	sld [smem:$0x3FAD]  }
0x2b: {  	s6 =	sld [smem:$0x3FAE]  }
0x2c: {  	s7 =	sld [smem:$0x3FAF]  }
0x2d: {  	s3 =	simm.s32 $0x108;
	s8 =	sld [smem:$0x3FB0]  }
0x2e: {  	s3 =	simm.s32 @!p0 $0x1082;
	s9 =	sld [smem:$0x3FB1]  }
0x2f: {  	lr =	sadd.s32 s0, s3;
	s0 =	sld [smem:$0x3FA8]  }
0x30: {  	s3 =	sld [smem:$0x3FAB]  }
0x31: {  	[smem:$0x3FB4] =	sst s10  }
0x32: {  	s10 =	sld [smem:$0x3FB2];
	_ =	sdelay $0x3  }
0x33: {  	p0 =	seq.s32 s10, $0x1;
	s10 =	sld [smem:$0x3FB4];
	_ =	sdelay $0x3  }
0x34: {  	[smem:$0x3FB4] =	sst s10  }
0x35: {  	s10 =	sld [smem:$0x3FB3];
	_ =	sdelay $0x3  }
0x36: {  	p1 =	seq.s32 s10, $0x1;
	s10 =	sld [smem:$0x3FB4];
	_ =	sdelay $0x3  }
0x37: {  	[smem:$0x3FB4] =	sst s10  }
0x38: {  	s10 =	sld [smem:$0x3FB5]  }
0x39: {  	_ = 	snop;
	(pc) =	sbr.ind lr, $3  }
0x3a: {  	_ = 	snop  }
0x3b: {  	_ = 	snop  }
0x3c: {  	p2 =	seq.s32 s10, $0x1;
	s10 =	sld [smem:$0x3FB4]  }
0x3d: {  	_ =	shalt  }
0x3e: {  	_ =	shalt  }
0x3f: {  	_ =	shalt  }
0x40: {  	_ =	shalt  }
0x41: {  	_ =	shalt  }
0x42: {  	_ =	shalt  }
0x43: {  	_ =	shalt  }
0x44: {  	_ =	shalt  }
0x45: {  	_ =	shalt  }
0x46: {  	_ =	shalt  }
0x47: {  	_ =	shalt  }
0x48: {  	_ =	shalt  }
0x49: {  	_ =	shalt  }
0x4a: {  	_ =	shalt  }
0x4b: {  	_ =	shalt  }
0x4c: {  	_ =	shalt  }
0x4d: {  	_ =	shalt  }
0x4e: {  	_ =	shalt  }
0x4f: {  	_ =	shalt  }
0x50: {  	_ =	shalt  }
0x51: {  	_ =	shalt  }
0x52: {  	_ =	shalt  }
0x53: {  	_ =	shalt  }
0x54: {  	_ =	shalt  }
0x55: {  	_ =	shalt  }
0x56: {  	_ =	shalt  }
0x57: {  	_ =	shalt  }
0x58: {  	_ =	shalt  }
0x59: {  	_ =	shalt  }
0x5a: {  	_ =	shalt  }
0x5b: {  	_ =	shalt  }
0x5c: {  	_ =	shalt  }
0x5d: {  	_ =	shalt  }
0x5e: {  	_ =	shalt  }
0x5f: {  	_ =	shalt  }
0x60: {  	_ =	shalt  }
0x61: {  	_ =	shalt  }
0x62: {  	_ =	shalt  }
0x63: {  	_ =	shalt  }
0x64: {  	_ =	shalt  }
0x65: {  	_ =	shalt  }
0x66: {  	_ =	shalt  }
0x67: {  	_ =	shalt  }
0x68: {  	_ =	shalt  }
0x69: {  	_ =	shalt  }
0x6a: {  	_ =	shalt  }
0x6b: {  	_ =	shalt  }
0x6c: {  	_ =	shalt  }
0x6d: {  	_ =	shalt  }
0x6e: {  	_ =	shalt  }
0x6f: {  	_ =	shalt  }
0x70: {  	_ =	shalt  }
0x71: {  	_ =	shalt  }
0x72: {  	_ =	shalt  }
0x73: {  	_ =	shalt  }
0x74: {  	_ =	shalt  }
0x75: {  	_ =	shalt  }
0x76: {  	_ =	shalt  }
0x77: {  	_ =	shalt  }
0x78: {  	_ =	shalt  }
0x79: {  	_ =	shalt  }
0x7a: {  	_ =	shalt  }
0x7b: {  	_ =	shalt  }
0x7c: {  	_ =	shalt  }
0x7d: {  	_ =	shalt  }
0x7e: {  	_ =	shalt  }
0x7f: {  	_ =	shalt  }
0x80: {  	_ =	shalt  }
0x81: {  	_ =	shalt  }
0x82: {  	_ =	shalt  }
0x83: {  	_ =	shalt  }
0x84: {  	_ =	shalt  }
0x85: {  	_ =	shalt  }
0x86: {  	_ =	shalt  }
0x87: {  	_ =	shalt  }
.Lfunc_end0:
.L_simem_size_0:
called_computation.3_lowered:
.L_overlay_start_0:
0x88: {  	s2 =	sld [smem:$0x3FD9]  }
0x89: {  	s3 =	sld [smem:$0x3FFE];
	_ =	sdelay $0x1  }
0x8a: {  	s1 =	srdreg.scid  }
0x8b: {  	s0 =	sand.u32 $0x1, s1  }
0x8c: {  	s17 =	sshll.u32 s0, $0xA;
	s2 =	sadd.s32 s3, s2  }
0x8d: {  	s2 =	sadd.s32 s2, s17  }
0x8e: {  	[smem:$0x3FC0] =	sst s2  }
0x8f: {  	_ = 	snop  }
0x90: {  	s2 =	sld [smem:$0x3FD0];
	(tm) =	ssettm $0x1  }
0x91: {  	s18 =	sld [smem:$0x3FFB];
	_ =	sdelay $0x3  }
0x92: {  	_ =	strace s18  }
0x93: {  	s3 =	sld [smem:$0x3FFC];
	_ =	sdelay $0x3  }
0x94: {  	_ =	strace s3  }
0x95: {  	s3 =	sld [smem:$0x3FFD];
	_ =	sdelay $0x3  }
0x96: {  	_ =	strace s3  }
0x97: {  	_ =	strace $0x8FFFFFFF  }
0x98: {  	s19 =	sld [smem:$0x3FDB];
	_ =	sdelay $0x1  }
0x99: {  	s4 =	simm.s32 $_scs_section_size  }
0x9a: {  	s5 =	simm.s32 $_size__tile_overlayer_lowered;
	s6 =	simm.s32 $_tile_overlayer_lowered  }
0x9b: {  	s22 =	simm.s32 $0x1BFF;
	s21 =	sshll.u32 s6, $0x1;
	s3 =	sadd.s32 s4, s19  }
0x9c: {  	s7 =	simm.s32 $0x0;
	s20 =	sshll.u32 s5, $0x1;
	s5 =	sadd.s32 s21, s3  }
0x9d: {  	[timem:s7], [sflag:s22] =	dma.local [hbm:s5], s20  }
0x9e: {  	_ =	swait.ge [sflag:s22], s20  }
0x9f: {  	s4 =	ssub.s32 $0x0, s20;
	[sflag:s22] =	ssyncset.done $0x0  }
0xa0: {  	[sflag:s22] =	ssyncadd.s32 s4;
	_ =	sdelay $0x1  }
0xa1: {  	s23 =	simm.s32 $0x1B8B  }
0xa2: {  	_ =	swait.ge [sflag:s23], $0x1  }
0xa3: {  	[sflag:s23] =	ssyncset.done $0x0  }
0xa4: {  	s25 =	simm.s32 $0x1B8E;
	s24 =	sld [smem:$0x3FFE];
	[sflag:s23] =	ssyncadd.s32 $0xFFFFFFFF  }
0xa5: {  	s26 =	simm.s32 $execute0_lowered;
	[smem:$0x3FD2] =	sst s25  }
0xa6: {  	s5 =	sshll.u32 s26, $0x1;
	_ =	strace $0x8000004F;
	[dreg:$0x1] =	wrdreg $0xFFFFFFFF  }
0xa7: {  	s28 =	simm.s32 $_size_execute0_lowered;
	s3 =	sadd.s32 s3, s5;
	[dreg:$0x0] =	wrdreg $0x0  }
0xa8: {  	s5 =	sshll.u32 s28, $0x1;
	[dreg:$0x2] =	wrdreg s3  }
0xa9: {  	[dreg:$0x3] =	wrdreg s5  }
0xaa: {  	[dreg:$0x4] =	wrdreg $0xC0  }
0xab: {  	_ =	task [dreg:s7], $0x5FFFF  }
0xac: {  	[dreg:$0x1] =	wrdreg $0xFFFFFFFF  }
0xad: {  	[dreg:$0x0] =	wrdreg $0x60  }
0xae: {  	[dreg:$0x2] =	wrdreg s24  }
0xaf: {  	[dreg:$0x3] =	wrdreg s2  }
0xb0: {  	[dreg:$0x4] =	wrdreg $0x0  }
0xb1: {  	[dreg:$0x5] =	wrdreg $0xA0000  }
0xb2: {  	[dreg:$0x6] =	wrdreg $0x9  }
0xb3: {  	_ =	task.clear_ibuf [dreg:s7], $0x7FFFF;
	_ =	strace $0x9000004F  }
0xb4: {  	s29 =	simm.s32 $0x9;
	_ =	strace $0x80000051  }
0xb5: {  	_ =	swait.ge [sflag:s29], $0x1  }
0xb6: {  	[sflag:s29] =	ssyncadd.s32 $0xFFFFFFFF  }
0xb7: {  	_ =	strace $0x90000051  }
0xb8: {  	_ =	sfence  }
0xb9: {  	s30 =	sld [smem:$0x0];
	_ =	sdelay $0x2  }
0xba: {  	s31 =	sshll.u32 s1, $0xD;
	s1 =	sshrl.u32 s1, $0x2  }
0xbb: {  	s3 =	sand.u32 $0x4000, s31;
	s1 =	sadd.s32 s1, s30  }
0xbc: {  	s0 =	sor.u32 s3, s0;
	s1 =	sshll.u32 s1, $0x11  }
0xbd: {  	s0 =	sor.u32 s1, s0  }
0xbe: {  	s0 =	sadd.s32 $0x8F2B, s0  }
0xbf: {  	[sflag:s0] =	ssyncadd.remote.s32 $0x1  }
0xc0: {  	_ =	sfence.sel $0xFFFF  }
0xc1: {  	[dreg:$0x0] =	wrdreg $0xFFFFFFFF;
	(pc) =	sbr.abs _section_cstart, $3  }
0xc2: {  	[dreg:$0x1] =	wrdreg $0xFFFFFFFF  }
0xc3: {  	_ =	task.clear_ibuf [dreg:s7], $0x2FFFF;
	_ =	strace $0x9FFFFFFF  }
0xc4: {  	(tm) =	ssettm $0x7FFFFFFF  }
0xc5: {  	_ =	shalt  }
tec
execute0_lowered:
.L_overlay_start_1:
0x0: {  	(tag) =	ssettag $0x1  }
0x1: {  	s0 =	rddreg [dreg:$0x0]  }
0x2: {  	s1 =	rddreg [dreg:$0x1]  }
0x3: {  	s2 =	rddreg [dreg:$0x2];
	s4 =	srdreg.scid  }
0x4: {  	s15 =	stileid.u32;
	s3 =	rddreg [dreg:$0x3];
	s16 =	simm.s32 $0x0  }
0x5: {  	s4 =	sand.u32 $0x1, s4;
	s5 =	sshll.u32 s15, $0x1;
	s23 =	smul.u32 $0x280, s15  }
0x6: {  	s7 =	sadd.s32 $0xCC00, s0;
	s8 =	sadd.s32 $0x2C00, s0;
	s26 =	smul.u32 $0x2800, s15  }
0x7: {  	s13 =	smul.u32 $0x14000, s15;
	[smem:$0x7FF] =	sst s16;
	s0 =	sadd.s32 $0x34C00, s0  }
0x8: {  	s5 =	sor.u32 s4, s5;
	s6 =	ssub.s32 $0x2, s4;
	s4 =	smul.u32 $0x140000, s4  }
0x9: {  	s5 =	smul.u32 $0x2800, s5;
	s9 =	sshrl.u32 s6, $0x1;
	s17 =	sadd.s32 $0x100, s23  }
0xa: {  	s11 =	sadd.s32 $0x180, s23;
	s6 =	ssub.s32 s6, s9;
	s19 =	sshll.u32 s17, $0x4  }
0xb: {  	s12 =	sshll.u32 s11, $0x4;
	s9 =	sadd.s32 $0x200, s23;
	s22 =	sadd.s32 s4, s13  }
0xc: {  	s16 =	sshll.u32 s11, $0x6;
	s5 =	sshrl.u32 s5, $0x3;
	s20 =	sadd.s32 s7, s12  }
0xd: {  	s21 =	sshll.u32 s9, $0x4;
	s28 =	sadd.s32 s16, s2;
	s29 =	sadd.s32 s16, s3  }
0xe: {  	s10 =	sadd.s32 s8, s5;
	s24 =	sadd.s32 $0x280, s5;
	[dreg:$0xc] =	wrdreg s20  }
0xf: {  	s5 =	sadd.s32 s1, s5;
	s20 =	smax.u32 s6, $0x1;
	[dreg:$0x5] =	wrdreg s10  }
0x10: {  	s6 =	simm.s32 $0x14000;
	[dreg:$0x6] =	wrdreg s5;
	s25 =	sadd.s32 s8, s24  }
0x11: {  	s1 =	sadd.s32 s1, s24;
	s8 =	smul.u32 $0x28000, s15;
	[dreg:$0x7] =	wrdreg s25  }
0x12: {  	s10 =	sadd.s32 $0x80, s23;
	s5 =	sadd.s32 s7, s26;
	[dreg:$0x8] =	wrdreg s1  }
0x13: {  	s24 =	sshll.u32 s17, $0x7;
	[dreg:$0x9] =	wrdreg s5;
	s14 =	sshll.u32 s10, $0x4  }
0x14: {  	s23 =	sshll.u32 s10, $0x7;
	s25 =	sshll.u32 s11, $0x7;
	s12 =	sadd.s32 s4, s24  }
0x15: {  	s11 =	simm.s32 $0x2;
	s5 =	sadd.s32 s7, s14;
	s13 =	sadd.s32 s4, s25  }
0x16: {  	s14 =	sshll.u32 s9, $0x7;
	s1 =	sshrl.u32 s8, $0x2;
	s8 =	simm.s32 $0x14080  }
0x17: {  	[dreg:$0xa] =	wrdreg s5;
	s5 =	sadd.s32 s7, s19;
	s19 =	sadd.s32 s1, s3  }
0x18: {  	s1 =	simm.s32 $0x40;
	[dreg:$0xb] =	wrdreg s5;
	s5 =	sadd.s32 s7, s21  }
0x19: {  	s7 =	sadd.s32 s4, s23;
	s4 =	sadd.s32 s4, s14;
	s14 =	sshll.u32 s10, $0x6  }
0x1a: {  	s10 =	simm.s32 $0x1;
	[dreg:$0xd] =	wrdreg s5;
	s5 =	sshrl.u32 s22, $0x3  }
0x1b: {  	s7 =	sshrl.u32 s7, $0x3;
	s4 =	sshrl.u32 s4, $0x3;
	s23 =	sadd.s32 s14, s2  }
0x1c: {  	s24 =	sadd.s32 s14, s3;
	s14 =	simm.s32 $0x0;
	s5 =	sadd.s32 s0, s5  }
0x1d: {  	s26 =	sadd.s32 s0, s7;
	s7 =	sshrl.u32 s12, $0x3;
	s12 =	sshrl.u32 s13, $0x3  }
0x1e: {  	s18 =	sadd.s32 s0, s4;
	s13 =	smul.u32 $0xA000, s15;
	s15 =	sshll.u32 s17, $0x6  }
0x1f: {  	s17 =	sshll.u32 s9, $0x6;
	s4 =	simm.s32 $0x16800;
	[dreg:$0xe] =	wrdreg s5  }
0x20: {  	s9 =	simm.s32 $0x18800;
	[dreg:$0xf] =	wrdreg s26;
	s5 =	sadd.s32 s0, s7  }
0x21: {  	s25 =	sadd.s32 s15, s2;
	s26 =	sadd.s32 s15, s3;
	s30 =	sadd.s32 s17, s2  }
0x22: {  	s31 =	sadd.s32 s17, s3;
	s7 =	simm.s32 $0x15400;
	[dreg:$0x10] =	wrdreg s5  }
0x23: {  	s5 =	sadd.s32 s0, s12;
	s21 =	sadd.s32 s13, s2;
	s22 =	sadd.s32 s13, s3  }
0x24: {  	s0 =	simm.s32 $0x80;
	s12 =	simm.s32 $0x16700;
	[dreg:$0x11] =	wrdreg s5  }
0x25: {  	s13 =	simm.s32 $0x16780;
	s5 =	simm.s32 $0x3;
	_ =	strace $0x80000050  }
.LBB2_1:
0x26: {  	s15 =	rddreg [dreg:$0x9]  }
0x27: {  	[tilespmem:s4], [sflag:$0x3] =	stream.strided.gather [hbm4b:s15+s1], $0x2000, s0, s1, $0x38;
	[tilespmem:$0x1A800] =	vst v63  }
0x28: {  	_ =	swait.ge [sflag:s5], $0x2000  }
0x29: {  	[sflag:s5] =	ssyncset.done $0x0  }
0x2a: {  	[sflag:s5] =	ssyncadd.s32 $0xFFFFE000  }
0x2b: {  	[spmem:s21] =	stream.linear.scatter [tilespmem:s4], [sflag:$0x3], $0x2000, $0x38;
	[tilespmem:$0x1A800] =	vst v63  }
0x2c: {  	_ =	swait.ge [sflag:s5], $0x2000  }
0x2d: {  	[sflag:s5] =	ssyncset.done $0x0  }
0x2e: {  	[sflag:s5] =	ssyncadd.s32 $0xFFFFE000  }
0x2f: {  	[spmem:s22] =	stream.linear.scatter [tilespmem:s4], [sflag:$0x3], $0x2000, $0x38;
	[tilespmem:$0x1A800] =	vst v63  }
0x30: {  	_ =	swait.ge [sflag:s5], $0x2000  }
0x31: {  	[sflag:s5] =	ssyncset.done $0x0  }
0x32: {  	s17 =	rddreg [dreg:$0xa];
	[sflag:s5] =	ssyncadd.s32 $0xFFFFE000  }
0x33: {  	[tilespmem:s4], [sflag:$0x3] =	stream.strided.gather [hbm4b:s17+s1], $0x2000, s0, s1, $0x38;
	[tilespmem:$0x1A800] =	vst v63  }
0x34: {  	_ =	swait.ge [sflag:s5], $0x2000  }
0x35: {  	[sflag:s5] =	ssyncset.done $0x0  }
0x36: {  	[sflag:s5] =	ssyncadd.s32 $0xFFFFE000  }
0x37: {  	[spmem:s23] =	stream.linear.scatter [tilespmem:s4], [sflag:$0x3], $0x2000, $0x38;
	[tilespmem:$0x1A800] =	vst v63  }
0x38: {  	_ =	swait.ge [sflag:s5], $0x2000  }
0x39: {  	[sflag:s5] =	ssyncset.done $0x0  }
0x3a: {  	[sflag:s5] =	ssyncadd.s32 $0xFFFFE000  }
0x3b: {  	[spmem:s24] =	stream.linear.scatter [tilespmem:s4], [sflag:$0x3], $0x2000, $0x38;
	[tilespmem:$0x1A800] =	vst v63  }
0x3c: {  	_ =	swait.ge [sflag:s5], $0x2000  }
0x3d: {  	[sflag:s5] =	ssyncset.done $0x0  }
0x3e: {  	s16 =	rddreg [dreg:$0xb];
	[sflag:s5] =	ssyncadd.s32 $0xFFFFE000  }
0x3f: {  	[tilespmem:s4], [sflag:$0x3] =	stream.strided.gather [hbm4b:s16+s1], $0x2000, s0, s1, $0x38;
	[tilespmem:$0x1A800] =	vst v63  }
0x40: {  	_ =	swait.ge [sflag:s5], $0x2000  }
0x41: {  	[sflag:s5] =	ssyncset.done $0x0  }
0x42: {  	[sflag:s5] =	ssyncadd.s32 $0xFFFFE000  }
0x43: {  	[spmem:s25] =	stream.linear.scatter [tilespmem:s4], [sflag:$0x3], $0x2000, $0x38;
	[tilespmem:$0x1A800] =	vst v63  }
0x44: {  	_ =	swait.ge [sflag:s5], $0x2000  }
0x45: {  	[sflag:s5] =	ssyncset.done $0x0  }
0x46: {  	[sflag:s5] =	ssyncadd.s32 $0xFFFFE000  }
0x47: {  	[spmem:s26] =	stream.linear.scatter [tilespmem:s4], [sflag:$0x3], $0x2000, $0x38;
	[tilespmem:$0x1A800] =	vst v63  }
0x48: {  	_ =	swait.ge [sflag:s5], $0x2000  }
0x49: {  	[sflag:s5] =	ssyncset.done $0x0  }
0x4a: {  	s17 =	rddreg [dreg:$0xc];
	[sflag:s5] =	ssyncadd.s32 $0xFFFFE000  }
0x4b: {  	[tilespmem:s4], [sflag:$0x3] =	stream.strided.gather [hbm4b:s17+s1], $0x2000, s0, s1, $0x38;
	[tilespmem:$0x1A800] =	vst v63  }
0x4c: {  	_ =	swait.ge [sflag:s5], $0x2000  }
0x4d: {  	[sflag:s5] =	ssyncset.done $0x0  }
0x4e: {  	[sflag:s5] =	ssyncadd.s32 $0xFFFFE000  }
0x4f: {  	[spmem:s28] =	stream.linear.scatter [tilespmem:s4], [sflag:$0x3], $0x2000, $0x38;
	[tilespmem:$0x1A800] =	vst v63  }
0x50: {  	_ =	swait.ge [sflag:s5], $0x2000  }
0x51: {  	[sflag:s5] =	ssyncset.done $0x0  }
0x52: {  	[sflag:s5] =	ssyncadd.s32 $0xFFFFE000  }
0x53: {  	[spmem:s29] =	stream.linear.scatter [tilespmem:s4], [sflag:$0x3], $0x2000, $0x38;
	[tilespmem:$0x1A800] =	vst v63  }
0x54: {  	_ =	swait.ge [sflag:s5], $0x2000  }
0x55: {  	[sflag:s5] =	ssyncset.done $0x0  }
0x56: {  	s16 =	rddreg [dreg:$0xd];
	[sflag:s5] =	ssyncadd.s32 $0xFFFFE000  }
0x57: {  	[tilespmem:s4], [sflag:$0x3] =	stream.strided.gather [hbm4b:s16+s1], $0x2000, s0, s1, $0x38;
	[tilespmem:$0x1A800] =	vst v63  }
0x58: {  	_ =	swait.ge [sflag:s5], $0x2000  }
0x59: {  	[sflag:s5] =	ssyncset.done $0x0  }
0x5a: {  	[sflag:s5] =	ssyncadd.s32 $0xFFFFE000  }
0x5b: {  	[spmem:s30] =	stream.linear.scatter [tilespmem:s4], [sflag:$0x3], $0x2000, $0x38;
	[tilespmem:$0x1A800] =	vst v63  }
0x5c: {  	_ =	swait.ge [sflag:s5], $0x2000  }
0x5d: {  	[sflag:s5] =	ssyncset.done $0x0  }
0x5e: {  	[sflag:s5] =	ssyncadd.s32 $0xFFFFE000  }
0x5f: {  	[spmem:s31] =	stream.linear.scatter [tilespmem:s4], [sflag:$0x3], $0x2000, $0x38;
	[tilespmem:$0x1A800] =	vst v63  }
0x60: {  	_ =	swait.ge [sflag:s5], $0x2000  }
0x61: {  	[sflag:s5] =	ssyncset.done $0x0  }
0x62: {  	[sflag:s5] =	ssyncadd.s32 $0xFFFFE000  }
0x63: {  	[bflag:$0x0] =	sbarrier.arrive $0xFFFF  }
0x64: {  	s15 =	simm.s32 $0x0;
	s16 =	rddreg [dreg:$0x5]  }
0x65: {  	[tilespmem:s6], [sflag:$0x3] =	stream.linear.gather [hbm4b:s16+s15], $0x1400, $0x38;
	[tilespmem:$0x1A800] =	vst v63  }
0x66: {  	_ =	swait.ge [sflag:s5], $0x1400  }
0x67: {  	[sflag:s5] =	ssyncset.done $0x0  }
0x68: {  	s17 =	rddreg [dreg:$0x6];
	[sflag:s5] =	ssyncadd.s32 $0xFFFFEC00  }
0x69: {  	[tilespmem:s7], [sflag:$0x3] =	stream.linear.gather [hbm4b:s17+s15], $0x1400, $0x38;
	[tilespmem:$0x1A800] =	vst v63  }
0x6a: {  	_ =	swait.ge [sflag:s5], $0x1400  }
0x6b: {  	[sflag:s5] =	ssyncset.done $0x0  }
0x6c: {  	[sflag:s5] =	ssyncadd.s32 $0xFFFFEC00  }
0x6d: {  	[tilespmem:s4], [sflag:$0x1] =	stream.indirect.gather [spmem:s2], $0x40, s6, s0, $0xb8;
	[tilespmem:$0x1A800] =	vst v63  }
0x6e: {  	_ = 	snop  }
0x6f: {  	[tilespmem:s9], [sflag:$0x2] =	stream.indirect.gather [spmem:s2], $0x40, s8, s0, $0xb8;
	[tilespmem:$0x1A800] =	vst v63  }
0x70: {  	_ =	swait.ge [sflag:s10], $0x2000  }
0x71: {  	[sflag:s10] =	ssyncset.done $0x0  }
0x72: {  	s17 =	simm.s32 $0x15400;
	[sflag:s10] =	ssyncadd.s32 $0xFFFFE000  }
0x73: {  	[spmem:s3] =	stream.indirect.scatter.add.f32 [tilespmem:s4], [sflag:$0x3], $0x40, s17, s0, $0xb8;
	[tilespmem:$0x1A800] =	vst v63  }
0x74: {  	_ =	swait.ge [sflag:s5], $0x2000  }
0x75: {  	[sflag:s5] =	ssyncset.done $0x0  }
0x76: {  	s16 =	simm.s32 $0x14100;
	[sflag:s5] =	ssyncadd.s32 $0xFFFFE000  }
0x77: {  	[tilespmem:s4], [sflag:$0x1] =	stream.indirect.gather [spmem:s2], $0x40, s16, s0, $0xb8;
	[tilespmem:$0x1A800] =	vst v63  }
0x78: {  	_ =	swait.ge [sflag:s11], $0x2000  }
0x79: {  	[sflag:s11] =	ssyncset.done $0x0  }
0x7a: {  	s17 =	simm.s32 $0x15480;
	[sflag:s11] =	ssyncadd.s32 $0xFFFFE000  }
0x7b: {  	[spmem:s3] =	stream.indirect.scatter.add.f32 [tilespmem:s9], [sflag:$0x3], $0x40, s17, s0, $0xb8;
	[tilespmem:$0x1A800] =	vst v63  }
0x7c: {  	_ =	swait.ge [sflag:s5], $0x2000  }
0x7d: {  	[sflag:s5] =	ssyncset.done $0x0  }
0x7e: {  	s15 =	simm.s32 $0x400;
	s16 =	simm.s32 $0x14180;
	[sflag:s5] =	ssyncadd.s32 $0xFFFFE000  }
.LBB2_2:
0x7f: {  	[tilespmem:s9], [sflag:$0x2] =	stream.indirect.gather [spmem:s2], $0x40, s16, s0, $0xb8;
	[tilespmem:$0x1A800] =	vst v63  }
0x80: {  	s16 =	smov.u32 s15  }
0x81: {  	p0 =	sne.s32 s15, $0x4800;
	s15 =	sadd.s32 $0x400, s15;
	_ =	swait.ge [sflag:s10], $0x2000  }
0x82: {  	s16 =	sshra.s32 s16, $0x2;
	[sflag:s10] =	ssyncset.done $0x0  }
0x83: {  	s17 =	sadd.s32 $0x15400, s16;
	[sflag:s10] =	ssyncadd.s32 $0xFFFFE000  }
0x84: {  	[spmem:s3] =	stream.indirect.scatter.add.f32 [tilespmem:s4], [sflag:$0x3], $0x40, s17, s0, $0xb8;
	[tilespmem:$0x1A800] =	vst v63  }
0x85: {  	_ =	swait.ge [sflag:s5], $0x2000  }
0x86: {  	[sflag:s5] =	ssyncset.done $0x0  }
0x87: {  	s17 =	sadd.s32 $0x14100, s16;
	[sflag:s5] =	ssyncadd.s32 $0xFFFFE000  }
0x88: {  	[tilespmem:s4], [sflag:$0x1] =	stream.indirect.gather [spmem:s2], $0x40, s17, s0, $0xb8;
	[tilespmem:$0x1A800] =	vst v63  }
0x89: {  	_ =	swait.ge [sflag:s11], $0x2000  }
0x8a: {  	[sflag:s11] =	ssyncset.done $0x0  }
.Ltmp0:
0x8b: {  	s17 =	sadd.s32 $0x15480, s16;
	[sflag:s11] =	ssyncadd.s32 $0xFFFFE000;
	(pc) =	sbr.rel @p0 .LBB2_2-.Ltmp0, $4  }
0x8c: {  	[spmem:s3] =	stream.indirect.scatter.add.f32 [tilespmem:s9], [sflag:$0x3], $0x40, s17, s0, $0xb8;
	[tilespmem:$0x1A800] =	vst v63  }
0x8d: {  	_ =	swait.ge [sflag:s5], $0x2000  }
0x8e: {  	[sflag:s5] =	ssyncset.done $0x0  }
0x8f: {  	s16 =	sadd.s32 $0x14180, s16;
	[sflag:s5] =	ssyncadd.s32 $0xFFFFE000  }
0x90: {  	[tilespmem:s9], [sflag:$0x2] =	stream.indirect.gather [spmem:s2], $0x40, s16, s0, $0xb8;
	[tilespmem:$0x1A800] =	vst v63  }
0x91: {  	_ =	swait.ge [sflag:s10], $0x2000  }
0x92: {  	[sflag:s10] =	ssyncset.done $0x0  }
0x93: {  	[sflag:s10] =	ssyncadd.s32 $0xFFFFE000  }
0x94: {  	[spmem:s3] =	stream.indirect.scatter.add.f32 [tilespmem:s4], [sflag:$0x3], $0x40, s12, s0, $0xb8;
	[tilespmem:$0x1A800] =	vst v63  }
0x95: {  	_ =	swait.ge [sflag:s5], $0x2000  }
0x96: {  	[sflag:s5] =	ssyncset.done $0x0  }
0x97: {  	[sflag:s5] =	ssyncadd.s32 $0xFFFFE000  }
0x98: {  	_ =	swait.ge [sflag:s11], $0x2000  }
0x99: {  	[sflag:s11] =	ssyncset.done $0x0  }
0x9a: {  	[sflag:s11] =	ssyncadd.s32 $0xFFFFE000  }
0x9b: {  	[spmem:s3] =	stream.indirect.scatter.add.f32 [tilespmem:s9], [sflag:$0x3], $0x40, s13, s0, $0xb8;
	[tilespmem:$0x1A800] =	vst v63  }
0x9c: {  	_ =	swait.ge [sflag:s5], $0x2000  }
0x9d: {  	[sflag:s5] =	ssyncset.done $0x0  }
0x9e: {  	s15 =	simm.s32 $0x0;
	s17 =	rddreg [dreg:$0x7];
	[sflag:s5] =	ssyncadd.s32 $0xFFFFE000  }
0x9f: {  	[tilespmem:s6], [sflag:$0x3] =	stream.linear.gather [hbm4b:s17+s15], $0x1400, $0x38;
	[tilespmem:$0x1A800] =	vst v63  }
0xa0: {  	_ =	swait.ge [sflag:s5], $0x1400  }
0xa1: {  	[sflag:s5] =	ssyncset.done $0x0  }
0xa2: {  	s17 =	rddreg [dreg:$0x8];
	[sflag:s5] =	ssyncadd.s32 $0xFFFFEC00  }
0xa3: {  	[tilespmem:s7], [sflag:$0x3] =	stream.linear.gather [hbm4b:s17+s15], $0x1400, $0x38;
	[tilespmem:$0x1A800] =	vst v63  }
0xa4: {  	_ =	swait.ge [sflag:s5], $0x1400  }
0xa5: {  	[sflag:s5] =	ssyncset.done $0x0  }
0xa6: {  	[sflag:s5] =	ssyncadd.s32 $0xFFFFEC00  }
0xa7: {  	[tilespmem:s4], [sflag:$0x1] =	stream.indirect.gather [spmem:s2], $0x40, s6, s0, $0xb8;
	[tilespmem:$0x1A800] =	vst v63  }
0xa8: {  	_ = 	snop  }
0xa9: {  	[tilespmem:s9], [sflag:$0x2] =	stream.indirect.gather [spmem:s2], $0x40, s8, s0, $0xb8;
	[tilespmem:$0x1A800] =	vst v63  }
0xaa: {  	_ =	swait.ge [sflag:s10], $0x2000  }
0xab: {  	[sflag:s10] =	ssyncset.done $0x0  }
0xac: {  	s17 =	simm.s32 $0x15400;
	[sflag:s10] =	ssyncadd.s32 $0xFFFFE000  }
0xad: {  	[spmem:s3] =	stream.indirect.scatter.add.f32 [tilespmem:s4], [sflag:$0x3], $0x40, s17, s0, $0xb8;
	[tilespmem:$0x1A800] =	vst v63  }
0xae: {  	_ =	swait.ge [sflag:s5], $0x2000  }
0xaf: {  	[sflag:s5] =	ssyncset.done $0x0  }
0xb0: {  	s16 =	simm.s32 $0x14100;
	[sflag:s5] =	ssyncadd.s32 $0xFFFFE000  }
0xb1: {  	[tilespmem:s4], [sflag:$0x1] =	stream.indirect.gather [spmem:s2], $0x40, s16, s0, $0xb8;
	[tilespmem:$0x1A800] =	vst v63  }
0xb2: {  	_ =	swait.ge [sflag:s11], $0x2000  }
0xb3: {  	[sflag:s11] =	ssyncset.done $0x0  }
0xb4: {  	s17 =	simm.s32 $0x15480;
	[sflag:s11] =	ssyncadd.s32 $0xFFFFE000  }
0xb5: {  	[spmem:s3] =	stream.indirect.scatter.add.f32 [tilespmem:s9], [sflag:$0x3], $0x40, s17, s0, $0xb8;
	[tilespmem:$0x1A800] =	vst v63  }
0xb6: {  	_ =	swait.ge [sflag:s5], $0x2000  }
0xb7: {  	[sflag:s5] =	ssyncset.done $0x0  }
0xb8: {  	s15 =	simm.s32 $0x400;
	s16 =	simm.s32 $0x14180;
	[sflag:s5] =	ssyncadd.s32 $0xFFFFE000  }
.LBB2_4:
0xb9: {  	[tilespmem:s9], [sflag:$0x2] =	stream.indirect.gather [spmem:s2], $0x40, s16, s0, $0xb8;
	[tilespmem:$0x1A800] =	vst v63  }
0xba: {  	s16 =	smov.u32 s15  }
0xbb: {  	p0 =	sne.s32 s15, $0x4800;
	s15 =	sadd.s32 $0x400, s15;
	_ =	swait.ge [sflag:s10], $0x2000  }
0xbc: {  	s16 =	sshra.s32 s16, $0x2;
	[sflag:s10] =	ssyncset.done $0x0  }
0xbd: {  	s17 =	sadd.s32 $0x15400, s16;
	[sflag:s10] =	ssyncadd.s32 $0xFFFFE000  }
0xbe: {  	[spmem:s3] =	stream.indirect.scatter.add.f32 [tilespmem:s4], [sflag:$0x3], $0x40, s17, s0, $0xb8;
	[tilespmem:$0x1A800] =	vst v63  }
0xbf: {  	_ =	swait.ge [sflag:s5], $0x2000  }
0xc0: {  	[sflag:s5] =	ssyncset.done $0x0  }
0xc1: {  	s17 =	sadd.s32 $0x14100, s16;
	[sflag:s5] =	ssyncadd.s32 $0xFFFFE000  }
0xc2: {  	[tilespmem:s4], [sflag:$0x1] =	stream.indirect.gather [spmem:s2], $0x40, s17, s0, $0xb8;
	[tilespmem:$0x1A800] =	vst v63  }
0xc3: {  	_ =	swait.ge [sflag:s11], $0x2000  }
0xc4: {  	[sflag:s11] =	ssyncset.done $0x0  }
.Ltmp1:
0xc5: {  	s17 =	sadd.s32 $0x15480, s16;
	[sflag:s11] =	ssyncadd.s32 $0xFFFFE000;
	(pc) =	sbr.rel @p0 .LBB2_4-.Ltmp1, $4  }
0xc6: {  	[spmem:s3] =	stream.indirect.scatter.add.f32 [tilespmem:s9], [sflag:$0x3], $0x40, s17, s0, $0xb8;
	[tilespmem:$0x1A800] =	vst v63  }
0xc7: {  	_ =	swait.ge [sflag:s5], $0x2000  }
0xc8: {  	[sflag:s5] =	ssyncset.done $0x0  }
0xc9: {  	s16 =	sadd.s32 $0x14180, s16;
	[sflag:s5] =	ssyncadd.s32 $0xFFFFE000  }
0xca: {  	[tilespmem:s9], [sflag:$0x2] =	stream.indirect.gather [spmem:s2], $0x40, s16, s0, $0xb8;
	[tilespmem:$0x1A800] =	vst v63  }
0xcb: {  	_ =	swait.ge [sflag:s10], $0x2000  }
0xcc: {  	[sflag:s10] =	ssyncset.done $0x0  }
0xcd: {  	[sflag:s10] =	ssyncadd.s32 $0xFFFFE000  }
0xce: {  	[spmem:s3] =	stream.indirect.scatter.add.f32 [tilespmem:s4], [sflag:$0x3], $0x40, s12, s0, $0xb8;
	[tilespmem:$0x1A800] =	vst v63  }
0xcf: {  	_ =	swait.ge [sflag:s5], $0x2000  }
0xd0: {  	[sflag:s5] =	ssyncset.done $0x0  }
0xd1: {  	[sflag:s5] =	ssyncadd.s32 $0xFFFFE000  }
0xd2: {  	_ =	swait.ge [sflag:s11], $0x2000  }
0xd3: {  	[sflag:s11] =	ssyncset.done $0x0  }
0xd4: {  	[sflag:s11] =	ssyncadd.s32 $0xFFFFE000  }
0xd5: {  	[spmem:s3] =	stream.indirect.scatter.add.f32 [tilespmem:s9], [sflag:$0x3], $0x40, s13, s0, $0xb8;
	[tilespmem:$0x1A800] =	vst v63  }
0xd6: {  	_ =	swait.ge [sflag:s5], $0x2000  }
0xd7: {  	[sflag:s5] =	ssyncset.done $0x0  }
0xd8: {  	[sflag:s5] =	ssyncadd.s32 $0xFFFFE000  }
0xd9: {  	[bflag:$0x0] =	sbarrier.arrive $0xFFFF  }
0xda: {  	[tilespmem:s4], [sflag:$0x3] =	stream.linear.gather [spmem:s19], $0x2000, $0x38;
	[tilespmem:$0x1A800] =	vst v63  }
0xdb: {  	_ =	swait.ge [sflag:s5], $0x2000  }
0xdc: {  	[sflag:s5] =	ssyncset.done $0x0  }
0xdd: {  	s15 =	rddreg [dreg:$0xe];
	[sflag:s5] =	ssyncadd.s32 $0xFFFFE000  }
0xde: {  	[hbm4b:s15+s1] =	stream.strided.scatter [tilespmem:s4], [sflag:$0x3], $0x2000, s0, s1, $0x38;
	[tilespmem:$0x1A800] =	vst v63  }
0xdf: {  	_ =	swait.ge [sflag:s5], $0x2000  }
0xe0: {  	[sflag:s5] =	ssyncset.done $0x0  }
0xe1: {  	[sflag:s5] =	ssyncadd.s32 $0xFFFFE000  }
0xe2: {  	[tilespmem:s4], [sflag:$0x3] =	stream.linear.gather [spmem:s24], $0x2000, $0x38;
	[tilespmem:$0x1A800] =	vst v63  }
0xe3: {  	_ =	swait.ge [sflag:s5], $0x2000  }
0xe4: {  	[sflag:s5] =	ssyncset.done $0x0  }
0xe5: {  	s17 =	rddreg [dreg:$0xf];
	[sflag:s5] =	ssyncadd.s32 $0xFFFFE000  }
0xe6: {  	[hbm4b:s17+s1] =	stream.strided.scatter [tilespmem:s4], [sflag:$0x3], $0x2000, s0, s1, $0x38;
	[tilespmem:$0x1A800] =	vst v63  }
0xe7: {  	_ =	swait.ge [sflag:s5], $0x2000  }
0xe8: {  	[sflag:s5] =	ssyncset.done $0x0  }
0xe9: {  	[sflag:s5] =	ssyncadd.s32 $0xFFFFE000  }
0xea: {  	[tilespmem:s4], [sflag:$0x3] =	stream.linear.gather [spmem:s26], $0x2000, $0x38;
	[tilespmem:$0x1A800] =	vst v63  }
0xeb: {  	_ =	swait.ge [sflag:s5], $0x2000  }
0xec: {  	[sflag:s5] =	ssyncset.done $0x0  }
0xed: {  	s16 =	rddreg [dreg:$0x10];
	[sflag:s5] =	ssyncadd.s32 $0xFFFFE000  }
0xee: {  	[hbm4b:s16+s1] =	stream.strided.scatter [tilespmem:s4], [sflag:$0x3], $0x2000, s0, s1, $0x38;
	[tilespmem:$0x1A800] =	vst v63  }
0xef: {  	_ =	swait.ge [sflag:s5], $0x2000  }
0xf0: {  	[sflag:s5] =	ssyncset.done $0x0  }
0xf1: {  	[sflag:s5] =	ssyncadd.s32 $0xFFFFE000  }
0xf2: {  	[tilespmem:s4], [sflag:$0x3] =	stream.linear.gather [spmem:s29], $0x2000, $0x38;
	[tilespmem:$0x1A800] =	vst v63  }
0xf3: {  	_ =	swait.ge [sflag:s5], $0x2000  }
0xf4: {  	[sflag:s5] =	ssyncset.done $0x0  }
0xf5: {  	s17 =	rddreg [dreg:$0x11];
	[sflag:s5] =	ssyncadd.s32 $0xFFFFE000  }
0xf6: {  	[hbm4b:s17+s1] =	stream.strided.scatter [tilespmem:s4], [sflag:$0x3], $0x2000, s0, s1, $0x38;
	[tilespmem:$0x1A800] =	vst v63  }
0xf7: {  	_ =	swait.ge [sflag:s5], $0x2000  }
0xf8: {  	[sflag:s5] =	ssyncset.done $0x0  }
0xf9: {  	[sflag:s5] =	ssyncadd.s32 $0xFFFFE000  }
0xfa: {  	[tilespmem:s4], [sflag:$0x3] =	stream.linear.gather [spmem:s31], $0x2000, $0x38;
	[tilespmem:$0x1A800] =	vst v63  }
0xfb: {  	s14 =	sadd.s32 $0x1, s14;
	_ =	swait.ge [sflag:s5], $0x2000  }
0xfc: {  	p0 =	sne.s32 s14, s20;
	[sflag:s5] =	ssyncset.done $0x0  }
.Ltmp2:
0xfd: {  	[sflag:s5] =	ssyncadd.s32 $0xFFFFE000;
	(pc) =	sbr.rel @p0 .LBB2_1-.Ltmp2, $4  }
0xfe: {  	[hbm4b:s18+s1] =	stream.strided.scatter [tilespmem:s4], [sflag:$0x3], $0x2000, s0, s1, $0x38;
	[tilespmem:$0x1A800] =	vst v63  }
0xff: {  	_ =	swait.ge [sflag:s5], $0x2000  }
0x100: {  	[sflag:s5] =	ssyncset.done $0x0  }
0x101: {  	[sflag:s5] =	ssyncadd.s32 $0xFFFFE000  }
0x102: {  	_ =	sfence.sel $0x180000  }
0x103: {  	[bflag:$0x0] =	sbarrier.arrive $0xFFFF  }
0x104: {  	_ =	strace $0x90000050  }
0x105: {  	s0 =	stileid.u32;
	[bflag:$0x2] =	sbarrier.arrive $0xFFFF  }
0x106: {  	p0 =	sne.s32 s0, $0x0;
	s0 =	rddreg [dreg:$0x4]  }
0x107: {  	s0 =	sadd.s32 @!p0 $0x100000, s0  }
0x108: {  	[sflag:s0] =	ssyncadd.tile.s32 @!p0 $0x1;
	_ =	shalt  }
.Lfunc_end2:
_tile_overlayer_lowered:
.L_overlay_start_2:
0x109: {  	(tag) =	ssettag $0x2  }
0x10a: {  	s0 =	rddreg [dreg:$0x0];
	s2 =	stileid.u32  }
0x10b: {  	s1 =	rddreg [dreg:$0x1];
	p0 =	sne.s32 s2, $0x0  }
0x10c: {  	s3 =	rddreg [dreg:$0x2];
	[bflag:$0x3] =	sbarrier.arrive $0xFFFF;
	s2 =	simm.s32 @!p0 $0x1C03  }
0x10d: {  	[timem:s3], [sflag:s2] =	dma.local @!p0 [hbm:s0], s1  }
0x10e: {  	s0 =	simm.s32 @!p0 $0x3  }
0x10f: {  	_ =	swait.ge @!p0 [sflag:s0], s1  }
0x110: {  	s1 =	ssub.s32 @!p0 $0x0, s1;
	[sflag:s0] =	ssyncset.done @!p0 $0x0  }
0x111: {  	[sflag:s0] =	ssyncadd.s32 @!p0 s1  }
0x112: {  	[bflag:$0x3] =	sbarrier.arrive $0xFFFF  }
0x113: {  	_ =	shalt  }

</sc_bundles>
